<compile_context>
chip_gen: v7x
topology: tpu7x:2x2x1
jax: 0.10.2.dev20260603
libtpu: 0.0.44.dev20260713+nightly
codegen_flags: <defaults>
</compile_context>

<pallas_src>
import functools

import jax
import jax.numpy as jnp
from jax import lax
from jax.experimental import pallas as pl
from jax.experimental.pallas import tpu as pltpu
from jax.experimental.pallas import tpu_sc as plsc

N = 10000
E = 320000
D = 128
HEADS = 4
B = 16
AW = 128
NB = 10
BLK = N // NB
N_P = 10240
ROWS_T = N_P // 16

_SC_MESH = dict(core_axis_name="c", subcore_axis_name="s")



PQW = 384


def _pre_kernel(x_ref, wgat_ref, asrc_ref, adst_ref, wp_ref, wq_ref, be1_ref,
                ht_ref, ninit_ref, exl16_ref, p_ref, q_ref):
    xb = x_ref[...]
    xw = xb @ wgat_ref[...]
    as_cols = []
    ad_cols = []
    exl_cols = []
    n_heads = []
    for hd in range(HEADS):
        h_hd = xw[:, hd * D:(hd + 1) * D]
        ht_ref[hd, :, :] = h_hd
        a_s = jnp.sum(h_hd * asrc_ref[hd, :][None, :], axis=1, keepdims=True)
        a_d = jnp.sum(h_hd * adst_ref[hd, :][None, :], axis=1, keepdims=True)
        as_cols.append(a_s)
        ad_cols.append(a_d)
        s = a_s + a_d
        exl = jnp.exp(jnp.maximum(s, 0.2 * s))
        exl_cols.append(exl)
        n_heads.append(exl * h_hd)
    ninit_ref[...] = jnp.stack(n_heads, axis=0)
    exl16_ref[...] = jnp.concatenate(
        exl_cols + [jnp.zeros((BLK, 16 - HEADS), jnp.float32)], axis=1)
    zpad = jnp.zeros((BLK, PQW - 2 * D - HEADS), jnp.float32)
    p_ref[...] = jnp.concatenate(
        [xb @ wp_ref[...] + be1_ref[...]] + ad_cols + [zpad], axis=1)
    q_ref[...] = jnp.concatenate([xb @ wq_ref[...]] + as_cols + [zpad], axis=1)


def _dense_pre(x, W_gat, att_src, att_dst, W_p, W_q, b_e1):
    return pl.pallas_call(
        _pre_kernel,
        grid=(NB,),
        in_specs=[
            pl.BlockSpec((BLK, D), lambda i: (i, 0)),
            pl.BlockSpec((D, HEADS * D), lambda i: (0, 0)),
            pl.BlockSpec((HEADS, D), lambda i: (0, 0)),
            pl.BlockSpec((HEADS, D), lambda i: (0, 0)),
            pl.BlockSpec((D, 2 * D), lambda i: (0, 0)),
            pl.BlockSpec((D, 2 * D), lambda i: (0, 0)),
            pl.BlockSpec((1, 2 * D), lambda i: (0, 0)),
        ],
        out_specs=[
            pl.BlockSpec((HEADS, BLK, D), lambda i: (0, i, 0)),
            pl.BlockSpec((HEADS, BLK, AW), lambda i: (0, i, 0)),
            pl.BlockSpec((BLK, 16), lambda i: (i, 0)),
            pl.BlockSpec((BLK, PQW), lambda i: (i, 0)),
            pl.BlockSpec((BLK, PQW), lambda i: (i, 0)),
        ],
        out_shape=[
            jax.ShapeDtypeStruct((HEADS, N, D), jnp.float32),
            jax.ShapeDtypeStruct((HEADS, N, AW), jnp.float32),
            jax.ShapeDtypeStruct((N, 16), jnp.float32),
            jax.ShapeDtypeStruct((N, PQW), jnp.float32),
            jax.ShapeDtypeStruct((N, PQW), jnp.float32),
        ],
    )(x, W_gat, att_src, att_dst, W_p, W_q, b_e1.reshape(1, 2 * D))



GIN_C = 256
GIN_NCHUNK = E // GIN_C


def _scat_kernel(src_hbm, dst_hbm, tab_hbm, init_hbm, out_hbm,
                 srcv, dstv, rows, acc_sh):
    c = lax.axis_index("c")
    sid = lax.axis_index("s")
    pltpu.sync_copy(init_hbm.at[pl.ds(c * N_P + sid * ROWS_T, ROWS_T)],
                    acc_sh.at[pl.ds(sid * ROWS_T, ROWS_T)])
    plsc.subcore_barrier()

    wid = sid * 2 + c

    def body(k, carry):
        cid = k * 32 + wid

        @pl.when(cid < GIN_NCHUNK)
        def _():
            base = cid * GIN_C
            pltpu.sync_copy(src_hbm.at[pl.ds(base, GIN_C)], srcv)
            pltpu.sync_copy(dst_hbm.at[pl.ds(base, GIN_C)], dstv)
            pltpu.sync_copy(tab_hbm.at[srcv], rows)
            pltpu.sync_copy(rows, acc_sh.at[dstv], add=True)

        return carry

    lax.fori_loop(0, (GIN_NCHUNK + 31) // 32, body, 0)
    plsc.subcore_barrier()
    pltpu.sync_copy(acc_sh.at[pl.ds(sid * ROWS_T, ROWS_T)],
                    out_hbm.at[pl.ds(c * N_P + sid * ROWS_T, ROWS_T)])


def _seg_sum_128(idx, dst, table, init):
    f = functools.partial(
        pl.kernel,
        mesh=plsc.VectorSubcoreMesh(**_SC_MESH),
        out_type=jax.ShapeDtypeStruct((2 * N_P, D), jnp.float32),
        scratch_types=[
            pltpu.VMEM((GIN_C,), jnp.int32),
            pltpu.VMEM((GIN_C,), jnp.int32),
            pltpu.VMEM((GIN_C, D), jnp.float32),
            pltpu.VMEM_SHARED((N_P, D), jnp.float32),
        ],
    )(_scat_kernel)
    return f(idx, dst, table, init)


def _gin_agg(src, dst, x):
    xp = jnp.concatenate([x, jnp.zeros((N_P - N, D), x.dtype)], axis=0)
    init = jnp.concatenate([xp, jnp.zeros_like(xp)], axis=0)
    return _seg_sum_128(src, dst, xp, init)



EC_C = 64
EC_NCHUNK = E // EC_C


def _edge_kernel(src_hbm, dst_hbm, p_hbm, q_hbm,
                 t_hbm, ex_hbm, srcv, dstv, prow, qrow, tbuf, exb, sem1,
                 sem2):
    c = lax.axis_index("c")
    sid = lax.axis_index("s")
    wid = sid * 2 + c

    def body(k, carry):
        cid = k * 32 + wid

        @pl.when(cid < EC_NCHUNK)
        def _():
            base = cid * EC_C
            h1 = pltpu.async_copy(src_hbm.at[pl.ds(base, EC_C)], srcv, sem1)
            h2 = pltpu.async_copy(dst_hbm.at[pl.ds(base, EC_C)], dstv, sem2)
            h1.wait()
            h2.wait()
            h3 = pltpu.async_copy(p_hbm.at[dstv], prow, sem1)
            h4 = pltpu.async_copy(q_hbm.at[srcv], qrow, sem2)
            h3.wait()
            h4.wait()

            def erow(i2, cc):
                for u in range(2):
                    i = i2 * 2 + u
                    for kk in range(2 * D // 16):
                        sl = pl.ds(kk * 16, 16)
                        tbuf[i, sl] = jnp.maximum(
                            prow[i, sl] + qrow[i, sl], 0.0)
                    s = prow[i, pl.ds(2 * D, 16)] + qrow[i, pl.ds(2 * D, 16)]
                    exv = jnp.exp(jnp.maximum(s, 0.2 * s))
                    exb[i, :] = exv
                return cc

            lax.fori_loop(0, EC_C // 2, erow, 0)
            pltpu.sync_copy(tbuf, t_hbm.at[pl.ds(base, EC_C)])
            pltpu.sync_copy(exb, ex_hbm.at[pl.ds(base, EC_C)])

        return carry

    lax.fori_loop(0, (EC_NCHUNK + 31) // 32, body, 0)


def _edge_pre(src, dst, P, Q):
    f = functools.partial(
        pl.kernel,
        mesh=plsc.VectorSubcoreMesh(**_SC_MESH),
        out_type=[
            jax.ShapeDtypeStruct((E, 2 * D), jnp.float32),
            jax.ShapeDtypeStruct((E, 16), jnp.float32),
        ],
        scratch_types=[
            pltpu.VMEM((EC_C,), jnp.int32),
            pltpu.VMEM((EC_C,), jnp.int32),
            pltpu.VMEM((EC_C, PQW), jnp.float32),
            pltpu.VMEM((EC_C, PQW), jnp.float32),
            pltpu.VMEM((EC_C, 2 * D), jnp.float32),
            pltpu.VMEM((EC_C, 16), jnp.float32),
            pltpu.SemaphoreType.DMA,
            pltpu.SemaphoreType.DMA,
        ],
    )(_edge_kernel)
    return f(src, dst, P, Q)



MM_BLK = 2000


def _mm_kernel(t_ref, w_ref, b_ref, o_ref):
    o_ref[...] = t_ref[...] @ w_ref[...] + b_ref[...]


def _edge_mm(t, W_e2, b_e2):
    return pl.pallas_call(
        _mm_kernel,
        grid=(E // MM_BLK,),
        in_specs=[
            pl.BlockSpec((MM_BLK, 2 * D), lambda i: (i, 0)),
            pl.BlockSpec((2 * D, 2 * D), lambda i: (0, 0)),
            pl.BlockSpec((1, 2 * D), lambda i: (0, 0)),
        ],
        out_specs=pl.BlockSpec((MM_BLK, 2 * D), lambda i: (i, 0)),
        out_shape=jax.ShapeDtypeStruct((E, 2 * D), jnp.float32),
    )(t, W_e2, b_e2.reshape(1, 2 * D))



GA_C = 128
GA_NCHUNK = E // GA_C


def _gat_kernel(src_hbm, dst_hbm, ht_hbm, ex_hbm, init_hbm, out_hbm,
                srcv, dstv, soff, hrow, exv, scaled, acc_sh, sem1, sem2):
    c = lax.axis_index("c")
    sid = lax.axis_index("s")
    iota = lax.iota(jnp.int32, 16)
    onehot0 = (iota == 0).astype(jnp.float32)

    for j in range(2):
        hd = c * 2 + j
        pltpu.sync_copy(
            init_hbm.at[pl.ds(hd * N_P + sid * ROWS_T, ROWS_T)],
            acc_sh.at[pl.ds(sid * ROWS_T, ROWS_T)])
        plsc.subcore_barrier()

        def body(k, carry):
            cid = k * 16 + sid

            @pl.when(cid < GA_NCHUNK)
            def _():
                base = cid * GA_C
                h1 = pltpu.async_copy(src_hbm.at[pl.ds(base, GA_C)], srcv,
                                      sem1)
                h2 = pltpu.async_copy(dst_hbm.at[pl.ds(base, GA_C)], dstv,
                                      sem2)
                h3 = pltpu.async_copy(
                    ex_hbm.at[pl.ds(base * 16, GA_C * 16)],
                    exv.at[pl.ds(0, GA_C * 16)], sem1)
                h1.wait()
                for kk in range(GA_C // 16):
                    sl = pl.ds(kk * 16, 16)
                    soff[sl] = srcv[sl] + hd * N
                h4 = pltpu.async_copy(ht_hbm.at[soff], hrow, sem2)
                h2.wait()
                h3.wait()
                h4.wait()

                def srow(i2, cc):
                    for u in range(2):
                        i = i2 * 2 + u
                        exs = exv[pl.ds(i * 16 + hd, 16)][0]
                        for kk in range(D // 16):
                            sl = pl.ds(kk * 16, 16)
                            scaled[i, sl] = hrow[i, sl] * exs
                    return cc

                lax.fori_loop(0, GA_C // 2, srow, 0)
                pltpu.sync_copy(scaled, acc_sh.at[dstv], add=True)

            return carry

        lax.fori_loop(0, (GA_NCHUNK + 15) // 16, body, 0)
        plsc.subcore_barrier()
        pltpu.sync_copy(
            acc_sh.at[pl.ds(sid * ROWS_T, ROWS_T)],
            out_hbm.at[pl.ds(hd * N_P + sid * ROWS_T, ROWS_T)])
        plsc.subcore_barrier()


def _gat_agg(src, dst, hT_flat, exf, ninit_pad):
    f = functools.partial(
        pl.kernel,
        mesh=plsc.VectorSubcoreMesh(**_SC_MESH),
        out_type=jax.ShapeDtypeStruct((HEADS * N_P, AW), jnp.float32),
        scratch_types=[
            pltpu.VMEM((GA_C,), jnp.int32),
            pltpu.VMEM((GA_C,), jnp.int32),
            pltpu.VMEM((GA_C,), jnp.int32),
            pltpu.VMEM((GA_C, D), jnp.float32),
            pltpu.VMEM((GA_C * 16 + 16,), jnp.float32),
            pltpu.VMEM((GA_C, AW), jnp.float32),
            pltpu.VMEM_SHARED((N_P, AW), jnp.float32),
            pltpu.SemaphoreType.DMA,
            pltpu.SemaphoreType.DMA,
        ],
    )(_gat_kernel)
    return f(src, dst, hT_flat, exf, ninit_pad)



RNG = N_P // 32
MXCAP = 11008
SCAN_C = 5000
MB_G = 64


def _emax_kernel(dst_hbm, m_hbm, out_hbm, dstc, eidb, dlocb, mrow, acc):
    c = lax.axis_index("c")
    sid = lax.axis_index("s")
    wid = sid * 2 + c
    lo = wid * RNG
    hi = lo + RNG
    iota = lax.iota(jnp.int32, 16)
    neg = jnp.full((16,), -jnp.inf, jnp.float32)
    zi = jnp.zeros((16,), jnp.int32)

    def initr(r, cc):
        acc[pl.ds(r * 16, 16)] = neg
        return cc

    lax.fori_loop(0, RNG * 2 * D // 16, initr, 0)

    def scan_chunk(ch, cur):
        base = ch * SCAN_C
        pltpu.sync_copy(dst_hbm.at[pl.ds(base, SCAN_C)], dstc)

        def scan_v(k, cur2):
            d16 = dstc[pl.ds(k * 16, 16)]
            msk = (d16 >= lo) & (d16 < hi)
            incl = plsc.cumsum(msk.astype(jnp.int32))
            pos = cur2 + incl - 1
            plsc.store_scatter(eidb, [pos], base + k * 16 + iota, mask=msk)
            plsc.store_scatter(dlocb, [pos], (d16 - lo) * (2 * D), mask=msk)
            return cur2 + incl[15]

        return lax.fori_loop(0, SCAN_C // 16, scan_v, cur)

    cur = lax.fori_loop(0, E // SCAN_C, scan_chunk, 0)

    plsc.store_scatter(eidb, [cur + iota], zi)
    plsc.store_scatter(eidb, [cur + 16 + iota], zi)
    plsc.store_scatter(dlocb, [cur + iota], zi)
    plsc.store_scatter(dlocb, [cur + 16 + iota], zi)

    ngr = (cur + MB_G - 1) // MB_G

    def group(g, cc):
        pltpu.sync_copy(m_hbm.at[eidb.at[pl.ds(g * MB_G, MB_G)]], mrow)

        def upd(j, cc2):
            @pl.when(g * MB_G + j < cur)
            def _():
                rlp = dlocb[pl.ds(g * MB_G + j, 16)][0]
                for kk in range(2 * D // 16):
                    old = acc[pl.ds(rlp + kk * 16, 16)]
                    plsc.store_scatter(
                        acc, [rlp + kk * 16 + iota],
                        jnp.maximum(old, mrow[j, pl.ds(kk * 16, 16)]))

            return cc2

        return lax.fori_loop(0, MB_G, upd, cc)

    lax.fori_loop(0, ngr, group, 0)

    def finr(r, cc):
        sl = pl.ds(r * 16, 16)
        acc[sl] = jnp.maximum(acc[sl], 0.0)
        return cc

    lax.fori_loop(0, RNG * 2 * D // 16, finr, 0)
    pltpu.sync_copy(acc,
                    out_hbm.at[pl.ds(wid * RNG * 2 * D, RNG * 2 * D)])


def _edge_max(dst, m):
    f = functools.partial(
        pl.kernel,
        mesh=plsc.VectorSubcoreMesh(**_SC_MESH),
        out_type=jax.ShapeDtypeStruct((N_P * 2 * D,), jnp.float32),
        compiler_params=pltpu.CompilerParams(needs_layout_passes=False),
        scratch_types=[
            pltpu.VMEM((SCAN_C,), jnp.int32),
            pltpu.VMEM((MXCAP + 64,), jnp.int32),
            pltpu.VMEM((MXCAP + 64,), jnp.int32),
            pltpu.VMEM((MB_G, 2 * D), jnp.float32),
            pltpu.VMEM((RNG * 2 * D,), jnp.float32),
        ],
    )(_emax_kernel)
    return f(dst, m)




def _post_kernel(n0, n1, n2, n3, dp0, dp1, exl, g0, g1, x3, bt, bgat,
                 wgin1, bgin1, wgin2, bgin2,
                 wg1, bg1, wg2, bg2, wg3, bg3, wg4, bg4, wg5, bg5, wg6, bg6,
                 wfc1, bfc1, wfc2, bfc2, wout, bout, o_ref,
                 p1, p2, p3, cnt):
    i = pl.program_id(0)

    @pl.when(i == 0)
    def _():
        p1[...] = jnp.zeros_like(p1)
        p2[...] = jnp.zeros_like(p2)
        p3[...] = jnp.zeros_like(p3)
        cnt[...] = jnp.zeros_like(cnt)

    relu = jax.nn.relu
    dsum = (dp0[...] + dp1[...])[:, :HEADS] + exl[...][:, :HEADS]
    heads = []
    for hd, nref in enumerate((n0, n1, n2, n3)):
        heads.append(nref[...] / (dsum[:, hd:hd + 1] + 1e-16))
    xt1 = relu(jnp.concatenate(heads, axis=1) + bgat[...])

    h2 = g0[...] + g1[...]
    gm = relu(relu(h2 @ wgin1[...] + bgin1[...]) @ wgin2[...] + bgin2[...])

    bt_row = bt[0, 0, :]
    M = (bt_row[None, :] ==
         lax.broadcasted_iota(jnp.int32, (B, BLK), 0)).astype(jnp.float32)
    p1[...] += M @ xt1
    p2[...] += M @ gm
    p3[...] += M @ x3[...]
    cnt[...] += jnp.broadcast_to(jnp.sum(M, axis=1, keepdims=True), (B, D))

    @pl.when(i == NB - 1)
    def _():
        cdiv = jnp.maximum(cnt[:, :1], 1.0)
        x1 = p1[...] / cdiv
        x1 = relu(x1 @ wg1[...] + bg1[...])
        x1 = relu(x1 @ wg2[...] + bg2[...])
        x2 = p2[...] / cdiv
        x2 = relu(x2 @ wg3[...] + bg3[...])
        x2 = relu(x2 @ wg4[...] + bg4[...])
        x3p = p3[...] / cdiv
        x3p = relu(x3p @ wg5[...] + bg5[...])
        x3p = relu(x3p @ wg6[...] + bg6[...])
        xt4 = jnp.concatenate([x1, x2, x3p], axis=1)
        hh = relu(xt4 @ wfc1[...] + bfc1[...])
        hh = relu(hh @ wfc2[...] + bfc2[...])
        o_ref[...] = jax.nn.sigmoid(
            jnp.sum(hh * wout[...], axis=1, keepdims=True) + bout[...])


def _post(num, den_parts, exl16, gin_parts, xt3, batch, b_gat,
          W_gin1, b_gin1, W_gin2, b_gin2,
          W_g1, b_g1, W_g2, b_g2, W_g3, b_g3, W_g4, b_g4, W_g5, b_g5,
          W_g6, b_g6, W_fc1, b_fc1, W_fc2, b_fc2, W_out, b_out):
    n_blocks = [num[hd * N_P:hd * N_P + N] for hd in range(HEADS)]
    d0 = den_parts[:N]
    d1 = den_parts[N_P:N_P + N]
    g0 = gin_parts[:N]
    g1 = gin_parts[N_P:N_P + N]
    bt3 = batch.reshape(NB, 1, BLK)
    row = lambda a: a.reshape(1, -1)
    wb = [b_gat.reshape(1, HEADS * D),
          W_gin1, row(b_gin1), W_gin2, row(b_gin2),
          W_g1, row(b_g1), W_g2, row(b_g2), W_g3, row(b_g3), W_g4, row(b_g4),
          W_g5, row(b_g5), W_g6, row(b_g6),
          W_fc1, row(b_fc1), W_fc2, row(b_fc2),
          W_out.reshape(1, 64), b_out.reshape(1, 1)]
    full = lambda a: pl.BlockSpec(a.shape, lambda i: tuple(0 for _ in a.shape))
    return pl.pallas_call(
        _post_kernel,
        grid=(NB,),
        in_specs=(
            [pl.BlockSpec((BLK, AW), lambda i: (i, 0))] * 4 +
            [pl.BlockSpec((BLK, D), lambda i: (i, 0))] * 2 +
            [pl.BlockSpec((BLK, 16), lambda i: (i, 0))] +
            [pl.BlockSpec((BLK, D), lambda i: (i, 0))] * 2 +
            [pl.BlockSpec((BLK, 2 * D), lambda i: (i, 0)),
             pl.BlockSpec((1, 1, BLK), lambda i: (i, 0, 0))] +
            [full(a) for a in wb]),
        out_specs=pl.BlockSpec((B, 1), lambda i: (0, 0)),
        out_shape=jax.ShapeDtypeStruct((B, 1), jnp.float32),
        scratch_shapes=[
            pltpu.VMEM((B, HEADS * D), jnp.float32),
            pltpu.VMEM((B, 2 * D), jnp.float32),
            pltpu.VMEM((B, 2 * D), jnp.float32),
            pltpu.VMEM((B, D), jnp.float32),
        ],
    )(*n_blocks, d0, d1, exl16, g0, g1, xt3, bt3, *wb)




def kernel(x, edge_index, edge_weight, batch, W_gat, att_src, att_dst, b_gat,
           W_gin1, b_gin1, W_gin2, b_gin2, W_e1, b_e1, W_e2, b_e2,
           W_g1, b_g1, W_g2, b_g2, W_g3, b_g3, W_g4, b_g4, W_g5, b_g5,
           W_g6, b_g6, W_fc1, b_fc1, W_fc2, b_fc2, W_out, b_out):
    src0 = edge_index[0]
    dst0 = edge_index[1]

    W_p = W_e1[:D] - W_e1[D:]
    W_q = W_e1[D:]
    hT, ninit, exl16, P, Q = _dense_pre(x, W_gat, att_src, att_dst, W_p, W_q,
                                        b_e1)

    t, exf = _edge_pre(src0, dst0, P, Q)
    zinit = jnp.zeros((2 * N_P, D), jnp.float32)
    exw = jnp.pad(exf, ((0, 0), (0, D - 16)))
    den_parts = _seg_sum_128(jnp.arange(E, dtype=jnp.int32), dst0, exw, zinit)

    m = _edge_mm(t, W_e2, b_e2)

    xt3_full = _edge_max(dst0, m).reshape(N_P, 2 * D)

    ninit_pad = jnp.pad(ninit, ((0, 0), (0, N_P - N), (0, 0)))
    num = _gat_agg(src0, dst0, hT.reshape(HEADS * N, D), exf.reshape(E * 16),
                   ninit_pad.reshape(HEADS * N_P, AW))

    gin_parts = _gin_agg(src0, dst0, x)

    return _post(num, den_parts, exl16, gin_parts, xt3_full[:N], batch, b_gat,
                 W_gin1, b_gin1, W_gin2, b_gin2, W_g1, b_g1, W_g2, b_g2,
                 W_g3, b_g3, W_g4, b_g4, W_g5, b_g5, W_g6, b_g6,
                 W_fc1, b_fc1, W_fc2, b_fc2, W_out, b_out)

# --- scband reference (transcript-rebuilt; emitter-appended) ---
"""Pipeline reference for scband-model-57269093925194 (READ-ONLY COPY).

The authoritative reference and input builder live on the scoring server;
editing this copy changes nothing except your own understanding.
"""

import jax, jax.numpy as jnp
import numpy as np

N = 10000
E = 320000
D = 128
HEADS = 4
B = 16


def _mean_pool(v, batch):
    s = jax.ops.segment_sum(v, batch, num_segments=B)
    c = jax.ops.segment_sum(jnp.ones((v.shape[0],), v.dtype), batch, num_segments=B)
    return s / jnp.clip(c, 1.0)[:, None]


def setup_inputs(seed: int = 0):
    key = jax.random.key(seed)

    def k(i):
        return jax.random.fold_in(key, i)

    def w(i, fin, fout):
        return jax.random.normal(k(i), (fin, fout), dtype=jnp.float32) / np.sqrt(fin)

    def b(i, n):
        return jax.random.normal(k(i), (n,), dtype=jnp.float32) * 0.01

    inp = {}
    inp["x"] = jax.random.normal(k(0), (N, D), dtype=jnp.float32)
    inp["edge_index"] = jax.random.randint(k(1), (2, E), 0, N)
    inp["edge_weight"] = jax.random.uniform(k(2), (E,), dtype=jnp.float32)
    inp["batch"] = jnp.sort(jax.random.randint(k(3), (N,), 0, B))
    inp["W_gat"] = w(10, D, HEADS * D)
    inp["att_src"] = jax.random.normal(k(11), (HEADS, D), dtype=jnp.float32) * 0.1
    inp["att_dst"] = jax.random.normal(k(12), (HEADS, D), dtype=jnp.float32) * 0.1
    inp["b_gat"] = b(13, HEADS * D)
    inp["W_gin1"] = w(14, D, 2 * D)
    inp["b_gin1"] = b(15, 2 * D)
    inp["W_gin2"] = w(16, 2 * D, 2 * D)
    inp["b_gin2"] = b(17, 2 * D)
    inp["W_e1"] = w(18, 2 * D, 2 * D)
    inp["b_e1"] = b(19, 2 * D)
    inp["W_e2"] = w(20, 2 * D, 2 * D)
    inp["b_e2"] = b(21, 2 * D)
    inp["W_g1"] = w(22, HEADS * D, 256)
    inp["b_g1"] = b(23, 256)
    inp["W_g2"] = w(24, 256, 128)
    inp["b_g2"] = b(25, 128)
    inp["W_g3"] = w(26, 2 * D, 256)
    inp["b_g3"] = b(27, 256)
    inp["W_g4"] = w(28, 256, 128)
    inp["b_g4"] = b(29, 128)
    inp["W_g5"] = w(30, 2 * D, 256)
    inp["b_g5"] = b(31, 256)
    inp["W_g6"] = w(32, 256, 128)
    inp["b_g6"] = b(33, 128)
    inp["W_fc1"] = w(34, 3 * 128, 128)
    inp["b_fc1"] = b(35, 128)
    inp["W_fc2"] = w(36, 128, 64)
    inp["b_fc2"] = b(37, 64)
    inp["W_out"] = w(38, 64, 1)
    inp["b_out"] = b(39, 1)
    return inp


def reference(x, edge_index, edge_weight, batch, W_gat, att_src, att_dst, b_gat,
              W_gin1, b_gin1, W_gin2, b_gin2, W_e1, b_e1, W_e2, b_e2,
              W_g1, b_g1, W_g2, b_g2, W_g3, b_g3, W_g4, b_g4, W_g5, b_g5,
              W_g6, b_g6, W_fc1, b_fc1, W_fc2, b_fc2, W_out, b_out):
    relu = jax.nn.relu
    src0 = edge_index[0]
    dst0 = edge_index[1]
    # ---- branch 1: GATConv(heads=4, concat) with self-loops ----
    loop = jnp.arange(N)
    src = jnp.concatenate([src0, loop])
    dst = jnp.concatenate([dst0, loop])
    h = (x @ W_gat).reshape(N, HEADS, D)
    a_s = jnp.sum(h * att_src[None, :, :], axis=-1)
    a_d = jnp.sum(h * att_dst[None, :, :], axis=-1)
    e = jax.nn.leaky_relu(a_s[src] + a_d[dst], negative_slope=0.2)
    emax = jax.ops.segment_max(e, dst, num_segments=N)
    emax = jnp.where(jnp.isfinite(emax), emax, 0.0)
    ex = jnp.exp(e - emax[dst])
    den = jax.ops.segment_sum(ex, dst, num_segments=N)
    alpha = ex / (den[dst] + 1e-16)
    xt = jax.ops.segment_sum(h[src] * alpha[:, :, None], dst, num_segments=N)
    xt = xt.reshape(N, HEADS * D) + b_gat
    xt = relu(xt)
    xt = _mean_pool(xt, batch)
    xt = relu(xt @ W_g1 + b_g1)
    xt = relu(xt @ W_g2 + b_g2)
    # ---- branch 2: GINConv (eps=0, sum aggregation) ----
    agg2 = jax.ops.segment_sum(x[src0], dst0, num_segments=N)
    h2 = x + agg2
    h2 = relu(h2 @ W_gin1 + b_gin1) @ W_gin2 + b_gin2
    xt2 = relu(h2)
    xt2 = _mean_pool(xt2, batch)
    xt2 = relu(xt2 @ W_g3 + b_g3)
    xt2 = relu(xt2 @ W_g4 + b_g4)
    # ---- branch 3: EdgeConv (max aggregation over nn([x_i, x_j - x_i])) ----
    xi = x[dst0]
    xj = x[src0]
    m = jnp.concatenate([xi, xj - xi], axis=1)
    m = relu(m @ W_e1 + b_e1) @ W_e2 + b_e2
    agg3 = jax.ops.segment_max(m, dst0, num_segments=N)
    agg3 = jnp.where(jnp.isfinite(agg3), agg3, 0.0)
    xt3 = relu(agg3)
    xt3 = _mean_pool(xt3, batch)
    xt3 = relu(xt3 @ W_g5 + b_g5)
    xt3 = relu(xt3 @ W_g6 + b_g6)
    # ---- head ----
    xt4 = jnp.concatenate([xt, xt2, xt3], axis=1)
    xt4 = relu(xt4 @ W_fc1 + b_fc1)
    xt4 = relu(xt4 @ W_fc2 + b_fc2)
    return jax.nn.sigmoid(xt4 @ W_out + b_out)

if __name__ == "__main__":
    import jax
    _d = setup_inputs()
    print(jax.jit(kernel)(*tuple(_d.values())))

</pallas_src>

<mosaic_0001>
#map = affine_map<(d0, d1) -> (0)>
#map1 = affine_map<(d0, d1) -> (0, 0)>
module attributes {stable_mosaic.version = 14 : i64} {
  func.func @_gat_kernel(%arg0: i32, %arg1: i32, %arg2: memref<320000xi32, #tpu.memory_space<hbm>>, %arg3: memref<320000xi32, #tpu.memory_space<hbm>>, %arg4: memref<40000x128xf32, #tpu.memory_space<hbm>>, %arg5: memref<5120000xf32, #tpu.memory_space<hbm>>, %arg6: memref<40960x128xf32, #tpu.memory_space<hbm>>, %arg7: memref<40960x128xf32, #tpu.memory_space<hbm>>, %arg8: memref<128xi32, #tpu.memory_space<vmem>>, %arg9: memref<128xi32, #tpu.memory_space<vmem>>, %arg10: memref<128xi32, #tpu.memory_space<vmem>>, %arg11: memref<128x128xf32, #tpu.memory_space<vmem>>, %arg12: memref<2064xf32, #tpu.memory_space<vmem>>, %arg13: memref<128x128xf32, #tpu.memory_space<vmem>>, %arg14: memref<10240x128xf32, #tpu.memory_space<vmem_shared>>, %arg15: memref<!tpu.dma_semaphore, #tpu.memory_space<semaphore_mem>>, %arg16: memref<!tpu.dma_semaphore, #tpu.memory_space<semaphore_mem>>) attributes {dimension_semantics = [#tpu.dimension_semantics<core_parallel>, #tpu.dimension_semantics<subcore_parallel>], iteration_bounds = array<i64: 2, 16>, scalar_prefetch = 0 : i64, scratch_operands = 9 : i64, tpu.core_type = #tpu.core_type<sc_vector_subcore>, window_params = [{transform_indices = #map}, {transform_indices = #map}, {transform_indices = #map1}, {transform_indices = #map}, {transform_indices = #map1}, {transform_indices = #map1}]} {
    %iota3A = tpu.iota {dimensions = array<i32: 0>} : vector<16xi32>
    %eq3A = arith.constant 0 : i32
    %eq3A_0 = vector.broadcast %eq3A : i32 to vector<16xi32>
    %eq3A_1 = arith.cmpi eq, %iota3A, %eq3A_0 : vector<16xi32>
    %convert_element_type3A = arith.extui %eq3A_1 : vector<16xi1> to vector<16xi32>
    %convert_element_type3A_2 = arith.sitofp %convert_element_type3A : vector<16xi32> to vector<16xf32>
    %mul3A = arith.constant 2 : i32
    %mul3A_3 = arith.muli %arg0, %mul3A : i32
    %add3A = arith.constant 0 : i32
    %add3A_4 = arith.addi %mul3A_3, %add3A : i32
    %mul3A_5 = arith.constant 10240 : i32
    %mul3A_6 = arith.muli %add3A_4, %mul3A_5 : i32
    %mul3A_7 = arith.constant 640 : i32
    %mul3A_8 = arith.muli %arg1, %mul3A_7 : i32
    %add3A_9 = arith.addi %mul3A_6, %mul3A_8 : i32
    %mul3A_10 = arith.constant 640 : i32
    %mul3A_11 = arith.muli %arg1, %mul3A_10 : i32
    "tpu.region"() ({
      %run_scoped3A = tpu.sem_alloc : memref<!tpu.dma_semaphore, #tpu.memory_space<semaphore_mem>>
      %dma_start3A = arith.constant 0 : i32
      %dma_start3A_53 = tpu.memref_slice %arg14[%mul3A_11, %dma_start3A] : memref<10240x128xf32, #tpu.memory_space<vmem_shared>> -> memref<640x128xf32, #tpu.memory_space<vmem_shared>>
      %dma_start3A_54 = arith.constant 0 : i32
      %dma_start3A_55 = tpu.memref_slice %arg6[%add3A_9, %dma_start3A_54] : memref<40960x128xf32, #tpu.memory_space<hbm>> -> memref<640x128xf32, #tpu.memory_space<hbm>>
      tpu.enqueue_dma source(%dma_start3A_55 : memref<640x128xf32, #tpu.memory_space<hbm>>) target(%dma_start3A_53 : memref<640x128xf32, #tpu.memory_space<vmem_shared>>) target_semaphore(%run_scoped3A : memref<!tpu.dma_semaphore, #tpu.memory_space<semaphore_mem>>)
      %dma_wait3A = arith.constant 0 : i32
      %dma_wait3A_56 = tpu.memref_slice %arg14[%mul3A_11, %dma_wait3A] : memref<10240x128xf32, #tpu.memory_space<vmem_shared>> -> memref<640x128xf32, #tpu.memory_space<vmem_shared>>
      %dma_wait3A_57 = arith.constant 0 : i32
      %dma_wait3A_58 = tpu.memref_slice %arg6[%add3A_9, %dma_wait3A_57] : memref<40960x128xf32, #tpu.memory_space<hbm>> -> memref<640x128xf32, #tpu.memory_space<hbm>>
      tpu.wait_dma2 semaphore(%run_scoped3A : memref<!tpu.dma_semaphore, #tpu.memory_space<semaphore_mem>>) src(%dma_wait3A_58 : memref<640x128xf32, #tpu.memory_space<hbm>>) dst(%dma_wait3A_56 : memref<640x128xf32, #tpu.memory_space<vmem_shared>>)
      tpu.yield
    }) : () -> ()
    %barrier3A = arith.constant 0 : index
    tpu.barrier barrier_id(%barrier3A)
    %scan3A = arith.constant 0 : i32
    %scan3A_12 = arith.constant 0 : i32
    %scan3A_13 = arith.constant 157 : i32
    %scan3A_14 = arith.addi %scan3A_12, %scan3A_13 : i32
    %scan3A_15 = arith.constant 1 : i32
    scf.for %scan3A_53 = %scan3A_12 to %scan3A_14 step %scan3A_15  : i32 {
      %mul3A_54 = arith.constant 16 : i32
      %mul3A_55 = arith.muli %scan3A_53, %mul3A_54 : i32
      %add3A_56 = arith.addi %mul3A_55, %arg1 : i32
      %lt3A = arith.constant 2500 : i32
      %lt3A_57 = arith.cmpi slt, %add3A_56, %lt3A : i32
      %convert_element_type3A_58 = arith.extui %lt3A_57 : i1 to i32
      %cond3A = arith.constant 0 : i32
      %cond3A_59 = arith.cmpi ne, %convert_element_type3A_58, %cond3A : i32
      scf.if %cond3A_59 {
        %mul3A_60 = arith.constant 128 : i32
        %mul3A_61 = arith.muli %add3A_56, %mul3A_60 : i32
        %dma_start3A = tpu.memref_slice %arg2[%mul3A_61] : memref<320000xi32, #tpu.memory_space<hbm>> -> memref<128xi32, #tpu.memory_space<hbm>>
        %dma_start3A_62 = tpu.memref_slice %arg2[%mul3A_61] : memref<320000xi32, #tpu.memory_space<hbm>> -> memref<128xi32, #tpu.memory_space<hbm>>
        tpu.enqueue_dma source(%dma_start3A_62 : memref<128xi32, #tpu.memory_space<hbm>>) target(%arg8 : memref<128xi32, #tpu.memory_space<vmem>>) target_semaphore(%arg15 : memref<!tpu.dma_semaphore, #tpu.memory_space<semaphore_mem>>)
        %dma_start3A_63 = tpu.memref_slice %arg3[%mul3A_61] : memref<320000xi32, #tpu.memory_space<hbm>> -> memref<128xi32, #tpu.memory_space<hbm>>
        %dma_start3A_64 = tpu.memref_slice %arg3[%mul3A_61] : memref<320000xi32, #tpu.memory_space<hbm>> -> memref<128xi32, #tpu.memory_space<hbm>>
        tpu.enqueue_dma source(%dma_start3A_64 : memref<128xi32, #tpu.memory_space<hbm>>) target(%arg9 : memref<128xi32, #tpu.memory_space<vmem>>) target_semaphore(%arg16 : memref<!tpu.dma_semaphore, #tpu.memory_space<semaphore_mem>>)
        %mul3A_65 = arith.constant 16 : i32
        %mul3A_66 = arith.muli %mul3A_61, %mul3A_65 : i32
        %dma_start3A_67 = arith.constant 0 : i32
        %dma_start3A_68 = tpu.memref_slice %arg12[%dma_start3A_67] : memref<2064xf32, #tpu.memory_space<vmem>> -> memref<2048xf32, #tpu.memory_space<vmem>>
        %dma_start3A_69 = tpu.memref_slice %arg5[%mul3A_66] : memref<5120000xf32, #tpu.memory_space<hbm>> -> memref<2048xf32, #tpu.memory_space<hbm>>
        %dma_start3A_70 = arith.constant 0 : i32
        %dma_start3A_71 = tpu.memref_slice %arg12[%dma_start3A_70] : memref<2064xf32, #tpu.memory_space<vmem>> -> memref<2048xf32, #tpu.memory_space<vmem>>
        %dma_start3A_72 = tpu.memref_slice %arg5[%mul3A_66] : memref<5120000xf32, #tpu.memory_space<hbm>> -> memref<2048xf32, #tpu.memory_space<hbm>>
        tpu.enqueue_dma source(%dma_start3A_72 : memref<2048xf32, #tpu.memory_space<hbm>>) target(%dma_start3A_71 : memref<2048xf32, #tpu.memory_space<vmem>>) target_semaphore(%arg15 : memref<!tpu.dma_semaphore, #tpu.memory_space<semaphore_mem>>)
        %dma_wait3A = tpu.memref_slice %arg2[%mul3A_61] : memref<320000xi32, #tpu.memory_space<hbm>> -> memref<128xi32, #tpu.memory_space<hbm>>
        %dma_wait3A_73 = tpu.memref_slice %arg2[%mul3A_61] : memref<320000xi32, #tpu.memory_space<hbm>> -> memref<128xi32, #tpu.memory_space<hbm>>
        tpu.wait_dma2 semaphore(%arg15 : memref<!tpu.dma_semaphore, #tpu.memory_space<semaphore_mem>>) src(%dma_wait3A_73 : memref<128xi32, #tpu.memory_space<hbm>>) dst(%arg8 : memref<128xi32, #tpu.memory_space<vmem>>)
        %get3A = arith.constant 0 : index
        %get3A_74 = tpu.vector_load %arg8[%get3A] {strides = array<i32>} : memref<128xi32, #tpu.memory_space<vmem>>, vector<16xi32>,
        %get3A_75 = vector.shape_cast %get3A_74 : vector<16xi32> to vector<16xi32>
        %mul3A_76 = arith.constant 10000 : i32
        %mul3A_77 = arith.muli %add3A_4, %mul3A_76 : i32
        %add3A_78 = vector.broadcast %mul3A_77 : i32 to vector<16xi32>
        %add3A_79 = arith.addi %get3A_75, %add3A_78 : vector<16xi32>
        %swap3A = arith.constant 0 : index
        %swap3A_80 = tpu.vector_load %arg10[%swap3A] {strides = array<i32>} : memref<128xi32, #tpu.memory_space<vmem>>, vector<16xi32>,
        %swap3A_81 = vector.shape_cast %swap3A_80 : vector<16xi32> to vector<16xi32>
        %swap3A_82 = vector.shape_cast %add3A_79 : vector<16xi32> to vector<16xi32>
        tpu.vector_store %arg10[%swap3A], %swap3A_82 {strides = array<i32>} : memref<128xi32, #tpu.memory_space<vmem>>, vector<16xi32>,
        %get3A_83 = arith.constant 16 : index
        %get3A_84 = tpu.vector_load %arg8[%get3A_83] {strides = array<i32>} : memref<128xi32, #tpu.memory_space<vmem>>, vector<16xi32>,
        %get3A_85 = vector.shape_cast %get3A_84 : vector<16xi32> to vector<16xi32>
        %mul3A_86 = arith.constant 10000 : i32
        %mul3A_87 = arith.muli %add3A_4, %mul3A_86 : i32
        %add3A_88 = vector.broadcast %mul3A_87 : i32 to vector<16xi32>
        %add3A_89 = arith.addi %get3A_85, %add3A_88 : vector<16xi32>
        %swap3A_90 = arith.constant 16 : index
        %swap3A_91 = tpu.vector_load %arg10[%swap3A_90] {strides = array<i32>} : memref<128xi32, #tpu.memory_space<vmem>>, vector<16xi32>,
        %swap3A_92 = vector.shape_cast %swap3A_91 : vector<16xi32> to vector<16xi32>
        %swap3A_93 = vector.shape_cast %add3A_89 : vector<16xi32> to vector<16xi32>
        tpu.vector_store %arg10[%swap3A_90], %swap3A_93 {strides = array<i32>} : memref<128xi32, #tpu.memory_space<vmem>>, vector<16xi32>,
        %get3A_94 = arith.constant 32 : index
        %get3A_95 = tpu.vector_load %arg8[%get3A_94] {strides = array<i32>} : memref<128xi32, #tpu.memory_space<vmem>>, vector<16xi32>,
        %get3A_96 = vector.shape_cast %get3A_95 : vector<16xi32> to vector<16xi32>
        %mul3A_97 = arith.constant 10000 : i32
        %mul3A_98 = arith.muli %add3A_4, %mul3A_97 : i32
        %add3A_99 = vector.broadcast %mul3A_98 : i32 to vector<16xi32>
        %add3A_100 = arith.addi %get3A_96, %add3A_99 : vector<16xi32>
        %swap3A_101 = arith.constant 32 : index
        %swap3A_102 = tpu.vector_load %arg10[%swap3A_101] {strides = array<i32>} : memref<128xi32, #tpu.memory_space<vmem>>, vector<16xi32>,
        %swap3A_103 = vector.shape_cast %swap3A_102 : vector<16xi32> to vector<16xi32>
        %swap3A_104 = vector.shape_cast %add3A_100 : vector<16xi32> to vector<16xi32>
        tpu.vector_store %arg10[%swap3A_101], %swap3A_104 {strides = array<i32>} : memref<128xi32, #tpu.memory_space<vmem>>, vector<16xi32>,
        %get3A_105 = arith.constant 48 : index
        %get3A_106 = tpu.vector_load %arg8[%get3A_105] {strides = array<i32>} : memref<128xi32, #tpu.memory_space<vmem>>, vector<16xi32>,
        %get3A_107 = vector.shape_cast %get3A_106 : vector<16xi32> to vector<16xi32>
        %mul3A_108 = arith.constant 10000 : i32
        %mul3A_109 = arith.muli %add3A_4, %mul3A_108 : i32
        %add3A_110 = vector.broadcast %mul3A_109 : i32 to vector<16xi32>
        %add3A_111 = arith.addi %get3A_107, %add3A_110 : vector<16xi32>
        %swap3A_112 = arith.constant 48 : index
        %swap3A_113 = tpu.vector_load %arg10[%swap3A_112] {strides = array<i32>} : memref<128xi32, #tpu.memory_space<vmem>>, vector<16xi32>,
        %swap3A_114 = vector.shape_cast %swap3A_113 : vector<16xi32> to vector<16xi32>
        %swap3A_115 = vector.shape_cast %add3A_111 : vector<16xi32> to vector<16xi32>
        tpu.vector_store %arg10[%swap3A_112], %swap3A_115 {strides = array<i32>} : memref<128xi32, #tpu.memory_space<vmem>>, vector<16xi32>,
        %get3A_116 = arith.constant 64 : index
        %get3A_117 = tpu.vector_load %arg8[%get3A_116] {strides = array<i32>} : memref<128xi32, #tpu.memory_space<vmem>>, vector<16xi32>,
        %get3A_118 = vector.shape_cast %get3A_117 : vector<16xi32> to vector<16xi32>
        %mul3A_119 = arith.constant 10000 : i32
        %mul3A_120 = arith.muli %add3A_4, %mul3A_119 : i32
        %add3A_121 = vector.broadcast %mul3A_120 : i32 to vector<16xi32>
        %add3A_122 = arith.addi %get3A_118, %add3A_121 : vector<16xi32>
        %swap3A_123 = arith.constant 64 : index
        %swap3A_124 = tpu.vector_load %arg10[%swap3A_123] {strides = array<i32>} : memref<128xi32, #tpu.memory_space<vmem>>, vector<16xi32>,
        %swap3A_125 = vector.shape_cast %swap3A_124 : vector<16xi32> to vector<16xi32>
        %swap3A_126 = vector.shape_cast %add3A_122 : vector<16xi32> to vector<16xi32>
        tpu.vector_store %arg10[%swap3A_123], %swap3A_126 {strides = array<i32>} : memref<128xi32, #tpu.memory_space<vmem>>, vector<16xi32>,
        %get3A_127 = arith.constant 80 : index
        %get3A_128 = tpu.vector_load %arg8[%get3A_127] {strides = array<i32>} : memref<128xi32, #tpu.memory_space<vmem>>, vector<16xi32>,
        %get3A_129 = vector.shape_cast %get3A_128 : vector<16xi32> to vector<16xi32>
        %mul3A_130 = arith.constant 10000 : i32
        %mul3A_131 = arith.muli %add3A_4, %mul3A_130 : i32
        %add3A_132 = vector.broadcast %mul3A_131 : i32 to vector<16xi32>
        %add3A_133 = arith.addi %get3A_129, %add3A_132 : vector<16xi32>
        %swap3A_134 = arith.constant 80 : index
        %swap3A_135 = tpu.vector_load %arg10[%swap3A_134] {strides = array<i32>} : memref<128xi32, #tpu.memory_space<vmem>>, vector<16xi32>,
        %swap3A_136 = vector.shape_cast %swap3A_135 : vector<16xi32> to vector<16xi32>
        %swap3A_137 = vector.shape_cast %add3A_133 : vector<16xi32> to vector<16xi32>
        tpu.vector_store %arg10[%swap3A_134], %swap3A_137 {strides = array<i32>} : memref<128xi32, #tpu.memory_space<vmem>>, vector<16xi32>,
        %get3A_138 = arith.constant 96 : index
        %get3A_139 = tpu.vector_load %arg8[%get3A_138] {strides = array<i32>} : memref<128xi32, #tpu.memory_space<vmem>>, vector<16xi32>,
        %get3A_140 = vector.shape_cast %get3A_139 : vector<16xi32> to vector<16xi32>
        %mul3A_141 = arith.constant 10000 : i32
        %mul3A_142 = arith.muli %add3A_4, %mul3A_141 : i32
        %add3A_143 = vector.broadcast %mul3A_142 : i32 to vector<16xi32>
        %add3A_144 = arith.addi %get3A_140, %add3A_143 : vector<16xi32>
        %swap3A_145 = arith.constant 96 : index
        %swap3A_146 = tpu.vector_load %arg10[%swap3A_145] {strides = array<i32>} : memref<128xi32, #tpu.memory_space<vmem>>, vector<16xi32>,
        %swap3A_147 = vector.shape_cast %swap3A_146 : vector<16xi32> to vector<16xi32>
        %swap3A_148 = vector.shape_cast %add3A_144 : vector<16xi32> to vector<16xi32>
        tpu.vector_store %arg10[%swap3A_145], %swap3A_148 {strides = array<i32>} : memref<128xi32, #tpu.memory_space<vmem>>, vector<16xi32>,
        %get3A_149 = arith.constant 112 : index
        %get3A_150 = tpu.vector_load %arg8[%get3A_149] {strides = array<i32>} : memref<128xi32, #tpu.memory_space<vmem>>, vector<16xi32>,
        %get3A_151 = vector.shape_cast %get3A_150 : vector<16xi32> to vector<16xi32>
        %mul3A_152 = arith.constant 10000 : i32
        %mul3A_153 = arith.muli %add3A_4, %mul3A_152 : i32
        %add3A_154 = vector.broadcast %mul3A_153 : i32 to vector<16xi32>
        %add3A_155 = arith.addi %get3A_151, %add3A_154 : vector<16xi32>
        %swap3A_156 = arith.constant 112 : index
        %swap3A_157 = tpu.vector_load %arg10[%swap3A_156] {strides = array<i32>} : memref<128xi32, #tpu.memory_space<vmem>>, vector<16xi32>,
        %swap3A_158 = vector.shape_cast %swap3A_157 : vector<16xi32> to vector<16xi32>
        %swap3A_159 = vector.shape_cast %add3A_155 : vector<16xi32> to vector<16xi32>
        tpu.vector_store %arg10[%swap3A_156], %swap3A_159 {strides = array<i32>} : memref<128xi32, #tpu.memory_space<vmem>>, vector<16xi32>,
        %dma_start3A_160 = arith.constant 0 : i32
        %dma_start3A_161 = arith.constant 0 : i32
        %dma_start3A_162 = tpu.memref_slice %arg4[%dma_start3A_160, %dma_start3A_161] : memref<40000x128xf32, #tpu.memory_space<hbm>> -> memref<40000x128xf32, #tpu.memory_space<hbm>>
        tpu.enqueue_indirect_dma source(%dma_start3A_162 : memref<40000x128xf32, #tpu.memory_space<hbm>>) target(%arg11 : memref<128x128xf32, #tpu.memory_space<vmem>>) offsets(%arg10 : memref<128xi32, #tpu.memory_space<vmem>>) semaphore(%arg16 : memref<!tpu.dma_semaphore, #tpu.memory_space<semaphore_mem>>)
        %dma_wait3A_163 = tpu.memref_slice %arg3[%mul3A_61] : memref<320000xi32, #tpu.memory_space<hbm>> -> memref<128xi32, #tpu.memory_space<hbm>>
        %dma_wait3A_164 = tpu.memref_slice %arg3[%mul3A_61] : memref<320000xi32, #tpu.memory_space<hbm>> -> memref<128xi32, #tpu.memory_space<hbm>>
        tpu.wait_dma2 semaphore(%arg16 : memref<!tpu.dma_semaphore, #tpu.memory_space<semaphore_mem>>) src(%dma_wait3A_164 : memref<128xi32, #tpu.memory_space<hbm>>) dst(%arg9 : memref<128xi32, #tpu.memory_space<vmem>>)
        %dma_wait3A_165 = arith.constant 0 : i32
        %dma_wait3A_166 = tpu.memref_slice %arg12[%dma_wait3A_165] : memref<2064xf32, #tpu.memory_space<vmem>> -> memref<2048xf32, #tpu.memory_space<vmem>>
        %dma_wait3A_167 = tpu.memref_slice %arg5[%mul3A_66] : memref<5120000xf32, #tpu.memory_space<hbm>> -> memref<2048xf32, #tpu.memory_space<hbm>>
        %dma_wait3A_168 = arith.constant 0 : i32
        %dma_wait3A_169 = tpu.memref_slice %arg12[%dma_wait3A_168] : memref<2064xf32, #tpu.memory_space<vmem>> -> memref<2048xf32, #tpu.memory_space<vmem>>
        %dma_wait3A_170 = tpu.memref_slice %arg5[%mul3A_66] : memref<5120000xf32, #tpu.memory_space<hbm>> -> memref<2048xf32, #tpu.memory_space<hbm>>
        tpu.wait_dma2 semaphore(%arg15 : memref<!tpu.dma_semaphore, #tpu.memory_space<semaphore_mem>>) src(%dma_wait3A_170 : memref<2048xf32, #tpu.memory_space<hbm>>) dst(%dma_wait3A_169 : memref<2048xf32, #tpu.memory_space<vmem>>)
        %dma_wait3A_171 = arith.constant 0 : i32
        %dma_wait3A_172 = arith.constant 0 : i32
        %dma_wait3A_173 = tpu.memref_slice %arg4[%dma_wait3A_171, %dma_wait3A_172] : memref<40000x128xf32, #tpu.memory_space<hbm>> -> memref<40000x128xf32, #tpu.memory_space<hbm>>
        tpu.wait_indirect_dma semaphore(%arg16 : memref<!tpu.dma_semaphore, #tpu.memory_space<semaphore_mem>>) src(%dma_wait3A_173 : memref<40000x128xf32, #tpu.memory_space<hbm>>) dst(%arg11 : memref<128x128xf32, #tpu.memory_space<vmem>>)
        %scan3A_174 = arith.constant 0 : i32
        %scan3A_175 = arith.constant 0 : i32
        %scan3A_176 = arith.constant 64 : i32
        %scan3A_177 = arith.addi %scan3A_175, %scan3A_176 : i32
        %scan3A_178 = arith.constant 1 : i32
        scf.for %scan3A_180 = %scan3A_175 to %scan3A_177 step %scan3A_178  : i32 {
          %mul3A_181 = arith.constant 2 : i32
          %mul3A_182 = arith.muli %scan3A_180, %mul3A_181 : i32
          %add3A_183 = arith.constant 0 : i32
          %add3A_184 = arith.addi %mul3A_182, %add3A_183 : i32
          %mul3A_185 = arith.constant 16 : i32
          %mul3A_186 = arith.muli %add3A_184, %mul3A_185 : i32
          %add3A_187 = arith.addi %mul3A_186, %add3A_4 : i32
          %get3A_188 = arith.index_cast %add3A_187 : i32 to index
          %get3A_189 = tpu.vector_load %arg12[%get3A_188] {strides = array<i32>} : memref<2064xf32, #tpu.memory_space<vmem>>, vector<16xf32>,
          %get3A_190 = vector.shape_cast %get3A_189 : vector<16xf32> to vector<16xf32>
          %slice3A = vector.extract_strided_slice %get3A_190 {offsets = [0], sizes = [1], strides = [1]} : vector<16xf32> to vector<1xf32>
          %squeeze3A = vector.extract %slice3A[0] : f32 from vector<1xf32>
          %get3A_191 = arith.index_cast %add3A_184 : i32 to index
          %get3A_192 = arith.constant 0 : index
          %get3A_193 = tpu.vector_load %arg11[%get3A_191, %get3A_192] {strides = array<i32>} : memref<128x128xf32, #tpu.memory_space<vmem>>, vector<1x16xf32>,
          %get3A_194 = vector.shape_cast %get3A_193 : vector<1x16xf32> to vector<16xf32>
          %mul3A_195 = vector.broadcast %squeeze3A : f32 to vector<16xf32>
          %mul3A_196 = arith.mulf %get3A_194, %mul3A_195 : vector<16xf32>
          %swap3A_197 = arith.index_cast %add3A_184 : i32 to index
          %swap3A_198 = arith.constant 0 : index
          %swap3A_199 = tpu.vector_load %arg13[%swap3A_197, %swap3A_198] {strides = array<i32>} : memref<128x128xf32, #tpu.memory_space<vmem>>, vector<1x16xf32>,
          %swap3A_200 = vector.shape_cast %swap3A_199 : vector<1x16xf32> to vector<16xf32>
          %swap3A_201 = vector.shape_cast %mul3A_196 : vector<16xf32> to vector<1x16xf32>
          tpu.vector_store %arg13[%swap3A_197, %swap3A_198], %swap3A_201 {strides = array<i32>} : memref<128x128xf32, #tpu.memory_space<vmem>>, vector<1x16xf32>,
          %get3A_202 = arith.index_cast %add3A_184 : i32 to index
          %get3A_203 = arith.constant 16 : index
          %get3A_204 = tpu.vector_load %arg11[%get3A_202, %get3A_203] {strides = array<i32>} : memref<128x128xf32, #tpu.memory_space<vmem>>, vector<1x16xf32>,
          %get3A_205 = vector.shape_cast %get3A_204 : vector<1x16xf32> to vector<16xf32>
          %mul3A_206 = vector.broadcast %squeeze3A : f32 to vector<16xf32>
          %mul3A_207 = arith.mulf %get3A_205, %mul3A_206 : vector<16xf32>
          %swap3A_208 = arith.index_cast %add3A_184 : i32 to index
          %swap3A_209 = arith.constant 16 : index
          %swap3A_210 = tpu.vector_load %arg13[%swap3A_208, %swap3A_209] {strides = array<i32>} : memref<128x128xf32, #tpu.memory_space<vmem>>, vector<1x16xf32>,
          %swap3A_211 = vector.shape_cast %swap3A_210 : vector<1x16xf32> to vector<16xf32>
          %swap3A_212 = vector.shape_cast %mul3A_207 : vector<16xf32> to vector<1x16xf32>
          tpu.vector_store %arg13[%swap3A_208, %swap3A_209], %swap3A_212 {strides = array<i32>} : memref<128x128xf32, #tpu.memory_space<vmem>>, vector<1x16xf32>,
          %get3A_213 = arith.index_cast %add3A_184 : i32 to index
          %get3A_214 = arith.constant 32 : index
          %get3A_215 = tpu.vector_load %arg11[%get3A_213, %get3A_214] {strides = array<i32>} : memref<128x128xf32, #tpu.memory_space<vmem>>, vector<1x16xf32>,
          %get3A_216 = vector.shape_cast %get3A_215 : vector<1x16xf32> to vector<16xf32>
          %mul3A_217 = vector.broadcast %squeeze3A : f32 to vector<16xf32>
          %mul3A_218 = arith.mulf %get3A_216, %mul3A_217 : vector<16xf32>
          %swap3A_219 = arith.index_cast %add3A_184 : i32 to index
          %swap3A_220 = arith.constant 32 : index
          %swap3A_221 = tpu.vector_load %arg13[%swap3A_219, %swap3A_220] {strides = array<i32>} : memref<128x128xf32, #tpu.memory_space<vmem>>, vector<1x16xf32>,
          %swap3A_222 = vector.shape_cast %swap3A_221 : vector<1x16xf32> to vector<16xf32>
          %swap3A_223 = vector.shape_cast %mul3A_218 : vector<16xf32> to vector<1x16xf32>
          tpu.vector_store %arg13[%swap3A_219, %swap3A_220], %swap3A_223 {strides = array<i32>} : memref<128x128xf32, #tpu.memory_space<vmem>>, vector<1x16xf32>,
          %get3A_224 = arith.index_cast %add3A_184 : i32 to index
          %get3A_225 = arith.constant 48 : index
          %get3A_226 = tpu.vector_load %arg11[%get3A_224, %get3A_225] {strides = array<i32>} : memref<128x128xf32, #tpu.memory_space<vmem>>, vector<1x16xf32>,
          %get3A_227 = vector.shape_cast %get3A_226 : vector<1x16xf32> to vector<16xf32>
          %mul3A_228 = vector.broadcast %squeeze3A : f32 to vector<16xf32>
          %mul3A_229 = arith.mulf %get3A_227, %mul3A_228 : vector<16xf32>
          %swap3A_230 = arith.index_cast %add3A_184 : i32 to index
          %swap3A_231 = arith.constant 48 : index
          %swap3A_232 = tpu.vector_load %arg13[%swap3A_230, %swap3A_231] {strides = array<i32>} : memref<128x128xf32, #tpu.memory_space<vmem>>, vector<1x16xf32>,
          %swap3A_233 = vector.shape_cast %swap3A_232 : vector<1x16xf32> to vector<16xf32>
          %swap3A_234 = vector.shape_cast %mul3A_229 : vector<16xf32> to vector<1x16xf32>
          tpu.vector_store %arg13[%swap3A_230, %swap3A_231], %swap3A_234 {strides = array<i32>} : memref<128x128xf32, #tpu.memory_space<vmem>>, vector<1x16xf32>,
          %get3A_235 = arith.index_cast %add3A_184 : i32 to index
          %get3A_236 = arith.constant 64 : index
          %get3A_237 = tpu.vector_load %arg11[%get3A_235, %get3A_236] {strides = array<i32>} : memref<128x128xf32, #tpu.memory_space<vmem>>, vector<1x16xf32>,
          %get3A_238 = vector.shape_cast %get3A_237 : vector<1x16xf32> to vector<16xf32>
          %mul3A_239 = vector.broadcast %squeeze3A : f32 to vector<16xf32>
          %mul3A_240 = arith.mulf %get3A_238, %mul3A_239 : vector<16xf32>
          %swap3A_241 = arith.index_cast %add3A_184 : i32 to index
          %swap3A_242 = arith.constant 64 : index
          %swap3A_243 = tpu.vector_load %arg13[%swap3A_241, %swap3A_242] {strides = array<i32>} : memref<128x128xf32, #tpu.memory_space<vmem>>, vector<1x16xf32>,
          %swap3A_244 = vector.shape_cast %swap3A_243 : vector<1x16xf32> to vector<16xf32>
          %swap3A_245 = vector.shape_cast %mul3A_240 : vector<16xf32> to vector<1x16xf32>
          tpu.vector_store %arg13[%swap3A_241, %swap3A_242], %swap3A_245 {strides = array<i32>} : memref<128x128xf32, #tpu.memory_space<vmem>>, vector<1x16xf32>,
          %get3A_246 = arith.index_cast %add3A_184 : i32 to index
          %get3A_247 = arith.constant 80 : index
          %get3A_248 = tpu.vector_load %arg11[%get3A_246, %get3A_247] {strides = array<i32>} : memref<128x128xf32, #tpu.memory_space<vmem>>, vector<1x16xf32>,
          %get3A_249 = vector.shape_cast %get3A_248 : vector<1x16xf32> to vector<16xf32>
          %mul3A_250 = vector.broadcast %squeeze3A : f32 to vector<16xf32>
          %mul3A_251 = arith.mulf %get3A_249, %mul3A_250 : vector<16xf32>
          %swap3A_252 = arith.index_cast %add3A_184 : i32 to index
          %swap3A_253 = arith.constant 80 : index
          %swap3A_254 = tpu.vector_load %arg13[%swap3A_252, %swap3A_253] {strides = array<i32>} : memref<128x128xf32, #tpu.memory_space<vmem>>, vector<1x16xf32>,
          %swap3A_255 = vector.shape_cast %swap3A_254 : vector<1x16xf32> to vector<16xf32>
          %swap3A_256 = vector.shape_cast %mul3A_251 : vector<16xf32> to vector<1x16xf32>
          tpu.vector_store %arg13[%swap3A_252, %swap3A_253], %swap3A_256 {strides = array<i32>} : memref<128x128xf32, #tpu.memory_space<vmem>>, vector<1x16xf32>,
          %get3A_257 = arith.index_cast %add3A_184 : i32 to index
          %get3A_258 = arith.constant 96 : index
          %get3A_259 = tpu.vector_load %arg11[%get3A_257, %get3A_258] {strides = array<i32>} : memref<128x128xf32, #tpu.memory_space<vmem>>, vector<1x16xf32>,
          %get3A_260 = vector.shape_cast %get3A_259 : vector<1x16xf32> to vector<16xf32>
          %mul3A_261 = vector.broadcast %squeeze3A : f32 to vector<16xf32>
          %mul3A_262 = arith.mulf %get3A_260, %mul3A_261 : vector<16xf32>
          %swap3A_263 = arith.index_cast %add3A_184 : i32 to index
          %swap3A_264 = arith.constant 96 : index
          %swap3A_265 = tpu.vector_load %arg13[%swap3A_263, %swap3A_264] {strides = array<i32>} : memref<128x128xf32, #tpu.memory_space<vmem>>, vector<1x16xf32>,
          %swap3A_266 = vector.shape_cast %swap3A_265 : vector<1x16xf32> to vector<16xf32>
          %swap3A_267 = vector.shape_cast %mul3A_262 : vector<16xf32> to vector<1x16xf32>
          tpu.vector_store %arg13[%swap3A_263, %swap3A_264], %swap3A_267 {strides = array<i32>} : memref<128x128xf32, #tpu.memory_space<vmem>>, vector<1x16xf32>,
          %get3A_268 = arith.index_cast %add3A_184 : i32 to index
          %get3A_269 = arith.constant 112 : index
          %get3A_270 = tpu.vector_load %arg11[%get3A_268, %get3A_269] {strides = array<i32>} : memref<128x128xf32, #tpu.memory_space<vmem>>, vector<1x16xf32>,
          %get3A_271 = vector.shape_cast %get3A_270 : vector<1x16xf32> to vector<16xf32>
          %mul3A_272 = vector.broadcast %squeeze3A : f32 to vector<16xf32>
          %mul3A_273 = arith.mulf %get3A_271, %mul3A_272 : vector<16xf32>
          %swap3A_274 = arith.index_cast %add3A_184 : i32 to index
          %swap3A_275 = arith.constant 112 : index
          %swap3A_276 = tpu.vector_load %arg13[%swap3A_274, %swap3A_275] {strides = array<i32>} : memref<128x128xf32, #tpu.memory_space<vmem>>, vector<1x16xf32>,
          %swap3A_277 = vector.shape_cast %swap3A_276 : vector<1x16xf32> to vector<16xf32>
          %swap3A_278 = vector.shape_cast %mul3A_273 : vector<16xf32> to vector<1x16xf32>
          tpu.vector_store %arg13[%swap3A_274, %swap3A_275], %swap3A_278 {strides = array<i32>} : memref<128x128xf32, #tpu.memory_space<vmem>>, vector<1x16xf32>,
          %mul3A_279 = arith.constant 2 : i32
          %mul3A_280 = arith.muli %scan3A_180, %mul3A_279 : i32
          %add3A_281 = arith.constant 1 : i32
          %add3A_282 = arith.addi %mul3A_280, %add3A_281 : i32
          %mul3A_283 = arith.constant 16 : i32
          %mul3A_284 = arith.muli %add3A_282, %mul3A_283 : i32
          %add3A_285 = arith.addi %mul3A_284, %add3A_4 : i32
          %get3A_286 = arith.index_cast %add3A_285 : i32 to index
          %get3A_287 = tpu.vector_load %arg12[%get3A_286] {strides = array<i32>} : memref<2064xf32, #tpu.memory_space<vmem>>, vector<16xf32>,
          %get3A_288 = vector.shape_cast %get3A_287 : vector<16xf32> to vector<16xf32>
          %slice3A_289 = vector.extract_strided_slice %get3A_288 {offsets = [0], sizes = [1], strides = [1]} : vector<16xf32> to vector<1xf32>
          %squeeze3A_290 = vector.extract %slice3A_289[0] : f32 from vector<1xf32>
          %get3A_291 = arith.index_cast %add3A_282 : i32 to index
          %get3A_292 = arith.constant 0 : index
          %get3A_293 = tpu.vector_load %arg11[%get3A_291, %get3A_292] {strides = array<i32>} : memref<128x128xf32, #tpu.memory_space<vmem>>, vector<1x16xf32>,
          %get3A_294 = vector.shape_cast %get3A_293 : vector<1x16xf32> to vector<16xf32>
          %mul3A_295 = vector.broadcast %squeeze3A_290 : f32 to vector<16xf32>
          %mul3A_296 = arith.mulf %get3A_294, %mul3A_295 : vector<16xf32>
          %swap3A_297 = arith.index_cast %add3A_282 : i32 to index
          %swap3A_298 = arith.constant 0 : index
          %swap3A_299 = tpu.vector_load %arg13[%swap3A_297, %swap3A_298] {strides = array<i32>} : memref<128x128xf32, #tpu.memory_space<vmem>>, vector<1x16xf32>,
          %swap3A_300 = vector.shape_cast %swap3A_299 : vector<1x16xf32> to vector<16xf32>
          %swap3A_301 = vector.shape_cast %mul3A_296 : vector<16xf32> to vector<1x16xf32>
          tpu.vector_store %arg13[%swap3A_297, %swap3A_298], %swap3A_301 {strides = array<i32>} : memref<128x128xf32, #tpu.memory_space<vmem>>, vector<1x16xf32>,
          %get3A_302 = arith.index_cast %add3A_282 : i32 to index
          %get3A_303 = arith.constant 16 : index
          %get3A_304 = tpu.vector_load %arg11[%get3A_302, %get3A_303] {strides = array<i32>} : memref<128x128xf32, #tpu.memory_space<vmem>>, vector<1x16xf32>,
          %get3A_305 = vector.shape_cast %get3A_304 : vector<1x16xf32> to vector<16xf32>
          %mul3A_306 = vector.broadcast %squeeze3A_290 : f32 to vector<16xf32>
          %mul3A_307 = arith.mulf %get3A_305, %mul3A_306 : vector<16xf32>
          %swap3A_308 = arith.index_cast %add3A_282 : i32 to index
          %swap3A_309 = arith.constant 16 : index
          %swap3A_310 = tpu.vector_load %arg13[%swap3A_308, %swap3A_309] {strides = array<i32>} : memref<128x128xf32, #tpu.memory_space<vmem>>, vector<1x16xf32>,
          %swap3A_311 = vector.shape_cast %swap3A_310 : vector<1x16xf32> to vector<16xf32>
          %swap3A_312 = vector.shape_cast %mul3A_307 : vector<16xf32> to vector<1x16xf32>
          tpu.vector_store %arg13[%swap3A_308, %swap3A_309], %swap3A_312 {strides = array<i32>} : memref<128x128xf32, #tpu.memory_space<vmem>>, vector<1x16xf32>,
          %get3A_313 = arith.index_cast %add3A_282 : i32 to index
          %get3A_314 = arith.constant 32 : index
          %get3A_315 = tpu.vector_load %arg11[%get3A_313, %get3A_314] {strides = array<i32>} : memref<128x128xf32, #tpu.memory_space<vmem>>, vector<1x16xf32>,
          %get3A_316 = vector.shape_cast %get3A_315 : vector<1x16xf32> to vector<16xf32>
          %mul3A_317 = vector.broadcast %squeeze3A_290 : f32 to vector<16xf32>
          %mul3A_318 = arith.mulf %get3A_316, %mul3A_317 : vector<16xf32>
          %swap3A_319 = arith.index_cast %add3A_282 : i32 to index
          %swap3A_320 = arith.constant 32 : index
          %swap3A_321 = tpu.vector_load %arg13[%swap3A_319, %swap3A_320] {strides = array<i32>} : memref<128x128xf32, #tpu.memory_space<vmem>>, vector<1x16xf32>,
          %swap3A_322 = vector.shape_cast %swap3A_321 : vector<1x16xf32> to vector<16xf32>
          %swap3A_323 = vector.shape_cast %mul3A_318 : vector<16xf32> to vector<1x16xf32>
          tpu.vector_store %arg13[%swap3A_319, %swap3A_320], %swap3A_323 {strides = array<i32>} : memref<128x128xf32, #tpu.memory_space<vmem>>, vector<1x16xf32>,
          %get3A_324 = arith.index_cast %add3A_282 : i32 to index
          %get3A_325 = arith.constant 48 : index
          %get3A_326 = tpu.vector_load %arg11[%get3A_324, %get3A_325] {strides = array<i32>} : memref<128x128xf32, #tpu.memory_space<vmem>>, vector<1x16xf32>,
          %get3A_327 = vector.shape_cast %get3A_326 : vector<1x16xf32> to vector<16xf32>
          %mul3A_328 = vector.broadcast %squeeze3A_290 : f32 to vector<16xf32>
          %mul3A_329 = arith.mulf %get3A_327, %mul3A_328 : vector<16xf32>
          %swap3A_330 = arith.index_cast %add3A_282 : i32 to index
          %swap3A_331 = arith.constant 48 : index
          %swap3A_332 = tpu.vector_load %arg13[%swap3A_330, %swap3A_331] {strides = array<i32>} : memref<128x128xf32, #tpu.memory_space<vmem>>, vector<1x16xf32>,
          %swap3A_333 = vector.shape_cast %swap3A_332 : vector<1x16xf32> to vector<16xf32>
          %swap3A_334 = vector.shape_cast %mul3A_329 : vector<16xf32> to vector<1x16xf32>
          tpu.vector_store %arg13[%swap3A_330, %swap3A_331], %swap3A_334 {strides = array<i32>} : memref<128x128xf32, #tpu.memory_space<vmem>>, vector<1x16xf32>,
          %get3A_335 = arith.index_cast %add3A_282 : i32 to index
          %get3A_336 = arith.constant 64 : index
          %get3A_337 = tpu.vector_load %arg11[%get3A_335, %get3A_336] {strides = array<i32>} : memref<128x128xf32, #tpu.memory_space<vmem>>, vector<1x16xf32>,
          %get3A_338 = vector.shape_cast %get3A_337 : vector<1x16xf32> to vector<16xf32>
          %mul3A_339 = vector.broadcast %squeeze3A_290 : f32 to vector<16xf32>
          %mul3A_340 = arith.mulf %get3A_338, %mul3A_339 : vector<16xf32>
          %swap3A_341 = arith.index_cast %add3A_282 : i32 to index
          %swap3A_342 = arith.constant 64 : index
          %swap3A_343 = tpu.vector_load %arg13[%swap3A_341, %swap3A_342] {strides = array<i32>} : memref<128x128xf32, #tpu.memory_space<vmem>>, vector<1x16xf32>,
          %swap3A_344 = vector.shape_cast %swap3A_343 : vector<1x16xf32> to vector<16xf32>
          %swap3A_345 = vector.shape_cast %mul3A_340 : vector<16xf32> to vector<1x16xf32>
          tpu.vector_store %arg13[%swap3A_341, %swap3A_342], %swap3A_345 {strides = array<i32>} : memref<128x128xf32, #tpu.memory_space<vmem>>, vector<1x16xf32>,
          %get3A_346 = arith.index_cast %add3A_282 : i32 to index
          %get3A_347 = arith.constant 80 : index
          %get3A_348 = tpu.vector_load %arg11[%get3A_346, %get3A_347] {strides = array<i32>} : memref<128x128xf32, #tpu.memory_space<vmem>>, vector<1x16xf32>,
          %get3A_349 = vector.shape_cast %get3A_348 : vector<1x16xf32> to vector<16xf32>
          %mul3A_350 = vector.broadcast %squeeze3A_290 : f32 to vector<16xf32>
          %mul3A_351 = arith.mulf %get3A_349, %mul3A_350 : vector<16xf32>
          %swap3A_352 = arith.index_cast %add3A_282 : i32 to index
          %swap3A_353 = arith.constant 80 : index
          %swap3A_354 = tpu.vector_load %arg13[%swap3A_352, %swap3A_353] {strides = array<i32>} : memref<128x128xf32, #tpu.memory_space<vmem>>, vector<1x16xf32>,
          %swap3A_355 = vector.shape_cast %swap3A_354 : vector<1x16xf32> to vector<16xf32>
          %swap3A_356 = vector.shape_cast %mul3A_351 : vector<16xf32> to vector<1x16xf32>
          tpu.vector_store %arg13[%swap3A_352, %swap3A_353], %swap3A_356 {strides = array<i32>} : memref<128x128xf32, #tpu.memory_space<vmem>>, vector<1x16xf32>,
          %get3A_357 = arith.index_cast %add3A_282 : i32 to index
          %get3A_358 = arith.constant 96 : index
          %get3A_359 = tpu.vector_load %arg11[%get3A_357, %get3A_358] {strides = array<i32>} : memref<128x128xf32, #tpu.memory_space<vmem>>, vector<1x16xf32>,
          %get3A_360 = vector.shape_cast %get3A_359 : vector<1x16xf32> to vector<16xf32>
          %mul3A_361 = vector.broadcast %squeeze3A_290 : f32 to vector<16xf32>
          %mul3A_362 = arith.mulf %get3A_360, %mul3A_361 : vector<16xf32>
          %swap3A_363 = arith.index_cast %add3A_282 : i32 to index
          %swap3A_364 = arith.constant 96 : index
          %swap3A_365 = tpu.vector_load %arg13[%swap3A_363, %swap3A_364] {strides = array<i32>} : memref<128x128xf32, #tpu.memory_space<vmem>>, vector<1x16xf32>,
          %swap3A_366 = vector.shape_cast %swap3A_365 : vector<1x16xf32> to vector<16xf32>
          %swap3A_367 = vector.shape_cast %mul3A_362 : vector<16xf32> to vector<1x16xf32>
          tpu.vector_store %arg13[%swap3A_363, %swap3A_364], %swap3A_367 {strides = array<i32>} : memref<128x128xf32, #tpu.memory_space<vmem>>, vector<1x16xf32>,
          %get3A_368 = arith.index_cast %add3A_282 : i32 to index
          %get3A_369 = arith.constant 112 : index
          %get3A_370 = tpu.vector_load %arg11[%get3A_368, %get3A_369] {strides = array<i32>} : memref<128x128xf32, #tpu.memory_space<vmem>>, vector<1x16xf32>,
          %get3A_371 = vector.shape_cast %get3A_370 : vector<1x16xf32> to vector<16xf32>
          %mul3A_372 = vector.broadcast %squeeze3A_290 : f32 to vector<16xf32>
          %mul3A_373 = arith.mulf %get3A_371, %mul3A_372 : vector<16xf32>
          %swap3A_374 = arith.index_cast %add3A_282 : i32 to index
          %swap3A_375 = arith.constant 112 : index
          %swap3A_376 = tpu.vector_load %arg13[%swap3A_374, %swap3A_375] {strides = array<i32>} : memref<128x128xf32, #tpu.memory_space<vmem>>, vector<1x16xf32>,
          %swap3A_377 = vector.shape_cast %swap3A_376 : vector<1x16xf32> to vector<16xf32>
          %swap3A_378 = vector.shape_cast %mul3A_373 : vector<16xf32> to vector<1x16xf32>
          tpu.vector_store %arg13[%swap3A_374, %swap3A_375], %swap3A_378 {strides = array<i32>} : memref<128x128xf32, #tpu.memory_space<vmem>>, vector<1x16xf32>,
        }
        %scan3A_179 = arith.constant 64 : i32
        "tpu.region"() ({
          %run_scoped3A = tpu.sem_alloc : memref<!tpu.dma_semaphore, #tpu.memory_space<semaphore_mem>>
          %dma_start3A_180 = arith.constant 0 : i32
          %dma_start3A_181 = arith.constant 0 : i32
          %dma_start3A_182 = tpu.memref_slice %arg14[%dma_start3A_180, %dma_start3A_181] : memref<10240x128xf32, #tpu.memory_space<vmem_shared>> -> memref<10240x128xf32, #tpu.memory_space<vmem_shared>>
          tpu.enqueue_indirect_dma source(%arg13 : memref<128x128xf32, #tpu.memory_space<vmem>>) target(%dma_start3A_182 : memref<10240x128xf32, #tpu.memory_space<vmem_shared>>) offsets(%arg9 : memref<128xi32, #tpu.memory_space<vmem>>) semaphore(%run_scoped3A : memref<!tpu.dma_semaphore, #tpu.memory_space<semaphore_mem>>) {add = true}
          %dma_wait3A_183 = arith.constant 0 : i32
          %dma_wait3A_184 = arith.constant 0 : i32
          %dma_wait3A_185 = tpu.memref_slice %arg14[%dma_wait3A_183, %dma_wait3A_184] : memref<10240x128xf32, #tpu.memory_space<vmem_shared>> -> memref<10240x128xf32, #tpu.memory_space<vmem_shared>>
          tpu.wait_indirect_dma semaphore(%run_scoped3A : memref<!tpu.dma_semaphore, #tpu.memory_space<semaphore_mem>>) src(%arg13 : memref<128x128xf32, #tpu.memory_space<vmem>>) dst(%dma_wait3A_185 : memref<10240x128xf32, #tpu.memory_space<vmem_shared>>)
          tpu.yield
        }) : () -> ()
      } else {
      }
    }
    %scan3A_16 = arith.constant 157 : i32
    %barrier3A_17 = arith.constant 0 : index
    tpu.barrier barrier_id(%barrier3A_17)
    %mul3A_18 = arith.constant 640 : i32
    %mul3A_19 = arith.muli %arg1, %mul3A_18 : i32
    %mul3A_20 = arith.constant 10240 : i32
    %mul3A_21 = arith.muli %add3A_4, %mul3A_20 : i32
    %mul3A_22 = arith.constant 640 : i32
    %mul3A_23 = arith.muli %arg1, %mul3A_22 : i32
    %add3A_24 = arith.addi %mul3A_21, %mul3A_23 : i32
    "tpu.region"() ({
      %run_scoped3A = tpu.sem_alloc : memref<!tpu.dma_semaphore, #tpu.memory_space<semaphore_mem>>
      %dma_start3A = arith.constant 0 : i32
      %dma_start3A_53 = tpu.memref_slice %arg7[%add3A_24, %dma_start3A] : memref<40960x128xf32, #tpu.memory_space<hbm>> -> memref<640x128xf32, #tpu.memory_space<hbm>>
      %dma_start3A_54 = arith.constant 0 : i32
      %dma_start3A_55 = tpu.memref_slice %arg14[%mul3A_19, %dma_start3A_54] : memref<10240x128xf32, #tpu.memory_space<vmem_shared>> -> memref<640x128xf32, #tpu.memory_space<vmem_shared>>
      tpu.enqueue_dma source(%dma_start3A_55 : memref<640x128xf32, #tpu.memory_space<vmem_shared>>) target(%dma_start3A_53 : memref<640x128xf32, #tpu.memory_space<hbm>>) target_semaphore(%run_scoped3A : memref<!tpu.dma_semaphore, #tpu.memory_space<semaphore_mem>>)
      %dma_wait3A = arith.constant 0 : i32
      %dma_wait3A_56 = tpu.memref_slice %arg7[%add3A_24, %dma_wait3A] : memref<40960x128xf32, #tpu.memory_space<hbm>> -> memref<640x128xf32, #tpu.memory_space<hbm>>
      %dma_wait3A_57 = arith.constant 0 : i32
      %dma_wait3A_58 = tpu.memref_slice %arg14[%mul3A_19, %dma_wait3A_57] : memref<10240x128xf32, #tpu.memory_space<vmem_shared>> -> memref<640x128xf32, #tpu.memory_space<vmem_shared>>
      tpu.wait_dma2 semaphore(%run_scoped3A : memref<!tpu.dma_semaphore, #tpu.memory_space<semaphore_mem>>) src(%dma_wait3A_58 : memref<640x128xf32, #tpu.memory_space<vmem_shared>>) dst(%dma_wait3A_56 : memref<640x128xf32, #tpu.memory_space<hbm>>)
      tpu.yield
    }) : () -> ()
    %barrier3A_25 = arith.constant 0 : index
    tpu.barrier barrier_id(%barrier3A_25)
    %mul3A_26 = arith.constant 2 : i32
    %mul3A_27 = arith.muli %arg0, %mul3A_26 : i32
    %add3A_28 = arith.constant 1 : i32
    %add3A_29 = arith.addi %mul3A_27, %add3A_28 : i32
    %mul3A_30 = arith.constant 10240 : i32
    %mul3A_31 = arith.muli %add3A_29, %mul3A_30 : i32
    %mul3A_32 = arith.constant 640 : i32
    %mul3A_33 = arith.muli %arg1, %mul3A_32 : i32
    %add3A_34 = arith.addi %mul3A_31, %mul3A_33 : i32
    %mul3A_35 = arith.constant 640 : i32
    %mul3A_36 = arith.muli %arg1, %mul3A_35 : i32
    "tpu.region"() ({
      %run_scoped3A = tpu.sem_alloc : memref<!tpu.dma_semaphore, #tpu.memory_space<semaphore_mem>>
      %dma_start3A = arith.constant 0 : i32
      %dma_start3A_53 = tpu.memref_slice %arg14[%mul3A_36, %dma_start3A] : memref<10240x128xf32, #tpu.memory_space<vmem_shared>> -> memref<640x128xf32, #tpu.memory_space<vmem_shared>>
      %dma_start3A_54 = arith.constant 0 : i32
      %dma_start3A_55 = tpu.memref_slice %arg6[%add3A_34, %dma_start3A_54] : memref<40960x128xf32, #tpu.memory_space<hbm>> -> memref<640x128xf32, #tpu.memory_space<hbm>>
      tpu.enqueue_dma source(%dma_start3A_55 : memref<640x128xf32, #tpu.memory_space<hbm>>) target(%dma_start3A_53 : memref<640x128xf32, #tpu.memory_space<vmem_shared>>) target_semaphore(%run_scoped3A : memref<!tpu.dma_semaphore, #tpu.memory_space<semaphore_mem>>)
      %dma_wait3A = arith.constant 0 : i32
      %dma_wait3A_56 = tpu.memref_slice %arg14[%mul3A_36, %dma_wait3A] : memref<10240x128xf32, #tpu.memory_space<vmem_shared>> -> memref<640x128xf32, #tpu.memory_space<vmem_shared>>
      %dma_wait3A_57 = arith.constant 0 : i32
      %dma_wait3A_58 = tpu.memref_slice %arg6[%add3A_34, %dma_wait3A_57] : memref<40960x128xf32, #tpu.memory_space<hbm>> -> memref<640x128xf32, #tpu.memory_space<hbm>>
      tpu.wait_dma2 semaphore(%run_scoped3A : memref<!tpu.dma_semaphore, #tpu.memory_space<semaphore_mem>>) src(%dma_wait3A_58 : memref<640x128xf32, #tpu.memory_space<hbm>>) dst(%dma_wait3A_56 : memref<640x128xf32, #tpu.memory_space<vmem_shared>>)
      tpu.yield
    }) : () -> ()
    %barrier3A_37 = arith.constant 0 : index
    tpu.barrier barrier_id(%barrier3A_37)
    %scan3A_38 = arith.constant 0 : i32
    %scan3A_39 = arith.constant 0 : i32
    %scan3A_40 = arith.constant 157 : i32
    %scan3A_41 = arith.addi %scan3A_39, %scan3A_40 : i32
    %scan3A_42 = arith.constant 1 : i32
    scf.for %scan3A_53 = %scan3A_39 to %scan3A_41 step %scan3A_42  : i32 {
      %mul3A_54 = arith.constant 16 : i32
      %mul3A_55 = arith.muli %scan3A_53, %mul3A_54 : i32
      %add3A_56 = arith.addi %mul3A_55, %arg1 : i32
      %lt3A = arith.constant 2500 : i32
      %lt3A_57 = arith.cmpi slt, %add3A_56, %lt3A : i32
      %convert_element_type3A_58 = arith.extui %lt3A_57 : i1 to i32
      %cond3A = arith.constant 0 : i32
      %cond3A_59 = arith.cmpi ne, %convert_element_type3A_58, %cond3A : i32
      scf.if %cond3A_59 {
        %mul3A_60 = arith.constant 128 : i32
        %mul3A_61 = arith.muli %add3A_56, %mul3A_60 : i32
        %dma_start3A = tpu.memref_slice %arg2[%mul3A_61] : memref<320000xi32, #tpu.memory_space<hbm>> -> memref<128xi32, #tpu.memory_space<hbm>>
        %dma_start3A_62 = tpu.memref_slice %arg2[%mul3A_61] : memref<320000xi32, #tpu.memory_space<hbm>> -> memref<128xi32, #tpu.memory_space<hbm>>
        tpu.enqueue_dma source(%dma_start3A_62 : memref<128xi32, #tpu.memory_space<hbm>>) target(%arg8 : memref<128xi32, #tpu.memory_space<vmem>>) target_semaphore(%arg15 : memref<!tpu.dma_semaphore, #tpu.memory_space<semaphore_mem>>)
        %dma_start3A_63 = tpu.memref_slice %arg3[%mul3A_61] : memref<320000xi32, #tpu.memory_space<hbm>> -> memref<128xi32, #tpu.memory_space<hbm>>
        %dma_start3A_64 = tpu.memref_slice %arg3[%mul3A_61] : memref<320000xi32, #tpu.memory_space<hbm>> -> memref<128xi32, #tpu.memory_space<hbm>>
        tpu.enqueue_dma source(%dma_start3A_64 : memref<128xi32, #tpu.memory_space<hbm>>) target(%arg9 : memref<128xi32, #tpu.memory_space<vmem>>) target_semaphore(%arg16 : memref<!tpu.dma_semaphore, #tpu.memory_space<semaphore_mem>>)
        %mul3A_65 = arith.constant 16 : i32
        %mul3A_66 = arith.muli %mul3A_61, %mul3A_65 : i32
        %dma_start3A_67 = arith.constant 0 : i32
        %dma_start3A_68 = tpu.memref_slice %arg12[%dma_start3A_67] : memref<2064xf32, #tpu.memory_space<vmem>> -> memref<2048xf32, #tpu.memory_space<vmem>>
        %dma_start3A_69 = tpu.memref_slice %arg5[%mul3A_66] : memref<5120000xf32, #tpu.memory_space<hbm>> -> memref<2048xf32, #tpu.memory_space<hbm>>
        %dma_start3A_70 = arith.constant 0 : i32
        %dma_start3A_71 = tpu.memref_slice %arg12[%dma_start3A_70] : memref<2064xf32, #tpu.memory_space<vmem>> -> memref<2048xf32, #tpu.memory_space<vmem>>
        %dma_start3A_72 = tpu.memref_slice %arg5[%mul3A_66] : memref<5120000xf32, #tpu.memory_space<hbm>> -> memref<2048xf32, #tpu.memory_space<hbm>>
        tpu.enqueue_dma source(%dma_start3A_72 : memref<2048xf32, #tpu.memory_space<hbm>>) target(%dma_start3A_71 : memref<2048xf32, #tpu.memory_space<vmem>>) target_semaphore(%arg15 : memref<!tpu.dma_semaphore, #tpu.memory_space<semaphore_mem>>)
        %dma_wait3A = tpu.memref_slice %arg2[%mul3A_61] : memref<320000xi32, #tpu.memory_space<hbm>> -> memref<128xi32, #tpu.memory_space<hbm>>
        %dma_wait3A_73 = tpu.memref_slice %arg2[%mul3A_61] : memref<320000xi32, #tpu.memory_space<hbm>> -> memref<128xi32, #tpu.memory_space<hbm>>
        tpu.wait_dma2 semaphore(%arg15 : memref<!tpu.dma_semaphore, #tpu.memory_space<semaphore_mem>>) src(%dma_wait3A_73 : memref<128xi32, #tpu.memory_space<hbm>>) dst(%arg8 : memref<128xi32, #tpu.memory_space<vmem>>)
        %get3A = arith.constant 0 : index
        %get3A_74 = tpu.vector_load %arg8[%get3A] {strides = array<i32>} : memref<128xi32, #tpu.memory_space<vmem>>, vector<16xi32>,
        %get3A_75 = vector.shape_cast %get3A_74 : vector<16xi32> to vector<16xi32>
        %mul3A_76 = arith.constant 10000 : i32
        %mul3A_77 = arith.muli %add3A_29, %mul3A_76 : i32
        %add3A_78 = vector.broadcast %mul3A_77 : i32 to vector<16xi32>
        %add3A_79 = arith.addi %get3A_75, %add3A_78 : vector<16xi32>
        %swap3A = arith.constant 0 : index
        %swap3A_80 = tpu.vector_load %arg10[%swap3A] {strides = array<i32>} : memref<128xi32, #tpu.memory_space<vmem>>, vector<16xi32>,
        %swap3A_81 = vector.shape_cast %swap3A_80 : vector<16xi32> to vector<16xi32>
        %swap3A_82 = vector.shape_cast %add3A_79 : vector<16xi32> to vector<16xi32>
        tpu.vector_store %arg10[%swap3A], %swap3A_82 {strides = array<i32>} : memref<128xi32, #tpu.memory_space<vmem>>, vector<16xi32>,
        %get3A_83 = arith.constant 16 : index
        %get3A_84 = tpu.vector_load %arg8[%get3A_83] {strides = array<i32>} : memref<128xi32, #tpu.memory_space<vmem>>, vector<16xi32>,
        %get3A_85 = vector.shape_cast %get3A_84 : vector<16xi32> to vector<16xi32>
        %mul3A_86 = arith.constant 10000 : i32
        %mul3A_87 = arith.muli %add3A_29, %mul3A_86 : i32
        %add3A_88 = vector.broadcast %mul3A_87 : i32 to vector<16xi32>
        %add3A_89 = arith.addi %get3A_85, %add3A_88 : vector<16xi32>
        %swap3A_90 = arith.constant 16 : index
        %swap3A_91 = tpu.vector_load %arg10[%swap3A_90] {strides = array<i32>} : memref<128xi32, #tpu.memory_space<vmem>>, vector<16xi32>,
        %swap3A_92 = vector.shape_cast %swap3A_91 : vector<16xi32> to vector<16xi32>
        %swap3A_93 = vector.shape_cast %add3A_89 : vector<16xi32> to vector<16xi32>
        tpu.vector_store %arg10[%swap3A_90], %swap3A_93 {strides = array<i32>} : memref<128xi32, #tpu.memory_space<vmem>>, vector<16xi32>,
        %get3A_94 = arith.constant 32 : index
        %get3A_95 = tpu.vector_load %arg8[%get3A_94] {strides = array<i32>} : memref<128xi32, #tpu.memory_space<vmem>>, vector<16xi32>,
        %get3A_96 = vector.shape_cast %get3A_95 : vector<16xi32> to vector<16xi32>
        %mul3A_97 = arith.constant 10000 : i32
        %mul3A_98 = arith.muli %add3A_29, %mul3A_97 : i32
        %add3A_99 = vector.broadcast %mul3A_98 : i32 to vector<16xi32>
        %add3A_100 = arith.addi %get3A_96, %add3A_99 : vector<16xi32>
        %swap3A_101 = arith.constant 32 : index
        %swap3A_102 = tpu.vector_load %arg10[%swap3A_101] {strides = array<i32>} : memref<128xi32, #tpu.memory_space<vmem>>, vector<16xi32>,
        %swap3A_103 = vector.shape_cast %swap3A_102 : vector<16xi32> to vector<16xi32>
        %swap3A_104 = vector.shape_cast %add3A_100 : vector<16xi32> to vector<16xi32>
        tpu.vector_store %arg10[%swap3A_101], %swap3A_104 {strides = array<i32>} : memref<128xi32, #tpu.memory_space<vmem>>, vector<16xi32>,
        %get3A_105 = arith.constant 48 : index
        %get3A_106 = tpu.vector_load %arg8[%get3A_105] {strides = array<i32>} : memref<128xi32, #tpu.memory_space<vmem>>, vector<16xi32>,
        %get3A_107 = vector.shape_cast %get3A_106 : vector<16xi32> to vector<16xi32>
        %mul3A_108 = arith.constant 10000 : i32
        %mul3A_109 = arith.muli %add3A_29, %mul3A_108 : i32
        %add3A_110 = vector.broadcast %mul3A_109 : i32 to vector<16xi32>
        %add3A_111 = arith.addi %get3A_107, %add3A_110 : vector<16xi32>
        %swap3A_112 = arith.constant 48 : index
        %swap3A_113 = tpu.vector_load %arg10[%swap3A_112] {strides = array<i32>} : memref<128xi32, #tpu.memory_space<vmem>>, vector<16xi32>,
        %swap3A_114 = vector.shape_cast %swap3A_113 : vector<16xi32> to vector<16xi32>
        %swap3A_115 = vector.shape_cast %add3A_111 : vector<16xi32> to vector<16xi32>
        tpu.vector_store %arg10[%swap3A_112], %swap3A_115 {strides = array<i32>} : memref<128xi32, #tpu.memory_space<vmem>>, vector<16xi32>,
        %get3A_116 = arith.constant 64 : index
        %get3A_117 = tpu.vector_load %arg8[%get3A_116] {strides = array<i32>} : memref<128xi32, #tpu.memory_space<vmem>>, vector<16xi32>,
        %get3A_118 = vector.shape_cast %get3A_117 : vector<16xi32> to vector<16xi32>
        %mul3A_119 = arith.constant 10000 : i32
        %mul3A_120 = arith.muli %add3A_29, %mul3A_119 : i32
        %add3A_121 = vector.broadcast %mul3A_120 : i32 to vector<16xi32>
        %add3A_122 = arith.addi %get3A_118, %add3A_121 : vector<16xi32>
        %swap3A_123 = arith.constant 64 : index
        %swap3A_124 = tpu.vector_load %arg10[%swap3A_123] {strides = array<i32>} : memref<128xi32, #tpu.memory_space<vmem>>, vector<16xi32>,
        %swap3A_125 = vector.shape_cast %swap3A_124 : vector<16xi32> to vector<16xi32>
        %swap3A_126 = vector.shape_cast %add3A_122 : vector<16xi32> to vector<16xi32>
        tpu.vector_store %arg10[%swap3A_123], %swap3A_126 {strides = array<i32>} : memref<128xi32, #tpu.memory_space<vmem>>, vector<16xi32>,
        %get3A_127 = arith.constant 80 : index
        %get3A_128 = tpu.vector_load %arg8[%get3A_127] {strides = array<i32>} : memref<128xi32, #tpu.memory_space<vmem>>, vector<16xi32>,
        %get3A_129 = vector.shape_cast %get3A_128 : vector<16xi32> to vector<16xi32>
        %mul3A_130 = arith.constant 10000 : i32
        %mul3A_131 = arith.muli %add3A_29, %mul3A_130 : i32
        %add3A_132 = vector.broadcast %mul3A_131 : i32 to vector<16xi32>
        %add3A_133 = arith.addi %get3A_129, %add3A_132 : vector<16xi32>
        %swap3A_134 = arith.constant 80 : index
        %swap3A_135 = tpu.vector_load %arg10[%swap3A_134] {strides = array<i32>} : memref<128xi32, #tpu.memory_space<vmem>>, vector<16xi32>,
        %swap3A_136 = vector.shape_cast %swap3A_135 : vector<16xi32> to vector<16xi32>
        %swap3A_137 = vector.shape_cast %add3A_133 : vector<16xi32> to vector<16xi32>
        tpu.vector_store %arg10[%swap3A_134], %swap3A_137 {strides = array<i32>} : memref<128xi32, #tpu.memory_space<vmem>>, vector<16xi32>,
        %get3A_138 = arith.constant 96 : index
        %get3A_139 = tpu.vector_load %arg8[%get3A_138] {strides = array<i32>} : memref<128xi32, #tpu.memory_space<vmem>>, vector<16xi32>,
        %get3A_140 = vector.shape_cast %get3A_139 : vector<16xi32> to vector<16xi32>
        %mul3A_141 = arith.constant 10000 : i32
        %mul3A_142 = arith.muli %add3A_29, %mul3A_141 : i32
        %add3A_143 = vector.broadcast %mul3A_142 : i32 to vector<16xi32>
        %add3A_144 = arith.addi %get3A_140, %add3A_143 : vector<16xi32>
        %swap3A_145 = arith.constant 96 : index
        %swap3A_146 = tpu.vector_load %arg10[%swap3A_145] {strides = array<i32>} : memref<128xi32, #tpu.memory_space<vmem>>, vector<16xi32>,
        %swap3A_147 = vector.shape_cast %swap3A_146 : vector<16xi32> to vector<16xi32>
        %swap3A_148 = vector.shape_cast %add3A_144 : vector<16xi32> to vector<16xi32>
        tpu.vector_store %arg10[%swap3A_145], %swap3A_148 {strides = array<i32>} : memref<128xi32, #tpu.memory_space<vmem>>, vector<16xi32>,
        %get3A_149 = arith.constant 112 : index
        %get3A_150 = tpu.vector_load %arg8[%get3A_149] {strides = array<i32>} : memref<128xi32, #tpu.memory_space<vmem>>, vector<16xi32>,
        %get3A_151 = vector.shape_cast %get3A_150 : vector<16xi32> to vector<16xi32>
        %mul3A_152 = arith.constant 10000 : i32
        %mul3A_153 = arith.muli %add3A_29, %mul3A_152 : i32
        %add3A_154 = vector.broadcast %mul3A_153 : i32 to vector<16xi32>
        %add3A_155 = arith.addi %get3A_151, %add3A_154 : vector<16xi32>
        %swap3A_156 = arith.constant 112 : index
        %swap3A_157 = tpu.vector_load %arg10[%swap3A_156] {strides = array<i32>} : memref<128xi32, #tpu.memory_space<vmem>>, vector<16xi32>,
        %swap3A_158 = vector.shape_cast %swap3A_157 : vector<16xi32> to vector<16xi32>
        %swap3A_159 = vector.shape_cast %add3A_155 : vector<16xi32> to vector<16xi32>
        tpu.vector_store %arg10[%swap3A_156], %swap3A_159 {strides = array<i32>} : memref<128xi32, #tpu.memory_space<vmem>>, vector<16xi32>,
        %dma_start3A_160 = arith.constant 0 : i32
        %dma_start3A_161 = arith.constant 0 : i32
        %dma_start3A_162 = tpu.memref_slice %arg4[%dma_start3A_160, %dma_start3A_161] : memref<40000x128xf32, #tpu.memory_space<hbm>> -> memref<40000x128xf32, #tpu.memory_space<hbm>>
        tpu.enqueue_indirect_dma source(%dma_start3A_162 : memref<40000x128xf32, #tpu.memory_space<hbm>>) target(%arg11 : memref<128x128xf32, #tpu.memory_space<vmem>>) offsets(%arg10 : memref<128xi32, #tpu.memory_space<vmem>>) semaphore(%arg16 : memref<!tpu.dma_semaphore, #tpu.memory_space<semaphore_mem>>)
        %dma_wait3A_163 = tpu.memref_slice %arg3[%mul3A_61] : memref<320000xi32, #tpu.memory_space<hbm>> -> memref<128xi32, #tpu.memory_space<hbm>>
        %dma_wait3A_164 = tpu.memref_slice %arg3[%mul3A_61] : memref<320000xi32, #tpu.memory_space<hbm>> -> memref<128xi32, #tpu.memory_space<hbm>>
        tpu.wait_dma2 semaphore(%arg16 : memref<!tpu.dma_semaphore, #tpu.memory_space<semaphore_mem>>) src(%dma_wait3A_164 : memref<128xi32, #tpu.memory_space<hbm>>) dst(%arg9 : memref<128xi32, #tpu.memory_space<vmem>>)
        %dma_wait3A_165 = arith.constant 0 : i32
        %dma_wait3A_166 = tpu.memref_slice %arg12[%dma_wait3A_165] : memref<2064xf32, #tpu.memory_space<vmem>> -> memref<2048xf32, #tpu.memory_space<vmem>>
        %dma_wait3A_167 = tpu.memref_slice %arg5[%mul3A_66] : memref<5120000xf32, #tpu.memory_space<hbm>> -> memref<2048xf32, #tpu.memory_space<hbm>>
        %dma_wait3A_168 = arith.constant 0 : i32
        %dma_wait3A_169 = tpu.memref_slice %arg12[%dma_wait3A_168] : memref<2064xf32, #tpu.memory_space<vmem>> -> memref<2048xf32, #tpu.memory_space<vmem>>
        %dma_wait3A_170 = tpu.memref_slice %arg5[%mul3A_66] : memref<5120000xf32, #tpu.memory_space<hbm>> -> memref<2048xf32, #tpu.memory_space<hbm>>
        tpu.wait_dma2 semaphore(%arg15 : memref<!tpu.dma_semaphore, #tpu.memory_space<semaphore_mem>>) src(%dma_wait3A_170 : memref<2048xf32, #tpu.memory_space<hbm>>) dst(%dma_wait3A_169 : memref<2048xf32, #tpu.memory_space<vmem>>)
        %dma_wait3A_171 = arith.constant 0 : i32
        %dma_wait3A_172 = arith.constant 0 : i32
        %dma_wait3A_173 = tpu.memref_slice %arg4[%dma_wait3A_171, %dma_wait3A_172] : memref<40000x128xf32, #tpu.memory_space<hbm>> -> memref<40000x128xf32, #tpu.memory_space<hbm>>
        tpu.wait_indirect_dma semaphore(%arg16 : memref<!tpu.dma_semaphore, #tpu.memory_space<semaphore_mem>>) src(%dma_wait3A_173 : memref<40000x128xf32, #tpu.memory_space<hbm>>) dst(%arg11 : memref<128x128xf32, #tpu.memory_space<vmem>>)
        %scan3A_174 = arith.constant 0 : i32
        %scan3A_175 = arith.constant 0 : i32
        %scan3A_176 = arith.constant 64 : i32
        %scan3A_177 = arith.addi %scan3A_175, %scan3A_176 : i32
        %scan3A_178 = arith.constant 1 : i32
        scf.for %scan3A_180 = %scan3A_175 to %scan3A_177 step %scan3A_178  : i32 {
          %mul3A_181 = arith.constant 2 : i32
          %mul3A_182 = arith.muli %scan3A_180, %mul3A_181 : i32
          %add3A_183 = arith.constant 0 : i32
          %add3A_184 = arith.addi %mul3A_182, %add3A_183 : i32
          %mul3A_185 = arith.constant 16 : i32
          %mul3A_186 = arith.muli %add3A_184, %mul3A_185 : i32
          %add3A_187 = arith.addi %mul3A_186, %add3A_29 : i32
          %get3A_188 = arith.index_cast %add3A_187 : i32 to index
          %get3A_189 = tpu.vector_load %arg12[%get3A_188] {strides = array<i32>} : memref<2064xf32, #tpu.memory_space<vmem>>, vector<16xf32>,
          %get3A_190 = vector.shape_cast %get3A_189 : vector<16xf32> to vector<16xf32>
          %slice3A = vector.extract_strided_slice %get3A_190 {offsets = [0], sizes = [1], strides = [1]} : vector<16xf32> to vector<1xf32>
          %squeeze3A = vector.extract %slice3A[0] : f32 from vector<1xf32>
          %get3A_191 = arith.index_cast %add3A_184 : i32 to index
          %get3A_192 = arith.constant 0 : index
          %get3A_193 = tpu.vector_load %arg11[%get3A_191, %get3A_192] {strides = array<i32>} : memref<128x128xf32, #tpu.memory_space<vmem>>, vector<1x16xf32>,
          %get3A_194 = vector.shape_cast %get3A_193 : vector<1x16xf32> to vector<16xf32>
          %mul3A_195 = vector.broadcast %squeeze3A : f32 to vector<16xf32>
          %mul3A_196 = arith.mulf %get3A_194, %mul3A_195 : vector<16xf32>
          %swap3A_197 = arith.index_cast %add3A_184 : i32 to index
          %swap3A_198 = arith.constant 0 : index
          %swap3A_199 = tpu.vector_load %arg13[%swap3A_197, %swap3A_198] {strides = array<i32>} : memref<128x128xf32, #tpu.memory_space<vmem>>, vector<1x16xf32>,
          %swap3A_200 = vector.shape_cast %swap3A_199 : vector<1x16xf32> to vector<16xf32>
          %swap3A_201 = vector.shape_cast %mul3A_196 : vector<16xf32> to vector<1x16xf32>
          tpu.vector_store %arg13[%swap3A_197, %swap3A_198], %swap3A_201 {strides = array<i32>} : memref<128x128xf32, #tpu.memory_space<vmem>>, vector<1x16xf32>,
          %get3A_202 = arith.index_cast %add3A_184 : i32 to index
          %get3A_203 = arith.constant 16 : index
          %get3A_204 = tpu.vector_load %arg11[%get3A_202, %get3A_203] {strides = array<i32>} : memref<128x128xf32, #tpu.memory_space<vmem>>, vector<1x16xf32>,
          %get3A_205 = vector.shape_cast %get3A_204 : vector<1x16xf32> to vector<16xf32>
          %mul3A_206 = vector.broadcast %squeeze3A : f32 to vector<16xf32>
          %mul3A_207 = arith.mulf %get3A_205, %mul3A_206 : vector<16xf32>
          %swap3A_208 = arith.index_cast %add3A_184 : i32 to index
          %swap3A_209 = arith.constant 16 : index
          %swap3A_210 = tpu.vector_load %arg13[%swap3A_208, %swap3A_209] {strides = array<i32>} : memref<128x128xf32, #tpu.memory_space<vmem>>, vector<1x16xf32>,
          %swap3A_211 = vector.shape_cast %swap3A_210 : vector<1x16xf32> to vector<16xf32>
          %swap3A_212 = vector.shape_cast %mul3A_207 : vector<16xf32> to vector<1x16xf32>
          tpu.vector_store %arg13[%swap3A_208, %swap3A_209], %swap3A_212 {strides = array<i32>} : memref<128x128xf32, #tpu.memory_space<vmem>>, vector<1x16xf32>,
          %get3A_213 = arith.index_cast %add3A_184 : i32 to index
          %get3A_214 = arith.constant 32 : index
          %get3A_215 = tpu.vector_load %arg11[%get3A_213, %get3A_214] {strides = array<i32>} : memref<128x128xf32, #tpu.memory_space<vmem>>, vector<1x16xf32>,
          %get3A_216 = vector.shape_cast %get3A_215 : vector<1x16xf32> to vector<16xf32>
          %mul3A_217 = vector.broadcast %squeeze3A : f32 to vector<16xf32>
          %mul3A_218 = arith.mulf %get3A_216, %mul3A_217 : vector<16xf32>
          %swap3A_219 = arith.index_cast %add3A_184 : i32 to index
          %swap3A_220 = arith.constant 32 : index
          %swap3A_221 = tpu.vector_load %arg13[%swap3A_219, %swap3A_220] {strides = array<i32>} : memref<128x128xf32, #tpu.memory_space<vmem>>, vector<1x16xf32>,
          %swap3A_222 = vector.shape_cast %swap3A_221 : vector<1x16xf32> to vector<16xf32>
          %swap3A_223 = vector.shape_cast %mul3A_218 : vector<16xf32> to vector<1x16xf32>
          tpu.vector_store %arg13[%swap3A_219, %swap3A_220], %swap3A_223 {strides = array<i32>} : memref<128x128xf32, #tpu.memory_space<vmem>>, vector<1x16xf32>,
          %get3A_224 = arith.index_cast %add3A_184 : i32 to index
          %get3A_225 = arith.constant 48 : index
          %get3A_226 = tpu.vector_load %arg11[%get3A_224, %get3A_225] {strides = array<i32>} : memref<128x128xf32, #tpu.memory_space<vmem>>, vector<1x16xf32>,
          %get3A_227 = vector.shape_cast %get3A_226 : vector<1x16xf32> to vector<16xf32>
          %mul3A_228 = vector.broadcast %squeeze3A : f32 to vector<16xf32>
          %mul3A_229 = arith.mulf %get3A_227, %mul3A_228 : vector<16xf32>
          %swap3A_230 = arith.index_cast %add3A_184 : i32 to index
          %swap3A_231 = arith.constant 48 : index
          %swap3A_232 = tpu.vector_load %arg13[%swap3A_230, %swap3A_231] {strides = array<i32>} : memref<128x128xf32, #tpu.memory_space<vmem>>, vector<1x16xf32>,
          %swap3A_233 = vector.shape_cast %swap3A_232 : vector<1x16xf32> to vector<16xf32>
          %swap3A_234 = vector.shape_cast %mul3A_229 : vector<16xf32> to vector<1x16xf32>
          tpu.vector_store %arg13[%swap3A_230, %swap3A_231], %swap3A_234 {strides = array<i32>} : memref<128x128xf32, #tpu.memory_space<vmem>>, vector<1x16xf32>,
          %get3A_235 = arith.index_cast %add3A_184 : i32 to index
          %get3A_236 = arith.constant 64 : index
          %get3A_237 = tpu.vector_load %arg11[%get3A_235, %get3A_236] {strides = array<i32>} : memref<128x128xf32, #tpu.memory_space<vmem>>, vector<1x16xf32>,
          %get3A_238 = vector.shape_cast %get3A_237 : vector<1x16xf32> to vector<16xf32>
          %mul3A_239 = vector.broadcast %squeeze3A : f32 to vector<16xf32>
          %mul3A_240 = arith.mulf %get3A_238, %mul3A_239 : vector<16xf32>
          %swap3A_241 = arith.index_cast %add3A_184 : i32 to index
          %swap3A_242 = arith.constant 64 : index
          %swap3A_243 = tpu.vector_load %arg13[%swap3A_241, %swap3A_242] {strides = array<i32>} : memref<128x128xf32, #tpu.memory_space<vmem>>, vector<1x16xf32>,
          %swap3A_244 = vector.shape_cast %swap3A_243 : vector<1x16xf32> to vector<16xf32>
          %swap3A_245 = vector.shape_cast %mul3A_240 : vector<16xf32> to vector<1x16xf32>
          tpu.vector_store %arg13[%swap3A_241, %swap3A_242], %swap3A_245 {strides = array<i32>} : memref<128x128xf32, #tpu.memory_space<vmem>>, vector<1x16xf32>,
          %get3A_246 = arith.index_cast %add3A_184 : i32 to index
          %get3A_247 = arith.constant 80 : index
          %get3A_248 = tpu.vector_load %arg11[%get3A_246, %get3A_247] {strides = array<i32>} : memref<128x128xf32, #tpu.memory_space<vmem>>, vector<1x16xf32>,
          %get3A_249 = vector.shape_cast %get3A_248 : vector<1x16xf32> to vector<16xf32>
          %mul3A_250 = vector.broadcast %squeeze3A : f32 to vector<16xf32>
          %mul3A_251 = arith.mulf %get3A_249, %mul3A_250 : vector<16xf32>
          %swap3A_252 = arith.index_cast %add3A_184 : i32 to index
          %swap3A_253 = arith.constant 80 : index
          %swap3A_254 = tpu.vector_load %arg13[%swap3A_252, %swap3A_253] {strides = array<i32>} : memref<128x128xf32, #tpu.memory_space<vmem>>, vector<1x16xf32>,
          %swap3A_255 = vector.shape_cast %swap3A_254 : vector<1x16xf32> to vector<16xf32>
          %swap3A_256 = vector.shape_cast %mul3A_251 : vector<16xf32> to vector<1x16xf32>
          tpu.vector_store %arg13[%swap3A_252, %swap3A_253], %swap3A_256 {strides = array<i32>} : memref<128x128xf32, #tpu.memory_space<vmem>>, vector<1x16xf32>,
          %get3A_257 = arith.index_cast %add3A_184 : i32 to index
          %get3A_258 = arith.constant 96 : index
          %get3A_259 = tpu.vector_load %arg11[%get3A_257, %get3A_258] {strides = array<i32>} : memref<128x128xf32, #tpu.memory_space<vmem>>, vector<1x16xf32>,
          %get3A_260 = vector.shape_cast %get3A_259 : vector<1x16xf32> to vector<16xf32>
          %mul3A_261 = vector.broadcast %squeeze3A : f32 to vector<16xf32>
          %mul3A_262 = arith.mulf %get3A_260, %mul3A_261 : vector<16xf32>
          %swap3A_263 = arith.index_cast %add3A_184 : i32 to index
          %swap3A_264 = arith.constant 96 : index
          %swap3A_265 = tpu.vector_load %arg13[%swap3A_263, %swap3A_264] {strides = array<i32>} : memref<128x128xf32, #tpu.memory_space<vmem>>, vector<1x16xf32>,
          %swap3A_266 = vector.shape_cast %swap3A_265 : vector<1x16xf32> to vector<16xf32>
          %swap3A_267 = vector.shape_cast %mul3A_262 : vector<16xf32> to vector<1x16xf32>
          tpu.vector_store %arg13[%swap3A_263, %swap3A_264], %swap3A_267 {strides = array<i32>} : memref<128x128xf32, #tpu.memory_space<vmem>>, vector<1x16xf32>,
          %get3A_268 = arith.index_cast %add3A_184 : i32 to index
          %get3A_269 = arith.constant 112 : index
          %get3A_270 = tpu.vector_load %arg11[%get3A_268, %get3A_269] {strides = array<i32>} : memref<128x128xf32, #tpu.memory_space<vmem>>, vector<1x16xf32>,
          %get3A_271 = vector.shape_cast %get3A_270 : vector<1x16xf32> to vector<16xf32>
          %mul3A_272 = vector.broadcast %squeeze3A : f32 to vector<16xf32>
          %mul3A_273 = arith.mulf %get3A_271, %mul3A_272 : vector<16xf32>
          %swap3A_274 = arith.index_cast %add3A_184 : i32 to index
          %swap3A_275 = arith.constant 112 : index
          %swap3A_276 = tpu.vector_load %arg13[%swap3A_274, %swap3A_275] {strides = array<i32>} : memref<128x128xf32, #tpu.memory_space<vmem>>, vector<1x16xf32>,
          %swap3A_277 = vector.shape_cast %swap3A_276 : vector<1x16xf32> to vector<16xf32>
          %swap3A_278 = vector.shape_cast %mul3A_273 : vector<16xf32> to vector<1x16xf32>
          tpu.vector_store %arg13[%swap3A_274, %swap3A_275], %swap3A_278 {strides = array<i32>} : memref<128x128xf32, #tpu.memory_space<vmem>>, vector<1x16xf32>,
          %mul3A_279 = arith.constant 2 : i32
          %mul3A_280 = arith.muli %scan3A_180, %mul3A_279 : i32
          %add3A_281 = arith.constant 1 : i32
          %add3A_282 = arith.addi %mul3A_280, %add3A_281 : i32
          %mul3A_283 = arith.constant 16 : i32
          %mul3A_284 = arith.muli %add3A_282, %mul3A_283 : i32
          %add3A_285 = arith.addi %mul3A_284, %add3A_29 : i32
          %get3A_286 = arith.index_cast %add3A_285 : i32 to index
          %get3A_287 = tpu.vector_load %arg12[%get3A_286] {strides = array<i32>} : memref<2064xf32, #tpu.memory_space<vmem>>, vector<16xf32>,
          %get3A_288 = vector.shape_cast %get3A_287 : vector<16xf32> to vector<16xf32>
          %slice3A_289 = vector.extract_strided_slice %get3A_288 {offsets = [0], sizes = [1], strides = [1]} : vector<16xf32> to vector<1xf32>
          %squeeze3A_290 = vector.extract %slice3A_289[0] : f32 from vector<1xf32>
          %get3A_291 = arith.index_cast %add3A_282 : i32 to index
          %get3A_292 = arith.constant 0 : index
          %get3A_293 = tpu.vector_load %arg11[%get3A_291, %get3A_292] {strides = array<i32>} : memref<128x128xf32, #tpu.memory_space<vmem>>, vector<1x16xf32>,
          %get3A_294 = vector.shape_cast %get3A_293 : vector<1x16xf32> to vector<16xf32>
          %mul3A_295 = vector.broadcast %squeeze3A_290 : f32 to vector<16xf32>
          %mul3A_296 = arith.mulf %get3A_294, %mul3A_295 : vector<16xf32>
          %swap3A_297 = arith.index_cast %add3A_282 : i32 to index
          %swap3A_298 = arith.constant 0 : index
          %swap3A_299 = tpu.vector_load %arg13[%swap3A_297, %swap3A_298] {strides = array<i32>} : memref<128x128xf32, #tpu.memory_space<vmem>>, vector<1x16xf32>,
          %swap3A_300 = vector.shape_cast %swap3A_299 : vector<1x16xf32> to vector<16xf32>
          %swap3A_301 = vector.shape_cast %mul3A_296 : vector<16xf32> to vector<1x16xf32>
          tpu.vector_store %arg13[%swap3A_297, %swap3A_298], %swap3A_301 {strides = array<i32>} : memref<128x128xf32, #tpu.memory_space<vmem>>, vector<1x16xf32>,
          %get3A_302 = arith.index_cast %add3A_282 : i32 to index
          %get3A_303 = arith.constant 16 : index
          %get3A_304 = tpu.vector_load %arg11[%get3A_302, %get3A_303] {strides = array<i32>} : memref<128x128xf32, #tpu.memory_space<vmem>>, vector<1x16xf32>,
          %get3A_305 = vector.shape_cast %get3A_304 : vector<1x16xf32> to vector<16xf32>
          %mul3A_306 = vector.broadcast %squeeze3A_290 : f32 to vector<16xf32>
          %mul3A_307 = arith.mulf %get3A_305, %mul3A_306 : vector<16xf32>
          %swap3A_308 = arith.index_cast %add3A_282 : i32 to index
          %swap3A_309 = arith.constant 16 : index
          %swap3A_310 = tpu.vector_load %arg13[%swap3A_308, %swap3A_309] {strides = array<i32>} : memref<128x128xf32, #tpu.memory_space<vmem>>, vector<1x16xf32>,
          %swap3A_311 = vector.shape_cast %swap3A_310 : vector<1x16xf32> to vector<16xf32>
          %swap3A_312 = vector.shape_cast %mul3A_307 : vector<16xf32> to vector<1x16xf32>
          tpu.vector_store %arg13[%swap3A_308, %swap3A_309], %swap3A_312 {strides = array<i32>} : memref<128x128xf32, #tpu.memory_space<vmem>>, vector<1x16xf32>,
          %get3A_313 = arith.index_cast %add3A_282 : i32 to index
          %get3A_314 = arith.constant 32 : index
          %get3A_315 = tpu.vector_load %arg11[%get3A_313, %get3A_314] {strides = array<i32>} : memref<128x128xf32, #tpu.memory_space<vmem>>, vector<1x16xf32>,
          %get3A_316 = vector.shape_cast %get3A_315 : vector<1x16xf32> to vector<16xf32>
          %mul3A_317 = vector.broadcast %squeeze3A_290 : f32 to vector<16xf32>
          %mul3A_318 = arith.mulf %get3A_316, %mul3A_317 : vector<16xf32>
          %swap3A_319 = arith.index_cast %add3A_282 : i32 to index
          %swap3A_320 = arith.constant 32 : index
          %swap3A_321 = tpu.vector_load %arg13[%swap3A_319, %swap3A_320] {strides = array<i32>} : memref<128x128xf32, #tpu.memory_space<vmem>>, vector<1x16xf32>,
          %swap3A_322 = vector.shape_cast %swap3A_321 : vector<1x16xf32> to vector<16xf32>
          %swap3A_323 = vector.shape_cast %mul3A_318 : vector<16xf32> to vector<1x16xf32>
          tpu.vector_store %arg13[%swap3A_319, %swap3A_320], %swap3A_323 {strides = array<i32>} : memref<128x128xf32, #tpu.memory_space<vmem>>, vector<1x16xf32>,
          %get3A_324 = arith.index_cast %add3A_282 : i32 to index
          %get3A_325 = arith.constant 48 : index
          %get3A_326 = tpu.vector_load %arg11[%get3A_324, %get3A_325] {strides = array<i32>} : memref<128x128xf32, #tpu.memory_space<vmem>>, vector<1x16xf32>,
          %get3A_327 = vector.shape_cast %get3A_326 : vector<1x16xf32> to vector<16xf32>
          %mul3A_328 = vector.broadcast %squeeze3A_290 : f32 to vector<16xf32>
          %mul3A_329 = arith.mulf %get3A_327, %mul3A_328 : vector<16xf32>
          %swap3A_330 = arith.index_cast %add3A_282 : i32 to index
          %swap3A_331 = arith.constant 48 : index
          %swap3A_332 = tpu.vector_load %arg13[%swap3A_330, %swap3A_331] {strides = array<i32>} : memref<128x128xf32, #tpu.memory_space<vmem>>, vector<1x16xf32>,
          %swap3A_333 = vector.shape_cast %swap3A_332 : vector<1x16xf32> to vector<16xf32>
          %swap3A_334 = vector.shape_cast %mul3A_329 : vector<16xf32> to vector<1x16xf32>
          tpu.vector_store %arg13[%swap3A_330, %swap3A_331], %swap3A_334 {strides = array<i32>} : memref<128x128xf32, #tpu.memory_space<vmem>>, vector<1x16xf32>,
          %get3A_335 = arith.index_cast %add3A_282 : i32 to index
          %get3A_336 = arith.constant 64 : index
          %get3A_337 = tpu.vector_load %arg11[%get3A_335, %get3A_336] {strides = array<i32>} : memref<128x128xf32, #tpu.memory_space<vmem>>, vector<1x16xf32>,
          %get3A_338 = vector.shape_cast %get3A_337 : vector<1x16xf32> to vector<16xf32>
          %mul3A_339 = vector.broadcast %squeeze3A_290 : f32 to vector<16xf32>
          %mul3A_340 = arith.mulf %get3A_338, %mul3A_339 : vector<16xf32>
          %swap3A_341 = arith.index_cast %add3A_282 : i32 to index
          %swap3A_342 = arith.constant 64 : index
          %swap3A_343 = tpu.vector_load %arg13[%swap3A_341, %swap3A_342] {strides = array<i32>} : memref<128x128xf32, #tpu.memory_space<vmem>>, vector<1x16xf32>,
          %swap3A_344 = vector.shape_cast %swap3A_343 : vector<1x16xf32> to vector<16xf32>
          %swap3A_345 = vector.shape_cast %mul3A_340 : vector<16xf32> to vector<1x16xf32>
          tpu.vector_store %arg13[%swap3A_341, %swap3A_342], %swap3A_345 {strides = array<i32>} : memref<128x128xf32, #tpu.memory_space<vmem>>, vector<1x16xf32>,
          %get3A_346 = arith.index_cast %add3A_282 : i32 to index
          %get3A_347 = arith.constant 80 : index
          %get3A_348 = tpu.vector_load %arg11[%get3A_346, %get3A_347] {strides = array<i32>} : memref<128x128xf32, #tpu.memory_space<vmem>>, vector<1x16xf32>,
          %get3A_349 = vector.shape_cast %get3A_348 : vector<1x16xf32> to vector<16xf32>
          %mul3A_350 = vector.broadcast %squeeze3A_290 : f32 to vector<16xf32>
          %mul3A_351 = arith.mulf %get3A_349, %mul3A_350 : vector<16xf32>
          %swap3A_352 = arith.index_cast %add3A_282 : i32 to index
          %swap3A_353 = arith.constant 80 : index
          %swap3A_354 = tpu.vector_load %arg13[%swap3A_352, %swap3A_353] {strides = array<i32>} : memref<128x128xf32, #tpu.memory_space<vmem>>, vector<1x16xf32>,
          %swap3A_355 = vector.shape_cast %swap3A_354 : vector<1x16xf32> to vector<16xf32>
          %swap3A_356 = vector.shape_cast %mul3A_351 : vector<16xf32> to vector<1x16xf32>
          tpu.vector_store %arg13[%swap3A_352, %swap3A_353], %swap3A_356 {strides = array<i32>} : memref<128x128xf32, #tpu.memory_space<vmem>>, vector<1x16xf32>,
          %get3A_357 = arith.index_cast %add3A_282 : i32 to index
          %get3A_358 = arith.constant 96 : index
          %get3A_359 = tpu.vector_load %arg11[%get3A_357, %get3A_358] {strides = array<i32>} : memref<128x128xf32, #tpu.memory_space<vmem>>, vector<1x16xf32>,
          %get3A_360 = vector.shape_cast %get3A_359 : vector<1x16xf32> to vector<16xf32>
          %mul3A_361 = vector.broadcast %squeeze3A_290 : f32 to vector<16xf32>
          %mul3A_362 = arith.mulf %get3A_360, %mul3A_361 : vector<16xf32>
          %swap3A_363 = arith.index_cast %add3A_282 : i32 to index
          %swap3A_364 = arith.constant 96 : index
          %swap3A_365 = tpu.vector_load %arg13[%swap3A_363, %swap3A_364] {strides = array<i32>} : memref<128x128xf32, #tpu.memory_space<vmem>>, vector<1x16xf32>,
          %swap3A_366 = vector.shape_cast %swap3A_365 : vector<1x16xf32> to vector<16xf32>
          %swap3A_367 = vector.shape_cast %mul3A_362 : vector<16xf32> to vector<1x16xf32>
          tpu.vector_store %arg13[%swap3A_363, %swap3A_364], %swap3A_367 {strides = array<i32>} : memref<128x128xf32, #tpu.memory_space<vmem>>, vector<1x16xf32>,
          %get3A_368 = arith.index_cast %add3A_282 : i32 to index
          %get3A_369 = arith.constant 112 : index
          %get3A_370 = tpu.vector_load %arg11[%get3A_368, %get3A_369] {strides = array<i32>} : memref<128x128xf32, #tpu.memory_space<vmem>>, vector<1x16xf32>,
          %get3A_371 = vector.shape_cast %get3A_370 : vector<1x16xf32> to vector<16xf32>
          %mul3A_372 = vector.broadcast %squeeze3A_290 : f32 to vector<16xf32>
          %mul3A_373 = arith.mulf %get3A_371, %mul3A_372 : vector<16xf32>
          %swap3A_374 = arith.index_cast %add3A_282 : i32 to index
          %swap3A_375 = arith.constant 112 : index
          %swap3A_376 = tpu.vector_load %arg13[%swap3A_374, %swap3A_375] {strides = array<i32>} : memref<128x128xf32, #tpu.memory_space<vmem>>, vector<1x16xf32>,
          %swap3A_377 = vector.shape_cast %swap3A_376 : vector<1x16xf32> to vector<16xf32>
          %swap3A_378 = vector.shape_cast %mul3A_373 : vector<16xf32> to vector<1x16xf32>
          tpu.vector_store %arg13[%swap3A_374, %swap3A_375], %swap3A_378 {strides = array<i32>} : memref<128x128xf32, #tpu.memory_space<vmem>>, vector<1x16xf32>,
        }
        %scan3A_179 = arith.constant 64 : i32
        "tpu.region"() ({
          %run_scoped3A = tpu.sem_alloc : memref<!tpu.dma_semaphore, #tpu.memory_space<semaphore_mem>>
          %dma_start3A_180 = arith.constant 0 : i32
          %dma_start3A_181 = arith.constant 0 : i32
          %dma_start3A_182 = tpu.memref_slice %arg14[%dma_start3A_180, %dma_start3A_181] : memref<10240x128xf32, #tpu.memory_space<vmem_shared>> -> memref<10240x128xf32, #tpu.memory_space<vmem_shared>>
          tpu.enqueue_indirect_dma source(%arg13 : memref<128x128xf32, #tpu.memory_space<vmem>>) target(%dma_start3A_182 : memref<10240x128xf32, #tpu.memory_space<vmem_shared>>) offsets(%arg9 : memref<128xi32, #tpu.memory_space<vmem>>) semaphore(%run_scoped3A : memref<!tpu.dma_semaphore, #tpu.memory_space<semaphore_mem>>) {add = true}
          %dma_wait3A_183 = arith.constant 0 : i32
          %dma_wait3A_184 = arith.constant 0 : i32
          %dma_wait3A_185 = tpu.memref_slice %arg14[%dma_wait3A_183, %dma_wait3A_184] : memref<10240x128xf32, #tpu.memory_space<vmem_shared>> -> memref<10240x128xf32, #tpu.memory_space<vmem_shared>>
          tpu.wait_indirect_dma semaphore(%run_scoped3A : memref<!tpu.dma_semaphore, #tpu.memory_space<semaphore_mem>>) src(%arg13 : memref<128x128xf32, #tpu.memory_space<vmem>>) dst(%dma_wait3A_185 : memref<10240x128xf32, #tpu.memory_space<vmem_shared>>)
          tpu.yield
        }) : () -> ()
      } else {
      }
    }
    %scan3A_43 = arith.constant 157 : i32
    %barrier3A_44 = arith.constant 0 : index
    tpu.barrier barrier_id(%barrier3A_44)
    %mul3A_45 = arith.constant 640 : i32
    %mul3A_46 = arith.muli %arg1, %mul3A_45 : i32
    %mul3A_47 = arith.constant 10240 : i32
    %mul3A_48 = arith.muli %add3A_29, %mul3A_47 : i32
    %mul3A_49 = arith.constant 640 : i32
    %mul3A_50 = arith.muli %arg1, %mul3A_49 : i32
    %add3A_51 = arith.addi %mul3A_48, %mul3A_50 : i32
    "tpu.region"() ({
      %run_scoped3A = tpu.sem_alloc : memref<!tpu.dma_semaphore, #tpu.memory_space<semaphore_mem>>
      %dma_start3A = arith.constant 0 : i32
      %dma_start3A_53 = tpu.memref_slice %arg7[%add3A_51, %dma_start3A] : memref<40960x128xf32, #tpu.memory_space<hbm>> -> memref<640x128xf32, #tpu.memory_space<hbm>>
      %dma_start3A_54 = arith.constant 0 : i32
      %dma_start3A_55 = tpu.memref_slice %arg14[%mul3A_46, %dma_start3A_54] : memref<10240x128xf32, #tpu.memory_space<vmem_shared>> -> memref<640x128xf32, #tpu.memory_space<vmem_shared>>
      tpu.enqueue_dma source(%dma_start3A_55 : memref<640x128xf32, #tpu.memory_space<vmem_shared>>) target(%dma_start3A_53 : memref<640x128xf32, #tpu.memory_space<hbm>>) target_semaphore(%run_scoped3A : memref<!tpu.dma_semaphore, #tpu.memory_space<semaphore_mem>>)
      %dma_wait3A = arith.constant 0 : i32
      %dma_wait3A_56 = tpu.memref_slice %arg7[%add3A_51, %dma_wait3A] : memref<40960x128xf32, #tpu.memory_space<hbm>> -> memref<640x128xf32, #tpu.memory_space<hbm>>
      %dma_wait3A_57 = arith.constant 0 : i32
      %dma_wait3A_58 = tpu.memref_slice %arg14[%mul3A_46, %dma_wait3A_57] : memref<10240x128xf32, #tpu.memory_space<vmem_shared>> -> memref<640x128xf32, #tpu.memory_space<vmem_shared>>
      tpu.wait_dma2 semaphore(%run_scoped3A : memref<!tpu.dma_semaphore, #tpu.memory_space<semaphore_mem>>) src(%dma_wait3A_58 : memref<640x128xf32, #tpu.memory_space<vmem_shared>>) dst(%dma_wait3A_56 : memref<640x128xf32, #tpu.memory_space<hbm>>)
      tpu.yield
    }) : () -> ()
    %barrier3A_52 = arith.constant 0 : index
    tpu.barrier barrier_id(%barrier3A_52)
    return
  }
}

#map = affine_map<(d0, d1) -> (0)>
#map1 = affine_map<(d0, d1) -> (0, 0)>
module attributes {stable_mosaic.version = 14 : i64} {
  func.func @_edge_kernel(%arg0: i32, %arg1: i32, %arg2: memref<320000xi32, #tpu.memory_space<hbm>>, %arg3: memref<320000xi32, #tpu.memory_space<hbm>>, %arg4: memref<10000x384xf32, #tpu.memory_space<hbm>>, %arg5: memref<10000x384xf32, #tpu.memory_space<hbm>>, %arg6: memref<320000x256xf32, #tpu.memory_space<hbm>>, %arg7: memref<320000x16xf32, #tpu.memory_space<hbm>>, %arg8: memref<64xi32, #tpu.memory_space<vmem>>, %arg9: memref<64xi32, #tpu.memory_space<vmem>>, %arg10: memref<64x384xf32, #tpu.memory_space<vmem>>, %arg11: memref<64x384xf32, #tpu.memory_space<vmem>>, %arg12: memref<64x256xf32, #tpu.memory_space<vmem>>, %arg13: memref<64x16xf32, #tpu.memory_space<vmem>>, %arg14: memref<!tpu.dma_semaphore, #tpu.memory_space<semaphore_mem>>, %arg15: memref<!tpu.dma_semaphore, #tpu.memory_space<semaphore_mem>>) attributes {dimension_semantics = [#tpu.dimension_semantics<core_parallel>, #tpu.dimension_semantics<subcore_parallel>], iteration_bounds = array<i64: 2, 16>, scalar_prefetch = 0 : i64, scratch_operands = 8 : i64, tpu.core_type = #tpu.core_type<sc_vector_subcore>, window_params = [{transform_indices = #map}, {transform_indices = #map}, {transform_indices = #map1}, {transform_indices = #map1}, {transform_indices = #map1}, {transform_indices = #map1}]} {
    %mul3A = arith.constant 2 : i32
    %mul3A_0 = arith.muli %arg1, %mul3A : i32
    %add3A = arith.addi %mul3A_0, %arg0 : i32
    %scan3A = arith.constant 0 : i32
    %scan3A_1 = arith.constant 0 : i32
    %scan3A_2 = arith.constant 157 : i32
    %scan3A_3 = arith.addi %scan3A_1, %scan3A_2 : i32
    %scan3A_4 = arith.constant 1 : i32
    scf.for %scan3A_6 = %scan3A_1 to %scan3A_3 step %scan3A_4  : i32 {
      %mul3A_7 = arith.constant 32 : i32
      %mul3A_8 = arith.muli %scan3A_6, %mul3A_7 : i32
      %add3A_9 = arith.addi %mul3A_8, %add3A : i32
      %lt3A = arith.constant 5000 : i32
      %lt3A_10 = arith.cmpi slt, %add3A_9, %lt3A : i32
      %convert_element_type3A = arith.extui %lt3A_10 : i1 to i32
      %cond3A = arith.constant 0 : i32
      %cond3A_11 = arith.cmpi ne, %convert_element_type3A, %cond3A : i32
      scf.if %cond3A_11 {
        %mul3A_12 = arith.constant 64 : i32
        %mul3A_13 = arith.muli %add3A_9, %mul3A_12 : i32
        %dma_start3A = tpu.memref_slice %arg2[%mul3A_13] : memref<320000xi32, #tpu.memory_space<hbm>> -> memref<64xi32, #tpu.memory_space<hbm>>
        %dma_start3A_14 = tpu.memref_slice %arg2[%mul3A_13] : memref<320000xi32, #tpu.memory_space<hbm>> -> memref<64xi32, #tpu.memory_space<hbm>>
        tpu.enqueue_dma source(%dma_start3A_14 : memref<64xi32, #tpu.memory_space<hbm>>) target(%arg8 : memref<64xi32, #tpu.memory_space<vmem>>) target_semaphore(%arg14 : memref<!tpu.dma_semaphore, #tpu.memory_space<semaphore_mem>>)
        %dma_start3A_15 = tpu.memref_slice %arg3[%mul3A_13] : memref<320000xi32, #tpu.memory_space<hbm>> -> memref<64xi32, #tpu.memory_space<hbm>>
        %dma_start3A_16 = tpu.memref_slice %arg3[%mul3A_13] : memref<320000xi32, #tpu.memory_space<hbm>> -> memref<64xi32, #tpu.memory_space<hbm>>
        tpu.enqueue_dma source(%dma_start3A_16 : memref<64xi32, #tpu.memory_space<hbm>>) target(%arg9 : memref<64xi32, #tpu.memory_space<vmem>>) target_semaphore(%arg15 : memref<!tpu.dma_semaphore, #tpu.memory_space<semaphore_mem>>)
        %dma_wait3A = tpu.memref_slice %arg2[%mul3A_13] : memref<320000xi32, #tpu.memory_space<hbm>> -> memref<64xi32, #tpu.memory_space<hbm>>
        %dma_wait3A_17 = tpu.memref_slice %arg2[%mul3A_13] : memref<320000xi32, #tpu.memory_space<hbm>> -> memref<64xi32, #tpu.memory_space<hbm>>
        tpu.wait_dma2 semaphore(%arg14 : memref<!tpu.dma_semaphore, #tpu.memory_space<semaphore_mem>>) src(%dma_wait3A_17 : memref<64xi32, #tpu.memory_space<hbm>>) dst(%arg8 : memref<64xi32, #tpu.memory_space<vmem>>)
        %dma_wait3A_18 = tpu.memref_slice %arg3[%mul3A_13] : memref<320000xi32, #tpu.memory_space<hbm>> -> memref<64xi32, #tpu.memory_space<hbm>>
        %dma_wait3A_19 = tpu.memref_slice %arg3[%mul3A_13] : memref<320000xi32, #tpu.memory_space<hbm>> -> memref<64xi32, #tpu.memory_space<hbm>>
        tpu.wait_dma2 semaphore(%arg15 : memref<!tpu.dma_semaphore, #tpu.memory_space<semaphore_mem>>) src(%dma_wait3A_19 : memref<64xi32, #tpu.memory_space<hbm>>) dst(%arg9 : memref<64xi32, #tpu.memory_space<vmem>>)
        %dma_start3A_20 = arith.constant 0 : i32
        %dma_start3A_21 = arith.constant 0 : i32
        %dma_start3A_22 = tpu.memref_slice %arg4[%dma_start3A_20, %dma_start3A_21] : memref<10000x384xf32, #tpu.memory_space<hbm>> -> memref<10000x384xf32, #tpu.memory_space<hbm>>
        tpu.enqueue_indirect_dma source(%dma_start3A_22 : memref<10000x384xf32, #tpu.memory_space<hbm>>) target(%arg10 : memref<64x384xf32, #tpu.memory_space<vmem>>) offsets(%arg9 : memref<64xi32, #tpu.memory_space<vmem>>) semaphore(%arg14 : memref<!tpu.dma_semaphore, #tpu.memory_space<semaphore_mem>>)
        %dma_start3A_23 = arith.constant 0 : i32
        %dma_start3A_24 = arith.constant 0 : i32
        %dma_start3A_25 = tpu.memref_slice %arg5[%dma_start3A_23, %dma_start3A_24] : memref<10000x384xf32, #tpu.memory_space<hbm>> -> memref<10000x384xf32, #tpu.memory_space<hbm>>
        tpu.enqueue_indirect_dma source(%dma_start3A_25 : memref<10000x384xf32, #tpu.memory_space<hbm>>) target(%arg11 : memref<64x384xf32, #tpu.memory_space<vmem>>) offsets(%arg8 : memref<64xi32, #tpu.memory_space<vmem>>) semaphore(%arg15 : memref<!tpu.dma_semaphore, #tpu.memory_space<semaphore_mem>>)
        %dma_wait3A_26 = arith.constant 0 : i32
        %dma_wait3A_27 = arith.constant 0 : i32
        %dma_wait3A_28 = tpu.memref_slice %arg4[%dma_wait3A_26, %dma_wait3A_27] : memref<10000x384xf32, #tpu.memory_space<hbm>> -> memref<10000x384xf32, #tpu.memory_space<hbm>>
        tpu.wait_indirect_dma semaphore(%arg14 : memref<!tpu.dma_semaphore, #tpu.memory_space<semaphore_mem>>) src(%dma_wait3A_28 : memref<10000x384xf32, #tpu.memory_space<hbm>>) dst(%arg10 : memref<64x384xf32, #tpu.memory_space<vmem>>)
        %dma_wait3A_29 = arith.constant 0 : i32
        %dma_wait3A_30 = arith.constant 0 : i32
        %dma_wait3A_31 = tpu.memref_slice %arg5[%dma_wait3A_29, %dma_wait3A_30] : memref<10000x384xf32, #tpu.memory_space<hbm>> -> memref<10000x384xf32, #tpu.memory_space<hbm>>
        tpu.wait_indirect_dma semaphore(%arg15 : memref<!tpu.dma_semaphore, #tpu.memory_space<semaphore_mem>>) src(%dma_wait3A_31 : memref<10000x384xf32, #tpu.memory_space<hbm>>) dst(%arg11 : memref<64x384xf32, #tpu.memory_space<vmem>>)
        %scan3A_32 = arith.constant 0 : i32
        %scan3A_33 = arith.constant 0 : i32
        %scan3A_34 = arith.constant 32 : i32
        %scan3A_35 = arith.addi %scan3A_33, %scan3A_34 : i32
        %scan3A_36 = arith.constant 1 : i32
        scf.for %scan3A_38 = %scan3A_33 to %scan3A_35 step %scan3A_36  : i32 {
          %mul3A_39 = arith.constant 2 : i32
          %mul3A_40 = arith.muli %scan3A_38, %mul3A_39 : i32
          %add3A_41 = arith.constant 0 : i32
          %add3A_42 = arith.addi %mul3A_40, %add3A_41 : i32
          %get3A = arith.index_cast %add3A_42 : i32 to index
          %get3A_43 = arith.constant 0 : index
          %get3A_44 = tpu.vector_load %arg10[%get3A, %get3A_43] {strides = array<i32>} : memref<64x384xf32, #tpu.memory_space<vmem>>, vector<1x16xf32>,
          %get3A_45 = vector.shape_cast %get3A_44 : vector<1x16xf32> to vector<16xf32>
          %get3A_46 = arith.index_cast %add3A_42 : i32 to index
          %get3A_47 = arith.constant 0 : index
          %get3A_48 = tpu.vector_load %arg11[%get3A_46, %get3A_47] {strides = array<i32>} : memref<64x384xf32, #tpu.memory_space<vmem>>, vector<1x16xf32>,
          %get3A_49 = vector.shape_cast %get3A_48 : vector<1x16xf32> to vector<16xf32>
          %add3A_50 = arith.addf %get3A_45, %get3A_49 : vector<16xf32>
          %max3A = arith.constant 0.000000e+00 : f32
          %max3A_51 = vector.broadcast %max3A : f32 to vector<16xf32>
          %max3A_52 = arith.maximumf %add3A_50, %max3A_51 : vector<16xf32>
          %swap3A = arith.index_cast %add3A_42 : i32 to index
          %swap3A_53 = arith.constant 0 : index
          %swap3A_54 = tpu.vector_load %arg12[%swap3A, %swap3A_53] {strides = array<i32>} : memref<64x256xf32, #tpu.memory_space<vmem>>, vector<1x16xf32>,
          %swap3A_55 = vector.shape_cast %swap3A_54 : vector<1x16xf32> to vector<16xf32>
          %swap3A_56 = vector.shape_cast %max3A_52 : vector<16xf32> to vector<1x16xf32>
          tpu.vector_store %arg12[%swap3A, %swap3A_53], %swap3A_56 {strides = array<i32>} : memref<64x256xf32, #tpu.memory_space<vmem>>, vector<1x16xf32>,
          %get3A_57 = arith.index_cast %add3A_42 : i32 to index
          %get3A_58 = arith.constant 16 : index
          %get3A_59 = tpu.vector_load %arg10[%get3A_57, %get3A_58] {strides = array<i32>} : memref<64x384xf32, #tpu.memory_space<vmem>>, vector<1x16xf32>,
          %get3A_60 = vector.shape_cast %get3A_59 : vector<1x16xf32> to vector<16xf32>
          %get3A_61 = arith.index_cast %add3A_42 : i32 to index
          %get3A_62 = arith.constant 16 : index
          %get3A_63 = tpu.vector_load %arg11[%get3A_61, %get3A_62] {strides = array<i32>} : memref<64x384xf32, #tpu.memory_space<vmem>>, vector<1x16xf32>,
          %get3A_64 = vector.shape_cast %get3A_63 : vector<1x16xf32> to vector<16xf32>
          %add3A_65 = arith.addf %get3A_60, %get3A_64 : vector<16xf32>
          %max3A_66 = arith.constant 0.000000e+00 : f32
          %max3A_67 = vector.broadcast %max3A_66 : f32 to vector<16xf32>
          %max3A_68 = arith.maximumf %add3A_65, %max3A_67 : vector<16xf32>
          %swap3A_69 = arith.index_cast %add3A_42 : i32 to index
          %swap3A_70 = arith.constant 16 : index
          %swap3A_71 = tpu.vector_load %arg12[%swap3A_69, %swap3A_70] {strides = array<i32>} : memref<64x256xf32, #tpu.memory_space<vmem>>, vector<1x16xf32>,
          %swap3A_72 = vector.shape_cast %swap3A_71 : vector<1x16xf32> to vector<16xf32>
          %swap3A_73 = vector.shape_cast %max3A_68 : vector<16xf32> to vector<1x16xf32>
          tpu.vector_store %arg12[%swap3A_69, %swap3A_70], %swap3A_73 {strides = array<i32>} : memref<64x256xf32, #tpu.memory_space<vmem>>, vector<1x16xf32>,
          %get3A_74 = arith.index_cast %add3A_42 : i32 to index
          %get3A_75 = arith.constant 32 : index
          %get3A_76 = tpu.vector_load %arg10[%get3A_74, %get3A_75] {strides = array<i32>} : memref<64x384xf32, #tpu.memory_space<vmem>>, vector<1x16xf32>,
          %get3A_77 = vector.shape_cast %get3A_76 : vector<1x16xf32> to vector<16xf32>
          %get3A_78 = arith.index_cast %add3A_42 : i32 to index
          %get3A_79 = arith.constant 32 : index
          %get3A_80 = tpu.vector_load %arg11[%get3A_78, %get3A_79] {strides = array<i32>} : memref<64x384xf32, #tpu.memory_space<vmem>>, vector<1x16xf32>,
          %get3A_81 = vector.shape_cast %get3A_80 : vector<1x16xf32> to vector<16xf32>
          %add3A_82 = arith.addf %get3A_77, %get3A_81 : vector<16xf32>
          %max3A_83 = arith.constant 0.000000e+00 : f32
          %max3A_84 = vector.broadcast %max3A_83 : f32 to vector<16xf32>
          %max3A_85 = arith.maximumf %add3A_82, %max3A_84 : vector<16xf32>
          %swap3A_86 = arith.index_cast %add3A_42 : i32 to index
          %swap3A_87 = arith.constant 32 : index
          %swap3A_88 = tpu.vector_load %arg12[%swap3A_86, %swap3A_87] {strides = array<i32>} : memref<64x256xf32, #tpu.memory_space<vmem>>, vector<1x16xf32>,
          %swap3A_89 = vector.shape_cast %swap3A_88 : vector<1x16xf32> to vector<16xf32>
          %swap3A_90 = vector.shape_cast %max3A_85 : vector<16xf32> to vector<1x16xf32>
          tpu.vector_store %arg12[%swap3A_86, %swap3A_87], %swap3A_90 {strides = array<i32>} : memref<64x256xf32, #tpu.memory_space<vmem>>, vector<1x16xf32>,
          %get3A_91 = arith.index_cast %add3A_42 : i32 to index
          %get3A_92 = arith.constant 48 : index
          %get3A_93 = tpu.vector_load %arg10[%get3A_91, %get3A_92] {strides = array<i32>} : memref<64x384xf32, #tpu.memory_space<vmem>>, vector<1x16xf32>,
          %get3A_94 = vector.shape_cast %get3A_93 : vector<1x16xf32> to vector<16xf32>
          %get3A_95 = arith.index_cast %add3A_42 : i32 to index
          %get3A_96 = arith.constant 48 : index
          %get3A_97 = tpu.vector_load %arg11[%get3A_95, %get3A_96] {strides = array<i32>} : memref<64x384xf32, #tpu.memory_space<vmem>>, vector<1x16xf32>,
          %get3A_98 = vector.shape_cast %get3A_97 : vector<1x16xf32> to vector<16xf32>
          %add3A_99 = arith.addf %get3A_94, %get3A_98 : vector<16xf32>
          %max3A_100 = arith.constant 0.000000e+00 : f32
          %max3A_101 = vector.broadcast %max3A_100 : f32 to vector<16xf32>
          %max3A_102 = arith.maximumf %add3A_99, %max3A_101 : vector<16xf32>
          %swap3A_103 = arith.index_cast %add3A_42 : i32 to index
          %swap3A_104 = arith.constant 48 : index
          %swap3A_105 = tpu.vector_load %arg12[%swap3A_103, %swap3A_104] {strides = array<i32>} : memref<64x256xf32, #tpu.memory_space<vmem>>, vector<1x16xf32>,
          %swap3A_106 = vector.shape_cast %swap3A_105 : vector<1x16xf32> to vector<16xf32>
          %swap3A_107 = vector.shape_cast %max3A_102 : vector<16xf32> to vector<1x16xf32>
          tpu.vector_store %arg12[%swap3A_103, %swap3A_104], %swap3A_107 {strides = array<i32>} : memref<64x256xf32, #tpu.memory_space<vmem>>, vector<1x16xf32>,
          %get3A_108 = arith.index_cast %add3A_42 : i32 to index
          %get3A_109 = arith.constant 64 : index
          %get3A_110 = tpu.vector_load %arg10[%get3A_108, %get3A_109] {strides = array<i32>} : memref<64x384xf32, #tpu.memory_space<vmem>>, vector<1x16xf32>,
          %get3A_111 = vector.shape_cast %get3A_110 : vector<1x16xf32> to vector<16xf32>
          %get3A_112 = arith.index_cast %add3A_42 : i32 to index
          %get3A_113 = arith.constant 64 : index
          %get3A_114 = tpu.vector_load %arg11[%get3A_112, %get3A_113] {strides = array<i32>} : memref<64x384xf32, #tpu.memory_space<vmem>>, vector<1x16xf32>,
          %get3A_115 = vector.shape_cast %get3A_114 : vector<1x16xf32> to vector<16xf32>
          %add3A_116 = arith.addf %get3A_111, %get3A_115 : vector<16xf32>
          %max3A_117 = arith.constant 0.000000e+00 : f32
          %max3A_118 = vector.broadcast %max3A_117 : f32 to vector<16xf32>
          %max3A_119 = arith.maximumf %add3A_116, %max3A_118 : vector<16xf32>
          %swap3A_120 = arith.index_cast %add3A_42 : i32 to index
          %swap3A_121 = arith.constant 64 : index
          %swap3A_122 = tpu.vector_load %arg12[%swap3A_120, %swap3A_121] {strides = array<i32>} : memref<64x256xf32, #tpu.memory_space<vmem>>, vector<1x16xf32>,
          %swap3A_123 = vector.shape_cast %swap3A_122 : vector<1x16xf32> to vector<16xf32>
          %swap3A_124 = vector.shape_cast %max3A_119 : vector<16xf32> to vector<1x16xf32>
          tpu.vector_store %arg12[%swap3A_120, %swap3A_121], %swap3A_124 {strides = array<i32>} : memref<64x256xf32, #tpu.memory_space<vmem>>, vector<1x16xf32>,
          %get3A_125 = arith.index_cast %add3A_42 : i32 to index
          %get3A_126 = arith.constant 80 : index
          %get3A_127 = tpu.vector_load %arg10[%get3A_125, %get3A_126] {strides = array<i32>} : memref<64x384xf32, #tpu.memory_space<vmem>>, vector<1x16xf32>,
          %get3A_128 = vector.shape_cast %get3A_127 : vector<1x16xf32> to vector<16xf32>
          %get3A_129 = arith.index_cast %add3A_42 : i32 to index
          %get3A_130 = arith.constant 80 : index
          %get3A_131 = tpu.vector_load %arg11[%get3A_129, %get3A_130] {strides = array<i32>} : memref<64x384xf32, #tpu.memory_space<vmem>>, vector<1x16xf32>,
          %get3A_132 = vector.shape_cast %get3A_131 : vector<1x16xf32> to vector<16xf32>
          %add3A_133 = arith.addf %get3A_128, %get3A_132 : vector<16xf32>
          %max3A_134 = arith.constant 0.000000e+00 : f32
          %max3A_135 = vector.broadcast %max3A_134 : f32 to vector<16xf32>
          %max3A_136 = arith.maximumf %add3A_133, %max3A_135 : vector<16xf32>
          %swap3A_137 = arith.index_cast %add3A_42 : i32 to index
          %swap3A_138 = arith.constant 80 : index
          %swap3A_139 = tpu.vector_load %arg12[%swap3A_137, %swap3A_138] {strides = array<i32>} : memref<64x256xf32, #tpu.memory_space<vmem>>, vector<1x16xf32>,
          %swap3A_140 = vector.shape_cast %swap3A_139 : vector<1x16xf32> to vector<16xf32>
          %swap3A_141 = vector.shape_cast %max3A_136 : vector<16xf32> to vector<1x16xf32>
          tpu.vector_store %arg12[%swap3A_137, %swap3A_138], %swap3A_141 {strides = array<i32>} : memref<64x256xf32, #tpu.memory_space<vmem>>, vector<1x16xf32>,
          %get3A_142 = arith.index_cast %add3A_42 : i32 to index
          %get3A_143 = arith.constant 96 : index
          %get3A_144 = tpu.vector_load %arg10[%get3A_142, %get3A_143] {strides = array<i32>} : memref<64x384xf32, #tpu.memory_space<vmem>>, vector<1x16xf32>,
          %get3A_145 = vector.shape_cast %get3A_144 : vector<1x16xf32> to vector<16xf32>
          %get3A_146 = arith.index_cast %add3A_42 : i32 to index
          %get3A_147 = arith.constant 96 : index
          %get3A_148 = tpu.vector_load %arg11[%get3A_146, %get3A_147] {strides = array<i32>} : memref<64x384xf32, #tpu.memory_space<vmem>>, vector<1x16xf32>,
          %get3A_149 = vector.shape_cast %get3A_148 : vector<1x16xf32> to vector<16xf32>
          %add3A_150 = arith.addf %get3A_145, %get3A_149 : vector<16xf32>
          %max3A_151 = arith.constant 0.000000e+00 : f32
          %max3A_152 = vector.broadcast %max3A_151 : f32 to vector<16xf32>
          %max3A_153 = arith.maximumf %add3A_150, %max3A_152 : vector<16xf32>
          %swap3A_154 = arith.index_cast %add3A_42 : i32 to index
          %swap3A_155 = arith.constant 96 : index
          %swap3A_156 = tpu.vector_load %arg12[%swap3A_154, %swap3A_155] {strides = array<i32>} : memref<64x256xf32, #tpu.memory_space<vmem>>, vector<1x16xf32>,
          %swap3A_157 = vector.shape_cast %swap3A_156 : vector<1x16xf32> to vector<16xf32>
          %swap3A_158 = vector.shape_cast %max3A_153 : vector<16xf32> to vector<1x16xf32>
          tpu.vector_store %arg12[%swap3A_154, %swap3A_155], %swap3A_158 {strides = array<i32>} : memref<64x256xf32, #tpu.memory_space<vmem>>, vector<1x16xf32>,
          %get3A_159 = arith.index_cast %add3A_42 : i32 to index
          %get3A_160 = arith.constant 112 : index
          %get3A_161 = tpu.vector_load %arg10[%get3A_159, %get3A_160] {strides = array<i32>} : memref<64x384xf32, #tpu.memory_space<vmem>>, vector<1x16xf32>,
          %get3A_162 = vector.shape_cast %get3A_161 : vector<1x16xf32> to vector<16xf32>
          %get3A_163 = arith.index_cast %add3A_42 : i32 to index
          %get3A_164 = arith.constant 112 : index
          %get3A_165 = tpu.vector_load %arg11[%get3A_163, %get3A_164] {strides = array<i32>} : memref<64x384xf32, #tpu.memory_space<vmem>>, vector<1x16xf32>,
          %get3A_166 = vector.shape_cast %get3A_165 : vector<1x16xf32> to vector<16xf32>
          %add3A_167 = arith.addf %get3A_162, %get3A_166 : vector<16xf32>
          %max3A_168 = arith.constant 0.000000e+00 : f32
          %max3A_169 = vector.broadcast %max3A_168 : f32 to vector<16xf32>
          %max3A_170 = arith.maximumf %add3A_167, %max3A_169 : vector<16xf32>
          %swap3A_171 = arith.index_cast %add3A_42 : i32 to index
          %swap3A_172 = arith.constant 112 : index
          %swap3A_173 = tpu.vector_load %arg12[%swap3A_171, %swap3A_172] {strides = array<i32>} : memref<64x256xf32, #tpu.memory_space<vmem>>, vector<1x16xf32>,
          %swap3A_174 = vector.shape_cast %swap3A_173 : vector<1x16xf32> to vector<16xf32>
          %swap3A_175 = vector.shape_cast %max3A_170 : vector<16xf32> to vector<1x16xf32>
          tpu.vector_store %arg12[%swap3A_171, %swap3A_172], %swap3A_175 {strides = array<i32>} : memref<64x256xf32, #tpu.memory_space<vmem>>, vector<1x16xf32>,
          %get3A_176 = arith.index_cast %add3A_42 : i32 to index
          %get3A_177 = arith.constant 128 : index
          %get3A_178 = tpu.vector_load %arg10[%get3A_176, %get3A_177] {strides = array<i32>} : memref<64x384xf32, #tpu.memory_space<vmem>>, vector<1x16xf32>,
          %get3A_179 = vector.shape_cast %get3A_178 : vector<1x16xf32> to vector<16xf32>
          %get3A_180 = arith.index_cast %add3A_42 : i32 to index
          %get3A_181 = arith.constant 128 : index
          %get3A_182 = tpu.vector_load %arg11[%get3A_180, %get3A_181] {strides = array<i32>} : memref<64x384xf32, #tpu.memory_space<vmem>>, vector<1x16xf32>,
          %get3A_183 = vector.shape_cast %get3A_182 : vector<1x16xf32> to vector<16xf32>
          %add3A_184 = arith.addf %get3A_179, %get3A_183 : vector<16xf32>
          %max3A_185 = arith.constant 0.000000e+00 : f32
          %max3A_186 = vector.broadcast %max3A_185 : f32 to vector<16xf32>
          %max3A_187 = arith.maximumf %add3A_184, %max3A_186 : vector<16xf32>
          %swap3A_188 = arith.index_cast %add3A_42 : i32 to index
          %swap3A_189 = arith.constant 128 : index
          %swap3A_190 = tpu.vector_load %arg12[%swap3A_188, %swap3A_189] {strides = array<i32>} : memref<64x256xf32, #tpu.memory_space<vmem>>, vector<1x16xf32>,
          %swap3A_191 = vector.shape_cast %swap3A_190 : vector<1x16xf32> to vector<16xf32>
          %swap3A_192 = vector.shape_cast %max3A_187 : vector<16xf32> to vector<1x16xf32>
          tpu.vector_store %arg12[%swap3A_188, %swap3A_189], %swap3A_192 {strides = array<i32>} : memref<64x256xf32, #tpu.memory_space<vmem>>, vector<1x16xf32>,
          %get3A_193 = arith.index_cast %add3A_42 : i32 to index
          %get3A_194 = arith.constant 144 : index
          %get3A_195 = tpu.vector_load %arg10[%get3A_193, %get3A_194] {strides = array<i32>} : memref<64x384xf32, #tpu.memory_space<vmem>>, vector<1x16xf32>,
          %get3A_196 = vector.shape_cast %get3A_195 : vector<1x16xf32> to vector<16xf32>
          %get3A_197 = arith.index_cast %add3A_42 : i32 to index
          %get3A_198 = arith.constant 144 : index
          %get3A_199 = tpu.vector_load %arg11[%get3A_197, %get3A_198] {strides = array<i32>} : memref<64x384xf32, #tpu.memory_space<vmem>>, vector<1x16xf32>,
          %get3A_200 = vector.shape_cast %get3A_199 : vector<1x16xf32> to vector<16xf32>
          %add3A_201 = arith.addf %get3A_196, %get3A_200 : vector<16xf32>
          %max3A_202 = arith.constant 0.000000e+00 : f32
          %max3A_203 = vector.broadcast %max3A_202 : f32 to vector<16xf32>
          %max3A_204 = arith.maximumf %add3A_201, %max3A_203 : vector<16xf32>
          %swap3A_205 = arith.index_cast %add3A_42 : i32 to index
          %swap3A_206 = arith.constant 144 : index
          %swap3A_207 = tpu.vector_load %arg12[%swap3A_205, %swap3A_206] {strides = array<i32>} : memref<64x256xf32, #tpu.memory_space<vmem>>, vector<1x16xf32>,
          %swap3A_208 = vector.shape_cast %swap3A_207 : vector<1x16xf32> to vector<16xf32>
          %swap3A_209 = vector.shape_cast %max3A_204 : vector<16xf32> to vector<1x16xf32>
          tpu.vector_store %arg12[%swap3A_205, %swap3A_206], %swap3A_209 {strides = array<i32>} : memref<64x256xf32, #tpu.memory_space<vmem>>, vector<1x16xf32>,
          %get3A_210 = arith.index_cast %add3A_42 : i32 to index
          %get3A_211 = arith.constant 160 : index
          %get3A_212 = tpu.vector_load %arg10[%get3A_210, %get3A_211] {strides = array<i32>} : memref<64x384xf32, #tpu.memory_space<vmem>>, vector<1x16xf32>,
          %get3A_213 = vector.shape_cast %get3A_212 : vector<1x16xf32> to vector<16xf32>
          %get3A_214 = arith.index_cast %add3A_42 : i32 to index
          %get3A_215 = arith.constant 160 : index
          %get3A_216 = tpu.vector_load %arg11[%get3A_214, %get3A_215] {strides = array<i32>} : memref<64x384xf32, #tpu.memory_space<vmem>>, vector<1x16xf32>,
          %get3A_217 = vector.shape_cast %get3A_216 : vector<1x16xf32> to vector<16xf32>
          %add3A_218 = arith.addf %get3A_213, %get3A_217 : vector<16xf32>
          %max3A_219 = arith.constant 0.000000e+00 : f32
          %max3A_220 = vector.broadcast %max3A_219 : f32 to vector<16xf32>
          %max3A_221 = arith.maximumf %add3A_218, %max3A_220 : vector<16xf32>
          %swap3A_222 = arith.index_cast %add3A_42 : i32 to index
          %swap3A_223 = arith.constant 160 : index
          %swap3A_224 = tpu.vector_load %arg12[%swap3A_222, %swap3A_223] {strides = array<i32>} : memref<64x256xf32, #tpu.memory_space<vmem>>, vector<1x16xf32>,
          %swap3A_225 = vector.shape_cast %swap3A_224 : vector<1x16xf32> to vector<16xf32>
          %swap3A_226 = vector.shape_cast %max3A_221 : vector<16xf32> to vector<1x16xf32>
          tpu.vector_store %arg12[%swap3A_222, %swap3A_223], %swap3A_226 {strides = array<i32>} : memref<64x256xf32, #tpu.memory_space<vmem>>, vector<1x16xf32>,
          %get3A_227 = arith.index_cast %add3A_42 : i32 to index
          %get3A_228 = arith.constant 176 : index
          %get3A_229 = tpu.vector_load %arg10[%get3A_227, %get3A_228] {strides = array<i32>} : memref<64x384xf32, #tpu.memory_space<vmem>>, vector<1x16xf32>,
          %get3A_230 = vector.shape_cast %get3A_229 : vector<1x16xf32> to vector<16xf32>
          %get3A_231 = arith.index_cast %add3A_42 : i32 to index
          %get3A_232 = arith.constant 176 : index
          %get3A_233 = tpu.vector_load %arg11[%get3A_231, %get3A_232] {strides = array<i32>} : memref<64x384xf32, #tpu.memory_space<vmem>>, vector<1x16xf32>,
          %get3A_234 = vector.shape_cast %get3A_233 : vector<1x16xf32> to vector<16xf32>
          %add3A_235 = arith.addf %get3A_230, %get3A_234 : vector<16xf32>
          %max3A_236 = arith.constant 0.000000e+00 : f32
          %max3A_237 = vector.broadcast %max3A_236 : f32 to vector<16xf32>
          %max3A_238 = arith.maximumf %add3A_235, %max3A_237 : vector<16xf32>
          %swap3A_239 = arith.index_cast %add3A_42 : i32 to index
          %swap3A_240 = arith.constant 176 : index
          %swap3A_241 = tpu.vector_load %arg12[%swap3A_239, %swap3A_240] {strides = array<i32>} : memref<64x256xf32, #tpu.memory_space<vmem>>, vector<1x16xf32>,
          %swap3A_242 = vector.shape_cast %swap3A_241 : vector<1x16xf32> to vector<16xf32>
          %swap3A_243 = vector.shape_cast %max3A_238 : vector<16xf32> to vector<1x16xf32>
          tpu.vector_store %arg12[%swap3A_239, %swap3A_240], %swap3A_243 {strides = array<i32>} : memref<64x256xf32, #tpu.memory_space<vmem>>, vector<1x16xf32>,
          %get3A_244 = arith.index_cast %add3A_42 : i32 to index
          %get3A_245 = arith.constant 192 : index
          %get3A_246 = tpu.vector_load %arg10[%get3A_244, %get3A_245] {strides = array<i32>} : memref<64x384xf32, #tpu.memory_space<vmem>>, vector<1x16xf32>,
          %get3A_247 = vector.shape_cast %get3A_246 : vector<1x16xf32> to vector<16xf32>
          %get3A_248 = arith.index_cast %add3A_42 : i32 to index
          %get3A_249 = arith.constant 192 : index
          %get3A_250 = tpu.vector_load %arg11[%get3A_248, %get3A_249] {strides = array<i32>} : memref<64x384xf32, #tpu.memory_space<vmem>>, vector<1x16xf32>,
          %get3A_251 = vector.shape_cast %get3A_250 : vector<1x16xf32> to vector<16xf32>
          %add3A_252 = arith.addf %get3A_247, %get3A_251 : vector<16xf32>
          %max3A_253 = arith.constant 0.000000e+00 : f32
          %max3A_254 = vector.broadcast %max3A_253 : f32 to vector<16xf32>
          %max3A_255 = arith.maximumf %add3A_252, %max3A_254 : vector<16xf32>
          %swap3A_256 = arith.index_cast %add3A_42 : i32 to index
          %swap3A_257 = arith.constant 192 : index
          %swap3A_258 = tpu.vector_load %arg12[%swap3A_256, %swap3A_257] {strides = array<i32>} : memref<64x256xf32, #tpu.memory_space<vmem>>, vector<1x16xf32>,
          %swap3A_259 = vector.shape_cast %swap3A_258 : vector<1x16xf32> to vector<16xf32>
          %swap3A_260 = vector.shape_cast %max3A_255 : vector<16xf32> to vector<1x16xf32>
          tpu.vector_store %arg12[%swap3A_256, %swap3A_257], %swap3A_260 {strides = array<i32>} : memref<64x256xf32, #tpu.memory_space<vmem>>, vector<1x16xf32>,
          %get3A_261 = arith.index_cast %add3A_42 : i32 to index
          %get3A_262 = arith.constant 208 : index
          %get3A_263 = tpu.vector_load %arg10[%get3A_261, %get3A_262] {strides = array<i32>} : memref<64x384xf32, #tpu.memory_space<vmem>>, vector<1x16xf32>,
          %get3A_264 = vector.shape_cast %get3A_263 : vector<1x16xf32> to vector<16xf32>
          %get3A_265 = arith.index_cast %add3A_42 : i32 to index
          %get3A_266 = arith.constant 208 : index
          %get3A_267 = tpu.vector_load %arg11[%get3A_265, %get3A_266] {strides = array<i32>} : memref<64x384xf32, #tpu.memory_space<vmem>>, vector<1x16xf32>,
          %get3A_268 = vector.shape_cast %get3A_267 : vector<1x16xf32> to vector<16xf32>
          %add3A_269 = arith.addf %get3A_264, %get3A_268 : vector<16xf32>
          %max3A_270 = arith.constant 0.000000e+00 : f32
          %max3A_271 = vector.broadcast %max3A_270 : f32 to vector<16xf32>
          %max3A_272 = arith.maximumf %add3A_269, %max3A_271 : vector<16xf32>
          %swap3A_273 = arith.index_cast %add3A_42 : i32 to index
          %swap3A_274 = arith.constant 208 : index
          %swap3A_275 = tpu.vector_load %arg12[%swap3A_273, %swap3A_274] {strides = array<i32>} : memref<64x256xf32, #tpu.memory_space<vmem>>, vector<1x16xf32>,
          %swap3A_276 = vector.shape_cast %swap3A_275 : vector<1x16xf32> to vector<16xf32>
          %swap3A_277 = vector.shape_cast %max3A_272 : vector<16xf32> to vector<1x16xf32>
          tpu.vector_store %arg12[%swap3A_273, %swap3A_274], %swap3A_277 {strides = array<i32>} : memref<64x256xf32, #tpu.memory_space<vmem>>, vector<1x16xf32>,
          %get3A_278 = arith.index_cast %add3A_42 : i32 to index
          %get3A_279 = arith.constant 224 : index
          %get3A_280 = tpu.vector_load %arg10[%get3A_278, %get3A_279] {strides = array<i32>} : memref<64x384xf32, #tpu.memory_space<vmem>>, vector<1x16xf32>,
          %get3A_281 = vector.shape_cast %get3A_280 : vector<1x16xf32> to vector<16xf32>
          %get3A_282 = arith.index_cast %add3A_42 : i32 to index
          %get3A_283 = arith.constant 224 : index
          %get3A_284 = tpu.vector_load %arg11[%get3A_282, %get3A_283] {strides = array<i32>} : memref<64x384xf32, #tpu.memory_space<vmem>>, vector<1x16xf32>,
          %get3A_285 = vector.shape_cast %get3A_284 : vector<1x16xf32> to vector<16xf32>
          %add3A_286 = arith.addf %get3A_281, %get3A_285 : vector<16xf32>
          %max3A_287 = arith.constant 0.000000e+00 : f32
          %max3A_288 = vector.broadcast %max3A_287 : f32 to vector<16xf32>
          %max3A_289 = arith.maximumf %add3A_286, %max3A_288 : vector<16xf32>
          %swap3A_290 = arith.index_cast %add3A_42 : i32 to index
          %swap3A_291 = arith.constant 224 : index
          %swap3A_292 = tpu.vector_load %arg12[%swap3A_290, %swap3A_291] {strides = array<i32>} : memref<64x256xf32, #tpu.memory_space<vmem>>, vector<1x16xf32>,
          %swap3A_293 = vector.shape_cast %swap3A_292 : vector<1x16xf32> to vector<16xf32>
          %swap3A_294 = vector.shape_cast %max3A_289 : vector<16xf32> to vector<1x16xf32>
          tpu.vector_store %arg12[%swap3A_290, %swap3A_291], %swap3A_294 {strides = array<i32>} : memref<64x256xf32, #tpu.memory_space<vmem>>, vector<1x16xf32>,
          %get3A_295 = arith.index_cast %add3A_42 : i32 to index
          %get3A_296 = arith.constant 240 : index
          %get3A_297 = tpu.vector_load %arg10[%get3A_295, %get3A_296] {strides = array<i32>} : memref<64x384xf32, #tpu.memory_space<vmem>>, vector<1x16xf32>,
          %get3A_298 = vector.shape_cast %get3A_297 : vector<1x16xf32> to vector<16xf32>
          %get3A_299 = arith.index_cast %add3A_42 : i32 to index
          %get3A_300 = arith.constant 240 : index
          %get3A_301 = tpu.vector_load %arg11[%get3A_299, %get3A_300] {strides = array<i32>} : memref<64x384xf32, #tpu.memory_space<vmem>>, vector<1x16xf32>,
          %get3A_302 = vector.shape_cast %get3A_301 : vector<1x16xf32> to vector<16xf32>
          %add3A_303 = arith.addf %get3A_298, %get3A_302 : vector<16xf32>
          %max3A_304 = arith.constant 0.000000e+00 : f32
          %max3A_305 = vector.broadcast %max3A_304 : f32 to vector<16xf32>
          %max3A_306 = arith.maximumf %add3A_303, %max3A_305 : vector<16xf32>
          %swap3A_307 = arith.index_cast %add3A_42 : i32 to index
          %swap3A_308 = arith.constant 240 : index
          %swap3A_309 = tpu.vector_load %arg12[%swap3A_307, %swap3A_308] {strides = array<i32>} : memref<64x256xf32, #tpu.memory_space<vmem>>, vector<1x16xf32>,
          %swap3A_310 = vector.shape_cast %swap3A_309 : vector<1x16xf32> to vector<16xf32>
          %swap3A_311 = vector.shape_cast %max3A_306 : vector<16xf32> to vector<1x16xf32>
          tpu.vector_store %arg12[%swap3A_307, %swap3A_308], %swap3A_311 {strides = array<i32>} : memref<64x256xf32, #tpu.memory_space<vmem>>, vector<1x16xf32>,
          %get3A_312 = arith.index_cast %add3A_42 : i32 to index
          %get3A_313 = arith.constant 256 : index
          %get3A_314 = tpu.vector_load %arg10[%get3A_312, %get3A_313] {strides = array<i32>} : memref<64x384xf32, #tpu.memory_space<vmem>>, vector<1x16xf32>,
          %get3A_315 = vector.shape_cast %get3A_314 : vector<1x16xf32> to vector<16xf32>
          %get3A_316 = arith.index_cast %add3A_42 : i32 to index
          %get3A_317 = arith.constant 256 : index
          %get3A_318 = tpu.vector_load %arg11[%get3A_316, %get3A_317] {strides = array<i32>} : memref<64x384xf32, #tpu.memory_space<vmem>>, vector<1x16xf32>,
          %get3A_319 = vector.shape_cast %get3A_318 : vector<1x16xf32> to vector<16xf32>
          %add3A_320 = arith.addf %get3A_315, %get3A_319 : vector<16xf32>
          %mul3A_321 = arith.constant 2.000000e-01 : f32
          %mul3A_322 = vector.broadcast %mul3A_321 : f32 to vector<16xf32>
          %mul3A_323 = arith.mulf %mul3A_322, %add3A_320 : vector<16xf32>
          %max3A_324 = arith.maximumf %add3A_320, %mul3A_323 : vector<16xf32>
          %exp3A = math.exp %max3A_324 : vector<16xf32>
          %swap3A_325 = arith.index_cast %add3A_42 : i32 to index
          %swap3A_326 = arith.constant 0 : index
          %swap3A_327 = tpu.vector_load %arg13[%swap3A_325, %swap3A_326] {strides = array<i32>} : memref<64x16xf32, #tpu.memory_space<vmem>>, vector<1x16xf32>,
          %swap3A_328 = vector.shape_cast %swap3A_327 : vector<1x16xf32> to vector<16xf32>
          %swap3A_329 = vector.shape_cast %exp3A : vector<16xf32> to vector<1x16xf32>
          tpu.vector_store %arg13[%swap3A_325, %swap3A_326], %swap3A_329 {strides = array<i32>} : memref<64x16xf32, #tpu.memory_space<vmem>>, vector<1x16xf32>,
          %mul3A_330 = arith.constant 2 : i32
          %mul3A_331 = arith.muli %scan3A_38, %mul3A_330 : i32
          %add3A_332 = arith.constant 1 : i32
          %add3A_333 = arith.addi %mul3A_331, %add3A_332 : i32
          %get3A_334 = arith.index_cast %add3A_333 : i32 to index
          %get3A_335 = arith.constant 0 : index
          %get3A_336 = tpu.vector_load %arg10[%get3A_334, %get3A_335] {strides = array<i32>} : memref<64x384xf32, #tpu.memory_space<vmem>>, vector<1x16xf32>,
          %get3A_337 = vector.shape_cast %get3A_336 : vector<1x16xf32> to vector<16xf32>
          %get3A_338 = arith.index_cast %add3A_333 : i32 to index
          %get3A_339 = arith.constant 0 : index
          %get3A_340 = tpu.vector_load %arg11[%get3A_338, %get3A_339] {strides = array<i32>} : memref<64x384xf32, #tpu.memory_space<vmem>>, vector<1x16xf32>,
          %get3A_341 = vector.shape_cast %get3A_340 : vector<1x16xf32> to vector<16xf32>
          %add3A_342 = arith.addf %get3A_337, %get3A_341 : vector<16xf32>
          %max3A_343 = arith.constant 0.000000e+00 : f32
          %max3A_344 = vector.broadcast %max3A_343 : f32 to vector<16xf32>
          %max3A_345 = arith.maximumf %add3A_342, %max3A_344 : vector<16xf32>
          %swap3A_346 = arith.index_cast %add3A_333 : i32 to index
          %swap3A_347 = arith.constant 0 : index
          %swap3A_348 = tpu.vector_load %arg12[%swap3A_346, %swap3A_347] {strides = array<i32>} : memref<64x256xf32, #tpu.memory_space<vmem>>, vector<1x16xf32>,
          %swap3A_349 = vector.shape_cast %swap3A_348 : vector<1x16xf32> to vector<16xf32>
          %swap3A_350 = vector.shape_cast %max3A_345 : vector<16xf32> to vector<1x16xf32>
          tpu.vector_store %arg12[%swap3A_346, %swap3A_347], %swap3A_350 {strides = array<i32>} : memref<64x256xf32, #tpu.memory_space<vmem>>, vector<1x16xf32>,
          %get3A_351 = arith.index_cast %add3A_333 : i32 to index
          %get3A_352 = arith.constant 16 : index
          %get3A_353 = tpu.vector_load %arg10[%get3A_351, %get3A_352] {strides = array<i32>} : memref<64x384xf32, #tpu.memory_space<vmem>>, vector<1x16xf32>,
          %get3A_354 = vector.shape_cast %get3A_353 : vector<1x16xf32> to vector<16xf32>
          %get3A_355 = arith.index_cast %add3A_333 : i32 to index
          %get3A_356 = arith.constant 16 : index
          %get3A_357 = tpu.vector_load %arg11[%get3A_355, %get3A_356] {strides = array<i32>} : memref<64x384xf32, #tpu.memory_space<vmem>>, vector<1x16xf32>,
          %get3A_358 = vector.shape_cast %get3A_357 : vector<1x16xf32> to vector<16xf32>
          %add3A_359 = arith.addf %get3A_354, %get3A_358 : vector<16xf32>
          %max3A_360 = arith.constant 0.000000e+00 : f32
          %max3A_361 = vector.broadcast %max3A_360 : f32 to vector<16xf32>
          %max3A_362 = arith.maximumf %add3A_359, %max3A_361 : vector<16xf32>
          %swap3A_363 = arith.index_cast %add3A_333 : i32 to index
          %swap3A_364 = arith.constant 16 : index
          %swap3A_365 = tpu.vector_load %arg12[%swap3A_363, %swap3A_364] {strides = array<i32>} : memref<64x256xf32, #tpu.memory_space<vmem>>, vector<1x16xf32>,
          %swap3A_366 = vector.shape_cast %swap3A_365 : vector<1x16xf32> to vector<16xf32>
          %swap3A_367 = vector.shape_cast %max3A_362 : vector<16xf32> to vector<1x16xf32>
          tpu.vector_store %arg12[%swap3A_363, %swap3A_364], %swap3A_367 {strides = array<i32>} : memref<64x256xf32, #tpu.memory_space<vmem>>, vector<1x16xf32>,
          %get3A_368 = arith.index_cast %add3A_333 : i32 to index
          %get3A_369 = arith.constant 32 : index
          %get3A_370 = tpu.vector_load %arg10[%get3A_368, %get3A_369] {strides = array<i32>} : memref<64x384xf32, #tpu.memory_space<vmem>>, vector<1x16xf32>,
          %get3A_371 = vector.shape_cast %get3A_370 : vector<1x16xf32> to vector<16xf32>
          %get3A_372 = arith.index_cast %add3A_333 : i32 to index
          %get3A_373 = arith.constant 32 : index
          %get3A_374 = tpu.vector_load %arg11[%get3A_372, %get3A_373] {strides = array<i32>} : memref<64x384xf32, #tpu.memory_space<vmem>>, vector<1x16xf32>,
          %get3A_375 = vector.shape_cast %get3A_374 : vector<1x16xf32> to vector<16xf32>
          %add3A_376 = arith.addf %get3A_371, %get3A_375 : vector<16xf32>
          %max3A_377 = arith.constant 0.000000e+00 : f32
          %max3A_378 = vector.broadcast %max3A_377 : f32 to vector<16xf32>
          %max3A_379 = arith.maximumf %add3A_376, %max3A_378 : vector<16xf32>
          %swap3A_380 = arith.index_cast %add3A_333 : i32 to index
          %swap3A_381 = arith.constant 32 : index
          %swap3A_382 = tpu.vector_load %arg12[%swap3A_380, %swap3A_381] {strides = array<i32>} : memref<64x256xf32, #tpu.memory_space<vmem>>, vector<1x16xf32>,
          %swap3A_383 = vector.shape_cast %swap3A_382 : vector<1x16xf32> to vector<16xf32>
          %swap3A_384 = vector.shape_cast %max3A_379 : vector<16xf32> to vector<1x16xf32>
          tpu.vector_store %arg12[%swap3A_380, %swap3A_381], %swap3A_384 {strides = array<i32>} : memref<64x256xf32, #tpu.memory_space<vmem>>, vector<1x16xf32>,
          %get3A_385 = arith.index_cast %add3A_333 : i32 to index
          %get3A_386 = arith.constant 48 : index
          %get3A_387 = tpu.vector_load %arg10[%get3A_385, %get3A_386] {strides = array<i32>} : memref<64x384xf32, #tpu.memory_space<vmem>>, vector<1x16xf32>,
          %get3A_388 = vector.shape_cast %get3A_387 : vector<1x16xf32> to vector<16xf32>
          %get3A_389 = arith.index_cast %add3A_333 : i32 to index
          %get3A_390 = arith.constant 48 : index
          %get3A_391 = tpu.vector_load %arg11[%get3A_389, %get3A_390] {strides = array<i32>} : memref<64x384xf32, #tpu.memory_space<vmem>>, vector<1x16xf32>,
          %get3A_392 = vector.shape_cast %get3A_391 : vector<1x16xf32> to vector<16xf32>
          %add3A_393 = arith.addf %get3A_388, %get3A_392 : vector<16xf32>
          %max3A_394 = arith.constant 0.000000e+00 : f32
          %max3A_395 = vector.broadcast %max3A_394 : f32 to vector<16xf32>
          %max3A_396 = arith.maximumf %add3A_393, %max3A_395 : vector<16xf32>
          %swap3A_397 = arith.index_cast %add3A_333 : i32 to index
          %swap3A_398 = arith.constant 48 : index
          %swap3A_399 = tpu.vector_load %arg12[%swap3A_397, %swap3A_398] {strides = array<i32>} : memref<64x256xf32, #tpu.memory_space<vmem>>, vector<1x16xf32>,
          %swap3A_400 = vector.shape_cast %swap3A_399 : vector<1x16xf32> to vector<16xf32>
          %swap3A_401 = vector.shape_cast %max3A_396 : vector<16xf32> to vector<1x16xf32>
          tpu.vector_store %arg12[%swap3A_397, %swap3A_398], %swap3A_401 {strides = array<i32>} : memref<64x256xf32, #tpu.memory_space<vmem>>, vector<1x16xf32>,
          %get3A_402 = arith.index_cast %add3A_333 : i32 to index
          %get3A_403 = arith.constant 64 : index
          %get3A_404 = tpu.vector_load %arg10[%get3A_402, %get3A_403] {strides = array<i32>} : memref<64x384xf32, #tpu.memory_space<vmem>>, vector<1x16xf32>,
          %get3A_405 = vector.shape_cast %get3A_404 : vector<1x16xf32> to vector<16xf32>
          %get3A_406 = arith.index_cast %add3A_333 : i32 to index
          %get3A_407 = arith.constant 64 : index
          %get3A_408 = tpu.vector_load %arg11[%get3A_406, %get3A_407] {strides = array<i32>} : memref<64x384xf32, #tpu.memory_space<vmem>>, vector<1x16xf32>,
          %get3A_409 = vector.shape_cast %get3A_408 : vector<1x16xf32> to vector<16xf32>
          %add3A_410 = arith.addf %get3A_405, %get3A_409 : vector<16xf32>
          %max3A_411 = arith.constant 0.000000e+00 : f32
          %max3A_412 = vector.broadcast %max3A_411 : f32 to vector<16xf32>
          %max3A_413 = arith.maximumf %add3A_410, %max3A_412 : vector<16xf32>
          %swap3A_414 = arith.index_cast %add3A_333 : i32 to index
          %swap3A_415 = arith.constant 64 : index
          %swap3A_416 = tpu.vector_load %arg12[%swap3A_414, %swap3A_415] {strides = array<i32>} : memref<64x256xf32, #tpu.memory_space<vmem>>, vector<1x16xf32>,
          %swap3A_417 = vector.shape_cast %swap3A_416 : vector<1x16xf32> to vector<16xf32>
          %swap3A_418 = vector.shape_cast %max3A_413 : vector<16xf32> to vector<1x16xf32>
          tpu.vector_store %arg12[%swap3A_414, %swap3A_415], %swap3A_418 {strides = array<i32>} : memref<64x256xf32, #tpu.memory_space<vmem>>, vector<1x16xf32>,
          %get3A_419 = arith.index_cast %add3A_333 : i32 to index
          %get3A_420 = arith.constant 80 : index
          %get3A_421 = tpu.vector_load %arg10[%get3A_419, %get3A_420] {strides = array<i32>} : memref<64x384xf32, #tpu.memory_space<vmem>>, vector<1x16xf32>,
          %get3A_422 = vector.shape_cast %get3A_421 : vector<1x16xf32> to vector<16xf32>
          %get3A_423 = arith.index_cast %add3A_333 : i32 to index
          %get3A_424 = arith.constant 80 : index
          %get3A_425 = tpu.vector_load %arg11[%get3A_423, %get3A_424] {strides = array<i32>} : memref<64x384xf32, #tpu.memory_space<vmem>>, vector<1x16xf32>,
          %get3A_426 = vector.shape_cast %get3A_425 : vector<1x16xf32> to vector<16xf32>
          %add3A_427 = arith.addf %get3A_422, %get3A_426 : vector<16xf32>
          %max3A_428 = arith.constant 0.000000e+00 : f32
          %max3A_429 = vector.broadcast %max3A_428 : f32 to vector<16xf32>
          %max3A_430 = arith.maximumf %add3A_427, %max3A_429 : vector<16xf32>
          %swap3A_431 = arith.index_cast %add3A_333 : i32 to index
          %swap3A_432 = arith.constant 80 : index
          %swap3A_433 = tpu.vector_load %arg12[%swap3A_431, %swap3A_432] {strides = array<i32>} : memref<64x256xf32, #tpu.memory_space<vmem>>, vector<1x16xf32>,
          %swap3A_434 = vector.shape_cast %swap3A_433 : vector<1x16xf32> to vector<16xf32>
          %swap3A_435 = vector.shape_cast %max3A_430 : vector<16xf32> to vector<1x16xf32>
          tpu.vector_store %arg12[%swap3A_431, %swap3A_432], %swap3A_435 {strides = array<i32>} : memref<64x256xf32, #tpu.memory_space<vmem>>, vector<1x16xf32>,
          %get3A_436 = arith.index_cast %add3A_333 : i32 to index
          %get3A_437 = arith.constant 96 : index
          %get3A_438 = tpu.vector_load %arg10[%get3A_436, %get3A_437] {strides = array<i32>} : memref<64x384xf32, #tpu.memory_space<vmem>>, vector<1x16xf32>,
          %get3A_439 = vector.shape_cast %get3A_438 : vector<1x16xf32> to vector<16xf32>
          %get3A_440 = arith.index_cast %add3A_333 : i32 to index
          %get3A_441 = arith.constant 96 : index
          %get3A_442 = tpu.vector_load %arg11[%get3A_440, %get3A_441] {strides = array<i32>} : memref<64x384xf32, #tpu.memory_space<vmem>>, vector<1x16xf32>,
          %get3A_443 = vector.shape_cast %get3A_442 : vector<1x16xf32> to vector<16xf32>
          %add3A_444 = arith.addf %get3A_439, %get3A_443 : vector<16xf32>
          %max3A_445 = arith.constant 0.000000e+00 : f32
          %max3A_446 = vector.broadcast %max3A_445 : f32 to vector<16xf32>
          %max3A_447 = arith.maximumf %add3A_444, %max3A_446 : vector<16xf32>
          %swap3A_448 = arith.index_cast %add3A_333 : i32 to index
          %swap3A_449 = arith.constant 96 : index
          %swap3A_450 = tpu.vector_load %arg12[%swap3A_448, %swap3A_449] {strides = array<i32>} : memref<64x256xf32, #tpu.memory_space<vmem>>, vector<1x16xf32>,
          %swap3A_451 = vector.shape_cast %swap3A_450 : vector<1x16xf32> to vector<16xf32>
          %swap3A_452 = vector.shape_cast %max3A_447 : vector<16xf32> to vector<1x16xf32>
          tpu.vector_store %arg12[%swap3A_448, %swap3A_449], %swap3A_452 {strides = array<i32>} : memref<64x256xf32, #tpu.memory_space<vmem>>, vector<1x16xf32>,
          %get3A_453 = arith.index_cast %add3A_333 : i32 to index
          %get3A_454 = arith.constant 112 : index
          %get3A_455 = tpu.vector_load %arg10[%get3A_453, %get3A_454] {strides = array<i32>} : memref<64x384xf32, #tpu.memory_space<vmem>>, vector<1x16xf32>,
          %get3A_456 = vector.shape_cast %get3A_455 : vector<1x16xf32> to vector<16xf32>
          %get3A_457 = arith.index_cast %add3A_333 : i32 to index
          %get3A_458 = arith.constant 112 : index
          %get3A_459 = tpu.vector_load %arg11[%get3A_457, %get3A_458] {strides = array<i32>} : memref<64x384xf32, #tpu.memory_space<vmem>>, vector<1x16xf32>,
          %get3A_460 = vector.shape_cast %get3A_459 : vector<1x16xf32> to vector<16xf32>
          %add3A_461 = arith.addf %get3A_456, %get3A_460 : vector<16xf32>
          %max3A_462 = arith.constant 0.000000e+00 : f32
          %max3A_463 = vector.broadcast %max3A_462 : f32 to vector<16xf32>
          %max3A_464 = arith.maximumf %add3A_461, %max3A_463 : vector<16xf32>
          %swap3A_465 = arith.index_cast %add3A_333 : i32 to index
          %swap3A_466 = arith.constant 112 : index
          %swap3A_467 = tpu.vector_load %arg12[%swap3A_465, %swap3A_466] {strides = array<i32>} : memref<64x256xf32, #tpu.memory_space<vmem>>, vector<1x16xf32>,
          %swap3A_468 = vector.shape_cast %swap3A_467 : vector<1x16xf32> to vector<16xf32>
          %swap3A_469 = vector.shape_cast %max3A_464 : vector<16xf32> to vector<1x16xf32>
          tpu.vector_store %arg12[%swap3A_465, %swap3A_466], %swap3A_469 {strides = array<i32>} : memref<64x256xf32, #tpu.memory_space<vmem>>, vector<1x16xf32>,
          %get3A_470 = arith.index_cast %add3A_333 : i32 to index
          %get3A_471 = arith.constant 128 : index
          %get3A_472 = tpu.vector_load %arg10[%get3A_470, %get3A_471] {strides = array<i32>} : memref<64x384xf32, #tpu.memory_space<vmem>>, vector<1x16xf32>,
          %get3A_473 = vector.shape_cast %get3A_472 : vector<1x16xf32> to vector<16xf32>
          %get3A_474 = arith.index_cast %add3A_333 : i32 to index
          %get3A_475 = arith.constant 128 : index
          %get3A_476 = tpu.vector_load %arg11[%get3A_474, %get3A_475] {strides = array<i32>} : memref<64x384xf32, #tpu.memory_space<vmem>>, vector<1x16xf32>,
          %get3A_477 = vector.shape_cast %get3A_476 : vector<1x16xf32> to vector<16xf32>
          %add3A_478 = arith.addf %get3A_473, %get3A_477 : vector<16xf32>
          %max3A_479 = arith.constant 0.000000e+00 : f32
          %max3A_480 = vector.broadcast %max3A_479 : f32 to vector<16xf32>
          %max3A_481 = arith.maximumf %add3A_478, %max3A_480 : vector<16xf32>
          %swap3A_482 = arith.index_cast %add3A_333 : i32 to index
          %swap3A_483 = arith.constant 128 : index
          %swap3A_484 = tpu.vector_load %arg12[%swap3A_482, %swap3A_483] {strides = array<i32>} : memref<64x256xf32, #tpu.memory_space<vmem>>, vector<1x16xf32>,
          %swap3A_485 = vector.shape_cast %swap3A_484 : vector<1x16xf32> to vector<16xf32>
          %swap3A_486 = vector.shape_cast %max3A_481 : vector<16xf32> to vector<1x16xf32>
          tpu.vector_store %arg12[%swap3A_482, %swap3A_483], %swap3A_486 {strides = array<i32>} : memref<64x256xf32, #tpu.memory_space<vmem>>, vector<1x16xf32>,
          %get3A_487 = arith.index_cast %add3A_333 : i32 to index
          %get3A_488 = arith.constant 144 : index
          %get3A_489 = tpu.vector_load %arg10[%get3A_487, %get3A_488] {strides = array<i32>} : memref<64x384xf32, #tpu.memory_space<vmem>>, vector<1x16xf32>,
          %get3A_490 = vector.shape_cast %get3A_489 : vector<1x16xf32> to vector<16xf32>
          %get3A_491 = arith.index_cast %add3A_333 : i32 to index
          %get3A_492 = arith.constant 144 : index
          %get3A_493 = tpu.vector_load %arg11[%get3A_491, %get3A_492] {strides = array<i32>} : memref<64x384xf32, #tpu.memory_space<vmem>>, vector<1x16xf32>,
          %get3A_494 = vector.shape_cast %get3A_493 : vector<1x16xf32> to vector<16xf32>
          %add3A_495 = arith.addf %get3A_490, %get3A_494 : vector<16xf32>
          %max3A_496 = arith.constant 0.000000e+00 : f32
          %max3A_497 = vector.broadcast %max3A_496 : f32 to vector<16xf32>
          %max3A_498 = arith.maximumf %add3A_495, %max3A_497 : vector<16xf32>
          %swap3A_499 = arith.index_cast %add3A_333 : i32 to index
          %swap3A_500 = arith.constant 144 : index
          %swap3A_501 = tpu.vector_load %arg12[%swap3A_499, %swap3A_500] {strides = array<i32>} : memref<64x256xf32, #tpu.memory_space<vmem>>, vector<1x16xf32>,
          %swap3A_502 = vector.shape_cast %swap3A_501 : vector<1x16xf32> to vector<16xf32>
          %swap3A_503 = vector.shape_cast %max3A_498 : vector<16xf32> to vector<1x16xf32>
          tpu.vector_store %arg12[%swap3A_499, %swap3A_500], %swap3A_503 {strides = array<i32>} : memref<64x256xf32, #tpu.memory_space<vmem>>, vector<1x16xf32>,
          %get3A_504 = arith.index_cast %add3A_333 : i32 to index
          %get3A_505 = arith.constant 160 : index
          %get3A_506 = tpu.vector_load %arg10[%get3A_504, %get3A_505] {strides = array<i32>} : memref<64x384xf32, #tpu.memory_space<vmem>>, vector<1x16xf32>,
          %get3A_507 = vector.shape_cast %get3A_506 : vector<1x16xf32> to vector<16xf32>
          %get3A_508 = arith.index_cast %add3A_333 : i32 to index
          %get3A_509 = arith.constant 160 : index
          %get3A_510 = tpu.vector_load %arg11[%get3A_508, %get3A_509] {strides = array<i32>} : memref<64x384xf32, #tpu.memory_space<vmem>>, vector<1x16xf32>,
          %get3A_511 = vector.shape_cast %get3A_510 : vector<1x16xf32> to vector<16xf32>
          %add3A_512 = arith.addf %get3A_507, %get3A_511 : vector<16xf32>
          %max3A_513 = arith.constant 0.000000e+00 : f32
          %max3A_514 = vector.broadcast %max3A_513 : f32 to vector<16xf32>
          %max3A_515 = arith.maximumf %add3A_512, %max3A_514 : vector<16xf32>
          %swap3A_516 = arith.index_cast %add3A_333 : i32 to index
          %swap3A_517 = arith.constant 160 : index
          %swap3A_518 = tpu.vector_load %arg12[%swap3A_516, %swap3A_517] {strides = array<i32>} : memref<64x256xf32, #tpu.memory_space<vmem>>, vector<1x16xf32>,
          %swap3A_519 = vector.shape_cast %swap3A_518 : vector<1x16xf32> to vector<16xf32>
          %swap3A_520 = vector.shape_cast %max3A_515 : vector<16xf32> to vector<1x16xf32>
          tpu.vector_store %arg12[%swap3A_516, %swap3A_517], %swap3A_520 {strides = array<i32>} : memref<64x256xf32, #tpu.memory_space<vmem>>, vector<1x16xf32>,
          %get3A_521 = arith.index_cast %add3A_333 : i32 to index
          %get3A_522 = arith.constant 176 : index
          %get3A_523 = tpu.vector_load %arg10[%get3A_521, %get3A_522] {strides = array<i32>} : memref<64x384xf32, #tpu.memory_space<vmem>>, vector<1x16xf32>,
          %get3A_524 = vector.shape_cast %get3A_523 : vector<1x16xf32> to vector<16xf32>
          %get3A_525 = arith.index_cast %add3A_333 : i32 to index
          %get3A_526 = arith.constant 176 : index
          %get3A_527 = tpu.vector_load %arg11[%get3A_525, %get3A_526] {strides = array<i32>} : memref<64x384xf32, #tpu.memory_space<vmem>>, vector<1x16xf32>,
          %get3A_528 = vector.shape_cast %get3A_527 : vector<1x16xf32> to vector<16xf32>
          %add3A_529 = arith.addf %get3A_524, %get3A_528 : vector<16xf32>
          %max3A_530 = arith.constant 0.000000e+00 : f32
          %max3A_531 = vector.broadcast %max3A_530 : f32 to vector<16xf32>
          %max3A_532 = arith.maximumf %add3A_529, %max3A_531 : vector<16xf32>
          %swap3A_533 = arith.index_cast %add3A_333 : i32 to index
          %swap3A_534 = arith.constant 176 : index
          %swap3A_535 = tpu.vector_load %arg12[%swap3A_533, %swap3A_534] {strides = array<i32>} : memref<64x256xf32, #tpu.memory_space<vmem>>, vector<1x16xf32>,
          %swap3A_536 = vector.shape_cast %swap3A_535 : vector<1x16xf32> to vector<16xf32>
          %swap3A_537 = vector.shape_cast %max3A_532 : vector<16xf32> to vector<1x16xf32>
          tpu.vector_store %arg12[%swap3A_533, %swap3A_534], %swap3A_537 {strides = array<i32>} : memref<64x256xf32, #tpu.memory_space<vmem>>, vector<1x16xf32>,
          %get3A_538 = arith.index_cast %add3A_333 : i32 to index
          %get3A_539 = arith.constant 192 : index
          %get3A_540 = tpu.vector_load %arg10[%get3A_538, %get3A_539] {strides = array<i32>} : memref<64x384xf32, #tpu.memory_space<vmem>>, vector<1x16xf32>,
          %get3A_541 = vector.shape_cast %get3A_540 : vector<1x16xf32> to vector<16xf32>
          %get3A_542 = arith.index_cast %add3A_333 : i32 to index
          %get3A_543 = arith.constant 192 : index
          %get3A_544 = tpu.vector_load %arg11[%get3A_542, %get3A_543] {strides = array<i32>} : memref<64x384xf32, #tpu.memory_space<vmem>>, vector<1x16xf32>,
          %get3A_545 = vector.shape_cast %get3A_544 : vector<1x16xf32> to vector<16xf32>
          %add3A_546 = arith.addf %get3A_541, %get3A_545 : vector<16xf32>
          %max3A_547 = arith.constant 0.000000e+00 : f32
          %max3A_548 = vector.broadcast %max3A_547 : f32 to vector<16xf32>
          %max3A_549 = arith.maximumf %add3A_546, %max3A_548 : vector<16xf32>
          %swap3A_550 = arith.index_cast %add3A_333 : i32 to index
          %swap3A_551 = arith.constant 192 : index
          %swap3A_552 = tpu.vector_load %arg12[%swap3A_550, %swap3A_551] {strides = array<i32>} : memref<64x256xf32, #tpu.memory_space<vmem>>, vector<1x16xf32>,
          %swap3A_553 = vector.shape_cast %swap3A_552 : vector<1x16xf32> to vector<16xf32>
          %swap3A_554 = vector.shape_cast %max3A_549 : vector<16xf32> to vector<1x16xf32>
          tpu.vector_store %arg12[%swap3A_550, %swap3A_551], %swap3A_554 {strides = array<i32>} : memref<64x256xf32, #tpu.memory_space<vmem>>, vector<1x16xf32>,
          %get3A_555 = arith.index_cast %add3A_333 : i32 to index
          %get3A_556 = arith.constant 208 : index
          %get3A_557 = tpu.vector_load %arg10[%get3A_555, %get3A_556] {strides = array<i32>} : memref<64x384xf32, #tpu.memory_space<vmem>>, vector<1x16xf32>,
          %get3A_558 = vector.shape_cast %get3A_557 : vector<1x16xf32> to vector<16xf32>
          %get3A_559 = arith.index_cast %add3A_333 : i32 to index
          %get3A_560 = arith.constant 208 : index
          %get3A_561 = tpu.vector_load %arg11[%get3A_559, %get3A_560] {strides = array<i32>} : memref<64x384xf32, #tpu.memory_space<vmem>>, vector<1x16xf32>,
          %get3A_562 = vector.shape_cast %get3A_561 : vector<1x16xf32> to vector<16xf32>
          %add3A_563 = arith.addf %get3A_558, %get3A_562 : vector<16xf32>
          %max3A_564 = arith.constant 0.000000e+00 : f32
          %max3A_565 = vector.broadcast %max3A_564 : f32 to vector<16xf32>
          %max3A_566 = arith.maximumf %add3A_563, %max3A_565 : vector<16xf32>
          %swap3A_567 = arith.index_cast %add3A_333 : i32 to index
          %swap3A_568 = arith.constant 208 : index
          %swap3A_569 = tpu.vector_load %arg12[%swap3A_567, %swap3A_568] {strides = array<i32>} : memref<64x256xf32, #tpu.memory_space<vmem>>, vector<1x16xf32>,
          %swap3A_570 = vector.shape_cast %swap3A_569 : vector<1x16xf32> to vector<16xf32>
          %swap3A_571 = vector.shape_cast %max3A_566 : vector<16xf32> to vector<1x16xf32>
          tpu.vector_store %arg12[%swap3A_567, %swap3A_568], %swap3A_571 {strides = array<i32>} : memref<64x256xf32, #tpu.memory_space<vmem>>, vector<1x16xf32>,
          %get3A_572 = arith.index_cast %add3A_333 : i32 to index
          %get3A_573 = arith.constant 224 : index
          %get3A_574 = tpu.vector_load %arg10[%get3A_572, %get3A_573] {strides = array<i32>} : memref<64x384xf32, #tpu.memory_space<vmem>>, vector<1x16xf32>,
          %get3A_575 = vector.shape_cast %get3A_574 : vector<1x16xf32> to vector<16xf32>
          %get3A_576 = arith.index_cast %add3A_333 : i32 to index
          %get3A_577 = arith.constant 224 : index
          %get3A_578 = tpu.vector_load %arg11[%get3A_576, %get3A_577] {strides = array<i32>} : memref<64x384xf32, #tpu.memory_space<vmem>>, vector<1x16xf32>,
          %get3A_579 = vector.shape_cast %get3A_578 : vector<1x16xf32> to vector<16xf32>
          %add3A_580 = arith.addf %get3A_575, %get3A_579 : vector<16xf32>
          %max3A_581 = arith.constant 0.000000e+00 : f32
          %max3A_582 = vector.broadcast %max3A_581 : f32 to vector<16xf32>
          %max3A_583 = arith.maximumf %add3A_580, %max3A_582 : vector<16xf32>
          %swap3A_584 = arith.index_cast %add3A_333 : i32 to index
          %swap3A_585 = arith.constant 224 : index
          %swap3A_586 = tpu.vector_load %arg12[%swap3A_584, %swap3A_585] {strides = array<i32>} : memref<64x256xf32, #tpu.memory_space<vmem>>, vector<1x16xf32>,
          %swap3A_587 = vector.shape_cast %swap3A_586 : vector<1x16xf32> to vector<16xf32>
          %swap3A_588 = vector.shape_cast %max3A_583 : vector<16xf32> to vector<1x16xf32>
          tpu.vector_store %arg12[%swap3A_584, %swap3A_585], %swap3A_588 {strides = array<i32>} : memref<64x256xf32, #tpu.memory_space<vmem>>, vector<1x16xf32>,
          %get3A_589 = arith.index_cast %add3A_333 : i32 to index
          %get3A_590 = arith.constant 240 : index
          %get3A_591 = tpu.vector_load %arg10[%get3A_589, %get3A_590] {strides = array<i32>} : memref<64x384xf32, #tpu.memory_space<vmem>>, vector<1x16xf32>,
          %get3A_592 = vector.shape_cast %get3A_591 : vector<1x16xf32> to vector<16xf32>
          %get3A_593 = arith.index_cast %add3A_333 : i32 to index
          %get3A_594 = arith.constant 240 : index
          %get3A_595 = tpu.vector_load %arg11[%get3A_593, %get3A_594] {strides = array<i32>} : memref<64x384xf32, #tpu.memory_space<vmem>>, vector<1x16xf32>,
          %get3A_596 = vector.shape_cast %get3A_595 : vector<1x16xf32> to vector<16xf32>
          %add3A_597 = arith.addf %get3A_592, %get3A_596 : vector<16xf32>
          %max3A_598 = arith.constant 0.000000e+00 : f32
          %max3A_599 = vector.broadcast %max3A_598 : f32 to vector<16xf32>
          %max3A_600 = arith.maximumf %add3A_597, %max3A_599 : vector<16xf32>
          %swap3A_601 = arith.index_cast %add3A_333 : i32 to index
          %swap3A_602 = arith.constant 240 : index
          %swap3A_603 = tpu.vector_load %arg12[%swap3A_601, %swap3A_602] {strides = array<i32>} : memref<64x256xf32, #tpu.memory_space<vmem>>, vector<1x16xf32>,
          %swap3A_604 = vector.shape_cast %swap3A_603 : vector<1x16xf32> to vector<16xf32>
          %swap3A_605 = vector.shape_cast %max3A_600 : vector<16xf32> to vector<1x16xf32>
          tpu.vector_store %arg12[%swap3A_601, %swap3A_602], %swap3A_605 {strides = array<i32>} : memref<64x256xf32, #tpu.memory_space<vmem>>, vector<1x16xf32>,
          %get3A_606 = arith.index_cast %add3A_333 : i32 to index
          %get3A_607 = arith.constant 256 : index
          %get3A_608 = tpu.vector_load %arg10[%get3A_606, %get3A_607] {strides = array<i32>} : memref<64x384xf32, #tpu.memory_space<vmem>>, vector<1x16xf32>,
          %get3A_609 = vector.shape_cast %get3A_608 : vector<1x16xf32> to vector<16xf32>
          %get3A_610 = arith.index_cast %add3A_333 : i32 to index
          %get3A_611 = arith.constant 256 : index
          %get3A_612 = tpu.vector_load %arg11[%get3A_610, %get3A_611] {strides = array<i32>} : memref<64x384xf32, #tpu.memory_space<vmem>>, vector<1x16xf32>,
          %get3A_613 = vector.shape_cast %get3A_612 : vector<1x16xf32> to vector<16xf32>
          %add3A_614 = arith.addf %get3A_609, %get3A_613 : vector<16xf32>
          %mul3A_615 = arith.constant 2.000000e-01 : f32
          %mul3A_616 = vector.broadcast %mul3A_615 : f32 to vector<16xf32>
          %mul3A_617 = arith.mulf %mul3A_616, %add3A_614 : vector<16xf32>
          %max3A_618 = arith.maximumf %add3A_614, %mul3A_617 : vector<16xf32>
          %exp3A_619 = math.exp %max3A_618 : vector<16xf32>
          %swap3A_620 = arith.index_cast %add3A_333 : i32 to index
          %swap3A_621 = arith.constant 0 : index
          %swap3A_622 = tpu.vector_load %arg13[%swap3A_620, %swap3A_621] {strides = array<i32>} : memref<64x16xf32, #tpu.memory_space<vmem>>, vector<1x16xf32>,
          %swap3A_623 = vector.shape_cast %swap3A_622 : vector<1x16xf32> to vector<16xf32>
          %swap3A_624 = vector.shape_cast %exp3A_619 : vector<16xf32> to vector<1x16xf32>
          tpu.vector_store %arg13[%swap3A_620, %swap3A_621], %swap3A_624 {strides = array<i32>} : memref<64x16xf32, #tpu.memory_space<vmem>>, vector<1x16xf32>,
        }
        %scan3A_37 = arith.constant 32 : i32
        "tpu.region"() ({
          %run_scoped3A = tpu.sem_alloc : memref<!tpu.dma_semaphore, #tpu.memory_space<semaphore_mem>>
          %dma_start3A_38 = arith.constant 0 : i32
          %dma_start3A_39 = tpu.memref_slice %arg6[%mul3A_13, %dma_start3A_38] : memref<320000x256xf32, #tpu.memory_space<hbm>> -> memref<64x256xf32, #tpu.memory_space<hbm>>
          %dma_start3A_40 = arith.constant 0 : i32
          %dma_start3A_41 = tpu.memref_slice %arg6[%mul3A_13, %dma_start3A_40] : memref<320000x256xf32, #tpu.memory_space<hbm>> -> memref<64x256xf32, #tpu.memory_space<hbm>>
          tpu.enqueue_dma source(%arg12 : memref<64x256xf32, #tpu.memory_space<vmem>>) target(%dma_start3A_41 : memref<64x256xf32, #tpu.memory_space<hbm>>) target_semaphore(%run_scoped3A : memref<!tpu.dma_semaphore, #tpu.memory_space<semaphore_mem>>)
          %dma_wait3A_42 = arith.constant 0 : i32
          %dma_wait3A_43 = tpu.memref_slice %arg6[%mul3A_13, %dma_wait3A_42] : memref<320000x256xf32, #tpu.memory_space<hbm>> -> memref<64x256xf32, #tpu.memory_space<hbm>>
          %dma_wait3A_44 = arith.constant 0 : i32
          %dma_wait3A_45 = tpu.memref_slice %arg6[%mul3A_13, %dma_wait3A_44] : memref<320000x256xf32, #tpu.memory_space<hbm>> -> memref<64x256xf32, #tpu.memory_space<hbm>>
          tpu.wait_dma2 semaphore(%run_scoped3A : memref<!tpu.dma_semaphore, #tpu.memory_space<semaphore_mem>>) src(%arg12 : memref<64x256xf32, #tpu.memory_space<vmem>>) dst(%dma_wait3A_45 : memref<64x256xf32, #tpu.memory_space<hbm>>)
          tpu.yield
        }) : () -> ()
        "tpu.region"() ({
          %run_scoped3A = tpu.sem_alloc : memref<!tpu.dma_semaphore, #tpu.memory_space<semaphore_mem>>
          %dma_start3A_38 = arith.constant 0 : i32
          %dma_start3A_39 = tpu.memref_slice %arg7[%mul3A_13, %dma_start3A_38] : memref<320000x16xf32, #tpu.memory_space<hbm>> -> memref<64x16xf32, #tpu.memory_space<hbm>>
          %dma_start3A_40 = arith.constant 0 : i32
          %dma_start3A_41 = tpu.memref_slice %arg7[%mul3A_13, %dma_start3A_40] : memref<320000x16xf32, #tpu.memory_space<hbm>> -> memref<64x16xf32, #tpu.memory_space<hbm>>
          tpu.enqueue_dma source(%arg13 : memref<64x16xf32, #tpu.memory_space<vmem>>) target(%dma_start3A_41 : memref<64x16xf32, #tpu.memory_space<hbm>>) target_semaphore(%run_scoped3A : memref<!tpu.dma_semaphore, #tpu.memory_space<semaphore_mem>>)
          %dma_wait3A_42 = arith.constant 0 : i32
          %dma_wait3A_43 = tpu.memref_slice %arg7[%mul3A_13, %dma_wait3A_42] : memref<320000x16xf32, #tpu.memory_space<hbm>> -> memref<64x16xf32, #tpu.memory_space<hbm>>
          %dma_wait3A_44 = arith.constant 0 : i32
          %dma_wait3A_45 = tpu.memref_slice %arg7[%mul3A_13, %dma_wait3A_44] : memref<320000x16xf32, #tpu.memory_space<hbm>> -> memref<64x16xf32, #tpu.memory_space<hbm>>
          tpu.wait_dma2 semaphore(%run_scoped3A : memref<!tpu.dma_semaphore, #tpu.memory_space<semaphore_mem>>) src(%arg13 : memref<64x16xf32, #tpu.memory_space<vmem>>) dst(%dma_wait3A_45 : memref<64x16xf32, #tpu.memory_space<hbm>>)
          tpu.yield
        }) : () -> ()
      } else {
      }
    }
    %scan3A_5 = arith.constant 157 : i32
    return
  }
}

#map = affine_map<(d0, d1) -> (0)>
#map1 = affine_map<(d0, d1) -> (0, 0)>
module attributes {stable_mosaic.version = 14 : i64} {
  func.func @_emax_kernel(%arg0: i32, %arg1: i32, %arg2: memref<320000xi32, #tpu.memory_space<hbm>>, %arg3: memref<320000x256xf32, #tpu.memory_space<hbm>>, %arg4: memref<2621440xf32, #tpu.memory_space<hbm>>, %arg5: memref<5000xi32, #tpu.memory_space<vmem>>, %arg6: memref<11072xi32, #tpu.memory_space<vmem>>, %arg7: memref<11072xi32, #tpu.memory_space<vmem>>, %arg8: memref<64x256xf32, #tpu.memory_space<vmem>>, %arg9: memref<81920xf32, #tpu.memory_space<vmem>>) attributes {dimension_semantics = [#tpu.dimension_semantics<core_parallel>, #tpu.dimension_semantics<subcore_parallel>], iteration_bounds = array<i64: 2, 16>, scalar_prefetch = 0 : i64, scratch_operands = 5 : i64, tpu.core_type = #tpu.core_type<sc_vector_subcore>, window_params = [{transform_indices = #map}, {transform_indices = #map1}, {transform_indices = #map}]} {
    %mul3A = arith.constant 2 : i32
    %mul3A_0 = arith.muli %arg1, %mul3A : i32
    %add3A = arith.addi %mul3A_0, %arg0 : i32
    %mul3A_1 = arith.constant 320 : i32
    %mul3A_2 = arith.muli %add3A, %mul3A_1 : i32
    %add3A_3 = arith.constant 320 : i32
    %add3A_4 = arith.addi %mul3A_2, %add3A_3 : i32
    %iota3A = tpu.iota {dimensions = array<i32: 0>} : vector<16xi32>
    %broadcast_in_dim3A = arith.constant 0xFF800000 : f32
    %broadcast_in_dim3A_5 = vector.broadcast %broadcast_in_dim3A : f32 to vector<16xf32>
    %broadcast_in_dim3A_6 = arith.constant 0 : i32
    %broadcast_in_dim3A_7 = vector.broadcast %broadcast_in_dim3A_6 : i32 to vector<16xi32>
    %scan3A = arith.constant 0 : i32
    %scan3A_8 = arith.constant 0 : i32
    %scan3A_9 = arith.constant 5120 : i32
    %scan3A_10 = arith.addi %scan3A_8, %scan3A_9 : i32
    %scan3A_11 = arith.constant 1 : i32
    scf.for %scan3A_73 = %scan3A_8 to %scan3A_10 step %scan3A_11  : i32 {
      %mul3A_74 = arith.constant 16 : i32
      %mul3A_75 = arith.muli %scan3A_73, %mul3A_74 : i32
      %swap3A = arith.index_cast %mul3A_75 : i32 to index
      %swap3A_76 = tpu.vector_load %arg9[%swap3A] {strides = array<i32>} : memref<81920xf32, #tpu.memory_space<vmem>>, vector<16xf32>,
      tpu.vector_store %arg9[%swap3A], %broadcast_in_dim3A_5 {strides = array<i32>} : memref<81920xf32, #tpu.memory_space<vmem>>, vector<16xf32>,
    }
    %scan3A_12 = arith.constant 5120 : i32
    %scan3A_13 = arith.constant 0 : i32
    %scan3A_14 = arith.constant 0 : i32
    %scan3A_15 = arith.constant 64 : i32
    %scan3A_16 = arith.addi %scan3A_14, %scan3A_15 : i32
    %scan3A_17 = arith.constant 1 : i32
    %scan3A_18 = scf.for %scan3A_73 = %scan3A_14 to %scan3A_16 step %scan3A_17 iter_args(%scan3A_74 = %scan3A_13) -> (i32)  : i32 {
      %mul3A_75 = arith.constant 5000 : i32
      %mul3A_76 = arith.muli %scan3A_73, %mul3A_75 : i32
      "tpu.region"() ({
        %run_scoped3A = tpu.sem_alloc : memref<!tpu.dma_semaphore, #tpu.memory_space<semaphore_mem>>
        %dma_start3A = tpu.memref_slice %arg2[%mul3A_76] : memref<320000xi32, #tpu.memory_space<hbm>> -> memref<5000xi32, #tpu.memory_space<hbm>>
        %dma_start3A_83 = tpu.memref_slice %arg2[%mul3A_76] : memref<320000xi32, #tpu.memory_space<hbm>> -> memref<5000xi32, #tpu.memory_space<hbm>>
        tpu.enqueue_dma source(%dma_start3A_83 : memref<5000xi32, #tpu.memory_space<hbm>>) target(%arg5 : memref<5000xi32, #tpu.memory_space<vmem>>) target_semaphore(%run_scoped3A : memref<!tpu.dma_semaphore, #tpu.memory_space<semaphore_mem>>)
        %dma_wait3A = tpu.memref_slice %arg2[%mul3A_76] : memref<320000xi32, #tpu.memory_space<hbm>> -> memref<5000xi32, #tpu.memory_space<hbm>>
        %dma_wait3A_84 = tpu.memref_slice %arg2[%mul3A_76] : memref<320000xi32, #tpu.memory_space<hbm>> -> memref<5000xi32, #tpu.memory_space<hbm>>
        tpu.wait_dma2 semaphore(%run_scoped3A : memref<!tpu.dma_semaphore, #tpu.memory_space<semaphore_mem>>) src(%dma_wait3A_84 : memref<5000xi32, #tpu.memory_space<hbm>>) dst(%arg5 : memref<5000xi32, #tpu.memory_space<vmem>>)
        tpu.yield
      }) : () -> ()
      %scan3A_77 = arith.constant 0 : i32
      %scan3A_78 = arith.constant 312 : i32
      %scan3A_79 = arith.addi %scan3A_77, %scan3A_78 : i32
      %scan3A_80 = arith.constant 1 : i32
      %scan3A_81 = scf.for %scan3A_83 = %scan3A_77 to %scan3A_79 step %scan3A_80 iter_args(%scan3A_84 = %scan3A_74) -> (i32)  : i32 {
        %mul3A_85 = arith.constant 16 : i32
        %mul3A_86 = arith.muli %scan3A_83, %mul3A_85 : i32
        %get3A = arith.index_cast %mul3A_86 : i32 to index
        %get3A_87 = tpu.vector_load %arg5[%get3A] {strides = array<i32>} : memref<5000xi32, #tpu.memory_space<vmem>>, vector<16xi32>,
        %ge3A = vector.broadcast %mul3A_2 : i32 to vector<16xi32>
        %ge3A_88 = arith.cmpi sge, %get3A_87, %ge3A : vector<16xi32>
        %lt3A = vector.broadcast %add3A_4 : i32 to vector<16xi32>
        %lt3A_89 = arith.cmpi slt, %get3A_87, %lt3A : vector<16xi32>
        %and3A_90 = arith.andi %ge3A_88, %lt3A_89 : vector<16xi1>
        %convert_element_type3A = arith.extui %and3A_90 : vector<16xi1> to vector<16xi32>
        %broadcast_in_dim3A_91 = arith.constant true
        %broadcast_in_dim3A_92 = vector.broadcast %broadcast_in_dim3A_91 : i1 to vector<16xi1>
        %masked_cumsum3A = tpu.scan <sum>, %convert_element_type3A masked %broadcast_in_dim3A_92 : vector<16xi32>, vector<16xi1> -> vector<16xi32>
        %add3A_93 = vector.broadcast %scan3A_84 : i32 to vector<16xi32>
        %add3A_94 = arith.addi %add3A_93, %masked_cumsum3A : vector<16xi32>
        %sub3A_95 = arith.constant 1 : i32
        %sub3A_96 = vector.broadcast %sub3A_95 : i32 to vector<16xi32>
        %sub3A_97 = arith.subi %add3A_94, %sub3A_96 : vector<16xi32>
        %mul3A_98 = arith.constant 16 : i32
        %mul3A_99 = arith.muli %scan3A_83, %mul3A_98 : i32
        %add3A_100 = arith.addi %mul3A_76, %mul3A_99 : i32
        %add3A_101 = vector.broadcast %add3A_100 : i32 to vector<16xi32>
        %add3A_102 = arith.addi %add3A_101, %iota3A : vector<16xi32>
        tpu.vector_store_idx %arg6[%sub3A_97], %add3A_102 masked %and3A_90 : memref<11072xi32, #tpu.memory_space<vmem>>[vector<16xi32>], vector<16xi32>, vector<16xi1>
        %sub3A_103 = vector.broadcast %mul3A_2 : i32 to vector<16xi32>
        %sub3A_104 = arith.subi %get3A_87, %sub3A_103 : vector<16xi32>
        %mul3A_105 = arith.constant 256 : i32
        %mul3A_106 = vector.broadcast %mul3A_105 : i32 to vector<16xi32>
        %mul3A_107 = arith.muli %sub3A_104, %mul3A_106 : vector<16xi32>
        tpu.vector_store_idx %arg7[%sub3A_97], %mul3A_107 masked %and3A_90 : memref<11072xi32, #tpu.memory_space<vmem>>[vector<16xi32>], vector<16xi32>, vector<16xi1>
        %slice3A = vector.extract_strided_slice %masked_cumsum3A {offsets = [15], sizes = [1], strides = [1]} : vector<16xi32> to vector<1xi32>
        %squeeze3A = vector.extract %slice3A[0] : i32 from vector<1xi32>
        %add3A_108 = arith.addi %scan3A_84, %squeeze3A : i32
        scf.yield %add3A_108 : i32
      }
      %scan3A_82 = arith.constant 312 : i32
      scf.yield %scan3A_81 : i32
    }
    %scan3A_19 = arith.constant 64 : i32
    %add3A_20 = vector.broadcast %scan3A_18 : i32 to vector<16xi32>
    %add3A_21 = arith.addi %add3A_20, %iota3A : vector<16xi32>
    tpu.vector_store_idx %arg6[%add3A_21], %broadcast_in_dim3A_7 : memref<11072xi32, #tpu.memory_space<vmem>>[vector<16xi32>], vector<16xi32>,
    %add3A_22 = arith.constant 16 : i32
    %add3A_23 = arith.addi %scan3A_18, %add3A_22 : i32
    %add3A_24 = vector.broadcast %add3A_23 : i32 to vector<16xi32>
    %add3A_25 = arith.addi %add3A_24, %iota3A : vector<16xi32>
    tpu.vector_store_idx %arg6[%add3A_25], %broadcast_in_dim3A_7 : memref<11072xi32, #tpu.memory_space<vmem>>[vector<16xi32>], vector<16xi32>,
    %add3A_26 = vector.broadcast %scan3A_18 : i32 to vector<16xi32>
    %add3A_27 = arith.addi %add3A_26, %iota3A : vector<16xi32>
    tpu.vector_store_idx %arg7[%add3A_27], %broadcast_in_dim3A_7 : memref<11072xi32, #tpu.memory_space<vmem>>[vector<16xi32>], vector<16xi32>,
    %add3A_28 = arith.constant 16 : i32
    %add3A_29 = arith.addi %scan3A_18, %add3A_28 : i32
    %add3A_30 = vector.broadcast %add3A_29 : i32 to vector<16xi32>
    %add3A_31 = arith.addi %add3A_30, %iota3A : vector<16xi32>
    tpu.vector_store_idx %arg7[%add3A_31], %broadcast_in_dim3A_7 : memref<11072xi32, #tpu.memory_space<vmem>>[vector<16xi32>], vector<16xi32>,
    %add3A_32 = arith.constant 64 : i32
    %add3A_33 = arith.addi %scan3A_18, %add3A_32 : i32
    %sub3A = arith.constant 1 : i32
    %sub3A_34 = arith.subi %add3A_33, %sub3A : i32
    %jit3A = arith.constant 64 : i32
    %div3A = arith.divsi %sub3A_34, %jit3A : i32
    %sign3A = arith.constant 0 : i32
    %sign3A_35 = arith.cmpi sgt, %sub3A_34, %sign3A : i32
    %sign3A_36 = arith.extui %sign3A_35 : i1 to i32
    %sign3A_37 = arith.constant 0 : i32
    %sign3A_38 = arith.cmpi slt, %sub3A_34, %sign3A_37 : i32
    %sign3A_39 = arith.extui %sign3A_38 : i1 to i32
    %sign3A_40 = arith.subi %sign3A_36, %sign3A_39 : i32
    %sign3A_41 = arith.constant 0 : i32
    %sign3A_42 = arith.cmpi sgt, %jit3A, %sign3A_41 : i32
    %sign3A_43 = arith.extui %sign3A_42 : i1 to i32
    %sign3A_44 = arith.constant 0 : i32
    %sign3A_45 = arith.cmpi slt, %jit3A, %sign3A_44 : i32
    %sign3A_46 = arith.extui %sign3A_45 : i1 to i32
    %sign3A_47 = arith.subi %sign3A_43, %sign3A_46 : i32
    %ne3A = arith.cmpi ne, %sign3A_40, %sign3A_47 : i32
    %rem3A = arith.remsi %sub3A_34, %jit3A : i32
    %ne3A_48 = arith.constant 0 : i32
    %ne3A_49 = arith.cmpi ne, %rem3A, %ne3A_48 : i32
    %and3A = arith.andi %ne3A, %ne3A_49 : i1
    %sub3A_50 = arith.constant 1 : i32
    %sub3A_51 = arith.subi %div3A, %sub3A_50 : i32
    %select_n3A = arith.select %and3A, %sub3A_51, %div3A : i32
    %while3A = arith.constant 0 : i32
    %while3A_52 = arith.constant 0 : i32
    %while3A_53 = arith.subi %select_n3A, %while3A_52 : i32
    %while3A_54 = arith.addi %while3A_52, %while3A_53 : i32
    %while3A_55 = arith.constant 1 : i32
    %while3A_56 = arith.divsi %while3A_53, %while3A_55 : i32
    %while3A_57 = arith.muli %while3A_56, %while3A_55 : i32
    %while3A_58 = arith.addi %while3A_52, %while3A_57 : i32
    %while3A_59 = arith.constant 1 : i32
    scf.for %while3A_73 = %while3A_52 to %while3A_58 step %while3A_59  : i32 {
      %mul3A_74 = arith.constant 64 : i32
      %mul3A_75 = arith.muli %while3A_73, %mul3A_74 : i32
      "tpu.region"() ({
        %run_scoped3A = tpu.sem_alloc : memref<!tpu.dma_semaphore, #tpu.memory_space<semaphore_mem>>
        %dma_start3A = tpu.memref_slice %arg6[%mul3A_75] : memref<11072xi32, #tpu.memory_space<vmem>> -> memref<64xi32, #tpu.memory_space<vmem>>
        %dma_start3A_81 = arith.constant 0 : i32
        %dma_start3A_82 = arith.constant 0 : i32
        %dma_start3A_83 = tpu.memref_slice %arg3[%dma_start3A_81, %dma_start3A_82] : memref<320000x256xf32, #tpu.memory_space<hbm>> -> memref<320000x256xf32, #tpu.memory_space<hbm>>
        tpu.enqueue_indirect_dma source(%dma_start3A_83 : memref<320000x256xf32, #tpu.memory_space<hbm>>) target(%arg8 : memref<64x256xf32, #tpu.memory_space<vmem>>) offsets(%dma_start3A : memref<64xi32, #tpu.memory_space<vmem>>) semaphore(%run_scoped3A : memref<!tpu.dma_semaphore, #tpu.memory_space<semaphore_mem>>)
        %dma_wait3A = tpu.memref_slice %arg6[%mul3A_75] : memref<11072xi32, #tpu.memory_space<vmem>> -> memref<64xi32, #tpu.memory_space<vmem>>
        %dma_wait3A_84 = arith.constant 0 : i32
        %dma_wait3A_85 = arith.constant 0 : i32
        %dma_wait3A_86 = tpu.memref_slice %arg3[%dma_wait3A_84, %dma_wait3A_85] : memref<320000x256xf32, #tpu.memory_space<hbm>> -> memref<320000x256xf32, #tpu.memory_space<hbm>>
        tpu.wait_indirect_dma semaphore(%run_scoped3A : memref<!tpu.dma_semaphore, #tpu.memory_space<semaphore_mem>>) src(%dma_wait3A_86 : memref<320000x256xf32, #tpu.memory_space<hbm>>) dst(%arg8 : memref<64x256xf32, #tpu.memory_space<vmem>>)
        tpu.yield
      }) : () -> ()
      %scan3A_76 = arith.constant 0 : i32
      %scan3A_77 = arith.constant 64 : i32
      %scan3A_78 = arith.addi %scan3A_76, %scan3A_77 : i32
      %scan3A_79 = arith.constant 1 : i32
      scf.for %scan3A_81 = %scan3A_76 to %scan3A_78 step %scan3A_79  : i32 {
        %mul3A_82 = arith.constant 64 : i32
        %mul3A_83 = arith.muli %while3A_73, %mul3A_82 : i32
        %add3A_84 = arith.addi %mul3A_83, %scan3A_81 : i32
        %lt3A = arith.cmpi slt, %add3A_84, %scan3A_18 : i32
        %convert_element_type3A = arith.extui %lt3A : i1 to i32
        %cond3A = arith.constant 0 : i32
        %cond3A_85 = arith.cmpi ne, %convert_element_type3A, %cond3A : i32
        scf.if %cond3A_85 {
          %mul3A_86 = arith.constant 64 : i32
          %mul3A_87 = arith.muli %while3A_73, %mul3A_86 : i32
          %add3A_88 = arith.addi %mul3A_87, %scan3A_81 : i32
          %get3A = arith.index_cast %add3A_88 : i32 to index
          %get3A_89 = tpu.vector_load %arg7[%get3A] {strides = array<i32>} : memref<11072xi32, #tpu.memory_space<vmem>>, vector<16xi32>,
          %slice3A = vector.extract_strided_slice %get3A_89 {offsets = [0], sizes = [1], strides = [1]} : vector<16xi32> to vector<1xi32>
          %squeeze3A = vector.extract %slice3A[0] : i32 from vector<1xi32>
          %add3A_90 = arith.constant 0 : i32
          %add3A_91 = arith.addi %squeeze3A, %add3A_90 : i32
          %get3A_92 = arith.index_cast %add3A_91 : i32 to index
          %get3A_93 = tpu.vector_load %arg9[%get3A_92] {strides = array<i32>} : memref<81920xf32, #tpu.memory_space<vmem>>, vector<16xf32>,
          %add3A_94 = arith.constant 0 : i32
          %add3A_95 = arith.addi %squeeze3A, %add3A_94 : i32
          %add3A_96 = vector.broadcast %add3A_95 : i32 to vector<16xi32>
          %add3A_97 = arith.addi %add3A_96, %iota3A : vector<16xi32>
          %get3A_98 = arith.index_cast %scan3A_81 : i32 to index
          %get3A_99 = arith.constant 0 : index
          %get3A_100 = tpu.vector_load %arg8[%get3A_98, %get3A_99] {strides = array<i32>} : memref<64x256xf32, #tpu.memory_space<vmem>>, vector<16xf32>,
          %max3A = arith.maximumf %get3A_93, %get3A_100 : vector<16xf32>
          tpu.vector_store_idx %arg9[%add3A_97], %max3A : memref<81920xf32, #tpu.memory_space<vmem>>[vector<16xi32>], vector<16xf32>,
          %add3A_101 = arith.constant 16 : i32
          %add3A_102 = arith.addi %squeeze3A, %add3A_101 : i32
          %get3A_103 = arith.index_cast %add3A_102 : i32 to index
          %get3A_104 = tpu.vector_load %arg9[%get3A_103] {strides = array<i32>} : memref<81920xf32, #tpu.memory_space<vmem>>, vector<16xf32>,
          %add3A_105 = arith.constant 16 : i32
          %add3A_106 = arith.addi %squeeze3A, %add3A_105 : i32
          %add3A_107 = vector.broadcast %add3A_106 : i32 to vector<16xi32>
          %add3A_108 = arith.addi %add3A_107, %iota3A : vector<16xi32>
          %get3A_109 = arith.index_cast %scan3A_81 : i32 to index
          %get3A_110 = arith.constant 16 : index
          %get3A_111 = tpu.vector_load %arg8[%get3A_109, %get3A_110] {strides = array<i32>} : memref<64x256xf32, #tpu.memory_space<vmem>>, vector<16xf32>,
          %max3A_112 = arith.maximumf %get3A_104, %get3A_111 : vector<16xf32>
          tpu.vector_store_idx %arg9[%add3A_108], %max3A_112 : memref<81920xf32, #tpu.memory_space<vmem>>[vector<16xi32>], vector<16xf32>,
          %add3A_113 = arith.constant 32 : i32
          %add3A_114 = arith.addi %squeeze3A, %add3A_113 : i32
          %get3A_115 = arith.index_cast %add3A_114 : i32 to index
          %get3A_116 = tpu.vector_load %arg9[%get3A_115] {strides = array<i32>} : memref<81920xf32, #tpu.memory_space<vmem>>, vector<16xf32>,
          %add3A_117 = arith.constant 32 : i32
          %add3A_118 = arith.addi %squeeze3A, %add3A_117 : i32
          %add3A_119 = vector.broadcast %add3A_118 : i32 to vector<16xi32>
          %add3A_120 = arith.addi %add3A_119, %iota3A : vector<16xi32>
          %get3A_121 = arith.index_cast %scan3A_81 : i32 to index
          %get3A_122 = arith.constant 32 : index
          %get3A_123 = tpu.vector_load %arg8[%get3A_121, %get3A_122] {strides = array<i32>} : memref<64x256xf32, #tpu.memory_space<vmem>>, vector<16xf32>,
          %max3A_124 = arith.maximumf %get3A_116, %get3A_123 : vector<16xf32>
          tpu.vector_store_idx %arg9[%add3A_120], %max3A_124 : memref<81920xf32, #tpu.memory_space<vmem>>[vector<16xi32>], vector<16xf32>,
          %add3A_125 = arith.constant 48 : i32
          %add3A_126 = arith.addi %squeeze3A, %add3A_125 : i32
          %get3A_127 = arith.index_cast %add3A_126 : i32 to index
          %get3A_128 = tpu.vector_load %arg9[%get3A_127] {strides = array<i32>} : memref<81920xf32, #tpu.memory_space<vmem>>, vector<16xf32>,
          %add3A_129 = arith.constant 48 : i32
          %add3A_130 = arith.addi %squeeze3A, %add3A_129 : i32
          %add3A_131 = vector.broadcast %add3A_130 : i32 to vector<16xi32>
          %add3A_132 = arith.addi %add3A_131, %iota3A : vector<16xi32>
          %get3A_133 = arith.index_cast %scan3A_81 : i32 to index
          %get3A_134 = arith.constant 48 : index
          %get3A_135 = tpu.vector_load %arg8[%get3A_133, %get3A_134] {strides = array<i32>} : memref<64x256xf32, #tpu.memory_space<vmem>>, vector<16xf32>,
          %max3A_136 = arith.maximumf %get3A_128, %get3A_135 : vector<16xf32>
          tpu.vector_store_idx %arg9[%add3A_132], %max3A_136 : memref<81920xf32, #tpu.memory_space<vmem>>[vector<16xi32>], vector<16xf32>,
          %add3A_137 = arith.constant 64 : i32
          %add3A_138 = arith.addi %squeeze3A, %add3A_137 : i32
          %get3A_139 = arith.index_cast %add3A_138 : i32 to index
          %get3A_140 = tpu.vector_load %arg9[%get3A_139] {strides = array<i32>} : memref<81920xf32, #tpu.memory_space<vmem>>, vector<16xf32>,
          %add3A_141 = arith.constant 64 : i32
          %add3A_142 = arith.addi %squeeze3A, %add3A_141 : i32
          %add3A_143 = vector.broadcast %add3A_142 : i32 to vector<16xi32>
          %add3A_144 = arith.addi %add3A_143, %iota3A : vector<16xi32>
          %get3A_145 = arith.index_cast %scan3A_81 : i32 to index
          %get3A_146 = arith.constant 64 : index
          %get3A_147 = tpu.vector_load %arg8[%get3A_145, %get3A_146] {strides = array<i32>} : memref<64x256xf32, #tpu.memory_space<vmem>>, vector<16xf32>,
          %max3A_148 = arith.maximumf %get3A_140, %get3A_147 : vector<16xf32>
          tpu.vector_store_idx %arg9[%add3A_144], %max3A_148 : memref<81920xf32, #tpu.memory_space<vmem>>[vector<16xi32>], vector<16xf32>,
          %add3A_149 = arith.constant 80 : i32
          %add3A_150 = arith.addi %squeeze3A, %add3A_149 : i32
          %get3A_151 = arith.index_cast %add3A_150 : i32 to index
          %get3A_152 = tpu.vector_load %arg9[%get3A_151] {strides = array<i32>} : memref<81920xf32, #tpu.memory_space<vmem>>, vector<16xf32>,
          %add3A_153 = arith.constant 80 : i32
          %add3A_154 = arith.addi %squeeze3A, %add3A_153 : i32
          %add3A_155 = vector.broadcast %add3A_154 : i32 to vector<16xi32>
          %add3A_156 = arith.addi %add3A_155, %iota3A : vector<16xi32>
          %get3A_157 = arith.index_cast %scan3A_81 : i32 to index
          %get3A_158 = arith.constant 80 : index
          %get3A_159 = tpu.vector_load %arg8[%get3A_157, %get3A_158] {strides = array<i32>} : memref<64x256xf32, #tpu.memory_space<vmem>>, vector<16xf32>,
          %max3A_160 = arith.maximumf %get3A_152, %get3A_159 : vector<16xf32>
          tpu.vector_store_idx %arg9[%add3A_156], %max3A_160 : memref<81920xf32, #tpu.memory_space<vmem>>[vector<16xi32>], vector<16xf32>,
          %add3A_161 = arith.constant 96 : i32
          %add3A_162 = arith.addi %squeeze3A, %add3A_161 : i32
          %get3A_163 = arith.index_cast %add3A_162 : i32 to index
          %get3A_164 = tpu.vector_load %arg9[%get3A_163] {strides = array<i32>} : memref<81920xf32, #tpu.memory_space<vmem>>, vector<16xf32>,
          %add3A_165 = arith.constant 96 : i32
          %add3A_166 = arith.addi %squeeze3A, %add3A_165 : i32
          %add3A_167 = vector.broadcast %add3A_166 : i32 to vector<16xi32>
          %add3A_168 = arith.addi %add3A_167, %iota3A : vector<16xi32>
          %get3A_169 = arith.index_cast %scan3A_81 : i32 to index
          %get3A_170 = arith.constant 96 : index
          %get3A_171 = tpu.vector_load %arg8[%get3A_169, %get3A_170] {strides = array<i32>} : memref<64x256xf32, #tpu.memory_space<vmem>>, vector<16xf32>,
          %max3A_172 = arith.maximumf %get3A_164, %get3A_171 : vector<16xf32>
          tpu.vector_store_idx %arg9[%add3A_168], %max3A_172 : memref<81920xf32, #tpu.memory_space<vmem>>[vector<16xi32>], vector<16xf32>,
          %add3A_173 = arith.constant 112 : i32
          %add3A_174 = arith.addi %squeeze3A, %add3A_173 : i32
          %get3A_175 = arith.index_cast %add3A_174 : i32 to index
          %get3A_176 = tpu.vector_load %arg9[%get3A_175] {strides = array<i32>} : memref<81920xf32, #tpu.memory_space<vmem>>, vector<16xf32>,
          %add3A_177 = arith.constant 112 : i32
          %add3A_178 = arith.addi %squeeze3A, %add3A_177 : i32
          %add3A_179 = vector.broadcast %add3A_178 : i32 to vector<16xi32>
          %add3A_180 = arith.addi %add3A_179, %iota3A : vector<16xi32>
          %get3A_181 = arith.index_cast %scan3A_81 : i32 to index
          %get3A_182 = arith.constant 112 : index
          %get3A_183 = tpu.vector_load %arg8[%get3A_181, %get3A_182] {strides = array<i32>} : memref<64x256xf32, #tpu.memory_space<vmem>>, vector<16xf32>,
          %max3A_184 = arith.maximumf %get3A_176, %get3A_183 : vector<16xf32>
          tpu.vector_store_idx %arg9[%add3A_180], %max3A_184 : memref<81920xf32, #tpu.memory_space<vmem>>[vector<16xi32>], vector<16xf32>,
          %add3A_185 = arith.constant 128 : i32
          %add3A_186 = arith.addi %squeeze3A, %add3A_185 : i32
          %get3A_187 = arith.index_cast %add3A_186 : i32 to index
          %get3A_188 = tpu.vector_load %arg9[%get3A_187] {strides = array<i32>} : memref<81920xf32, #tpu.memory_space<vmem>>, vector<16xf32>,
          %add3A_189 = arith.constant 128 : i32
          %add3A_190 = arith.addi %squeeze3A, %add3A_189 : i32
          %add3A_191 = vector.broadcast %add3A_190 : i32 to vector<16xi32>
          %add3A_192 = arith.addi %add3A_191, %iota3A : vector<16xi32>
          %get3A_193 = arith.index_cast %scan3A_81 : i32 to index
          %get3A_194 = arith.constant 128 : index
          %get3A_195 = tpu.vector_load %arg8[%get3A_193, %get3A_194] {strides = array<i32>} : memref<64x256xf32, #tpu.memory_space<vmem>>, vector<16xf32>,
          %max3A_196 = arith.maximumf %get3A_188, %get3A_195 : vector<16xf32>
          tpu.vector_store_idx %arg9[%add3A_192], %max3A_196 : memref<81920xf32, #tpu.memory_space<vmem>>[vector<16xi32>], vector<16xf32>,
          %add3A_197 = arith.constant 144 : i32
          %add3A_198 = arith.addi %squeeze3A, %add3A_197 : i32
          %get3A_199 = arith.index_cast %add3A_198 : i32 to index
          %get3A_200 = tpu.vector_load %arg9[%get3A_199] {strides = array<i32>} : memref<81920xf32, #tpu.memory_space<vmem>>, vector<16xf32>,
          %add3A_201 = arith.constant 144 : i32
          %add3A_202 = arith.addi %squeeze3A, %add3A_201 : i32
          %add3A_203 = vector.broadcast %add3A_202 : i32 to vector<16xi32>
          %add3A_204 = arith.addi %add3A_203, %iota3A : vector<16xi32>
          %get3A_205 = arith.index_cast %scan3A_81 : i32 to index
          %get3A_206 = arith.constant 144 : index
          %get3A_207 = tpu.vector_load %arg8[%get3A_205, %get3A_206] {strides = array<i32>} : memref<64x256xf32, #tpu.memory_space<vmem>>, vector<16xf32>,
          %max3A_208 = arith.maximumf %get3A_200, %get3A_207 : vector<16xf32>
          tpu.vector_store_idx %arg9[%add3A_204], %max3A_208 : memref<81920xf32, #tpu.memory_space<vmem>>[vector<16xi32>], vector<16xf32>,
          %add3A_209 = arith.constant 160 : i32
          %add3A_210 = arith.addi %squeeze3A, %add3A_209 : i32
          %get3A_211 = arith.index_cast %add3A_210 : i32 to index
          %get3A_212 = tpu.vector_load %arg9[%get3A_211] {strides = array<i32>} : memref<81920xf32, #tpu.memory_space<vmem>>, vector<16xf32>,
          %add3A_213 = arith.constant 160 : i32
          %add3A_214 = arith.addi %squeeze3A, %add3A_213 : i32
          %add3A_215 = vector.broadcast %add3A_214 : i32 to vector<16xi32>
          %add3A_216 = arith.addi %add3A_215, %iota3A : vector<16xi32>
          %get3A_217 = arith.index_cast %scan3A_81 : i32 to index
          %get3A_218 = arith.constant 160 : index
          %get3A_219 = tpu.vector_load %arg8[%get3A_217, %get3A_218] {strides = array<i32>} : memref<64x256xf32, #tpu.memory_space<vmem>>, vector<16xf32>,
          %max3A_220 = arith.maximumf %get3A_212, %get3A_219 : vector<16xf32>
          tpu.vector_store_idx %arg9[%add3A_216], %max3A_220 : memref<81920xf32, #tpu.memory_space<vmem>>[vector<16xi32>], vector<16xf32>,
          %add3A_221 = arith.constant 176 : i32
          %add3A_222 = arith.addi %squeeze3A, %add3A_221 : i32
          %get3A_223 = arith.index_cast %add3A_222 : i32 to index
          %get3A_224 = tpu.vector_load %arg9[%get3A_223] {strides = array<i32>} : memref<81920xf32, #tpu.memory_space<vmem>>, vector<16xf32>,
          %add3A_225 = arith.constant 176 : i32
          %add3A_226 = arith.addi %squeeze3A, %add3A_225 : i32
          %add3A_227 = vector.broadcast %add3A_226 : i32 to vector<16xi32>
          %add3A_228 = arith.addi %add3A_227, %iota3A : vector<16xi32>
          %get3A_229 = arith.index_cast %scan3A_81 : i32 to index
          %get3A_230 = arith.constant 176 : index
          %get3A_231 = tpu.vector_load %arg8[%get3A_229, %get3A_230] {strides = array<i32>} : memref<64x256xf32, #tpu.memory_space<vmem>>, vector<16xf32>,
          %max3A_232 = arith.maximumf %get3A_224, %get3A_231 : vector<16xf32>
          tpu.vector_store_idx %arg9[%add3A_228], %max3A_232 : memref<81920xf32, #tpu.memory_space<vmem>>[vector<16xi32>], vector<16xf32>,
          %add3A_233 = arith.constant 192 : i32
          %add3A_234 = arith.addi %squeeze3A, %add3A_233 : i32
          %get3A_235 = arith.index_cast %add3A_234 : i32 to index
          %get3A_236 = tpu.vector_load %arg9[%get3A_235] {strides = array<i32>} : memref<81920xf32, #tpu.memory_space<vmem>>, vector<16xf32>,
          %add3A_237 = arith.constant 192 : i32
          %add3A_238 = arith.addi %squeeze3A, %add3A_237 : i32
          %add3A_239 = vector.broadcast %add3A_238 : i32 to vector<16xi32>
          %add3A_240 = arith.addi %add3A_239, %iota3A : vector<16xi32>
          %get3A_241 = arith.index_cast %scan3A_81 : i32 to index
          %get3A_242 = arith.constant 192 : index
          %get3A_243 = tpu.vector_load %arg8[%get3A_241, %get3A_242] {strides = array<i32>} : memref<64x256xf32, #tpu.memory_space<vmem>>, vector<16xf32>,
          %max3A_244 = arith.maximumf %get3A_236, %get3A_243 : vector<16xf32>
          tpu.vector_store_idx %arg9[%add3A_240], %max3A_244 : memref<81920xf32, #tpu.memory_space<vmem>>[vector<16xi32>], vector<16xf32>,
          %add3A_245 = arith.constant 208 : i32
          %add3A_246 = arith.addi %squeeze3A, %add3A_245 : i32
          %get3A_247 = arith.index_cast %add3A_246 : i32 to index
          %get3A_248 = tpu.vector_load %arg9[%get3A_247] {strides = array<i32>} : memref<81920xf32, #tpu.memory_space<vmem>>, vector<16xf32>,
          %add3A_249 = arith.constant 208 : i32
          %add3A_250 = arith.addi %squeeze3A, %add3A_249 : i32
          %add3A_251 = vector.broadcast %add3A_250 : i32 to vector<16xi32>
          %add3A_252 = arith.addi %add3A_251, %iota3A : vector<16xi32>
          %get3A_253 = arith.index_cast %scan3A_81 : i32 to index
          %get3A_254 = arith.constant 208 : index
          %get3A_255 = tpu.vector_load %arg8[%get3A_253, %get3A_254] {strides = array<i32>} : memref<64x256xf32, #tpu.memory_space<vmem>>, vector<16xf32>,
          %max3A_256 = arith.maximumf %get3A_248, %get3A_255 : vector<16xf32>
          tpu.vector_store_idx %arg9[%add3A_252], %max3A_256 : memref<81920xf32, #tpu.memory_space<vmem>>[vector<16xi32>], vector<16xf32>,
          %add3A_257 = arith.constant 224 : i32
          %add3A_258 = arith.addi %squeeze3A, %add3A_257 : i32
          %get3A_259 = arith.index_cast %add3A_258 : i32 to index
          %get3A_260 = tpu.vector_load %arg9[%get3A_259] {strides = array<i32>} : memref<81920xf32, #tpu.memory_space<vmem>>, vector<16xf32>,
          %add3A_261 = arith.constant 224 : i32
          %add3A_262 = arith.addi %squeeze3A, %add3A_261 : i32
          %add3A_263 = vector.broadcast %add3A_262 : i32 to vector<16xi32>
          %add3A_264 = arith.addi %add3A_263, %iota3A : vector<16xi32>
          %get3A_265 = arith.index_cast %scan3A_81 : i32 to index
          %get3A_266 = arith.constant 224 : index
          %get3A_267 = tpu.vector_load %arg8[%get3A_265, %get3A_266] {strides = array<i32>} : memref<64x256xf32, #tpu.memory_space<vmem>>, vector<16xf32>,
          %max3A_268 = arith.maximumf %get3A_260, %get3A_267 : vector<16xf32>
          tpu.vector_store_idx %arg9[%add3A_264], %max3A_268 : memref<81920xf32, #tpu.memory_space<vmem>>[vector<16xi32>], vector<16xf32>,
          %add3A_269 = arith.constant 240 : i32
          %add3A_270 = arith.addi %squeeze3A, %add3A_269 : i32
          %get3A_271 = arith.index_cast %add3A_270 : i32 to index
          %get3A_272 = tpu.vector_load %arg9[%get3A_271] {strides = array<i32>} : memref<81920xf32, #tpu.memory_space<vmem>>, vector<16xf32>,
          %add3A_273 = arith.constant 240 : i32
          %add3A_274 = arith.addi %squeeze3A, %add3A_273 : i32
          %add3A_275 = vector.broadcast %add3A_274 : i32 to vector<16xi32>
          %add3A_276 = arith.addi %add3A_275, %iota3A : vector<16xi32>
          %get3A_277 = arith.index_cast %scan3A_81 : i32 to index
          %get3A_278 = arith.constant 240 : index
          %get3A_279 = tpu.vector_load %arg8[%get3A_277, %get3A_278] {strides = array<i32>} : memref<64x256xf32, #tpu.memory_space<vmem>>, vector<16xf32>,
          %max3A_280 = arith.maximumf %get3A_272, %get3A_279 : vector<16xf32>
          tpu.vector_store_idx %arg9[%add3A_276], %max3A_280 : memref<81920xf32, #tpu.memory_space<vmem>>[vector<16xi32>], vector<16xf32>,
        } else {
        }
      }
      %scan3A_80 = arith.constant 64 : i32
    }
    %while3A_60 = arith.constant 1 : i32
    scf.for %while3A_73 = %while3A_58 to %while3A_54 step %while3A_60  : i32 {
      %mul3A_74 = arith.constant 64 : i32
      %mul3A_75 = arith.muli %while3A_73, %mul3A_74 : i32
      "tpu.region"() ({
        %run_scoped3A = tpu.sem_alloc : memref<!tpu.dma_semaphore, #tpu.memory_space<semaphore_mem>>
        %dma_start3A = tpu.memref_slice %arg6[%mul3A_75] : memref<11072xi32, #tpu.memory_space<vmem>> -> memref<64xi32, #tpu.memory_space<vmem>>
        %dma_start3A_81 = arith.constant 0 : i32
        %dma_start3A_82 = arith.constant 0 : i32
        %dma_start3A_83 = tpu.memref_slice %arg3[%dma_start3A_81, %dma_start3A_82] : memref<320000x256xf32, #tpu.memory_space<hbm>> -> memref<320000x256xf32, #tpu.memory_space<hbm>>
        tpu.enqueue_indirect_dma source(%dma_start3A_83 : memref<320000x256xf32, #tpu.memory_space<hbm>>) target(%arg8 : memref<64x256xf32, #tpu.memory_space<vmem>>) offsets(%dma_start3A : memref<64xi32, #tpu.memory_space<vmem>>) semaphore(%run_scoped3A : memref<!tpu.dma_semaphore, #tpu.memory_space<semaphore_mem>>)
        %dma_wait3A = tpu.memref_slice %arg6[%mul3A_75] : memref<11072xi32, #tpu.memory_space<vmem>> -> memref<64xi32, #tpu.memory_space<vmem>>
        %dma_wait3A_84 = arith.constant 0 : i32
        %dma_wait3A_85 = arith.constant 0 : i32
        %dma_wait3A_86 = tpu.memref_slice %arg3[%dma_wait3A_84, %dma_wait3A_85] : memref<320000x256xf32, #tpu.memory_space<hbm>> -> memref<320000x256xf32, #tpu.memory_space<hbm>>
        tpu.wait_indirect_dma semaphore(%run_scoped3A : memref<!tpu.dma_semaphore, #tpu.memory_space<semaphore_mem>>) src(%dma_wait3A_86 : memref<320000x256xf32, #tpu.memory_space<hbm>>) dst(%arg8 : memref<64x256xf32, #tpu.memory_space<vmem>>)
        tpu.yield
      }) : () -> ()
      %scan3A_76 = arith.constant 0 : i32
      %scan3A_77 = arith.constant 64 : i32
      %scan3A_78 = arith.addi %scan3A_76, %scan3A_77 : i32
      %scan3A_79 = arith.constant 1 : i32
      scf.for %scan3A_81 = %scan3A_76 to %scan3A_78 step %scan3A_79  : i32 {
        %mul3A_82 = arith.constant 64 : i32
        %mul3A_83 = arith.muli %while3A_73, %mul3A_82 : i32
        %add3A_84 = arith.addi %mul3A_83, %scan3A_81 : i32
        %lt3A = arith.cmpi slt, %add3A_84, %scan3A_18 : i32
        %convert_element_type3A = arith.extui %lt3A : i1 to i32
        %cond3A = arith.constant 0 : i32
        %cond3A_85 = arith.cmpi ne, %convert_element_type3A, %cond3A : i32
        scf.if %cond3A_85 {
          %mul3A_86 = arith.constant 64 : i32
          %mul3A_87 = arith.muli %while3A_73, %mul3A_86 : i32
          %add3A_88 = arith.addi %mul3A_87, %scan3A_81 : i32
          %get3A = arith.index_cast %add3A_88 : i32 to index
          %get3A_89 = tpu.vector_load %arg7[%get3A] {strides = array<i32>} : memref<11072xi32, #tpu.memory_space<vmem>>, vector<16xi32>,
          %slice3A = vector.extract_strided_slice %get3A_89 {offsets = [0], sizes = [1], strides = [1]} : vector<16xi32> to vector<1xi32>
          %squeeze3A = vector.extract %slice3A[0] : i32 from vector<1xi32>
          %add3A_90 = arith.constant 0 : i32
          %add3A_91 = arith.addi %squeeze3A, %add3A_90 : i32
          %get3A_92 = arith.index_cast %add3A_91 : i32 to index
          %get3A_93 = tpu.vector_load %arg9[%get3A_92] {strides = array<i32>} : memref<81920xf32, #tpu.memory_space<vmem>>, vector<16xf32>,
          %add3A_94 = arith.constant 0 : i32
          %add3A_95 = arith.addi %squeeze3A, %add3A_94 : i32
          %add3A_96 = vector.broadcast %add3A_95 : i32 to vector<16xi32>
          %add3A_97 = arith.addi %add3A_96, %iota3A : vector<16xi32>
          %get3A_98 = arith.index_cast %scan3A_81 : i32 to index
          %get3A_99 = arith.constant 0 : index
          %get3A_100 = tpu.vector_load %arg8[%get3A_98, %get3A_99] {strides = array<i32>} : memref<64x256xf32, #tpu.memory_space<vmem>>, vector<16xf32>,
          %max3A = arith.maximumf %get3A_93, %get3A_100 : vector<16xf32>
          tpu.vector_store_idx %arg9[%add3A_97], %max3A : memref<81920xf32, #tpu.memory_space<vmem>>[vector<16xi32>], vector<16xf32>,
          %add3A_101 = arith.constant 16 : i32
          %add3A_102 = arith.addi %squeeze3A, %add3A_101 : i32
          %get3A_103 = arith.index_cast %add3A_102 : i32 to index
          %get3A_104 = tpu.vector_load %arg9[%get3A_103] {strides = array<i32>} : memref<81920xf32, #tpu.memory_space<vmem>>, vector<16xf32>,
          %add3A_105 = arith.constant 16 : i32
          %add3A_106 = arith.addi %squeeze3A, %add3A_105 : i32
          %add3A_107 = vector.broadcast %add3A_106 : i32 to vector<16xi32>
          %add3A_108 = arith.addi %add3A_107, %iota3A : vector<16xi32>
          %get3A_109 = arith.index_cast %scan3A_81 : i32 to index
          %get3A_110 = arith.constant 16 : index
          %get3A_111 = tpu.vector_load %arg8[%get3A_109, %get3A_110] {strides = array<i32>} : memref<64x256xf32, #tpu.memory_space<vmem>>, vector<16xf32>,
          %max3A_112 = arith.maximumf %get3A_104, %get3A_111 : vector<16xf32>
          tpu.vector_store_idx %arg9[%add3A_108], %max3A_112 : memref<81920xf32, #tpu.memory_space<vmem>>[vector<16xi32>], vector<16xf32>,
          %add3A_113 = arith.constant 32 : i32
          %add3A_114 = arith.addi %squeeze3A, %add3A_113 : i32
          %get3A_115 = arith.index_cast %add3A_114 : i32 to index
          %get3A_116 = tpu.vector_load %arg9[%get3A_115] {strides = array<i32>} : memref<81920xf32, #tpu.memory_space<vmem>>, vector<16xf32>,
          %add3A_117 = arith.constant 32 : i32
          %add3A_118 = arith.addi %squeeze3A, %add3A_117 : i32
          %add3A_119 = vector.broadcast %add3A_118 : i32 to vector<16xi32>
          %add3A_120 = arith.addi %add3A_119, %iota3A : vector<16xi32>
          %get3A_121 = arith.index_cast %scan3A_81 : i32 to index
          %get3A_122 = arith.constant 32 : index
          %get3A_123 = tpu.vector_load %arg8[%get3A_121, %get3A_122] {strides = array<i32>} : memref<64x256xf32, #tpu.memory_space<vmem>>, vector<16xf32>,
          %max3A_124 = arith.maximumf %get3A_116, %get3A_123 : vector<16xf32>
          tpu.vector_store_idx %arg9[%add3A_120], %max3A_124 : memref<81920xf32, #tpu.memory_space<vmem>>[vector<16xi32>], vector<16xf32>,
          %add3A_125 = arith.constant 48 : i32
          %add3A_126 = arith.addi %squeeze3A, %add3A_125 : i32
          %get3A_127 = arith.index_cast %add3A_126 : i32 to index
          %get3A_128 = tpu.vector_load %arg9[%get3A_127] {strides = array<i32>} : memref<81920xf32, #tpu.memory_space<vmem>>, vector<16xf32>,
          %add3A_129 = arith.constant 48 : i32
          %add3A_130 = arith.addi %squeeze3A, %add3A_129 : i32
          %add3A_131 = vector.broadcast %add3A_130 : i32 to vector<16xi32>
          %add3A_132 = arith.addi %add3A_131, %iota3A : vector<16xi32>
          %get3A_133 = arith.index_cast %scan3A_81 : i32 to index
          %get3A_134 = arith.constant 48 : index
          %get3A_135 = tpu.vector_load %arg8[%get3A_133, %get3A_134] {strides = array<i32>} : memref<64x256xf32, #tpu.memory_space<vmem>>, vector<16xf32>,
          %max3A_136 = arith.maximumf %get3A_128, %get3A_135 : vector<16xf32>
          tpu.vector_store_idx %arg9[%add3A_132], %max3A_136 : memref<81920xf32, #tpu.memory_space<vmem>>[vector<16xi32>], vector<16xf32>,
          %add3A_137 = arith.constant 64 : i32
          %add3A_138 = arith.addi %squeeze3A, %add3A_137 : i32
          %get3A_139 = arith.index_cast %add3A_138 : i32 to index
          %get3A_140 = tpu.vector_load %arg9[%get3A_139] {strides = array<i32>} : memref<81920xf32, #tpu.memory_space<vmem>>, vector<16xf32>,
          %add3A_141 = arith.constant 64 : i32
          %add3A_142 = arith.addi %squeeze3A, %add3A_141 : i32
          %add3A_143 = vector.broadcast %add3A_142 : i32 to vector<16xi32>
          %add3A_144 = arith.addi %add3A_143, %iota3A : vector<16xi32>
          %get3A_145 = arith.index_cast %scan3A_81 : i32 to index
          %get3A_146 = arith.constant 64 : index
          %get3A_147 = tpu.vector_load %arg8[%get3A_145, %get3A_146] {strides = array<i32>} : memref<64x256xf32, #tpu.memory_space<vmem>>, vector<16xf32>,
          %max3A_148 = arith.maximumf %get3A_140, %get3A_147 : vector<16xf32>
          tpu.vector_store_idx %arg9[%add3A_144], %max3A_148 : memref<81920xf32, #tpu.memory_space<vmem>>[vector<16xi32>], vector<16xf32>,
          %add3A_149 = arith.constant 80 : i32
          %add3A_150 = arith.addi %squeeze3A, %add3A_149 : i32
          %get3A_151 = arith.index_cast %add3A_150 : i32 to index
          %get3A_152 = tpu.vector_load %arg9[%get3A_151] {strides = array<i32>} : memref<81920xf32, #tpu.memory_space<vmem>>, vector<16xf32>,
          %add3A_153 = arith.constant 80 : i32
          %add3A_154 = arith.addi %squeeze3A, %add3A_153 : i32
          %add3A_155 = vector.broadcast %add3A_154 : i32 to vector<16xi32>
          %add3A_156 = arith.addi %add3A_155, %iota3A : vector<16xi32>
          %get3A_157 = arith.index_cast %scan3A_81 : i32 to index
          %get3A_158 = arith.constant 80 : index
          %get3A_159 = tpu.vector_load %arg8[%get3A_157, %get3A_158] {strides = array<i32>} : memref<64x256xf32, #tpu.memory_space<vmem>>, vector<16xf32>,
          %max3A_160 = arith.maximumf %get3A_152, %get3A_159 : vector<16xf32>
          tpu.vector_store_idx %arg9[%add3A_156], %max3A_160 : memref<81920xf32, #tpu.memory_space<vmem>>[vector<16xi32>], vector<16xf32>,
          %add3A_161 = arith.constant 96 : i32
          %add3A_162 = arith.addi %squeeze3A, %add3A_161 : i32
          %get3A_163 = arith.index_cast %add3A_162 : i32 to index
          %get3A_164 = tpu.vector_load %arg9[%get3A_163] {strides = array<i32>} : memref<81920xf32, #tpu.memory_space<vmem>>, vector<16xf32>,
          %add3A_165 = arith.constant 96 : i32
          %add3A_166 = arith.addi %squeeze3A, %add3A_165 : i32
          %add3A_167 = vector.broadcast %add3A_166 : i32 to vector<16xi32>
          %add3A_168 = arith.addi %add3A_167, %iota3A : vector<16xi32>
          %get3A_169 = arith.index_cast %scan3A_81 : i32 to index
          %get3A_170 = arith.constant 96 : index
          %get3A_171 = tpu.vector_load %arg8[%get3A_169, %get3A_170] {strides = array<i32>} : memref<64x256xf32, #tpu.memory_space<vmem>>, vector<16xf32>,
          %max3A_172 = arith.maximumf %get3A_164, %get3A_171 : vector<16xf32>
          tpu.vector_store_idx %arg9[%add3A_168], %max3A_172 : memref<81920xf32, #tpu.memory_space<vmem>>[vector<16xi32>], vector<16xf32>,
          %add3A_173 = arith.constant 112 : i32
          %add3A_174 = arith.addi %squeeze3A, %add3A_173 : i32
          %get3A_175 = arith.index_cast %add3A_174 : i32 to index
          %get3A_176 = tpu.vector_load %arg9[%get3A_175] {strides = array<i32>} : memref<81920xf32, #tpu.memory_space<vmem>>, vector<16xf32>,
          %add3A_177 = arith.constant 112 : i32
          %add3A_178 = arith.addi %squeeze3A, %add3A_177 : i32
          %add3A_179 = vector.broadcast %add3A_178 : i32 to vector<16xi32>
          %add3A_180 = arith.addi %add3A_179, %iota3A : vector<16xi32>
          %get3A_181 = arith.index_cast %scan3A_81 : i32 to index
          %get3A_182 = arith.constant 112 : index
          %get3A_183 = tpu.vector_load %arg8[%get3A_181, %get3A_182] {strides = array<i32>} : memref<64x256xf32, #tpu.memory_space<vmem>>, vector<16xf32>,
          %max3A_184 = arith.maximumf %get3A_176, %get3A_183 : vector<16xf32>
          tpu.vector_store_idx %arg9[%add3A_180], %max3A_184 : memref<81920xf32, #tpu.memory_space<vmem>>[vector<16xi32>], vector<16xf32>,
          %add3A_185 = arith.constant 128 : i32
          %add3A_186 = arith.addi %squeeze3A, %add3A_185 : i32
          %get3A_187 = arith.index_cast %add3A_186 : i32 to index
          %get3A_188 = tpu.vector_load %arg9[%get3A_187] {strides = array<i32>} : memref<81920xf32, #tpu.memory_space<vmem>>, vector<16xf32>,
          %add3A_189 = arith.constant 128 : i32
          %add3A_190 = arith.addi %squeeze3A, %add3A_189 : i32
          %add3A_191 = vector.broadcast %add3A_190 : i32 to vector<16xi32>
          %add3A_192 = arith.addi %add3A_191, %iota3A : vector<16xi32>
          %get3A_193 = arith.index_cast %scan3A_81 : i32 to index
          %get3A_194 = arith.constant 128 : index
          %get3A_195 = tpu.vector_load %arg8[%get3A_193, %get3A_194] {strides = array<i32>} : memref<64x256xf32, #tpu.memory_space<vmem>>, vector<16xf32>,
          %max3A_196 = arith.maximumf %get3A_188, %get3A_195 : vector<16xf32>
          tpu.vector_store_idx %arg9[%add3A_192], %max3A_196 : memref<81920xf32, #tpu.memory_space<vmem>>[vector<16xi32>], vector<16xf32>,
          %add3A_197 = arith.constant 144 : i32
          %add3A_198 = arith.addi %squeeze3A, %add3A_197 : i32
          %get3A_199 = arith.index_cast %add3A_198 : i32 to index
          %get3A_200 = tpu.vector_load %arg9[%get3A_199] {strides = array<i32>} : memref<81920xf32, #tpu.memory_space<vmem>>, vector<16xf32>,
          %add3A_201 = arith.constant 144 : i32
          %add3A_202 = arith.addi %squeeze3A, %add3A_201 : i32
          %add3A_203 = vector.broadcast %add3A_202 : i32 to vector<16xi32>
          %add3A_204 = arith.addi %add3A_203, %iota3A : vector<16xi32>
          %get3A_205 = arith.index_cast %scan3A_81 : i32 to index
          %get3A_206 = arith.constant 144 : index
          %get3A_207 = tpu.vector_load %arg8[%get3A_205, %get3A_206] {strides = array<i32>} : memref<64x256xf32, #tpu.memory_space<vmem>>, vector<16xf32>,
          %max3A_208 = arith.maximumf %get3A_200, %get3A_207 : vector<16xf32>
          tpu.vector_store_idx %arg9[%add3A_204], %max3A_208 : memref<81920xf32, #tpu.memory_space<vmem>>[vector<16xi32>], vector<16xf32>,
          %add3A_209 = arith.constant 160 : i32
          %add3A_210 = arith.addi %squeeze3A, %add3A_209 : i32
          %get3A_211 = arith.index_cast %add3A_210 : i32 to index
          %get3A_212 = tpu.vector_load %arg9[%get3A_211] {strides = array<i32>} : memref<81920xf32, #tpu.memory_space<vmem>>, vector<16xf32>,
          %add3A_213 = arith.constant 160 : i32
          %add3A_214 = arith.addi %squeeze3A, %add3A_213 : i32
          %add3A_215 = vector.broadcast %add3A_214 : i32 to vector<16xi32>
          %add3A_216 = arith.addi %add3A_215, %iota3A : vector<16xi32>
          %get3A_217 = arith.index_cast %scan3A_81 : i32 to index
          %get3A_218 = arith.constant 160 : index
          %get3A_219 = tpu.vector_load %arg8[%get3A_217, %get3A_218] {strides = array<i32>} : memref<64x256xf32, #tpu.memory_space<vmem>>, vector<16xf32>,
          %max3A_220 = arith.maximumf %get3A_212, %get3A_219 : vector<16xf32>
          tpu.vector_store_idx %arg9[%add3A_216], %max3A_220 : memref<81920xf32, #tpu.memory_space<vmem>>[vector<16xi32>], vector<16xf32>,
          %add3A_221 = arith.constant 176 : i32
          %add3A_222 = arith.addi %squeeze3A, %add3A_221 : i32
          %get3A_223 = arith.index_cast %add3A_222 : i32 to index
          %get3A_224 = tpu.vector_load %arg9[%get3A_223] {strides = array<i32>} : memref<81920xf32, #tpu.memory_space<vmem>>, vector<16xf32>,
          %add3A_225 = arith.constant 176 : i32
          %add3A_226 = arith.addi %squeeze3A, %add3A_225 : i32
          %add3A_227 = vector.broadcast %add3A_226 : i32 to vector<16xi32>
          %add3A_228 = arith.addi %add3A_227, %iota3A : vector<16xi32>
          %get3A_229 = arith.index_cast %scan3A_81 : i32 to index
          %get3A_230 = arith.constant 176 : index
          %get3A_231 = tpu.vector_load %arg8[%get3A_229, %get3A_230] {strides = array<i32>} : memref<64x256xf32, #tpu.memory_space<vmem>>, vector<16xf32>,
          %max3A_232 = arith.maximumf %get3A_224, %get3A_231 : vector<16xf32>
          tpu.vector_store_idx %arg9[%add3A_228], %max3A_232 : memref<81920xf32, #tpu.memory_space<vmem>>[vector<16xi32>], vector<16xf32>,
          %add3A_233 = arith.constant 192 : i32
          %add3A_234 = arith.addi %squeeze3A, %add3A_233 : i32
          %get3A_235 = arith.index_cast %add3A_234 : i32 to index
          %get3A_236 = tpu.vector_load %arg9[%get3A_235] {strides = array<i32>} : memref<81920xf32, #tpu.memory_space<vmem>>, vector<16xf32>,
          %add3A_237 = arith.constant 192 : i32
          %add3A_238 = arith.addi %squeeze3A, %add3A_237 : i32
          %add3A_239 = vector.broadcast %add3A_238 : i32 to vector<16xi32>
          %add3A_240 = arith.addi %add3A_239, %iota3A : vector<16xi32>
          %get3A_241 = arith.index_cast %scan3A_81 : i32 to index
          %get3A_242 = arith.constant 192 : index
          %get3A_243 = tpu.vector_load %arg8[%get3A_241, %get3A_242] {strides = array<i32>} : memref<64x256xf32, #tpu.memory_space<vmem>>, vector<16xf32>,
          %max3A_244 = arith.maximumf %get3A_236, %get3A_243 : vector<16xf32>
          tpu.vector_store_idx %arg9[%add3A_240], %max3A_244 : memref<81920xf32, #tpu.memory_space<vmem>>[vector<16xi32>], vector<16xf32>,
          %add3A_245 = arith.constant 208 : i32
          %add3A_246 = arith.addi %squeeze3A, %add3A_245 : i32
          %get3A_247 = arith.index_cast %add3A_246 : i32 to index
          %get3A_248 = tpu.vector_load %arg9[%get3A_247] {strides = array<i32>} : memref<81920xf32, #tpu.memory_space<vmem>>, vector<16xf32>,
          %add3A_249 = arith.constant 208 : i32
          %add3A_250 = arith.addi %squeeze3A, %add3A_249 : i32
          %add3A_251 = vector.broadcast %add3A_250 : i32 to vector<16xi32>
          %add3A_252 = arith.addi %add3A_251, %iota3A : vector<16xi32>
          %get3A_253 = arith.index_cast %scan3A_81 : i32 to index
          %get3A_254 = arith.constant 208 : index
          %get3A_255 = tpu.vector_load %arg8[%get3A_253, %get3A_254] {strides = array<i32>} : memref<64x256xf32, #tpu.memory_space<vmem>>, vector<16xf32>,
          %max3A_256 = arith.maximumf %get3A_248, %get3A_255 : vector<16xf32>
          tpu.vector_store_idx %arg9[%add3A_252], %max3A_256 : memref<81920xf32, #tpu.memory_space<vmem>>[vector<16xi32>], vector<16xf32>,
          %add3A_257 = arith.constant 224 : i32
          %add3A_258 = arith.addi %squeeze3A, %add3A_257 : i32
          %get3A_259 = arith.index_cast %add3A_258 : i32 to index
          %get3A_260 = tpu.vector_load %arg9[%get3A_259] {strides = array<i32>} : memref<81920xf32, #tpu.memory_space<vmem>>, vector<16xf32>,
          %add3A_261 = arith.constant 224 : i32
          %add3A_262 = arith.addi %squeeze3A, %add3A_261 : i32
          %add3A_263 = vector.broadcast %add3A_262 : i32 to vector<16xi32>
          %add3A_264 = arith.addi %add3A_263, %iota3A : vector<16xi32>
          %get3A_265 = arith.index_cast %scan3A_81 : i32 to index
          %get3A_266 = arith.constant 224 : index
          %get3A_267 = tpu.vector_load %arg8[%get3A_265, %get3A_266] {strides = array<i32>} : memref<64x256xf32, #tpu.memory_space<vmem>>, vector<16xf32>,
          %max3A_268 = arith.maximumf %get3A_260, %get3A_267 : vector<16xf32>
          tpu.vector_store_idx %arg9[%add3A_264], %max3A_268 : memref<81920xf32, #tpu.memory_space<vmem>>[vector<16xi32>], vector<16xf32>,
          %add3A_269 = arith.constant 240 : i32
          %add3A_270 = arith.addi %squeeze3A, %add3A_269 : i32
          %get3A_271 = arith.index_cast %add3A_270 : i32 to index
          %get3A_272 = tpu.vector_load %arg9[%get3A_271] {strides = array<i32>} : memref<81920xf32, #tpu.memory_space<vmem>>, vector<16xf32>,
          %add3A_273 = arith.constant 240 : i32
          %add3A_274 = arith.addi %squeeze3A, %add3A_273 : i32
          %add3A_275 = vector.broadcast %add3A_274 : i32 to vector<16xi32>
          %add3A_276 = arith.addi %add3A_275, %iota3A : vector<16xi32>
          %get3A_277 = arith.index_cast %scan3A_81 : i32 to index
          %get3A_278 = arith.constant 240 : index
          %get3A_279 = tpu.vector_load %arg8[%get3A_277, %get3A_278] {strides = array<i32>} : memref<64x256xf32, #tpu.memory_space<vmem>>, vector<16xf32>,
          %max3A_280 = arith.maximumf %get3A_272, %get3A_279 : vector<16xf32>
          tpu.vector_store_idx %arg9[%add3A_276], %max3A_280 : memref<81920xf32, #tpu.memory_space<vmem>>[vector<16xi32>], vector<16xf32>,
        } else {
        }
      }
      %scan3A_80 = arith.constant 64 : i32
    }
    %scan3A_61 = arith.constant 0 : i32
    %scan3A_62 = arith.constant 0 : i32
    %scan3A_63 = arith.constant 5120 : i32
    %scan3A_64 = arith.addi %scan3A_62, %scan3A_63 : i32
    %scan3A_65 = arith.constant 1 : i32
    scf.for %scan3A_73 = %scan3A_62 to %scan3A_64 step %scan3A_65  : i32 {
      %mul3A_74 = arith.constant 16 : i32
      %mul3A_75 = arith.muli %scan3A_73, %mul3A_74 : i32
      %get3A = arith.index_cast %mul3A_75 : i32 to index
      %get3A_76 = tpu.vector_load %arg9[%get3A] {strides = array<i32>} : memref<81920xf32, #tpu.memory_space<vmem>>, vector<16xf32>,
      %max3A = arith.constant 0.000000e+00 : f32
      %max3A_77 = vector.broadcast %max3A : f32 to vector<16xf32>
      %max3A_78 = arith.maximumf %get3A_76, %max3A_77 : vector<16xf32>
      %swap3A = arith.index_cast %mul3A_75 : i32 to index
      %swap3A_79 = tpu.vector_load %arg9[%swap3A] {strides = array<i32>} : memref<81920xf32, #tpu.memory_space<vmem>>, vector<16xf32>,
      tpu.vector_store %arg9[%swap3A], %max3A_78 {strides = array<i32>} : memref<81920xf32, #tpu.memory_space<vmem>>, vector<16xf32>,
    }
    %scan3A_66 = arith.constant 5120 : i32
    %mul3A_67 = arith.constant 320 : i32
    %mul3A_68 = arith.muli %add3A, %mul3A_67 : i32
    %mul3A_69 = arith.constant 2 : i32
    %mul3A_70 = arith.muli %mul3A_68, %mul3A_69 : i32
    %mul3A_71 = arith.constant 128 : i32
    %mul3A_72 = arith.muli %mul3A_70, %mul3A_71 : i32
    "tpu.region"() ({
      %run_scoped3A = tpu.sem_alloc : memref<!tpu.dma_semaphore, #tpu.memory_space<semaphore_mem>>
      %dma_start3A = tpu.memref_slice %arg4[%mul3A_72] : memref<2621440xf32, #tpu.memory_space<hbm>> -> memref<81920xf32, #tpu.memory_space<hbm>>
      %dma_start3A_73 = tpu.memref_slice %arg4[%mul3A_72] : memref<2621440xf32, #tpu.memory_space<hbm>> -> memref<81920xf32, #tpu.memory_space<hbm>>
      tpu.enqueue_dma source(%arg9 : memref<81920xf32, #tpu.memory_space<vmem>>) target(%dma_start3A_73 : memref<81920xf32, #tpu.memory_space<hbm>>) target_semaphore(%run_scoped3A : memref<!tpu.dma_semaphore, #tpu.memory_space<semaphore_mem>>)
      %dma_wait3A = tpu.memref_slice %arg4[%mul3A_72] : memref<2621440xf32, #tpu.memory_space<hbm>> -> memref<81920xf32, #tpu.memory_space<hbm>>
      %dma_wait3A_74 = tpu.memref_slice %arg4[%mul3A_72] : memref<2621440xf32, #tpu.memory_space<hbm>> -> memref<81920xf32, #tpu.memory_space<hbm>>
      tpu.wait_dma2 semaphore(%run_scoped3A : memref<!tpu.dma_semaphore, #tpu.memory_space<semaphore_mem>>) src(%arg9 : memref<81920xf32, #tpu.memory_space<vmem>>) dst(%dma_wait3A_74 : memref<81920xf32, #tpu.memory_space<hbm>>)
      tpu.yield
    }) : () -> ()
    return
  }
}

#map = affine_map<(d0, d1) -> (0)>
#map1 = affine_map<(d0, d1) -> (0, 0)>
module attributes {stable_mosaic.version = 14 : i64} {
  func.func @_scat_kernel(%arg0: i32, %arg1: i32, %arg2: memref<320000xi32, #tpu.memory_space<hbm>>, %arg3: memref<320000xi32, #tpu.memory_space<hbm>>, %arg4: memref<10240x128xf32, #tpu.memory_space<hbm>>, %arg5: memref<20480x128xf32, #tpu.memory_space<hbm>>, %arg6: memref<20480x128xf32, #tpu.memory_space<hbm>>, %arg7: memref<256xi32, #tpu.memory_space<vmem>>, %arg8: memref<256xi32, #tpu.memory_space<vmem>>, %arg9: memref<256x128xf32, #tpu.memory_space<vmem>>, %arg10: memref<10240x128xf32, #tpu.memory_space<vmem_shared>>) attributes {dimension_semantics = [#tpu.dimension_semantics<core_parallel>, #tpu.dimension_semantics<subcore_parallel>], iteration_bounds = array<i64: 2, 16>, scalar_prefetch = 0 : i64, scratch_operands = 4 : i64, tpu.core_type = #tpu.core_type<sc_vector_subcore>, window_params = [{transform_indices = #map}, {transform_indices = #map}, {transform_indices = #map1}, {transform_indices = #map1}, {transform_indices = #map1}]} {
    %mul3A = arith.constant 10240 : i32
    %mul3A_0 = arith.muli %arg0, %mul3A : i32
    %mul3A_1 = arith.constant 640 : i32
    %mul3A_2 = arith.muli %arg1, %mul3A_1 : i32
    %add3A = arith.addi %mul3A_0, %mul3A_2 : i32
    %mul3A_3 = arith.constant 640 : i32
    %mul3A_4 = arith.muli %arg1, %mul3A_3 : i32
    "tpu.region"() ({
      %run_scoped3A = tpu.sem_alloc : memref<!tpu.dma_semaphore, #tpu.memory_space<semaphore_mem>>
      %dma_start3A = arith.constant 0 : i32
      %dma_start3A_21 = tpu.memref_slice %arg10[%mul3A_4, %dma_start3A] : memref<10240x128xf32, #tpu.memory_space<vmem_shared>> -> memref<640x128xf32, #tpu.memory_space<vmem_shared>>
      %dma_start3A_22 = arith.constant 0 : i32
      %dma_start3A_23 = tpu.memref_slice %arg5[%add3A, %dma_start3A_22] : memref<20480x128xf32, #tpu.memory_space<hbm>> -> memref<640x128xf32, #tpu.memory_space<hbm>>
      tpu.enqueue_dma source(%dma_start3A_23 : memref<640x128xf32, #tpu.memory_space<hbm>>) target(%dma_start3A_21 : memref<640x128xf32, #tpu.memory_space<vmem_shared>>) target_semaphore(%run_scoped3A : memref<!tpu.dma_semaphore, #tpu.memory_space<semaphore_mem>>)
      %dma_wait3A = arith.constant 0 : i32
      %dma_wait3A_24 = tpu.memref_slice %arg10[%mul3A_4, %dma_wait3A] : memref<10240x128xf32, #tpu.memory_space<vmem_shared>> -> memref<640x128xf32, #tpu.memory_space<vmem_shared>>
      %dma_wait3A_25 = arith.constant 0 : i32
      %dma_wait3A_26 = tpu.memref_slice %arg5[%add3A, %dma_wait3A_25] : memref<20480x128xf32, #tpu.memory_space<hbm>> -> memref<640x128xf32, #tpu.memory_space<hbm>>
      tpu.wait_dma2 semaphore(%run_scoped3A : memref<!tpu.dma_semaphore, #tpu.memory_space<semaphore_mem>>) src(%dma_wait3A_26 : memref<640x128xf32, #tpu.memory_space<hbm>>) dst(%dma_wait3A_24 : memref<640x128xf32, #tpu.memory_space<vmem_shared>>)
      tpu.yield
    }) : () -> ()
    %barrier3A = arith.constant 0 : index
    tpu.barrier barrier_id(%barrier3A)
    %mul3A_5 = arith.constant 2 : i32
    %mul3A_6 = arith.muli %arg1, %mul3A_5 : i32
    %add3A_7 = arith.addi %mul3A_6, %arg0 : i32
    %scan3A = arith.constant 0 : i32
    %scan3A_8 = arith.constant 0 : i32
    %scan3A_9 = arith.constant 40 : i32
    %scan3A_10 = arith.addi %scan3A_8, %scan3A_9 : i32
    %scan3A_11 = arith.constant 1 : i32
    scf.for %scan3A_21 = %scan3A_8 to %scan3A_10 step %scan3A_11  : i32 {
      %mul3A_22 = arith.constant 32 : i32
      %mul3A_23 = arith.muli %scan3A_21, %mul3A_22 : i32
      %add3A_24 = arith.addi %mul3A_23, %add3A_7 : i32
      %lt3A = arith.constant 1250 : i32
      %lt3A_25 = arith.cmpi slt, %add3A_24, %lt3A : i32
      %convert_element_type3A = arith.extui %lt3A_25 : i1 to i32
      %cond3A = arith.constant 0 : i32
      %cond3A_26 = arith.cmpi ne, %convert_element_type3A, %cond3A : i32
      scf.if %cond3A_26 {
        %mul3A_27 = arith.constant 256 : i32
        %mul3A_28 = arith.muli %add3A_24, %mul3A_27 : i32
        "tpu.region"() ({
          %run_scoped3A = tpu.sem_alloc : memref<!tpu.dma_semaphore, #tpu.memory_space<semaphore_mem>>
          %dma_start3A = tpu.memref_slice %arg2[%mul3A_28] : memref<320000xi32, #tpu.memory_space<hbm>> -> memref<256xi32, #tpu.memory_space<hbm>>
          %dma_start3A_29 = tpu.memref_slice %arg2[%mul3A_28] : memref<320000xi32, #tpu.memory_space<hbm>> -> memref<256xi32, #tpu.memory_space<hbm>>
          tpu.enqueue_dma source(%dma_start3A_29 : memref<256xi32, #tpu.memory_space<hbm>>) target(%arg7 : memref<256xi32, #tpu.memory_space<vmem>>) target_semaphore(%run_scoped3A : memref<!tpu.dma_semaphore, #tpu.memory_space<semaphore_mem>>)
          %dma_wait3A = tpu.memref_slice %arg2[%mul3A_28] : memref<320000xi32, #tpu.memory_space<hbm>> -> memref<256xi32, #tpu.memory_space<hbm>>
          %dma_wait3A_30 = tpu.memref_slice %arg2[%mul3A_28] : memref<320000xi32, #tpu.memory_space<hbm>> -> memref<256xi32, #tpu.memory_space<hbm>>
          tpu.wait_dma2 semaphore(%run_scoped3A : memref<!tpu.dma_semaphore, #tpu.memory_space<semaphore_mem>>) src(%dma_wait3A_30 : memref<256xi32, #tpu.memory_space<hbm>>) dst(%arg7 : memref<256xi32, #tpu.memory_space<vmem>>)
          tpu.yield
        }) : () -> ()
        "tpu.region"() ({
          %run_scoped3A = tpu.sem_alloc : memref<!tpu.dma_semaphore, #tpu.memory_space<semaphore_mem>>
          %dma_start3A = tpu.memref_slice %arg3[%mul3A_28] : memref<320000xi32, #tpu.memory_space<hbm>> -> memref<256xi32, #tpu.memory_space<hbm>>
          %dma_start3A_29 = tpu.memref_slice %arg3[%mul3A_28] : memref<320000xi32, #tpu.memory_space<hbm>> -> memref<256xi32, #tpu.memory_space<hbm>>
          tpu.enqueue_dma source(%dma_start3A_29 : memref<256xi32, #tpu.memory_space<hbm>>) target(%arg8 : memref<256xi32, #tpu.memory_space<vmem>>) target_semaphore(%run_scoped3A : memref<!tpu.dma_semaphore, #tpu.memory_space<semaphore_mem>>)
          %dma_wait3A = tpu.memref_slice %arg3[%mul3A_28] : memref<320000xi32, #tpu.memory_space<hbm>> -> memref<256xi32, #tpu.memory_space<hbm>>
          %dma_wait3A_30 = tpu.memref_slice %arg3[%mul3A_28] : memref<320000xi32, #tpu.memory_space<hbm>> -> memref<256xi32, #tpu.memory_space<hbm>>
          tpu.wait_dma2 semaphore(%run_scoped3A : memref<!tpu.dma_semaphore, #tpu.memory_space<semaphore_mem>>) src(%dma_wait3A_30 : memref<256xi32, #tpu.memory_space<hbm>>) dst(%arg8 : memref<256xi32, #tpu.memory_space<vmem>>)
          tpu.yield
        }) : () -> ()
        "tpu.region"() ({
          %run_scoped3A = tpu.sem_alloc : memref<!tpu.dma_semaphore, #tpu.memory_space<semaphore_mem>>
          %dma_start3A = arith.constant 0 : i32
          %dma_start3A_29 = arith.constant 0 : i32
          %dma_start3A_30 = tpu.memref_slice %arg4[%dma_start3A, %dma_start3A_29] : memref<10240x128xf32, #tpu.memory_space<hbm>> -> memref<10240x128xf32, #tpu.memory_space<hbm>>
          tpu.enqueue_indirect_dma source(%dma_start3A_30 : memref<10240x128xf32, #tpu.memory_space<hbm>>) target(%arg9 : memref<256x128xf32, #tpu.memory_space<vmem>>) offsets(%arg7 : memref<256xi32, #tpu.memory_space<vmem>>) semaphore(%run_scoped3A : memref<!tpu.dma_semaphore, #tpu.memory_space<semaphore_mem>>)
          %dma_wait3A = arith.constant 0 : i32
          %dma_wait3A_31 = arith.constant 0 : i32
          %dma_wait3A_32 = tpu.memref_slice %arg4[%dma_wait3A, %dma_wait3A_31] : memref<10240x128xf32, #tpu.memory_space<hbm>> -> memref<10240x128xf32, #tpu.memory_space<hbm>>
          tpu.wait_indirect_dma semaphore(%run_scoped3A : memref<!tpu.dma_semaphore, #tpu.memory_space<semaphore_mem>>) src(%dma_wait3A_32 : memref<10240x128xf32, #tpu.memory_space<hbm>>) dst(%arg9 : memref<256x128xf32, #tpu.memory_space<vmem>>)
          tpu.yield
        }) : () -> ()
        "tpu.region"() ({
          %run_scoped3A = tpu.sem_alloc : memref<!tpu.dma_semaphore, #tpu.memory_space<semaphore_mem>>
          %dma_start3A = arith.constant 0 : i32
          %dma_start3A_29 = arith.constant 0 : i32
          %dma_start3A_30 = tpu.memref_slice %arg10[%dma_start3A, %dma_start3A_29] : memref<10240x128xf32, #tpu.memory_space<vmem_shared>> -> memref<10240x128xf32, #tpu.memory_space<vmem_shared>>
          tpu.enqueue_indirect_dma source(%arg9 : memref<256x128xf32, #tpu.memory_space<vmem>>) target(%dma_start3A_30 : memref<10240x128xf32, #tpu.memory_space<vmem_shared>>) offsets(%arg8 : memref<256xi32, #tpu.memory_space<vmem>>) semaphore(%run_scoped3A : memref<!tpu.dma_semaphore, #tpu.memory_space<semaphore_mem>>) {add = true}
          %dma_wait3A = arith.constant 0 : i32
          %dma_wait3A_31 = arith.constant 0 : i32
          %dma_wait3A_32 = tpu.memref_slice %arg10[%dma_wait3A, %dma_wait3A_31] : memref<10240x128xf32, #tpu.memory_space<vmem_shared>> -> memref<10240x128xf32, #tpu.memory_space<vmem_shared>>
          tpu.wait_indirect_dma semaphore(%run_scoped3A : memref<!tpu.dma_semaphore, #tpu.memory_space<semaphore_mem>>) src(%arg9 : memref<256x128xf32, #tpu.memory_space<vmem>>) dst(%dma_wait3A_32 : memref<10240x128xf32, #tpu.memory_space<vmem_shared>>)
          tpu.yield
        }) : () -> ()
      } else {
      }
    }
    %scan3A_12 = arith.constant 40 : i32
    %barrier3A_13 = arith.constant 0 : index
    tpu.barrier barrier_id(%barrier3A_13)
    %mul3A_14 = arith.constant 640 : i32
    %mul3A_15 = arith.muli %arg1, %mul3A_14 : i32
    %mul3A_16 = arith.constant 10240 : i32
    %mul3A_17 = arith.muli %arg0, %mul3A_16 : i32
    %mul3A_18 = arith.constant 640 : i32
    %mul3A_19 = arith.muli %arg1, %mul3A_18 : i32
    %add3A_20 = arith.addi %mul3A_17, %mul3A_19 : i32
    "tpu.region"() ({
      %run_scoped3A = tpu.sem_alloc : memref<!tpu.dma_semaphore, #tpu.memory_space<semaphore_mem>>
      %dma_start3A = arith.constant 0 : i32
      %dma_start3A_21 = tpu.memref_slice %arg6[%add3A_20, %dma_start3A] : memref<20480x128xf32, #tpu.memory_space<hbm>> -> memref<640x128xf32, #tpu.memory_space<hbm>>
      %dma_start3A_22 = arith.constant 0 : i32
      %dma_start3A_23 = tpu.memref_slice %arg10[%mul3A_15, %dma_start3A_22] : memref<10240x128xf32, #tpu.memory_space<vmem_shared>> -> memref<640x128xf32, #tpu.memory_space<vmem_shared>>
      tpu.enqueue_dma source(%dma_start3A_23 : memref<640x128xf32, #tpu.memory_space<vmem_shared>>) target(%dma_start3A_21 : memref<640x128xf32, #tpu.memory_space<hbm>>) target_semaphore(%run_scoped3A : memref<!tpu.dma_semaphore, #tpu.memory_space<semaphore_mem>>)
      %dma_wait3A = arith.constant 0 : i32
      %dma_wait3A_24 = tpu.memref_slice %arg6[%add3A_20, %dma_wait3A] : memref<20480x128xf32, #tpu.memory_space<hbm>> -> memref<640x128xf32, #tpu.memory_space<hbm>>
      %dma_wait3A_25 = arith.constant 0 : i32
      %dma_wait3A_26 = tpu.memref_slice %arg10[%mul3A_15, %dma_wait3A_25] : memref<10240x128xf32, #tpu.memory_space<vmem_shared>> -> memref<640x128xf32, #tpu.memory_space<vmem_shared>>
      tpu.wait_dma2 semaphore(%run_scoped3A : memref<!tpu.dma_semaphore, #tpu.memory_space<semaphore_mem>>) src(%dma_wait3A_26 : memref<640x128xf32, #tpu.memory_space<vmem_shared>>) dst(%dma_wait3A_24 : memref<640x128xf32, #tpu.memory_space<hbm>>)
      tpu.yield
    }) : () -> ()
    return
  }
}

#map = affine_map<(d0, d1) -> (0)>
#map1 = affine_map<(d0, d1) -> (0, 0)>
module attributes {stable_mosaic.version = 14 : i64} {
  func.func @_scat_kernel(%arg0: i32, %arg1: i32, %arg2: memref<320000xi32, #tpu.memory_space<hbm>>, %arg3: memref<320000xi32, #tpu.memory_space<hbm>>, %arg4: memref<320000x128xf32, #tpu.memory_space<hbm>>, %arg5: memref<20480x128xf32, #tpu.memory_space<hbm>>, %arg6: memref<20480x128xf32, #tpu.memory_space<hbm>>, %arg7: memref<256xi32, #tpu.memory_space<vmem>>, %arg8: memref<256xi32, #tpu.memory_space<vmem>>, %arg9: memref<256x128xf32, #tpu.memory_space<vmem>>, %arg10: memref<10240x128xf32, #tpu.memory_space<vmem_shared>>) attributes {dimension_semantics = [#tpu.dimension_semantics<core_parallel>, #tpu.dimension_semantics<subcore_parallel>], iteration_bounds = array<i64: 2, 16>, scalar_prefetch = 0 : i64, scratch_operands = 4 : i64, tpu.core_type = #tpu.core_type<sc_vector_subcore>, window_params = [{transform_indices = #map}, {transform_indices = #map}, {transform_indices = #map1}, {transform_indices = #map1}, {transform_indices = #map1}]} {
    %mul3A = arith.constant 10240 : i32
    %mul3A_0 = arith.muli %arg0, %mul3A : i32
    %mul3A_1 = arith.constant 640 : i32
    %mul3A_2 = arith.muli %arg1, %mul3A_1 : i32
    %add3A = arith.addi %mul3A_0, %mul3A_2 : i32
    %mul3A_3 = arith.constant 640 : i32
    %mul3A_4 = arith.muli %arg1, %mul3A_3 : i32
    "tpu.region"() ({
      %run_scoped3A = tpu.sem_alloc : memref<!tpu.dma_semaphore, #tpu.memory_space<semaphore_mem>>
      %dma_start3A = arith.constant 0 : i32
      %dma_start3A_21 = tpu.memref_slice %arg10[%mul3A_4, %dma_start3A] : memref<10240x128xf32, #tpu.memory_space<vmem_shared>> -> memref<640x128xf32, #tpu.memory_space<vmem_shared>>
      %dma_start3A_22 = arith.constant 0 : i32
      %dma_start3A_23 = tpu.memref_slice %arg5[%add3A, %dma_start3A_22] : memref<20480x128xf32, #tpu.memory_space<hbm>> -> memref<640x128xf32, #tpu.memory_space<hbm>>
      tpu.enqueue_dma source(%dma_start3A_23 : memref<640x128xf32, #tpu.memory_space<hbm>>) target(%dma_start3A_21 : memref<640x128xf32, #tpu.memory_space<vmem_shared>>) target_semaphore(%run_scoped3A : memref<!tpu.dma_semaphore, #tpu.memory_space<semaphore_mem>>)
      %dma_wait3A = arith.constant 0 : i32
      %dma_wait3A_24 = tpu.memref_slice %arg10[%mul3A_4, %dma_wait3A] : memref<10240x128xf32, #tpu.memory_space<vmem_shared>> -> memref<640x128xf32, #tpu.memory_space<vmem_shared>>
      %dma_wait3A_25 = arith.constant 0 : i32
      %dma_wait3A_26 = tpu.memref_slice %arg5[%add3A, %dma_wait3A_25] : memref<20480x128xf32, #tpu.memory_space<hbm>> -> memref<640x128xf32, #tpu.memory_space<hbm>>
      tpu.wait_dma2 semaphore(%run_scoped3A : memref<!tpu.dma_semaphore, #tpu.memory_space<semaphore_mem>>) src(%dma_wait3A_26 : memref<640x128xf32, #tpu.memory_space<hbm>>) dst(%dma_wait3A_24 : memref<640x128xf32, #tpu.memory_space<vmem_shared>>)
      tpu.yield
    }) : () -> ()
    %barrier3A = arith.constant 0 : index
    tpu.barrier barrier_id(%barrier3A)
    %mul3A_5 = arith.constant 2 : i32
    %mul3A_6 = arith.muli %arg1, %mul3A_5 : i32
    %add3A_7 = arith.addi %mul3A_6, %arg0 : i32
    %scan3A = arith.constant 0 : i32
    %scan3A_8 = arith.constant 0 : i32
    %scan3A_9 = arith.constant 40 : i32
    %scan3A_10 = arith.addi %scan3A_8, %scan3A_9 : i32
    %scan3A_11 = arith.constant 1 : i32
    scf.for %scan3A_21 = %scan3A_8 to %scan3A_10 step %scan3A_11  : i32 {
      %mul3A_22 = arith.constant 32 : i32
      %mul3A_23 = arith.muli %scan3A_21, %mul3A_22 : i32
      %add3A_24 = arith.addi %mul3A_23, %add3A_7 : i32
      %lt3A = arith.constant 1250 : i32
      %lt3A_25 = arith.cmpi slt, %add3A_24, %lt3A : i32
      %convert_element_type3A = arith.extui %lt3A_25 : i1 to i32
      %cond3A = arith.constant 0 : i32
      %cond3A_26 = arith.cmpi ne, %convert_element_type3A, %cond3A : i32
      scf.if %cond3A_26 {
        %mul3A_27 = arith.constant 256 : i32
        %mul3A_28 = arith.muli %add3A_24, %mul3A_27 : i32
        "tpu.region"() ({
          %run_scoped3A = tpu.sem_alloc : memref<!tpu.dma_semaphore, #tpu.memory_space<semaphore_mem>>
          %dma_start3A = tpu.memref_slice %arg2[%mul3A_28] : memref<320000xi32, #tpu.memory_space<hbm>> -> memref<256xi32, #tpu.memory_space<hbm>>
          %dma_start3A_29 = tpu.memref_slice %arg2[%mul3A_28] : memref<320000xi32, #tpu.memory_space<hbm>> -> memref<256xi32, #tpu.memory_space<hbm>>
          tpu.enqueue_dma source(%dma_start3A_29 : memref<256xi32, #tpu.memory_space<hbm>>) target(%arg7 : memref<256xi32, #tpu.memory_space<vmem>>) target_semaphore(%run_scoped3A : memref<!tpu.dma_semaphore, #tpu.memory_space<semaphore_mem>>)
          %dma_wait3A = tpu.memref_slice %arg2[%mul3A_28] : memref<320000xi32, #tpu.memory_space<hbm>> -> memref<256xi32, #tpu.memory_space<hbm>>
          %dma_wait3A_30 = tpu.memref_slice %arg2[%mul3A_28] : memref<320000xi32, #tpu.memory_space<hbm>> -> memref<256xi32, #tpu.memory_space<hbm>>
          tpu.wait_dma2 semaphore(%run_scoped3A : memref<!tpu.dma_semaphore, #tpu.memory_space<semaphore_mem>>) src(%dma_wait3A_30 : memref<256xi32, #tpu.memory_space<hbm>>) dst(%arg7 : memref<256xi32, #tpu.memory_space<vmem>>)
          tpu.yield
        }) : () -> ()
        "tpu.region"() ({
          %run_scoped3A = tpu.sem_alloc : memref<!tpu.dma_semaphore, #tpu.memory_space<semaphore_mem>>
          %dma_start3A = tpu.memref_slice %arg3[%mul3A_28] : memref<320000xi32, #tpu.memory_space<hbm>> -> memref<256xi32, #tpu.memory_space<hbm>>
          %dma_start3A_29 = tpu.memref_slice %arg3[%mul3A_28] : memref<320000xi32, #tpu.memory_space<hbm>> -> memref<256xi32, #tpu.memory_space<hbm>>
          tpu.enqueue_dma source(%dma_start3A_29 : memref<256xi32, #tpu.memory_space<hbm>>) target(%arg8 : memref<256xi32, #tpu.memory_space<vmem>>) target_semaphore(%run_scoped3A : memref<!tpu.dma_semaphore, #tpu.memory_space<semaphore_mem>>)
          %dma_wait3A = tpu.memref_slice %arg3[%mul3A_28] : memref<320000xi32, #tpu.memory_space<hbm>> -> memref<256xi32, #tpu.memory_space<hbm>>
          %dma_wait3A_30 = tpu.memref_slice %arg3[%mul3A_28] : memref<320000xi32, #tpu.memory_space<hbm>> -> memref<256xi32, #tpu.memory_space<hbm>>
          tpu.wait_dma2 semaphore(%run_scoped3A : memref<!tpu.dma_semaphore, #tpu.memory_space<semaphore_mem>>) src(%dma_wait3A_30 : memref<256xi32, #tpu.memory_space<hbm>>) dst(%arg8 : memref<256xi32, #tpu.memory_space<vmem>>)
          tpu.yield
        }) : () -> ()
        "tpu.region"() ({
          %run_scoped3A = tpu.sem_alloc : memref<!tpu.dma_semaphore, #tpu.memory_space<semaphore_mem>>
          %dma_start3A = arith.constant 0 : i32
          %dma_start3A_29 = arith.constant 0 : i32
          %dma_start3A_30 = tpu.memref_slice %arg4[%dma_start3A, %dma_start3A_29] : memref<320000x128xf32, #tpu.memory_space<hbm>> -> memref<320000x128xf32, #tpu.memory_space<hbm>>
          tpu.enqueue_indirect_dma source(%dma_start3A_30 : memref<320000x128xf32, #tpu.memory_space<hbm>>) target(%arg9 : memref<256x128xf32, #tpu.memory_space<vmem>>) offsets(%arg7 : memref<256xi32, #tpu.memory_space<vmem>>) semaphore(%run_scoped3A : memref<!tpu.dma_semaphore, #tpu.memory_space<semaphore_mem>>)
          %dma_wait3A = arith.constant 0 : i32
          %dma_wait3A_31 = arith.constant 0 : i32
          %dma_wait3A_32 = tpu.memref_slice %arg4[%dma_wait3A, %dma_wait3A_31] : memref<320000x128xf32, #tpu.memory_space<hbm>> -> memref<320000x128xf32, #tpu.memory_space<hbm>>
          tpu.wait_indirect_dma semaphore(%run_scoped3A : memref<!tpu.dma_semaphore, #tpu.memory_space<semaphore_mem>>) src(%dma_wait3A_32 : memref<320000x128xf32, #tpu.memory_space<hbm>>) dst(%arg9 : memref<256x128xf32, #tpu.memory_space<vmem>>)
          tpu.yield
        }) : () -> ()
        "tpu.region"() ({
          %run_scoped3A = tpu.sem_alloc : memref<!tpu.dma_semaphore, #tpu.memory_space<semaphore_mem>>
          %dma_start3A = arith.constant 0 : i32
          %dma_start3A_29 = arith.constant 0 : i32
          %dma_start3A_30 = tpu.memref_slice %arg10[%dma_start3A, %dma_start3A_29] : memref<10240x128xf32, #tpu.memory_space<vmem_shared>> -> memref<10240x128xf32, #tpu.memory_space<vmem_shared>>
          tpu.enqueue_indirect_dma source(%arg9 : memref<256x128xf32, #tpu.memory_space<vmem>>) target(%dma_start3A_30 : memref<10240x128xf32, #tpu.memory_space<vmem_shared>>) offsets(%arg8 : memref<256xi32, #tpu.memory_space<vmem>>) semaphore(%run_scoped3A : memref<!tpu.dma_semaphore, #tpu.memory_space<semaphore_mem>>) {add = true}
          %dma_wait3A = arith.constant 0 : i32
          %dma_wait3A_31 = arith.constant 0 : i32
          %dma_wait3A_32 = tpu.memref_slice %arg10[%dma_wait3A, %dma_wait3A_31] : memref<10240x128xf32, #tpu.memory_space<vmem_shared>> -> memref<10240x128xf32, #tpu.memory_space<vmem_shared>>
          tpu.wait_indirect_dma semaphore(%run_scoped3A : memref<!tpu.dma_semaphore, #tpu.memory_space<semaphore_mem>>) src(%arg9 : memref<256x128xf32, #tpu.memory_space<vmem>>) dst(%dma_wait3A_32 : memref<10240x128xf32, #tpu.memory_space<vmem_shared>>)
          tpu.yield
        }) : () -> ()
      } else {
      }
    }
    %scan3A_12 = arith.constant 40 : i32
    %barrier3A_13 = arith.constant 0 : index
    tpu.barrier barrier_id(%barrier3A_13)
    %mul3A_14 = arith.constant 640 : i32
    %mul3A_15 = arith.muli %arg1, %mul3A_14 : i32
    %mul3A_16 = arith.constant 10240 : i32
    %mul3A_17 = arith.muli %arg0, %mul3A_16 : i32
    %mul3A_18 = arith.constant 640 : i32
    %mul3A_19 = arith.muli %arg1, %mul3A_18 : i32
    %add3A_20 = arith.addi %mul3A_17, %mul3A_19 : i32
    "tpu.region"() ({
      %run_scoped3A = tpu.sem_alloc : memref<!tpu.dma_semaphore, #tpu.memory_space<semaphore_mem>>
      %dma_start3A = arith.constant 0 : i32
      %dma_start3A_21 = tpu.memref_slice %arg6[%add3A_20, %dma_start3A] : memref<20480x128xf32, #tpu.memory_space<hbm>> -> memref<640x128xf32, #tpu.memory_space<hbm>>
      %dma_start3A_22 = arith.constant 0 : i32
      %dma_start3A_23 = tpu.memref_slice %arg10[%mul3A_15, %dma_start3A_22] : memref<10240x128xf32, #tpu.memory_space<vmem_shared>> -> memref<640x128xf32, #tpu.memory_space<vmem_shared>>
      tpu.enqueue_dma source(%dma_start3A_23 : memref<640x128xf32, #tpu.memory_space<vmem_shared>>) target(%dma_start3A_21 : memref<640x128xf32, #tpu.memory_space<hbm>>) target_semaphore(%run_scoped3A : memref<!tpu.dma_semaphore, #tpu.memory_space<semaphore_mem>>)
      %dma_wait3A = arith.constant 0 : i32
      %dma_wait3A_24 = tpu.memref_slice %arg6[%add3A_20, %dma_wait3A] : memref<20480x128xf32, #tpu.memory_space<hbm>> -> memref<640x128xf32, #tpu.memory_space<hbm>>
      %dma_wait3A_25 = arith.constant 0 : i32
      %dma_wait3A_26 = tpu.memref_slice %arg10[%mul3A_15, %dma_wait3A_25] : memref<10240x128xf32, #tpu.memory_space<vmem_shared>> -> memref<640x128xf32, #tpu.memory_space<vmem_shared>>
      tpu.wait_dma2 semaphore(%run_scoped3A : memref<!tpu.dma_semaphore, #tpu.memory_space<semaphore_mem>>) src(%dma_wait3A_26 : memref<640x128xf32, #tpu.memory_space<vmem_shared>>) dst(%dma_wait3A_24 : memref<640x128xf32, #tpu.memory_space<hbm>>)
      tpu.yield
    }) : () -> ()
    return
  }
}

module attributes {stable_mosaic.version = 14 : i64} {
  func.func @_mm_kernel(%arg0: i32, %arg1: memref<2000x256xf32, #tpu.memory_space<vmem>>, %arg2: memref<256x256xf32, #tpu.memory_space<vmem>>, %arg3: memref<1x256xf32, #tpu.memory_space<vmem>>, %arg4: memref<2000x256xf32, #tpu.memory_space<vmem>>) attributes {dimension_semantics = [#tpu.dimension_semantics<arbitrary>], iteration_bounds = array<i64: 160>, scalar_prefetch = 0 : i64, scratch_operands = 0 : i64, tpu.core_type = #tpu.core_type<tc>, window_params = [{transform_indices = @transform_0, window_bounds = array<i64: 2000, 256>}, {pipeline_mode = #tpu.pipeline_mode<synchronous>, transform_indices = @transform_1, window_bounds = array<i64: 256, 256>}, {pipeline_mode = #tpu.pipeline_mode<synchronous>, transform_indices = @transform_2, window_bounds = array<i64: 1, 256>}, {transform_indices = @transform_3, window_bounds = array<i64: 2000, 256>}]} {
    %get3A = arith.constant 0 : index
    %get3A_0 = arith.constant 0 : index
    %get3A_1 = vector.load %arg1[%get3A, %get3A_0] : memref<2000x256xf32, #tpu.memory_space<vmem>>, vector<2000x256xf32>
    %get3A_2 = arith.constant 0 : index
    %get3A_3 = arith.constant 0 : index
    %get3A_4 = vector.load %arg2[%get3A_2, %get3A_3] : memref<256x256xf32, #tpu.memory_space<vmem>>, vector<256x256xf32>
    %dot_general3A = arith.constant dense<0.000000e+00> : vector<2000x256xf32>
    %dot_general3A_5 = tpu.matmul %get3A_1, %get3A_4, %dot_general3A {dimension_numbers = #tpu.dot_dimension_numbers<[1], [0], [0], [1], [0, 0, 1, 1], [], []>, transpose_lhs_hint = false} : vector<2000x256xf32>, vector<256x256xf32>, vector<2000x256xf32> -> vector<2000x256xf32>
    %get3A_6 = arith.constant 0 : index
    %get3A_7 = arith.constant 0 : index
    %get3A_8 = vector.load %arg3[%get3A_6, %get3A_7] : memref<1x256xf32, #tpu.memory_space<vmem>>, vector<1x256xf32>
    %add3A = vector.broadcast %get3A_8 : vector<1x256xf32> to vector<2000x256xf32>
    %add3A_9 = arith.addf %dot_general3A_5, %add3A : vector<2000x256xf32>
    %swap3A = arith.constant 0 : index
    %swap3A_10 = arith.constant 0 : index
    %swap3A_11 = vector.load %arg4[%swap3A, %swap3A_10] : memref<2000x256xf32, #tpu.memory_space<vmem>>, vector<2000x256xf32>
    tpu.vector_store %arg4[%swap3A, %swap3A_10], %add3A_9 {strides = array<i32>} : memref<2000x256xf32, #tpu.memory_space<vmem>>, vector<2000x256xf32>,
    return
  }
  func.func @transform_0(%arg0: i32) -> (i32, i32) {
    %c0_i32 = arith.constant 0 : i32
    %c0_i32_0 = arith.constant 0 : i32
    return %arg0, %c0_i32 : i32, i32
  }
  func.func @transform_1(%arg0: i32) -> (i32, i32) {
    %c0_i32 = arith.constant 0 : i32
    %c0_i32_0 = arith.constant 0 : i32
    %c0_i32_1 = arith.constant 0 : i32
    return %c0_i32, %c0_i32_0 : i32, i32
  }
  func.func @transform_2(%arg0: i32) -> (i32, i32) {
    %c0_i32 = arith.constant 0 : i32
    %c0_i32_0 = arith.constant 0 : i32
    %c0_i32_1 = arith.constant 0 : i32
    return %c0_i32, %c0_i32_0 : i32, i32
  }
  func.func @transform_3(%arg0: i32) -> (i32, i32) {
    %c0_i32 = arith.constant 0 : i32
    %c0_i32_0 = arith.constant 0 : i32
    return %arg0, %c0_i32 : i32, i32
  }
}

module attributes {stable_mosaic.version = 14 : i64} {
  func.func @_pre_kernel(%arg0: i32, %arg1: memref<1000x128xf32, #tpu.memory_space<vmem>>, %arg2: memref<128x512xf32, #tpu.memory_space<vmem>>, %arg3: memref<4x128xf32, #tpu.memory_space<vmem>>, %arg4: memref<4x128xf32, #tpu.memory_space<vmem>>, %arg5: memref<128x256xf32, #tpu.memory_space<vmem>>, %arg6: memref<128x256xf32, #tpu.memory_space<vmem>>, %arg7: memref<1x256xf32, #tpu.memory_space<vmem>>, %arg8: memref<4x1000x128xf32, #tpu.memory_space<vmem>>, %arg9: memref<4x1000x128xf32, #tpu.memory_space<vmem>>, %arg10: memref<1000x16xf32, #tpu.memory_space<vmem>>, %arg11: memref<1000x384xf32, #tpu.memory_space<vmem>>, %arg12: memref<1000x384xf32, #tpu.memory_space<vmem>>) attributes {dimension_semantics = [#tpu.dimension_semantics<arbitrary>], iteration_bounds = array<i64: 10>, scalar_prefetch = 0 : i64, scratch_operands = 0 : i64, tpu.core_type = #tpu.core_type<tc>, window_params = [{transform_indices = @transform_0, window_bounds = array<i64: 1000, 128>}, {pipeline_mode = #tpu.pipeline_mode<synchronous>, transform_indices = @transform_1, window_bounds = array<i64: 128, 512>}, {pipeline_mode = #tpu.pipeline_mode<synchronous>, transform_indices = @transform_2, window_bounds = array<i64: 4, 128>}, {pipeline_mode = #tpu.pipeline_mode<synchronous>, transform_indices = @transform_3, window_bounds = array<i64: 4, 128>}, {pipeline_mode = #tpu.pipeline_mode<synchronous>, transform_indices = @transform_4, window_bounds = array<i64: 128, 256>}, {pipeline_mode = #tpu.pipeline_mode<synchronous>, transform_indices = @transform_5, window_bounds = array<i64: 128, 256>}, {pipeline_mode = #tpu.pipeline_mode<synchronous>, transform_indices = @transform_6, window_bounds = array<i64: 1, 256>}, {transform_indices = @transform_7, window_bounds = array<i64: 4, 1000, 128>}, {transform_indices = @transform_8, window_bounds = array<i64: 4, 1000, 128>}, {transform_indices = @transform_9, window_bounds = array<i64: 1000, 16>}, {transform_indices = @transform_10, window_bounds = array<i64: 1000, 384>}, {transform_indices = @transform_11, window_bounds = array<i64: 1000, 384>}]} {
    %get3A = arith.constant 0 : index
    %get3A_0 = arith.constant 0 : index
    %get3A_1 = vector.load %arg1[%get3A, %get3A_0] : memref<1000x128xf32, #tpu.memory_space<vmem>>, vector<1000x128xf32>
    %get3A_2 = arith.constant 0 : index
    %get3A_3 = arith.constant 0 : index
    %get3A_4 = vector.load %arg2[%get3A_2, %get3A_3] : memref<128x512xf32, #tpu.memory_space<vmem>>, vector<128x512xf32>
    %dot_general3A = arith.constant dense<0.000000e+00> : vector<1000x512xf32>
    %dot_general3A_5 = tpu.matmul %get3A_1, %get3A_4, %dot_general3A {dimension_numbers = #tpu.dot_dimension_numbers<[1], [0], [0], [1], [0, 0, 1, 1], [], []>, transpose_lhs_hint = false} : vector<1000x128xf32>, vector<128x512xf32>, vector<1000x512xf32> -> vector<1000x512xf32>
    %slice3A = vector.extract_strided_slice %dot_general3A_5 {offsets = [0, 0], sizes = [1000, 128], strides = [1, 1]} : vector<1000x512xf32> to vector<1000x128xf32>
    %swap3A = arith.constant 0 : index
    %swap3A_6 = arith.constant 0 : index
    %swap3A_7 = arith.constant 0 : index
    %swap3A_8 = vector.load %arg8[%swap3A, %swap3A_6, %swap3A_7] : memref<4x1000x128xf32, #tpu.memory_space<vmem>>, vector<1x1000x128xf32>
    %swap3A_9 = vector.shape_cast %swap3A_8 : vector<1x1000x128xf32> to vector<1000x128xf32>
    %swap3A_10 = vector.shape_cast %slice3A : vector<1000x128xf32> to vector<1x1000x128xf32>
    tpu.vector_store %arg8[%swap3A, %swap3A_6, %swap3A_7], %swap3A_10 {strides = array<i32>} : memref<4x1000x128xf32, #tpu.memory_space<vmem>>, vector<1x1000x128xf32>,
    %get3A_11 = arith.constant 0 : index
    %get3A_12 = arith.constant 0 : index
    %get3A_13 = vector.load %arg3[%get3A_11, %get3A_12] : memref<4x128xf32, #tpu.memory_space<vmem>>, vector<1x128xf32>
    %get3A_14 = vector.shape_cast %get3A_13 : vector<1x128xf32> to vector<128xf32>
    %broadcast_in_dim3A = vector.shape_cast %get3A_14 : vector<128xf32> to vector<1x128xf32>
    %mul3A = vector.broadcast %broadcast_in_dim3A : vector<1x128xf32> to vector<1000x128xf32>
    %mul3A_15 = arith.mulf %slice3A, %mul3A : vector<1000x128xf32>
    %reduce_sum3A = arith.constant dense<0.000000e+00> : vector<1000xf32>
    %reduce_sum3A_16 = vector.multi_reduction <add>, %mul3A_15, %reduce_sum3A [1] : vector<1000x128xf32> to vector<1000xf32>
    %broadcast_in_dim3A_17 = vector.shape_cast %reduce_sum3A_16 : vector<1000xf32> to vector<1000x1xf32>
    %get3A_18 = arith.constant 0 : index
    %get3A_19 = arith.constant 0 : index
    %get3A_20 = vector.load %arg4[%get3A_18, %get3A_19] : memref<4x128xf32, #tpu.memory_space<vmem>>, vector<1x128xf32>
    %get3A_21 = vector.shape_cast %get3A_20 : vector<1x128xf32> to vector<128xf32>
    %broadcast_in_dim3A_22 = vector.shape_cast %get3A_21 : vector<128xf32> to vector<1x128xf32>
    %mul3A_23 = vector.broadcast %broadcast_in_dim3A_22 : vector<1x128xf32> to vector<1000x128xf32>
    %mul3A_24 = arith.mulf %slice3A, %mul3A_23 : vector<1000x128xf32>
    %reduce_sum3A_25 = arith.constant dense<0.000000e+00> : vector<1000xf32>
    %reduce_sum3A_26 = vector.multi_reduction <add>, %mul3A_24, %reduce_sum3A_25 [1] : vector<1000x128xf32> to vector<1000xf32>
    %broadcast_in_dim3A_27 = vector.shape_cast %reduce_sum3A_26 : vector<1000xf32> to vector<1000x1xf32>
    %add3A = arith.addf %broadcast_in_dim3A_17, %broadcast_in_dim3A_27 : vector<1000x1xf32>
    %mul3A_28 = arith.constant 2.000000e-01 : f32
    %mul3A_29 = vector.broadcast %mul3A_28 : f32 to vector<1000x1xf32>
    %mul3A_30 = arith.mulf %mul3A_29, %add3A : vector<1000x1xf32>
    %max3A = arith.maximumf %add3A, %mul3A_30 : vector<1000x1xf32>
    %exp3A = math.exp %max3A : vector<1000x1xf32>
    %mul3A_31 = vector.broadcast %exp3A : vector<1000x1xf32> to vector<1000x128xf32>
    %mul3A_32 = arith.mulf %mul3A_31, %slice3A : vector<1000x128xf32>
    %slice3A_33 = vector.extract_strided_slice %dot_general3A_5 {offsets = [0, 128], sizes = [1000, 128], strides = [1, 1]} : vector<1000x512xf32> to vector<1000x128xf32>
    %swap3A_34 = arith.constant 1 : index
    %swap3A_35 = arith.constant 0 : index
    %swap3A_36 = arith.constant 0 : index
    %swap3A_37 = vector.load %arg8[%swap3A_34, %swap3A_35, %swap3A_36] : memref<4x1000x128xf32, #tpu.memory_space<vmem>>, vector<1x1000x128xf32>
    %swap3A_38 = vector.shape_cast %swap3A_37 : vector<1x1000x128xf32> to vector<1000x128xf32>
    %swap3A_39 = vector.shape_cast %slice3A_33 : vector<1000x128xf32> to vector<1x1000x128xf32>
    tpu.vector_store %arg8[%swap3A_34, %swap3A_35, %swap3A_36], %swap3A_39 {strides = array<i32>} : memref<4x1000x128xf32, #tpu.memory_space<vmem>>, vector<1x1000x128xf32>,
    %get3A_40 = arith.constant 1 : index
    %get3A_41 = arith.constant 0 : index
    %get3A_42 = vector.load %arg3[%get3A_40, %get3A_41] : memref<4x128xf32, #tpu.memory_space<vmem>>, vector<1x128xf32>
    %get3A_43 = vector.shape_cast %get3A_42 : vector<1x128xf32> to vector<128xf32>
    %broadcast_in_dim3A_44 = vector.shape_cast %get3A_43 : vector<128xf32> to vector<1x128xf32>
    %mul3A_45 = vector.broadcast %broadcast_in_dim3A_44 : vector<1x128xf32> to vector<1000x128xf32>
    %mul3A_46 = arith.mulf %slice3A_33, %mul3A_45 : vector<1000x128xf32>
    %reduce_sum3A_47 = arith.constant dense<0.000000e+00> : vector<1000xf32>
    %reduce_sum3A_48 = vector.multi_reduction <add>, %mul3A_46, %reduce_sum3A_47 [1] : vector<1000x128xf32> to vector<1000xf32>
    %broadcast_in_dim3A_49 = vector.shape_cast %reduce_sum3A_48 : vector<1000xf32> to vector<1000x1xf32>
    %get3A_50 = arith.constant 1 : index
    %get3A_51 = arith.constant 0 : index
    %get3A_52 = vector.load %arg4[%get3A_50, %get3A_51] : memref<4x128xf32, #tpu.memory_space<vmem>>, vector<1x128xf32>
    %get3A_53 = vector.shape_cast %get3A_52 : vector<1x128xf32> to vector<128xf32>
    %broadcast_in_dim3A_54 = vector.shape_cast %get3A_53 : vector<128xf32> to vector<1x128xf32>
    %mul3A_55 = vector.broadcast %broadcast_in_dim3A_54 : vector<1x128xf32> to vector<1000x128xf32>
    %mul3A_56 = arith.mulf %slice3A_33, %mul3A_55 : vector<1000x128xf32>
    %reduce_sum3A_57 = arith.constant dense<0.000000e+00> : vector<1000xf32>
    %reduce_sum3A_58 = vector.multi_reduction <add>, %mul3A_56, %reduce_sum3A_57 [1] : vector<1000x128xf32> to vector<1000xf32>
    %broadcast_in_dim3A_59 = vector.shape_cast %reduce_sum3A_58 : vector<1000xf32> to vector<1000x1xf32>
    %add3A_60 = arith.addf %broadcast_in_dim3A_49, %broadcast_in_dim3A_59 : vector<1000x1xf32>
    %mul3A_61 = arith.constant 2.000000e-01 : f32
    %mul3A_62 = vector.broadcast %mul3A_61 : f32 to vector<1000x1xf32>
    %mul3A_63 = arith.mulf %mul3A_62, %add3A_60 : vector<1000x1xf32>
    %max3A_64 = arith.maximumf %add3A_60, %mul3A_63 : vector<1000x1xf32>
    %exp3A_65 = math.exp %max3A_64 : vector<1000x1xf32>
    %mul3A_66 = vector.broadcast %exp3A_65 : vector<1000x1xf32> to vector<1000x128xf32>
    %mul3A_67 = arith.mulf %mul3A_66, %slice3A_33 : vector<1000x128xf32>
    %slice3A_68 = vector.extract_strided_slice %dot_general3A_5 {offsets = [0, 256], sizes = [1000, 128], strides = [1, 1]} : vector<1000x512xf32> to vector<1000x128xf32>
    %swap3A_69 = arith.constant 2 : index
    %swap3A_70 = arith.constant 0 : index
    %swap3A_71 = arith.constant 0 : index
    %swap3A_72 = vector.load %arg8[%swap3A_69, %swap3A_70, %swap3A_71] : memref<4x1000x128xf32, #tpu.memory_space<vmem>>, vector<1x1000x128xf32>
    %swap3A_73 = vector.shape_cast %swap3A_72 : vector<1x1000x128xf32> to vector<1000x128xf32>
    %swap3A_74 = vector.shape_cast %slice3A_68 : vector<1000x128xf32> to vector<1x1000x128xf32>
    tpu.vector_store %arg8[%swap3A_69, %swap3A_70, %swap3A_71], %swap3A_74 {strides = array<i32>} : memref<4x1000x128xf32, #tpu.memory_space<vmem>>, vector<1x1000x128xf32>,
    %get3A_75 = arith.constant 2 : index
    %get3A_76 = arith.constant 0 : index
    %get3A_77 = vector.load %arg3[%get3A_75, %get3A_76] : memref<4x128xf32, #tpu.memory_space<vmem>>, vector<1x128xf32>
    %get3A_78 = vector.shape_cast %get3A_77 : vector<1x128xf32> to vector<128xf32>
    %broadcast_in_dim3A_79 = vector.shape_cast %get3A_78 : vector<128xf32> to vector<1x128xf32>
    %mul3A_80 = vector.broadcast %broadcast_in_dim3A_79 : vector<1x128xf32> to vector<1000x128xf32>
    %mul3A_81 = arith.mulf %slice3A_68, %mul3A_80 : vector<1000x128xf32>
    %reduce_sum3A_82 = arith.constant dense<0.000000e+00> : vector<1000xf32>
    %reduce_sum3A_83 = vector.multi_reduction <add>, %mul3A_81, %reduce_sum3A_82 [1] : vector<1000x128xf32> to vector<1000xf32>
    %broadcast_in_dim3A_84 = vector.shape_cast %reduce_sum3A_83 : vector<1000xf32> to vector<1000x1xf32>
    %get3A_85 = arith.constant 2 : index
    %get3A_86 = arith.constant 0 : index
    %get3A_87 = vector.load %arg4[%get3A_85, %get3A_86] : memref<4x128xf32, #tpu.memory_space<vmem>>, vector<1x128xf32>
    %get3A_88 = vector.shape_cast %get3A_87 : vector<1x128xf32> to vector<128xf32>
    %broadcast_in_dim3A_89 = vector.shape_cast %get3A_88 : vector<128xf32> to vector<1x128xf32>
    %mul3A_90 = vector.broadcast %broadcast_in_dim3A_89 : vector<1x128xf32> to vector<1000x128xf32>
    %mul3A_91 = arith.mulf %slice3A_68, %mul3A_90 : vector<1000x128xf32>
    %reduce_sum3A_92 = arith.constant dense<0.000000e+00> : vector<1000xf32>
    %reduce_sum3A_93 = vector.multi_reduction <add>, %mul3A_91, %reduce_sum3A_92 [1] : vector<1000x128xf32> to vector<1000xf32>
    %broadcast_in_dim3A_94 = vector.shape_cast %reduce_sum3A_93 : vector<1000xf32> to vector<1000x1xf32>
    %add3A_95 = arith.addf %broadcast_in_dim3A_84, %broadcast_in_dim3A_94 : vector<1000x1xf32>
    %mul3A_96 = arith.constant 2.000000e-01 : f32
    %mul3A_97 = vector.broadcast %mul3A_96 : f32 to vector<1000x1xf32>
    %mul3A_98 = arith.mulf %mul3A_97, %add3A_95 : vector<1000x1xf32>
    %max3A_99 = arith.maximumf %add3A_95, %mul3A_98 : vector<1000x1xf32>
    %exp3A_100 = math.exp %max3A_99 : vector<1000x1xf32>
    %mul3A_101 = vector.broadcast %exp3A_100 : vector<1000x1xf32> to vector<1000x128xf32>
    %mul3A_102 = arith.mulf %mul3A_101, %slice3A_68 : vector<1000x128xf32>
    %slice3A_103 = vector.extract_strided_slice %dot_general3A_5 {offsets = [0, 384], sizes = [1000, 128], strides = [1, 1]} : vector<1000x512xf32> to vector<1000x128xf32>
    %swap3A_104 = arith.constant 3 : index
    %swap3A_105 = arith.constant 0 : index
    %swap3A_106 = arith.constant 0 : index
    %swap3A_107 = vector.load %arg8[%swap3A_104, %swap3A_105, %swap3A_106] : memref<4x1000x128xf32, #tpu.memory_space<vmem>>, vector<1x1000x128xf32>
    %swap3A_108 = vector.shape_cast %swap3A_107 : vector<1x1000x128xf32> to vector<1000x128xf32>
    %swap3A_109 = vector.shape_cast %slice3A_103 : vector<1000x128xf32> to vector<1x1000x128xf32>
    tpu.vector_store %arg8[%swap3A_104, %swap3A_105, %swap3A_106], %swap3A_109 {strides = array<i32>} : memref<4x1000x128xf32, #tpu.memory_space<vmem>>, vector<1x1000x128xf32>,
    %get3A_110 = arith.constant 3 : index
    %get3A_111 = arith.constant 0 : index
    %get3A_112 = vector.load %arg3[%get3A_110, %get3A_111] : memref<4x128xf32, #tpu.memory_space<vmem>>, vector<1x128xf32>
    %get3A_113 = vector.shape_cast %get3A_112 : vector<1x128xf32> to vector<128xf32>
    %broadcast_in_dim3A_114 = vector.shape_cast %get3A_113 : vector<128xf32> to vector<1x128xf32>
    %mul3A_115 = vector.broadcast %broadcast_in_dim3A_114 : vector<1x128xf32> to vector<1000x128xf32>
    %mul3A_116 = arith.mulf %slice3A_103, %mul3A_115 : vector<1000x128xf32>
    %reduce_sum3A_117 = arith.constant dense<0.000000e+00> : vector<1000xf32>
    %reduce_sum3A_118 = vector.multi_reduction <add>, %mul3A_116, %reduce_sum3A_117 [1] : vector<1000x128xf32> to vector<1000xf32>
    %broadcast_in_dim3A_119 = vector.shape_cast %reduce_sum3A_118 : vector<1000xf32> to vector<1000x1xf32>
    %get3A_120 = arith.constant 3 : index
    %get3A_121 = arith.constant 0 : index
    %get3A_122 = vector.load %arg4[%get3A_120, %get3A_121] : memref<4x128xf32, #tpu.memory_space<vmem>>, vector<1x128xf32>
    %get3A_123 = vector.shape_cast %get3A_122 : vector<1x128xf32> to vector<128xf32>
    %broadcast_in_dim3A_124 = vector.shape_cast %get3A_123 : vector<128xf32> to vector<1x128xf32>
    %mul3A_125 = vector.broadcast %broadcast_in_dim3A_124 : vector<1x128xf32> to vector<1000x128xf32>
    %mul3A_126 = arith.mulf %slice3A_103, %mul3A_125 : vector<1000x128xf32>
    %reduce_sum3A_127 = arith.constant dense<0.000000e+00> : vector<1000xf32>
    %reduce_sum3A_128 = vector.multi_reduction <add>, %mul3A_126, %reduce_sum3A_127 [1] : vector<1000x128xf32> to vector<1000xf32>
    %broadcast_in_dim3A_129 = vector.shape_cast %reduce_sum3A_128 : vector<1000xf32> to vector<1000x1xf32>
    %add3A_130 = arith.addf %broadcast_in_dim3A_119, %broadcast_in_dim3A_129 : vector<1000x1xf32>
    %mul3A_131 = arith.constant 2.000000e-01 : f32
    %mul3A_132 = vector.broadcast %mul3A_131 : f32 to vector<1000x1xf32>
    %mul3A_133 = arith.mulf %mul3A_132, %add3A_130 : vector<1000x1xf32>
    %max3A_134 = arith.maximumf %add3A_130, %mul3A_133 : vector<1000x1xf32>
    %exp3A_135 = math.exp %max3A_134 : vector<1000x1xf32>
    %mul3A_136 = vector.broadcast %exp3A_135 : vector<1000x1xf32> to vector<1000x128xf32>
    %mul3A_137 = arith.mulf %mul3A_136, %slice3A_103 : vector<1000x128xf32>
    %stack3A = vector.shape_cast %mul3A_32 : vector<1000x128xf32> to vector<1x1000x128xf32>
    %stack3A_138 = vector.shape_cast %mul3A_67 : vector<1000x128xf32> to vector<1x1000x128xf32>
    %stack3A_139 = vector.shape_cast %mul3A_102 : vector<1000x128xf32> to vector<1x1000x128xf32>
    %stack3A_140 = vector.shape_cast %mul3A_137 : vector<1000x128xf32> to vector<1x1000x128xf32>
    %stack3A_141 = tpu.concatenate %stack3A, %stack3A_138, %stack3A_139, %stack3A_140 in 0 : vector<1x1000x128xf32>, vector<1x1000x128xf32>, vector<1x1000x128xf32>, vector<1x1000x128xf32> -> vector<4x1000x128xf32>
    %swap3A_142 = arith.constant 0 : index
    %swap3A_143 = arith.constant 0 : index
    %swap3A_144 = arith.constant 0 : index
    %swap3A_145 = vector.load %arg9[%swap3A_142, %swap3A_143, %swap3A_144] : memref<4x1000x128xf32, #tpu.memory_space<vmem>>, vector<4x1000x128xf32>
    tpu.vector_store %arg9[%swap3A_142, %swap3A_143, %swap3A_144], %stack3A_141 {strides = array<i32>} : memref<4x1000x128xf32, #tpu.memory_space<vmem>>, vector<4x1000x128xf32>,
    %broadcast_in_dim3A_146 = arith.constant 0.000000e+00 : f32
    %broadcast_in_dim3A_147 = vector.broadcast %broadcast_in_dim3A_146 : f32 to vector<1000x12xf32>
    %concatenate3A = tpu.concatenate %exp3A, %exp3A_65, %exp3A_100, %exp3A_135, %broadcast_in_dim3A_147 in 1 : vector<1000x1xf32>, vector<1000x1xf32>, vector<1000x1xf32>, vector<1000x1xf32>, vector<1000x12xf32> -> vector<1000x16xf32>
    %swap3A_148 = arith.constant 0 : index
    %swap3A_149 = arith.constant 0 : index
    %swap3A_150 = vector.load %arg10[%swap3A_148, %swap3A_149] : memref<1000x16xf32, #tpu.memory_space<vmem>>, vector<1000x16xf32>
    tpu.vector_store %arg10[%swap3A_148, %swap3A_149], %concatenate3A {strides = array<i32>} : memref<1000x16xf32, #tpu.memory_space<vmem>>, vector<1000x16xf32>,
    %broadcast_in_dim3A_151 = arith.constant 0.000000e+00 : f32
    %broadcast_in_dim3A_152 = vector.broadcast %broadcast_in_dim3A_151 : f32 to vector<1000x124xf32>
    %get3A_153 = arith.constant 0 : index
    %get3A_154 = arith.constant 0 : index
    %get3A_155 = vector.load %arg5[%get3A_153, %get3A_154] : memref<128x256xf32, #tpu.memory_space<vmem>>, vector<128x256xf32>
    %dot_general3A_156 = arith.constant dense<0.000000e+00> : vector<1000x256xf32>
    %dot_general3A_157 = tpu.matmul %get3A_1, %get3A_155, %dot_general3A_156 {dimension_numbers = #tpu.dot_dimension_numbers<[1], [0], [0], [1], [0, 0, 1, 1], [], []>, transpose_lhs_hint = false} : vector<1000x128xf32>, vector<128x256xf32>, vector<1000x256xf32> -> vector<1000x256xf32>
    %get3A_158 = arith.constant 0 : index
    %get3A_159 = arith.constant 0 : index
    %get3A_160 = vector.load %arg7[%get3A_158, %get3A_159] : memref<1x256xf32, #tpu.memory_space<vmem>>, vector<1x256xf32>
    %add3A_161 = vector.broadcast %get3A_160 : vector<1x256xf32> to vector<1000x256xf32>
    %add3A_162 = arith.addf %dot_general3A_157, %add3A_161 : vector<1000x256xf32>
    %concatenate3A_163 = tpu.concatenate %add3A_162, %broadcast_in_dim3A_27, %broadcast_in_dim3A_59, %broadcast_in_dim3A_94, %broadcast_in_dim3A_129, %broadcast_in_dim3A_152 in 1 : vector<1000x256xf32>, vector<1000x1xf32>, vector<1000x1xf32>, vector<1000x1xf32>, vector<1000x1xf32>, vector<1000x124xf32> -> vector<1000x384xf32>
    %swap3A_164 = arith.constant 0 : index
    %swap3A_165 = arith.constant 0 : index
    %swap3A_166 = vector.load %arg11[%swap3A_164, %swap3A_165] : memref<1000x384xf32, #tpu.memory_space<vmem>>, vector<1000x384xf32>
    tpu.vector_store %arg11[%swap3A_164, %swap3A_165], %concatenate3A_163 {strides = array<i32>} : memref<1000x384xf32, #tpu.memory_space<vmem>>, vector<1000x384xf32>,
    %get3A_167 = arith.constant 0 : index
    %get3A_168 = arith.constant 0 : index
    %get3A_169 = vector.load %arg6[%get3A_167, %get3A_168] : memref<128x256xf32, #tpu.memory_space<vmem>>, vector<128x256xf32>
    %dot_general3A_170 = arith.constant dense<0.000000e+00> : vector<1000x256xf32>
    %dot_general3A_171 = tpu.matmul %get3A_1, %get3A_169, %dot_general3A_170 {dimension_numbers = #tpu.dot_dimension_numbers<[1], [0], [0], [1], [0, 0, 1, 1], [], []>, transpose_lhs_hint = false} : vector<1000x128xf32>, vector<128x256xf32>, vector<1000x256xf32> -> vector<1000x256xf32>
    %concatenate3A_172 = tpu.concatenate %dot_general3A_171, %broadcast_in_dim3A_17, %broadcast_in_dim3A_49, %broadcast_in_dim3A_84, %broadcast_in_dim3A_119, %broadcast_in_dim3A_152 in 1 : vector<1000x256xf32>, vector<1000x1xf32>, vector<1000x1xf32>, vector<1000x1xf32>, vector<1000x1xf32>, vector<1000x124xf32> -> vector<1000x384xf32>
    %swap3A_173 = arith.constant 0 : index
    %swap3A_174 = arith.constant 0 : index
    %swap3A_175 = vector.load %arg12[%swap3A_173, %swap3A_174] : memref<1000x384xf32, #tpu.memory_space<vmem>>, vector<1000x384xf32>
    tpu.vector_store %arg12[%swap3A_173, %swap3A_174], %concatenate3A_172 {strides = array<i32>} : memref<1000x384xf32, #tpu.memory_space<vmem>>, vector<1000x384xf32>,
    return
  }
  func.func @transform_0(%arg0: i32) -> (i32, i32) {
    %c0_i32 = arith.constant 0 : i32
    %c0_i32_0 = arith.constant 0 : i32
    return %arg0, %c0_i32 : i32, i32
  }
  func.func @transform_1(%arg0: i32) -> (i32, i32) {
    %c0_i32 = arith.constant 0 : i32
    %c0_i32_0 = arith.constant 0 : i32
    %c0_i32_1 = arith.constant 0 : i32
    return %c0_i32, %c0_i32_0 : i32, i32
  }
  func.func @transform_2(%arg0: i32) -> (i32, i32) {
    %c0_i32 = arith.constant 0 : i32
    %c0_i32_0 = arith.constant 0 : i32
    %c0_i32_1 = arith.constant 0 : i32
    return %c0_i32, %c0_i32_0 : i32, i32
  }
  func.func @transform_3(%arg0: i32) -> (i32, i32) {
    %c0_i32 = arith.constant 0 : i32
    %c0_i32_0 = arith.constant 0 : i32
    %c0_i32_1 = arith.constant 0 : i32
    return %c0_i32, %c0_i32_0 : i32, i32
  }
  func.func @transform_4(%arg0: i32) -> (i32, i32) {
    %c0_i32 = arith.constant 0 : i32
    %c0_i32_0 = arith.constant 0 : i32
    %c0_i32_1 = arith.constant 0 : i32
    return %c0_i32, %c0_i32_0 : i32, i32
  }
  func.func @transform_5(%arg0: i32) -> (i32, i32) {
    %c0_i32 = arith.constant 0 : i32
    %c0_i32_0 = arith.constant 0 : i32
    %c0_i32_1 = arith.constant 0 : i32
    return %c0_i32, %c0_i32_0 : i32, i32
  }
  func.func @transform_6(%arg0: i32) -> (i32, i32) {
    %c0_i32 = arith.constant 0 : i32
    %c0_i32_0 = arith.constant 0 : i32
    %c0_i32_1 = arith.constant 0 : i32
    return %c0_i32, %c0_i32_0 : i32, i32
  }
  func.func @transform_7(%arg0: i32) -> (i32, i32, i32) {
    %c0_i32 = arith.constant 0 : i32
    %c0_i32_0 = arith.constant 0 : i32
    %c0_i32_1 = arith.constant 0 : i32
    return %c0_i32, %arg0, %c0_i32_0 : i32, i32, i32
  }
  func.func @transform_8(%arg0: i32) -> (i32, i32, i32) {
    %c0_i32 = arith.constant 0 : i32
    %c0_i32_0 = arith.constant 0 : i32
    %c0_i32_1 = arith.constant 0 : i32
    return %c0_i32, %arg0, %c0_i32_0 : i32, i32, i32
  }
  func.func @transform_9(%arg0: i32) -> (i32, i32) {
    %c0_i32 = arith.constant 0 : i32
    %c0_i32_0 = arith.constant 0 : i32
    return %arg0, %c0_i32 : i32, i32
  }
  func.func @transform_10(%arg0: i32) -> (i32, i32) {
    %c0_i32 = arith.constant 0 : i32
    %c0_i32_0 = arith.constant 0 : i32
    return %arg0, %c0_i32 : i32, i32
  }
  func.func @transform_11(%arg0: i32) -> (i32, i32) {
    %c0_i32 = arith.constant 0 : i32
    %c0_i32_0 = arith.constant 0 : i32
    return %arg0, %c0_i32 : i32, i32
  }
}

module attributes {stable_mosaic.version = 14 : i64} {
  func.func @_post_kernel(%arg0: i32, %arg1: memref<1000x128xf32, #tpu.memory_space<vmem>>, %arg2: memref<1000x128xf32, #tpu.memory_space<vmem>>, %arg3: memref<1000x128xf32, #tpu.memory_space<vmem>>, %arg4: memref<1000x128xf32, #tpu.memory_space<vmem>>, %arg5: memref<1000x128xf32, #tpu.memory_space<vmem>>, %arg6: memref<1000x128xf32, #tpu.memory_space<vmem>>, %arg7: memref<1000x16xf32, #tpu.memory_space<vmem>>, %arg8: memref<1000x128xf32, #tpu.memory_space<vmem>>, %arg9: memref<1000x128xf32, #tpu.memory_space<vmem>>, %arg10: memref<1000x256xf32, #tpu.memory_space<vmem>>, %arg11: memref<1x1x1000xi32, #tpu.memory_space<vmem>>, %arg12: memref<1x512xf32, #tpu.memory_space<vmem>>, %arg13: memref<128x256xf32, #tpu.memory_space<vmem>>, %arg14: memref<1x256xf32, #tpu.memory_space<vmem>>, %arg15: memref<256x256xf32, #tpu.memory_space<vmem>>, %arg16: memref<1x256xf32, #tpu.memory_space<vmem>>, %arg17: memref<512x256xf32, #tpu.memory_space<vmem>>, %arg18: memref<1x256xf32, #tpu.memory_space<vmem>>, %arg19: memref<256x128xf32, #tpu.memory_space<vmem>>, %arg20: memref<1x128xf32, #tpu.memory_space<vmem>>, %arg21: memref<256x256xf32, #tpu.memory_space<vmem>>, %arg22: memref<1x256xf32, #tpu.memory_space<vmem>>, %arg23: memref<256x128xf32, #tpu.memory_space<vmem>>, %arg24: memref<1x128xf32, #tpu.memory_space<vmem>>, %arg25: memref<256x256xf32, #tpu.memory_space<vmem>>, %arg26: memref<1x256xf32, #tpu.memory_space<vmem>>, %arg27: memref<256x128xf32, #tpu.memory_space<vmem>>, %arg28: memref<1x128xf32, #tpu.memory_space<vmem>>, %arg29: memref<384x128xf32, #tpu.memory_space<vmem>>, %arg30: memref<1x128xf32, #tpu.memory_space<vmem>>, %arg31: memref<128x64xf32, #tpu.memory_space<vmem>>, %arg32: memref<1x64xf32, #tpu.memory_space<vmem>>, %arg33: memref<1x64xf32, #tpu.memory_space<vmem>>, %arg34: memref<1x1xf32, #tpu.memory_space<vmem>>, %arg35: memref<16x1xf32, #tpu.memory_space<vmem>>, %arg36: memref<16x512xf32, #tpu.memory_space<vmem>>, %arg37: memref<16x256xf32, #tpu.memory_space<vmem>>, %arg38: memref<16x256xf32, #tpu.memory_space<vmem>>, %arg39: memref<16x128xf32, #tpu.memory_space<vmem>>) attributes {dimension_semantics = [#tpu.dimension_semantics<arbitrary>], iteration_bounds = array<i64: 10>, scalar_prefetch = 0 : i64, scratch_operands = 4 : i64, tpu.core_type = #tpu.core_type<tc>, window_params = [{transform_indices = @transform_0, window_bounds = array<i64: 1000, 128>}, {transform_indices = @transform_1, window_bounds = array<i64: 1000, 128>}, {transform_indices = @transform_2, window_bounds = array<i64: 1000, 128>}, {transform_indices = @transform_3, window_bounds = array<i64: 1000, 128>}, {transform_indices = @transform_4, window_bounds = array<i64: 1000, 128>}, {transform_indices = @transform_5, window_bounds = array<i64: 1000, 128>}, {transform_indices = @transform_6, window_bounds = array<i64: 1000, 16>}, {transform_indices = @transform_7, window_bounds = array<i64: 1000, 128>}, {transform_indices = @transform_8, window_bounds = array<i64: 1000, 128>}, {transform_indices = @transform_9, window_bounds = array<i64: 1000, 256>}, {transform_indices = @transform_10, window_bounds = array<i64: 1, 1, 1000>}, {pipeline_mode = #tpu.pipeline_mode<synchronous>, transform_indices = @transform_11, window_bounds = array<i64: 1, 512>}, {pipeline_mode = #tpu.pipeline_mode<synchronous>, transform_indices = @transform_12, window_bounds = array<i64: 128, 256>}, {pipeline_mode = #tpu.pipeline_mode<synchronous>, transform_indices = @transform_13, window_bounds = array<i64: 1, 256>}, {pipeline_mode = #tpu.pipeline_mode<synchronous>, transform_indices = @transform_14, window_bounds = array<i64: 256, 256>}, {pipeline_mode = #tpu.pipeline_mode<synchronous>, transform_indices = @transform_15, window_bounds = array<i64: 1, 256>}, {pipeline_mode = #tpu.pipeline_mode<synchronous>, transform_indices = @transform_16, window_bounds = array<i64: 512, 256>}, {pipeline_mode = #tpu.pipeline_mode<synchronous>, transform_indices = @transform_17, window_bounds = array<i64: 1, 256>}, {pipeline_mode = #tpu.pipeline_mode<synchronous>, transform_indices = @transform_18, window_bounds = array<i64: 256, 128>}, {pipeline_mode = #tpu.pipeline_mode<synchronous>, transform_indices = @transform_19, window_bounds = array<i64: 1, 128>}, {pipeline_mode = #tpu.pipeline_mode<synchronous>, transform_indices = @transform_20, window_bounds = array<i64: 256, 256>}, {pipeline_mode = #tpu.pipeline_mode<synchronous>, transform_indices = @transform_21, window_bounds = array<i64: 1, 256>}, {pipeline_mode = #tpu.pipeline_mode<synchronous>, transform_indices = @transform_22, window_bounds = array<i64: 256, 128>}, {pipeline_mode = #tpu.pipeline_mode<synchronous>, transform_indices = @transform_23, window_bounds = array<i64: 1, 128>}, {pipeline_mode = #tpu.pipeline_mode<synchronous>, transform_indices = @transform_24, window_bounds = array<i64: 256, 256>}, {pipeline_mode = #tpu.pipeline_mode<synchronous>, transform_indices = @transform_25, window_bounds = array<i64: 1, 256>}, {pipeline_mode = #tpu.pipeline_mode<synchronous>, transform_indices = @transform_26, window_bounds = array<i64: 256, 128>}, {pipeline_mode = #tpu.pipeline_mode<synchronous>, transform_indices = @transform_27, window_bounds = array<i64: 1, 128>}, {pipeline_mode = #tpu.pipeline_mode<synchronous>, transform_indices = @transform_28, window_bounds = array<i64: 384, 128>}, {pipeline_mode = #tpu.pipeline_mode<synchronous>, transform_indices = @transform_29, window_bounds = array<i64: 1, 128>}, {pipeline_mode = #tpu.pipeline_mode<synchronous>, transform_indices = @transform_30, window_bounds = array<i64: 128, 64>}, {pipeline_mode = #tpu.pipeline_mode<synchronous>, transform_indices = @transform_31, window_bounds = array<i64: 1, 64>}, {pipeline_mode = #tpu.pipeline_mode<synchronous>, transform_indices = @transform_32, window_bounds = array<i64: 1, 64>}, {pipeline_mode = #tpu.pipeline_mode<synchronous>, transform_indices = @transform_33, window_bounds = array<i64: 1, 1>}, {pipeline_mode = #tpu.pipeline_mode<synchronous>, transform_indices = @transform_34, window_bounds = array<i64: 16, 1>}]} {
    %eq3A = arith.constant 0 : i32
    %eq3A_0 = arith.cmpi eq, %arg0, %eq3A : i32
    %convert_element_type3A = arith.extui %eq3A_0 : i1 to i32
    %cond3A = arith.constant 0 : i32
    %cond3A_1 = arith.cmpi ne, %convert_element_type3A, %cond3A : i32
    scf.if %cond3A_1 {
      %broadcast_in_dim3A_140 = arith.constant 0.000000e+00 : f32
      %broadcast_in_dim3A_141 = vector.broadcast %broadcast_in_dim3A_140 : f32 to vector<16x512xf32>
      %swap3A_142 = arith.constant 0 : index
      %swap3A_143 = arith.constant 0 : index
      %swap3A_144 = vector.load %arg36[%swap3A_142, %swap3A_143] : memref<16x512xf32, #tpu.memory_space<vmem>>, vector<16x512xf32>
      tpu.vector_store %arg36[%swap3A_142, %swap3A_143], %broadcast_in_dim3A_141 {strides = array<i32>} : memref<16x512xf32, #tpu.memory_space<vmem>>, vector<16x512xf32>,
      %broadcast_in_dim3A_145 = arith.constant 0.000000e+00 : f32
      %broadcast_in_dim3A_146 = vector.broadcast %broadcast_in_dim3A_145 : f32 to vector<16x256xf32>
      %swap3A_147 = arith.constant 0 : index
      %swap3A_148 = arith.constant 0 : index
      %swap3A_149 = vector.load %arg37[%swap3A_147, %swap3A_148] : memref<16x256xf32, #tpu.memory_space<vmem>>, vector<16x256xf32>
      tpu.vector_store %arg37[%swap3A_147, %swap3A_148], %broadcast_in_dim3A_146 {strides = array<i32>} : memref<16x256xf32, #tpu.memory_space<vmem>>, vector<16x256xf32>,
      %broadcast_in_dim3A_150 = arith.constant 0.000000e+00 : f32
      %broadcast_in_dim3A_151 = vector.broadcast %broadcast_in_dim3A_150 : f32 to vector<16x256xf32>
      %swap3A_152 = arith.constant 0 : index
      %swap3A_153 = arith.constant 0 : index
      %swap3A_154 = vector.load %arg38[%swap3A_152, %swap3A_153] : memref<16x256xf32, #tpu.memory_space<vmem>>, vector<16x256xf32>
      tpu.vector_store %arg38[%swap3A_152, %swap3A_153], %broadcast_in_dim3A_151 {strides = array<i32>} : memref<16x256xf32, #tpu.memory_space<vmem>>, vector<16x256xf32>,
      %broadcast_in_dim3A_155 = arith.constant 0.000000e+00 : f32
      %broadcast_in_dim3A_156 = vector.broadcast %broadcast_in_dim3A_155 : f32 to vector<16x128xf32>
      %swap3A_157 = arith.constant 0 : index
      %swap3A_158 = arith.constant 0 : index
      %swap3A_159 = vector.load %arg39[%swap3A_157, %swap3A_158] : memref<16x128xf32, #tpu.memory_space<vmem>>, vector<16x128xf32>
      tpu.vector_store %arg39[%swap3A_157, %swap3A_158], %broadcast_in_dim3A_156 {strides = array<i32>} : memref<16x128xf32, #tpu.memory_space<vmem>>, vector<16x128xf32>,
    } else {
    }
    %get3A = arith.constant 0 : index
    %get3A_2 = arith.constant 0 : index
    %get3A_3 = vector.load %arg5[%get3A, %get3A_2] : memref<1000x128xf32, #tpu.memory_space<vmem>>, vector<1000x128xf32>
    %get3A_4 = arith.constant 0 : index
    %get3A_5 = arith.constant 0 : index
    %get3A_6 = vector.load %arg6[%get3A_4, %get3A_5] : memref<1000x128xf32, #tpu.memory_space<vmem>>, vector<1000x128xf32>
    %add3A = arith.addf %get3A_3, %get3A_6 : vector<1000x128xf32>
    %slice3A = vector.extract_strided_slice %add3A {offsets = [0, 0], sizes = [1000, 4], strides = [1, 1]} : vector<1000x128xf32> to vector<1000x4xf32>
    %get3A_7 = arith.constant 0 : index
    %get3A_8 = arith.constant 0 : index
    %get3A_9 = vector.load %arg7[%get3A_7, %get3A_8] : memref<1000x16xf32, #tpu.memory_space<vmem>>, vector<1000x16xf32>
    %slice3A_10 = vector.extract_strided_slice %get3A_9 {offsets = [0, 0], sizes = [1000, 4], strides = [1, 1]} : vector<1000x16xf32> to vector<1000x4xf32>
    %add3A_11 = arith.addf %slice3A, %slice3A_10 : vector<1000x4xf32>
    %get3A_12 = arith.constant 0 : index
    %get3A_13 = arith.constant 0 : index
    %get3A_14 = vector.load %arg1[%get3A_12, %get3A_13] : memref<1000x128xf32, #tpu.memory_space<vmem>>, vector<1000x128xf32>
    %slice3A_15 = vector.extract_strided_slice %add3A_11 {offsets = [0, 0], sizes = [1000, 1], strides = [1, 1]} : vector<1000x4xf32> to vector<1000x1xf32>
    %add3A_16 = arith.constant 1.000000e-16 : f32
    %add3A_17 = vector.broadcast %add3A_16 : f32 to vector<1000x1xf32>
    %add3A_18 = arith.addf %slice3A_15, %add3A_17 : vector<1000x1xf32>
    %div3A = vector.broadcast %add3A_18 : vector<1000x1xf32> to vector<1000x128xf32>
    %div3A_19 = arith.divf %get3A_14, %div3A : vector<1000x128xf32>
    %get3A_20 = arith.constant 0 : index
    %get3A_21 = arith.constant 0 : index
    %get3A_22 = vector.load %arg2[%get3A_20, %get3A_21] : memref<1000x128xf32, #tpu.memory_space<vmem>>, vector<1000x128xf32>
    %slice3A_23 = vector.extract_strided_slice %add3A_11 {offsets = [0, 1], sizes = [1000, 1], strides = [1, 1]} : vector<1000x4xf32> to vector<1000x1xf32>
    %add3A_24 = arith.constant 1.000000e-16 : f32
    %add3A_25 = vector.broadcast %add3A_24 : f32 to vector<1000x1xf32>
    %add3A_26 = arith.addf %slice3A_23, %add3A_25 : vector<1000x1xf32>
    %div3A_27 = vector.broadcast %add3A_26 : vector<1000x1xf32> to vector<1000x128xf32>
    %div3A_28 = arith.divf %get3A_22, %div3A_27 : vector<1000x128xf32>
    %get3A_29 = arith.constant 0 : index
    %get3A_30 = arith.constant 0 : index
    %get3A_31 = vector.load %arg3[%get3A_29, %get3A_30] : memref<1000x128xf32, #tpu.memory_space<vmem>>, vector<1000x128xf32>
    %slice3A_32 = vector.extract_strided_slice %add3A_11 {offsets = [0, 2], sizes = [1000, 1], strides = [1, 1]} : vector<1000x4xf32> to vector<1000x1xf32>
    %add3A_33 = arith.constant 1.000000e-16 : f32
    %add3A_34 = vector.broadcast %add3A_33 : f32 to vector<1000x1xf32>
    %add3A_35 = arith.addf %slice3A_32, %add3A_34 : vector<1000x1xf32>
    %div3A_36 = vector.broadcast %add3A_35 : vector<1000x1xf32> to vector<1000x128xf32>
    %div3A_37 = arith.divf %get3A_31, %div3A_36 : vector<1000x128xf32>
    %get3A_38 = arith.constant 0 : index
    %get3A_39 = arith.constant 0 : index
    %get3A_40 = vector.load %arg4[%get3A_38, %get3A_39] : memref<1000x128xf32, #tpu.memory_space<vmem>>, vector<1000x128xf32>
    %slice3A_41 = vector.extract_strided_slice %add3A_11 {offsets = [0, 3], sizes = [1000, 1], strides = [1, 1]} : vector<1000x4xf32> to vector<1000x1xf32>
    %add3A_42 = arith.constant 1.000000e-16 : f32
    %add3A_43 = vector.broadcast %add3A_42 : f32 to vector<1000x1xf32>
    %add3A_44 = arith.addf %slice3A_41, %add3A_43 : vector<1000x1xf32>
    %div3A_45 = vector.broadcast %add3A_44 : vector<1000x1xf32> to vector<1000x128xf32>
    %div3A_46 = arith.divf %get3A_40, %div3A_45 : vector<1000x128xf32>
    %concatenate3A = tpu.concatenate %div3A_19, %div3A_28, %div3A_37, %div3A_46 in 1 : vector<1000x128xf32>, vector<1000x128xf32>, vector<1000x128xf32>, vector<1000x128xf32> -> vector<1000x512xf32>
    %get3A_47 = arith.constant 0 : index
    %get3A_48 = arith.constant 0 : index
    %get3A_49 = vector.load %arg12[%get3A_47, %get3A_48] : memref<1x512xf32, #tpu.memory_space<vmem>>, vector<1x512xf32>
    %add3A_50 = vector.broadcast %get3A_49 : vector<1x512xf32> to vector<1000x512xf32>
    %add3A_51 = arith.addf %concatenate3A, %add3A_50 : vector<1000x512xf32>
    %max3A = arith.constant 0.000000e+00 : f32
    %max3A_52 = vector.broadcast %max3A : f32 to vector<1000x512xf32>
    %max3A_53 = arith.maximumf %add3A_51, %max3A_52 : vector<1000x512xf32>
    %get3A_54 = arith.constant 0 : index
    %get3A_55 = arith.constant 0 : index
    %get3A_56 = vector.load %arg8[%get3A_54, %get3A_55] : memref<1000x128xf32, #tpu.memory_space<vmem>>, vector<1000x128xf32>
    %get3A_57 = arith.constant 0 : index
    %get3A_58 = arith.constant 0 : index
    %get3A_59 = vector.load %arg9[%get3A_57, %get3A_58] : memref<1000x128xf32, #tpu.memory_space<vmem>>, vector<1000x128xf32>
    %add3A_60 = arith.addf %get3A_56, %get3A_59 : vector<1000x128xf32>
    %get3A_61 = arith.constant 0 : index
    %get3A_62 = arith.constant 0 : index
    %get3A_63 = vector.load %arg13[%get3A_61, %get3A_62] : memref<128x256xf32, #tpu.memory_space<vmem>>, vector<128x256xf32>
    %dot_general3A = arith.constant dense<0.000000e+00> : vector<1000x256xf32>
    %dot_general3A_64 = tpu.matmul %add3A_60, %get3A_63, %dot_general3A {dimension_numbers = #tpu.dot_dimension_numbers<[1], [0], [0], [1], [0, 0, 1, 1], [], []>, transpose_lhs_hint = false} : vector<1000x128xf32>, vector<128x256xf32>, vector<1000x256xf32> -> vector<1000x256xf32>
    %get3A_65 = arith.constant 0 : index
    %get3A_66 = arith.constant 0 : index
    %get3A_67 = vector.load %arg14[%get3A_65, %get3A_66] : memref<1x256xf32, #tpu.memory_space<vmem>>, vector<1x256xf32>
    %add3A_68 = vector.broadcast %get3A_67 : vector<1x256xf32> to vector<1000x256xf32>
    %add3A_69 = arith.addf %dot_general3A_64, %add3A_68 : vector<1000x256xf32>
    %max3A_70 = arith.constant 0.000000e+00 : f32
    %max3A_71 = vector.broadcast %max3A_70 : f32 to vector<1000x256xf32>
    %max3A_72 = arith.maximumf %add3A_69, %max3A_71 : vector<1000x256xf32>
    %get3A_73 = arith.constant 0 : index
    %get3A_74 = arith.constant 0 : index
    %get3A_75 = vector.load %arg15[%get3A_73, %get3A_74] : memref<256x256xf32, #tpu.memory_space<vmem>>, vector<256x256xf32>
    %dot_general3A_76 = arith.constant dense<0.000000e+00> : vector<1000x256xf32>
    %dot_general3A_77 = tpu.matmul %max3A_72, %get3A_75, %dot_general3A_76 {dimension_numbers = #tpu.dot_dimension_numbers<[1], [0], [0], [1], [0, 0, 1, 1], [], []>, transpose_lhs_hint = false} : vector<1000x256xf32>, vector<256x256xf32>, vector<1000x256xf32> -> vector<1000x256xf32>
    %get3A_78 = arith.constant 0 : index
    %get3A_79 = arith.constant 0 : index
    %get3A_80 = vector.load %arg16[%get3A_78, %get3A_79] : memref<1x256xf32, #tpu.memory_space<vmem>>, vector<1x256xf32>
    %add3A_81 = vector.broadcast %get3A_80 : vector<1x256xf32> to vector<1000x256xf32>
    %add3A_82 = arith.addf %dot_general3A_77, %add3A_81 : vector<1000x256xf32>
    %max3A_83 = arith.constant 0.000000e+00 : f32
    %max3A_84 = vector.broadcast %max3A_83 : f32 to vector<1000x256xf32>
    %max3A_85 = arith.maximumf %add3A_82, %max3A_84 : vector<1000x256xf32>
    %get3A_86 = arith.constant 0 : index
    %get3A_87 = arith.constant 0 : index
    %get3A_88 = arith.constant 0 : index
    %get3A_89 = vector.load %arg11[%get3A_86, %get3A_87, %get3A_88] : memref<1x1x1000xi32, #tpu.memory_space<vmem>>, vector<1x1x1000xi32>
    %get3A_90 = vector.shape_cast %get3A_89 : vector<1x1x1000xi32> to vector<1000xi32>
    %broadcast_in_dim3A = vector.shape_cast %get3A_90 : vector<1000xi32> to vector<1x1000xi32>
    %iota3A = tpu.iota {dimensions = array<i32: 0>} : vector<16x1000xi32>
    %eq3A_91 = vector.broadcast %broadcast_in_dim3A : vector<1x1000xi32> to vector<16x1000xi32>
    %eq3A_92 = arith.cmpi eq, %eq3A_91, %iota3A : vector<16x1000xi32>
    %convert_element_type3A_93 = arith.extui %eq3A_92 : vector<16x1000xi1> to vector<16x1000xi32>
    %convert_element_type3A_94 = arith.sitofp %convert_element_type3A_93 : vector<16x1000xi32> to vector<16x1000xf32>
    %get3A_95 = arith.constant 0 : index
    %get3A_96 = arith.constant 0 : index
    %get3A_97 = vector.load %arg36[%get3A_95, %get3A_96] : memref<16x512xf32, #tpu.memory_space<vmem>>, vector<16x512xf32>
    %dot_general3A_98 = arith.constant dense<0.000000e+00> : vector<16x512xf32>
    %dot_general3A_99 = tpu.matmul %convert_element_type3A_94, %max3A_53, %dot_general3A_98 {dimension_numbers = #tpu.dot_dimension_numbers<[1], [0], [0], [1], [0, 0, 1, 1], [], []>, transpose_lhs_hint = false} : vector<16x1000xf32>, vector<1000x512xf32>, vector<16x512xf32> -> vector<16x512xf32>
    %add3A_100 = arith.addf %get3A_97, %dot_general3A_99 : vector<16x512xf32>
    %swap3A = arith.constant 0 : index
    %swap3A_101 = arith.constant 0 : index
    %swap3A_102 = vector.load %arg36[%swap3A, %swap3A_101] : memref<16x512xf32, #tpu.memory_space<vmem>>, vector<16x512xf32>
    tpu.vector_store %arg36[%swap3A, %swap3A_101], %add3A_100 {strides = array<i32>} : memref<16x512xf32, #tpu.memory_space<vmem>>, vector<16x512xf32>,
    %get3A_103 = arith.constant 0 : index
    %get3A_104 = arith.constant 0 : index
    %get3A_105 = vector.load %arg37[%get3A_103, %get3A_104] : memref<16x256xf32, #tpu.memory_space<vmem>>, vector<16x256xf32>
    %dot_general3A_106 = arith.constant dense<0.000000e+00> : vector<16x256xf32>
    %dot_general3A_107 = tpu.matmul %convert_element_type3A_94, %max3A_85, %dot_general3A_106 {dimension_numbers = #tpu.dot_dimension_numbers<[1], [0], [0], [1], [0, 0, 1, 1], [], []>, transpose_lhs_hint = false} : vector<16x1000xf32>, vector<1000x256xf32>, vector<16x256xf32> -> vector<16x256xf32>
    %add3A_108 = arith.addf %get3A_105, %dot_general3A_107 : vector<16x256xf32>
    %swap3A_109 = arith.constant 0 : index
    %swap3A_110 = arith.constant 0 : index
    %swap3A_111 = vector.load %arg37[%swap3A_109, %swap3A_110] : memref<16x256xf32, #tpu.memory_space<vmem>>, vector<16x256xf32>
    tpu.vector_store %arg37[%swap3A_109, %swap3A_110], %add3A_108 {strides = array<i32>} : memref<16x256xf32, #tpu.memory_space<vmem>>, vector<16x256xf32>,
    %get3A_112 = arith.constant 0 : index
    %get3A_113 = arith.constant 0 : index
    %get3A_114 = vector.load %arg38[%get3A_112, %get3A_113] : memref<16x256xf32, #tpu.memory_space<vmem>>, vector<16x256xf32>
    %get3A_115 = arith.constant 0 : index
    %get3A_116 = arith.constant 0 : index
    %get3A_117 = vector.load %arg10[%get3A_115, %get3A_116] : memref<1000x256xf32, #tpu.memory_space<vmem>>, vector<1000x256xf32>
    %dot_general3A_118 = arith.constant dense<0.000000e+00> : vector<16x256xf32>
    %dot_general3A_119 = tpu.matmul %convert_element_type3A_94, %get3A_117, %dot_general3A_118 {dimension_numbers = #tpu.dot_dimension_numbers<[1], [0], [0], [1], [0, 0, 1, 1], [], []>, transpose_lhs_hint = false} : vector<16x1000xf32>, vector<1000x256xf32>, vector<16x256xf32> -> vector<16x256xf32>
    %add3A_120 = arith.addf %get3A_114, %dot_general3A_119 : vector<16x256xf32>
    %swap3A_121 = arith.constant 0 : index
    %swap3A_122 = arith.constant 0 : index
    %swap3A_123 = vector.load %arg38[%swap3A_121, %swap3A_122] : memref<16x256xf32, #tpu.memory_space<vmem>>, vector<16x256xf32>
    tpu.vector_store %arg38[%swap3A_121, %swap3A_122], %add3A_120 {strides = array<i32>} : memref<16x256xf32, #tpu.memory_space<vmem>>, vector<16x256xf32>,
    %get3A_124 = arith.constant 0 : index
    %get3A_125 = arith.constant 0 : index
    %get3A_126 = vector.load %arg39[%get3A_124, %get3A_125] : memref<16x128xf32, #tpu.memory_space<vmem>>, vector<16x128xf32>
    %reduce_sum3A = arith.constant dense<0.000000e+00> : vector<16xf32>
    %reduce_sum3A_127 = vector.multi_reduction <add>, %convert_element_type3A_94, %reduce_sum3A [1] : vector<16x1000xf32> to vector<16xf32>
    %broadcast_in_dim3A_128 = vector.shape_cast %reduce_sum3A_127 : vector<16xf32> to vector<16x1xf32>
    %broadcast_in_dim3A_129 = vector.shape_cast %broadcast_in_dim3A_128 : vector<16x1xf32> to vector<16x1xf32>
    %broadcast_in_dim3A_130 = vector.broadcast %broadcast_in_dim3A_129 : vector<16x1xf32> to vector<16x128xf32>
    %add3A_131 = arith.addf %get3A_126, %broadcast_in_dim3A_130 : vector<16x128xf32>
    %swap3A_132 = arith.constant 0 : index
    %swap3A_133 = arith.constant 0 : index
    %swap3A_134 = vector.load %arg39[%swap3A_132, %swap3A_133] : memref<16x128xf32, #tpu.memory_space<vmem>>, vector<16x128xf32>
    tpu.vector_store %arg39[%swap3A_132, %swap3A_133], %add3A_131 {strides = array<i32>} : memref<16x128xf32, #tpu.memory_space<vmem>>, vector<16x128xf32>,
    %eq3A_135 = arith.constant 9 : i32
    %eq3A_136 = arith.cmpi eq, %arg0, %eq3A_135 : i32
    %convert_element_type3A_137 = arith.extui %eq3A_136 : i1 to i32
    %cond3A_138 = arith.constant 0 : i32
    %cond3A_139 = arith.cmpi ne, %convert_element_type3A_137, %cond3A_138 : i32
    scf.if %cond3A_139 {
      %get3A_140 = arith.constant 0 : index
      %get3A_141 = arith.constant 0 : index
      %get3A_142 = vector.load %arg39[%get3A_140, %get3A_141] : memref<16x128xf32, #tpu.memory_space<vmem>>, vector<16x1xf32>
      %max3A_143 = arith.constant 1.000000e+00 : f32
      %max3A_144 = vector.broadcast %max3A_143 : f32 to vector<16x1xf32>
      %max3A_145 = arith.maximumf %get3A_142, %max3A_144 : vector<16x1xf32>
      %get3A_146 = arith.constant 0 : index
      %get3A_147 = arith.constant 0 : index
      %get3A_148 = vector.load %arg36[%get3A_146, %get3A_147] : memref<16x512xf32, #tpu.memory_space<vmem>>, vector<16x512xf32>
      %div3A_149 = vector.broadcast %max3A_145 : vector<16x1xf32> to vector<16x512xf32>
      %div3A_150 = arith.divf %get3A_148, %div3A_149 : vector<16x512xf32>
      %get3A_151 = arith.constant 0 : index
      %get3A_152 = arith.constant 0 : index
      %get3A_153 = vector.load %arg17[%get3A_151, %get3A_152] : memref<512x256xf32, #tpu.memory_space<vmem>>, vector<512x256xf32>
      %dot_general3A_154 = arith.constant dense<0.000000e+00> : vector<16x256xf32>
      %dot_general3A_155 = tpu.matmul %div3A_150, %get3A_153, %dot_general3A_154 {dimension_numbers = #tpu.dot_dimension_numbers<[1], [0], [0], [1], [0, 0, 1, 1], [], []>, transpose_lhs_hint = false} : vector<16x512xf32>, vector<512x256xf32>, vector<16x256xf32> -> vector<16x256xf32>
      %get3A_156 = arith.constant 0 : index
      %get3A_157 = arith.constant 0 : index
      %get3A_158 = vector.load %arg18[%get3A_156, %get3A_157] : memref<1x256xf32, #tpu.memory_space<vmem>>, vector<1x256xf32>
      %add3A_159 = vector.broadcast %get3A_158 : vector<1x256xf32> to vector<16x256xf32>
      %add3A_160 = arith.addf %dot_general3A_155, %add3A_159 : vector<16x256xf32>
      %max3A_161 = arith.constant 0.000000e+00 : f32
      %max3A_162 = vector.broadcast %max3A_161 : f32 to vector<16x256xf32>
      %max3A_163 = arith.maximumf %add3A_160, %max3A_162 : vector<16x256xf32>
      %get3A_164 = arith.constant 0 : index
      %get3A_165 = arith.constant 0 : index
      %get3A_166 = vector.load %arg19[%get3A_164, %get3A_165] : memref<256x128xf32, #tpu.memory_space<vmem>>, vector<256x128xf32>
      %dot_general3A_167 = arith.constant dense<0.000000e+00> : vector<16x128xf32>
      %dot_general3A_168 = tpu.matmul %max3A_163, %get3A_166, %dot_general3A_167 {dimension_numbers = #tpu.dot_dimension_numbers<[1], [0], [0], [1], [0, 0, 1, 1], [], []>, transpose_lhs_hint = false} : vector<16x256xf32>, vector<256x128xf32>, vector<16x128xf32> -> vector<16x128xf32>
      %get3A_169 = arith.constant 0 : index
      %get3A_170 = arith.constant 0 : index
      %get3A_171 = vector.load %arg20[%get3A_169, %get3A_170] : memref<1x128xf32, #tpu.memory_space<vmem>>, vector<1x128xf32>
      %add3A_172 = vector.broadcast %get3A_171 : vector<1x128xf32> to vector<16x128xf32>
      %add3A_173 = arith.addf %dot_general3A_168, %add3A_172 : vector<16x128xf32>
      %max3A_174 = arith.constant 0.000000e+00 : f32
      %max3A_175 = vector.broadcast %max3A_174 : f32 to vector<16x128xf32>
      %max3A_176 = arith.maximumf %add3A_173, %max3A_175 : vector<16x128xf32>
      %get3A_177 = arith.constant 0 : index
      %get3A_178 = arith.constant 0 : index
      %get3A_179 = vector.load %arg37[%get3A_177, %get3A_178] : memref<16x256xf32, #tpu.memory_space<vmem>>, vector<16x256xf32>
      %div3A_180 = vector.broadcast %max3A_145 : vector<16x1xf32> to vector<16x256xf32>
      %div3A_181 = arith.divf %get3A_179, %div3A_180 : vector<16x256xf32>
      %get3A_182 = arith.constant 0 : index
      %get3A_183 = arith.constant 0 : index
      %get3A_184 = vector.load %arg21[%get3A_182, %get3A_183] : memref<256x256xf32, #tpu.memory_space<vmem>>, vector<256x256xf32>
      %dot_general3A_185 = arith.constant dense<0.000000e+00> : vector<16x256xf32>
      %dot_general3A_186 = tpu.matmul %div3A_181, %get3A_184, %dot_general3A_185 {dimension_numbers = #tpu.dot_dimension_numbers<[1], [0], [0], [1], [0, 0, 1, 1], [], []>, transpose_lhs_hint = false} : vector<16x256xf32>, vector<256x256xf32>, vector<16x256xf32> -> vector<16x256xf32>
      %get3A_187 = arith.constant 0 : index
      %get3A_188 = arith.constant 0 : index
      %get3A_189 = vector.load %arg22[%get3A_187, %get3A_188] : memref<1x256xf32, #tpu.memory_space<vmem>>, vector<1x256xf32>
      %add3A_190 = vector.broadcast %get3A_189 : vector<1x256xf32> to vector<16x256xf32>
      %add3A_191 = arith.addf %dot_general3A_186, %add3A_190 : vector<16x256xf32>
      %max3A_192 = arith.constant 0.000000e+00 : f32
      %max3A_193 = vector.broadcast %max3A_192 : f32 to vector<16x256xf32>
      %max3A_194 = arith.maximumf %add3A_191, %max3A_193 : vector<16x256xf32>
      %get3A_195 = arith.constant 0 : index
      %get3A_196 = arith.constant 0 : index
      %get3A_197 = vector.load %arg23[%get3A_195, %get3A_196] : memref<256x128xf32, #tpu.memory_space<vmem>>, vector<256x128xf32>
      %dot_general3A_198 = arith.constant dense<0.000000e+00> : vector<16x128xf32>
      %dot_general3A_199 = tpu.matmul %max3A_194, %get3A_197, %dot_general3A_198 {dimension_numbers = #tpu.dot_dimension_numbers<[1], [0], [0], [1], [0, 0, 1, 1], [], []>, transpose_lhs_hint = false} : vector<16x256xf32>, vector<256x128xf32>, vector<16x128xf32> -> vector<16x128xf32>
      %get3A_200 = arith.constant 0 : index
      %get3A_201 = arith.constant 0 : index
      %get3A_202 = vector.load %arg24[%get3A_200, %get3A_201] : memref<1x128xf32, #tpu.memory_space<vmem>>, vector<1x128xf32>
      %add3A_203 = vector.broadcast %get3A_202 : vector<1x128xf32> to vector<16x128xf32>
      %add3A_204 = arith.addf %dot_general3A_199, %add3A_203 : vector<16x128xf32>
      %max3A_205 = arith.constant 0.000000e+00 : f32
      %max3A_206 = vector.broadcast %max3A_205 : f32 to vector<16x128xf32>
      %max3A_207 = arith.maximumf %add3A_204, %max3A_206 : vector<16x128xf32>
      %get3A_208 = arith.constant 0 : index
      %get3A_209 = arith.constant 0 : index
      %get3A_210 = vector.load %arg38[%get3A_208, %get3A_209] : memref<16x256xf32, #tpu.memory_space<vmem>>, vector<16x256xf32>
      %div3A_211 = vector.broadcast %max3A_145 : vector<16x1xf32> to vector<16x256xf32>
      %div3A_212 = arith.divf %get3A_210, %div3A_211 : vector<16x256xf32>
      %get3A_213 = arith.constant 0 : index
      %get3A_214 = arith.constant 0 : index
      %get3A_215 = vector.load %arg25[%get3A_213, %get3A_214] : memref<256x256xf32, #tpu.memory_space<vmem>>, vector<256x256xf32>
      %dot_general3A_216 = arith.constant dense<0.000000e+00> : vector<16x256xf32>
      %dot_general3A_217 = tpu.matmul %div3A_212, %get3A_215, %dot_general3A_216 {dimension_numbers = #tpu.dot_dimension_numbers<[1], [0], [0], [1], [0, 0, 1, 1], [], []>, transpose_lhs_hint = false} : vector<16x256xf32>, vector<256x256xf32>, vector<16x256xf32> -> vector<16x256xf32>
      %get3A_218 = arith.constant 0 : index
      %get3A_219 = arith.constant 0 : index
      %get3A_220 = vector.load %arg26[%get3A_218, %get3A_219] : memref<1x256xf32, #tpu.memory_space<vmem>>, vector<1x256xf32>
      %add3A_221 = vector.broadcast %get3A_220 : vector<1x256xf32> to vector<16x256xf32>
      %add3A_222 = arith.addf %dot_general3A_217, %add3A_221 : vector<16x256xf32>
      %max3A_223 = arith.constant 0.000000e+00 : f32
      %max3A_224 = vector.broadcast %max3A_223 : f32 to vector<16x256xf32>
      %max3A_225 = arith.maximumf %add3A_222, %max3A_224 : vector<16x256xf32>
      %get3A_226 = arith.constant 0 : index
      %get3A_227 = arith.constant 0 : index
      %get3A_228 = vector.load %arg27[%get3A_226, %get3A_227] : memref<256x128xf32, #tpu.memory_space<vmem>>, vector<256x128xf32>
      %dot_general3A_229 = arith.constant dense<0.000000e+00> : vector<16x128xf32>
      %dot_general3A_230 = tpu.matmul %max3A_225, %get3A_228, %dot_general3A_229 {dimension_numbers = #tpu.dot_dimension_numbers<[1], [0], [0], [1], [0, 0, 1, 1], [], []>, transpose_lhs_hint = false} : vector<16x256xf32>, vector<256x128xf32>, vector<16x128xf32> -> vector<16x128xf32>
      %get3A_231 = arith.constant 0 : index
      %get3A_232 = arith.constant 0 : index
      %get3A_233 = vector.load %arg28[%get3A_231, %get3A_232] : memref<1x128xf32, #tpu.memory_space<vmem>>, vector<1x128xf32>
      %add3A_234 = vector.broadcast %get3A_233 : vector<1x128xf32> to vector<16x128xf32>
      %add3A_235 = arith.addf %dot_general3A_230, %add3A_234 : vector<16x128xf32>
      %max3A_236 = arith.constant 0.000000e+00 : f32
      %max3A_237 = vector.broadcast %max3A_236 : f32 to vector<16x128xf32>
      %max3A_238 = arith.maximumf %add3A_235, %max3A_237 : vector<16x128xf32>
      %concatenate3A_239 = tpu.concatenate %max3A_176, %max3A_207, %max3A_238 in 1 : vector<16x128xf32>, vector<16x128xf32>, vector<16x128xf32> -> vector<16x384xf32>
      %get3A_240 = arith.constant 0 : index
      %get3A_241 = arith.constant 0 : index
      %get3A_242 = vector.load %arg29[%get3A_240, %get3A_241] : memref<384x128xf32, #tpu.memory_space<vmem>>, vector<384x128xf32>
      %dot_general3A_243 = arith.constant dense<0.000000e+00> : vector<16x128xf32>
      %dot_general3A_244 = tpu.matmul %concatenate3A_239, %get3A_242, %dot_general3A_243 {dimension_numbers = #tpu.dot_dimension_numbers<[1], [0], [0], [1], [0, 0, 1, 1], [], []>, transpose_lhs_hint = false} : vector<16x384xf32>, vector<384x128xf32>, vector<16x128xf32> -> vector<16x128xf32>
      %get3A_245 = arith.constant 0 : index
      %get3A_246 = arith.constant 0 : index
      %get3A_247 = vector.load %arg30[%get3A_245, %get3A_246] : memref<1x128xf32, #tpu.memory_space<vmem>>, vector<1x128xf32>
      %add3A_248 = vector.broadcast %get3A_247 : vector<1x128xf32> to vector<16x128xf32>
      %add3A_249 = arith.addf %dot_general3A_244, %add3A_248 : vector<16x128xf32>
      %max3A_250 = arith.constant 0.000000e+00 : f32
      %max3A_251 = vector.broadcast %max3A_250 : f32 to vector<16x128xf32>
      %max3A_252 = arith.maximumf %add3A_249, %max3A_251 : vector<16x128xf32>
      %get3A_253 = arith.constant 0 : index
      %get3A_254 = arith.constant 0 : index
      %get3A_255 = vector.load %arg31[%get3A_253, %get3A_254] : memref<128x64xf32, #tpu.memory_space<vmem>>, vector<128x64xf32>
      %dot_general3A_256 = arith.constant dense<0.000000e+00> : vector<16x64xf32>
      %dot_general3A_257 = tpu.matmul %max3A_252, %get3A_255, %dot_general3A_256 {dimension_numbers = #tpu.dot_dimension_numbers<[1], [0], [0], [1], [0, 0, 1, 1], [], []>, transpose_lhs_hint = false} : vector<16x128xf32>, vector<128x64xf32>, vector<16x64xf32> -> vector<16x64xf32>
      %get3A_258 = arith.constant 0 : index
      %get3A_259 = arith.constant 0 : index
      %get3A_260 = vector.load %arg32[%get3A_258, %get3A_259] : memref<1x64xf32, #tpu.memory_space<vmem>>, vector<1x64xf32>
      %add3A_261 = vector.broadcast %get3A_260 : vector<1x64xf32> to vector<16x64xf32>
      %add3A_262 = arith.addf %dot_general3A_257, %add3A_261 : vector<16x64xf32>
      %max3A_263 = arith.constant 0.000000e+00 : f32
      %max3A_264 = vector.broadcast %max3A_263 : f32 to vector<16x64xf32>
      %max3A_265 = arith.maximumf %add3A_262, %max3A_264 : vector<16x64xf32>
      %get3A_266 = arith.constant 0 : index
      %get3A_267 = arith.constant 0 : index
      %get3A_268 = vector.load %arg33[%get3A_266, %get3A_267] : memref<1x64xf32, #tpu.memory_space<vmem>>, vector<1x64xf32>
      %mul3A = vector.broadcast %get3A_268 : vector<1x64xf32> to vector<16x64xf32>
      %mul3A_269 = arith.mulf %max3A_265, %mul3A : vector<16x64xf32>
      %reduce_sum3A_270 = arith.constant dense<0.000000e+00> : vector<16xf32>
      %reduce_sum3A_271 = vector.multi_reduction <add>, %mul3A_269, %reduce_sum3A_270 [1] : vector<16x64xf32> to vector<16xf32>
      %broadcast_in_dim3A_272 = vector.shape_cast %reduce_sum3A_271 : vector<16xf32> to vector<16x1xf32>
      %get3A_273 = arith.constant 0 : index
      %get3A_274 = arith.constant 0 : index
      %get3A_275 = vector.load %arg34[%get3A_273, %get3A_274] : memref<1x1xf32, #tpu.memory_space<vmem>>, vector<1x1xf32>
      %add3A_276 = vector.broadcast %get3A_275 : vector<1x1xf32> to vector<16x1xf32>
      %add3A_277 = arith.addf %broadcast_in_dim3A_272, %add3A_276 : vector<16x1xf32>
      %logistic3A = arith.negf %add3A_277 : vector<16x1xf32>
      %logistic3A_278 = math.exp %logistic3A : vector<16x1xf32>
      %logistic3A_279 = arith.constant 1.000000e+00 : f32
      %logistic3A_280 = vector.broadcast %logistic3A_279 : f32 to vector<16x1xf32>
      %logistic3A_281 = arith.addf %logistic3A_280, %logistic3A_278 : vector<16x1xf32>
      %logistic3A_282 = arith.divf %logistic3A_280, %logistic3A_281 : vector<16x1xf32>
      %swap3A_283 = arith.constant 0 : index
      %swap3A_284 = arith.constant 0 : index
      %swap3A_285 = vector.load %arg35[%swap3A_283, %swap3A_284] : memref<16x1xf32, #tpu.memory_space<vmem>>, vector<16x1xf32>
      tpu.vector_store %arg35[%swap3A_283, %swap3A_284], %logistic3A_282 {strides = array<i32>} : memref<16x1xf32, #tpu.memory_space<vmem>>, vector<16x1xf32>,
    } else {
    }
    return
  }
  func.func @transform_0(%arg0: i32) -> (i32, i32) {
    %c0_i32 = arith.constant 0 : i32
    %c0_i32_0 = arith.constant 0 : i32
    return %arg0, %c0_i32 : i32, i32
  }
  func.func @transform_1(%arg0: i32) -> (i32, i32) {
    %c0_i32 = arith.constant 0 : i32
    %c0_i32_0 = arith.constant 0 : i32
    return %arg0, %c0_i32 : i32, i32
  }
  func.func @transform_2(%arg0: i32) -> (i32, i32) {
    %c0_i32 = arith.constant 0 : i32
    %c0_i32_0 = arith.constant 0 : i32
    return %arg0, %c0_i32 : i32, i32
  }
  func.func @transform_3(%arg0: i32) -> (i32, i32) {
    %c0_i32 = arith.constant 0 : i32
    %c0_i32_0 = arith.constant 0 : i32
    return %arg0, %c0_i32 : i32, i32
  }
  func.func @transform_4(%arg0: i32) -> (i32, i32) {
    %c0_i32 = arith.constant 0 : i32
    %c0_i32_0 = arith.constant 0 : i32
    return %arg0, %c0_i32 : i32, i32
  }
  func.func @transform_5(%arg0: i32) -> (i32, i32) {
    %c0_i32 = arith.constant 0 : i32
    %c0_i32_0 = arith.constant 0 : i32
    return %arg0, %c0_i32 : i32, i32
  }
  func.func @transform_6(%arg0: i32) -> (i32, i32) {
    %c0_i32 = arith.constant 0 : i32
    %c0_i32_0 = arith.constant 0 : i32
    return %arg0, %c0_i32 : i32, i32
  }
  func.func @transform_7(%arg0: i32) -> (i32, i32) {
    %c0_i32 = arith.constant 0 : i32
    %c0_i32_0 = arith.constant 0 : i32
    return %arg0, %c0_i32 : i32, i32
  }
  func.func @transform_8(%arg0: i32) -> (i32, i32) {
    %c0_i32 = arith.constant 0 : i32
    %c0_i32_0 = arith.constant 0 : i32
    return %arg0, %c0_i32 : i32, i32
  }
  func.func @transform_9(%arg0: i32) -> (i32, i32) {
    %c0_i32 = arith.constant 0 : i32
    %c0_i32_0 = arith.constant 0 : i32
    return %arg0, %c0_i32 : i32, i32
  }
  func.func @transform_10(%arg0: i32) -> (i32, i32, i32) {
    %c0_i32 = arith.constant 0 : i32
    %c0_i32_0 = arith.constant 0 : i32
    %c0_i32_1 = arith.constant 0 : i32
    return %arg0, %c0_i32, %c0_i32_0 : i32, i32, i32
  }
  func.func @transform_11(%arg0: i32) -> (i32, i32) {
    %c0_i32 = arith.constant 0 : i32
    %c0_i32_0 = arith.constant 0 : i32
    %c0_i32_1 = arith.constant 0 : i32
    return %c0_i32, %c0_i32_0 : i32, i32
  }
  func.func @transform_12(%arg0: i32) -> (i32, i32) {
    %c0_i32 = arith.constant 0 : i32
    %c0_i32_0 = arith.constant 0 : i32
    %c0_i32_1 = arith.constant 0 : i32
    return %c0_i32, %c0_i32_0 : i32, i32
  }
  func.func @transform_13(%arg0: i32) -> (i32, i32) {
    %c0_i32 = arith.constant 0 : i32
    %c0_i32_0 = arith.constant 0 : i32
    %c0_i32_1 = arith.constant 0 : i32
    return %c0_i32, %c0_i32_0 : i32, i32
  }
  func.func @transform_14(%arg0: i32) -> (i32, i32) {
    %c0_i32 = arith.constant 0 : i32
    %c0_i32_0 = arith.constant 0 : i32
    %c0_i32_1 = arith.constant 0 : i32
    return %c0_i32, %c0_i32_0 : i32, i32
  }
  func.func @transform_15(%arg0: i32) -> (i32, i32) {
    %c0_i32 = arith.constant 0 : i32
    %c0_i32_0 = arith.constant 0 : i32
    %c0_i32_1 = arith.constant 0 : i32
    return %c0_i32, %c0_i32_0 : i32, i32
  }
  func.func @transform_16(%arg0: i32) -> (i32, i32) {
    %c0_i32 = arith.constant 0 : i32
    %c0_i32_0 = arith.constant 0 : i32
    %c0_i32_1 = arith.constant 0 : i32
    return %c0_i32, %c0_i32_0 : i32, i32
  }
  func.func @transform_17(%arg0: i32) -> (i32, i32) {
    %c0_i32 = arith.constant 0 : i32
    %c0_i32_0 = arith.constant 0 : i32
    %c0_i32_1 = arith.constant 0 : i32
    return %c0_i32, %c0_i32_0 : i32, i32
  }
  func.func @transform_18(%arg0: i32) -> (i32, i32) {
    %c0_i32 = arith.constant 0 : i32
    %c0_i32_0 = arith.constant 0 : i32
    %c0_i32_1 = arith.constant 0 : i32
    return %c0_i32, %c0_i32_0 : i32, i32
  }
  func.func @transform_19(%arg0: i32) -> (i32, i32) {
    %c0_i32 = arith.constant 0 : i32
    %c0_i32_0 = arith.constant 0 : i32
    %c0_i32_1 = arith.constant 0 : i32
    return %c0_i32, %c0_i32_0 : i32, i32
  }
  func.func @transform_20(%arg0: i32) -> (i32, i32) {
    %c0_i32 = arith.constant 0 : i32
    %c0_i32_0 = arith.constant 0 : i32
    %c0_i32_1 = arith.constant 0 : i32
    return %c0_i32, %c0_i32_0 : i32, i32
  }
  func.func @transform_21(%arg0: i32) -> (i32, i32) {
    %c0_i32 = arith.constant 0 : i32
    %c0_i32_0 = arith.constant 0 : i32
    %c0_i32_1 = arith.constant 0 : i32
    return %c0_i32, %c0_i32_0 : i32, i32
  }
  func.func @transform_22(%arg0: i32) -> (i32, i32) {
    %c0_i32 = arith.constant 0 : i32
    %c0_i32_0 = arith.constant 0 : i32
    %c0_i32_1 = arith.constant 0 : i32
    return %c0_i32, %c0_i32_0 : i32, i32
  }
  func.func @transform_23(%arg0: i32) -> (i32, i32) {
    %c0_i32 = arith.constant 0 : i32
    %c0_i32_0 = arith.constant 0 : i32
    %c0_i32_1 = arith.constant 0 : i32
    return %c0_i32, %c0_i32_0 : i32, i32
  }
  func.func @transform_24(%arg0: i32) -> (i32, i32) {
    %c0_i32 = arith.constant 0 : i32
    %c0_i32_0 = arith.constant 0 : i32
    %c0_i32_1 = arith.constant 0 : i32
    return %c0_i32, %c0_i32_0 : i32, i32
  }
  func.func @transform_25(%arg0: i32) -> (i32, i32) {
    %c0_i32 = arith.constant 0 : i32
    %c0_i32_0 = arith.constant 0 : i32
    %c0_i32_1 = arith.constant 0 : i32
    return %c0_i32, %c0_i32_0 : i32, i32
  }
  func.func @transform_26(%arg0: i32) -> (i32, i32) {
    %c0_i32 = arith.constant 0 : i32
    %c0_i32_0 = arith.constant 0 : i32
    %c0_i32_1 = arith.constant 0 : i32
    return %c0_i32, %c0_i32_0 : i32, i32
  }
  func.func @transform_27(%arg0: i32) -> (i32, i32) {
    %c0_i32 = arith.constant 0 : i32
    %c0_i32_0 = arith.constant 0 : i32
    %c0_i32_1 = arith.constant 0 : i32
    return %c0_i32, %c0_i32_0 : i32, i32
  }
  func.func @transform_28(%arg0: i32) -> (i32, i32) {
    %c0_i32 = arith.constant 0 : i32
    %c0_i32_0 = arith.constant 0 : i32
    %c0_i32_1 = arith.constant 0 : i32
    return %c0_i32, %c0_i32_0 : i32, i32
  }
  func.func @transform_29(%arg0: i32) -> (i32, i32) {
    %c0_i32 = arith.constant 0 : i32
    %c0_i32_0 = arith.constant 0 : i32
    %c0_i32_1 = arith.constant 0 : i32
    return %c0_i32, %c0_i32_0 : i32, i32
  }
  func.func @transform_30(%arg0: i32) -> (i32, i32) {
    %c0_i32 = arith.constant 0 : i32
    %c0_i32_0 = arith.constant 0 : i32
    %c0_i32_1 = arith.constant 0 : i32
    return %c0_i32, %c0_i32_0 : i32, i32
  }
  func.func @transform_31(%arg0: i32) -> (i32, i32) {
    %c0_i32 = arith.constant 0 : i32
    %c0_i32_0 = arith.constant 0 : i32
    %c0_i32_1 = arith.constant 0 : i32
    return %c0_i32, %c0_i32_0 : i32, i32
  }
  func.func @transform_32(%arg0: i32) -> (i32, i32) {
    %c0_i32 = arith.constant 0 : i32
    %c0_i32_0 = arith.constant 0 : i32
    %c0_i32_1 = arith.constant 0 : i32
    return %c0_i32, %c0_i32_0 : i32, i32
  }
  func.func @transform_33(%arg0: i32) -> (i32, i32) {
    %c0_i32 = arith.constant 0 : i32
    %c0_i32_0 = arith.constant 0 : i32
    %c0_i32_1 = arith.constant 0 : i32
    return %c0_i32, %c0_i32_0 : i32, i32
  }
  func.func @transform_34(%arg0: i32) -> (i32, i32) {
    %c0_i32 = arith.constant 0 : i32
    %c0_i32_0 = arith.constant 0 : i32
    %c0_i32_1 = arith.constant 0 : i32
    return %c0_i32, %c0_i32_0 : i32, i32
  }
}

</mosaic_0001>

<sc_bundles>
// kernel: kernel.10.cloned.1.call-start
scs
__scs_entry_jumppad:
0x0: {  	(pc) =	sbr.rel $0x88, $3  }
0x1: {  	(tag) =	ssettag $0x0;
	lr =	simm.s32 $0x1  }
0x2: {  	[smem:$0x3F80] =	sst lr;
	_ =	strace $0xD0000000  }
0x3: {  	_ = 	snop  }
0x4: {  	_ = 	snop  }
0x5: {  	_ = 	snop  }
0x6: {  	_ = 	snop  }
0x7: {  	_ = 	snop  }
__scs_overlays_trampoline_lowered:
0x8: {  	[smem:$0x3F8F] =	sst s0  }
0x9: {  	[smem:$0x3F90] =	sst s1  }
0xa: {  	[smem:$0x3F91] =	sst s2  }
0xb: {  	[smem:$0x3F92] =	sst s3  }
0xc: {  	[smem:$0x3F93] =	sst s4  }
0xd: {  	[smem:$0x3F94] =	sst s5  }
0xe: {  	[smem:$0x3F95] =	sst s6  }
0xf: {  	[smem:$0x3F96] =	sst s7  }
0x10: {  	[smem:$0x3F97] =	sst s8  }
0x11: {  	[smem:$0x3F98] =	sst s9;
	s0 =	simm.s32 @!p0 $0x0  }
0x12: {  	s1 =	sld [smem:$0x3F7E];
	s0 =	simm.s32 @p0 $0x1  }
0x13: {  	[smem:$0x3F99] =	sst s0;
	s0 =	simm.s32 @!p1 $0x0  }
0x14: {  	s2 =	sld [smem:$0x3F7D];
	s0 =	simm.s32 @p1 $0x1  }
0x15: {  	[smem:$0x3F9A] =	sst s0;
	s0 =	simm.s32 @!p2 $0x0  }
0x16: {  	s3 =	sld [smem:$0x3FDB];
	s0 =	simm.s32 @p2 $0x1  }
0x17: {  	s4 =	simm.s32 $0x1BF5;
	[smem:$0x3F9C] =	sst s0  }
0x18: {  	s0 =	sld [smem:$0x3F7F];
	_ =	swait.ge [sflag:s4], $0x0  }
0x19: {  	s7 =	sld [smem:$0x3F80]  }
0x1a: {  	s8 =	sadd.s32 $0xFFFFE003, lr  }
0x1b: {  	s9 =	sadd.s32 $0xFFFFFEF7, lr;
	s5 =	simm.s32 $0xFFFFFFFF;
	p2 =	slt.u32 s8, $0xFFFFF086  }
0x1c: {  	p1 =	slt.u32 s9, $0xF7A;
	s5 =	simm.s32 @!p2 $0x0  }
0x1d: {  	s5 =	simm.s32 @p1 $0x1;
	p0 =	seq.s32 s7, s2  }
0x1e: {  	s7 =	smul.u32 @!p0 $0xF7A, s2;
	p2 =	seq.s32 @!p0 s5, $0x0  }
0x1f: {  	s9 =	smul.u32 $0xF7A, s1;
	s8 =	simm.s32 @!p0 $0x1BF5;
	p2 =	por !p2, p0  }
0x20: {  	[sflag:s8] =	ssyncset.s32 @!p0 $0xFFFFF086;
	s6 =	sadd.s32 @!p0 s3, s7;
	s7 =	simm.s32 @!p0 $0x108  }
0x21: {  	s3 =	sadd.s32 s3, s9;
	s6 =	sadd.s32 @!p0 $0x88, s6;
	s7 =	simm.s32 @p2 $0x1082  }
0x22: {  	[simem:s7], [sflag:s8] =	dma.local @!p0 [hbm:s6], $0xF7A  }
0x23: {  	s9 =	sor.u32 $0xD0000000, s2;
	s6 =	simm.s32 $0x108;
	_ =	swait.ge @!p0 [sflag:s8], $0x0  }
0x24: {  	s3 =	sadd.s32 $0x88, s3;
	s6 =	simm.s32 @!p1 $0x1082;
	[sflag:s4] =	ssyncset.s32 $0xFFFFF086  }
0x25: {  	[simem:s6], [sflag:s4] =	dma.local [hbm:s3], $0xF7A  }
0x26: {  	[smem:$0x3F80] =	sst s1;
	(tag) =	ssettag s2;
	_ =	strace s9  }
0x27: {  	s1 =	sld [smem:$0x3F90]  }
0x28: {  	s2 =	sld [smem:$0x3F91]  }
0x29: {  	s4 =	sld [smem:$0x3F93]  }
0x2a: {  	p0 =	seq.s32 s5, $0x0;
	s5 =	sld [smem:$0x3F94]  }
0x2b: {  	s6 =	sld [smem:$0x3F95]  }
0x2c: {  	s7 =	sld [smem:$0x3F96]  }
0x2d: {  	s3 =	simm.s32 $0x108;
	s8 =	sld [smem:$0x3F97]  }
0x2e: {  	s3 =	simm.s32 @!p0 $0x1082;
	s9 =	sld [smem:$0x3F98]  }
0x2f: {  	lr =	sadd.s32 s0, s3;
	s0 =	sld [smem:$0x3F8F]  }
0x30: {  	s3 =	sld [smem:$0x3F92]  }
0x31: {  	[smem:$0x3F9B] =	sst s10  }
0x32: {  	s10 =	sld [smem:$0x3F99];
	_ =	sdelay $0x3  }
0x33: {  	p0 =	seq.s32 s10, $0x1;
	s10 =	sld [smem:$0x3F9B];
	_ =	sdelay $0x3  }
0x34: {  	[smem:$0x3F9B] =	sst s10  }
0x35: {  	s10 =	sld [smem:$0x3F9A];
	_ =	sdelay $0x3  }
0x36: {  	p1 =	seq.s32 s10, $0x1;
	s10 =	sld [smem:$0x3F9B];
	_ =	sdelay $0x3  }
0x37: {  	[smem:$0x3F9B] =	sst s10  }
0x38: {  	s10 =	sld [smem:$0x3F9C]  }
0x39: {  	_ = 	snop;
	(pc) =	sbr.ind lr, $3  }
0x3a: {  	_ = 	snop  }
0x3b: {  	_ = 	snop  }
0x3c: {  	p2 =	seq.s32 s10, $0x1;
	s10 =	sld [smem:$0x3F9B]  }
0x3d: {  	_ =	shalt  }
0x3e: {  	_ =	shalt  }
0x3f: {  	_ =	shalt  }
0x40: {  	_ =	shalt  }
0x41: {  	_ =	shalt  }
0x42: {  	_ =	shalt  }
0x43: {  	_ =	shalt  }
0x44: {  	_ =	shalt  }
0x45: {  	_ =	shalt  }
0x46: {  	_ =	shalt  }
0x47: {  	_ =	shalt  }
0x48: {  	_ =	shalt  }
0x49: {  	_ =	shalt  }
0x4a: {  	_ =	shalt  }
0x4b: {  	_ =	shalt  }
0x4c: {  	_ =	shalt  }
0x4d: {  	_ =	shalt  }
0x4e: {  	_ =	shalt  }
0x4f: {  	_ =	shalt  }
0x50: {  	_ =	shalt  }
0x51: {  	_ =	shalt  }
0x52: {  	_ =	shalt  }
0x53: {  	_ =	shalt  }
0x54: {  	_ =	shalt  }
0x55: {  	_ =	shalt  }
0x56: {  	_ =	shalt  }
0x57: {  	_ =	shalt  }
0x58: {  	_ =	shalt  }
0x59: {  	_ =	shalt  }
0x5a: {  	_ =	shalt  }
0x5b: {  	_ =	shalt  }
0x5c: {  	_ =	shalt  }
0x5d: {  	_ =	shalt  }
0x5e: {  	_ =	shalt  }
0x5f: {  	_ =	shalt  }
0x60: {  	_ =	shalt  }
0x61: {  	_ =	shalt  }
0x62: {  	_ =	shalt  }
0x63: {  	_ =	shalt  }
0x64: {  	_ =	shalt  }
0x65: {  	_ =	shalt  }
0x66: {  	_ =	shalt  }
0x67: {  	_ =	shalt  }
0x68: {  	_ =	shalt  }
0x69: {  	_ =	shalt  }
0x6a: {  	_ =	shalt  }
0x6b: {  	_ =	shalt  }
0x6c: {  	_ =	shalt  }
0x6d: {  	_ =	shalt  }
0x6e: {  	_ =	shalt  }
0x6f: {  	_ =	shalt  }
0x70: {  	_ =	shalt  }
0x71: {  	_ =	shalt  }
0x72: {  	_ =	shalt  }
0x73: {  	_ =	shalt  }
0x74: {  	_ =	shalt  }
0x75: {  	_ =	shalt  }
0x76: {  	_ =	shalt  }
0x77: {  	_ =	shalt  }
0x78: {  	_ =	shalt  }
0x79: {  	_ =	shalt  }
0x7a: {  	_ =	shalt  }
0x7b: {  	_ =	shalt  }
0x7c: {  	_ =	shalt  }
0x7d: {  	_ =	shalt  }
0x7e: {  	_ =	shalt  }
0x7f: {  	_ =	shalt  }
0x80: {  	_ =	shalt  }
0x81: {  	_ =	shalt  }
0x82: {  	_ =	shalt  }
0x83: {  	_ =	shalt  }
0x84: {  	_ =	shalt  }
0x85: {  	_ =	shalt  }
0x86: {  	_ =	shalt  }
0x87: {  	_ =	shalt  }
.Lfunc_end0:
.L_simem_size_0:
called_computation_lowered:
.L_overlay_start_0:
0x88: {  	s2 =	sld [smem:$0x3FD9]  }
0x89: {  	s3 =	sld [smem:$0x3FFE];
	_ =	sdelay $0x1  }
0x8a: {  	s1 =	srdreg.scid  }
0x8b: {  	s0 =	sand.u32 $0x1, s1  }
0x8c: {  	s16 =	sshll.u32 s0, $0xA;
	s2 =	sadd.s32 s3, s2  }
0x8d: {  	s2 =	sadd.s32 s2, s16  }
0x8e: {  	[smem:$0x3FA7] =	sst s2  }
0x8f: {  	_ = 	snop  }
0x90: {  	(tm) =	ssettm $0x1  }
0x91: {  	s17 =	sld [smem:$0x3FFB];
	_ =	sdelay $0x3  }
0x92: {  	_ =	strace s17  }
0x93: {  	s2 =	sld [smem:$0x3FFC];
	_ =	sdelay $0x3  }
0x94: {  	_ =	strace s2  }
0x95: {  	s2 =	sld [smem:$0x3FFD];
	_ =	sdelay $0x3  }
0x96: {  	_ =	strace s2  }
0x97: {  	_ =	strace $0x8FFFFFFF  }
0x98: {  	s18 =	sld [smem:$0x3FDB];
	_ =	sdelay $0x1  }
0x99: {  	s19 =	simm.s32 $_scs_section_size  }
0x9a: {  	s4 =	simm.s32 $_size__tile_overlayer_lowered;
	s5 =	simm.s32 $_tile_overlayer_lowered  }
0x9b: {  	s22 =	simm.s32 $0x1BFF;
	s21 =	sshll.u32 s5, $0x1;
	s2 =	sadd.s32 s19, s18  }
0x9c: {  	s6 =	simm.s32 $0x0;
	s20 =	sshll.u32 s4, $0x1;
	s4 =	sadd.s32 s21, s2  }
0x9d: {  	[timem:s6], [sflag:s22] =	dma.local [hbm:s4], s20  }
0x9e: {  	_ =	swait.ge [sflag:s22], s20  }
0x9f: {  	s3 =	ssub.s32 $0x0, s20;
	[sflag:s22] =	ssyncset.done $0x0  }
0xa0: {  	[sflag:s22] =	ssyncadd.s32 s3;
	_ =	sdelay $0x1  }
0xa1: {  	s23 =	simm.s32 $0x1B8B  }
0xa2: {  	_ =	swait.ge [sflag:s23], $0x1  }
0xa3: {  	[sflag:s23] =	ssyncset.done $0x0  }
0xa4: {  	s25 =	simm.s32 $0x1B8E;
	s24 =	sld [smem:$0x3FFE];
	[sflag:s23] =	ssyncadd.s32 $0xFFFFFFFF  }
0xa5: {  	s26 =	simm.s32 $execute0_lowered;
	[smem:$0x3FD2] =	sst s25  }
0xa6: {  	s4 =	sshll.u32 s26, $0x1;
	_ =	strace $0x80000046;
	[dreg:$0x1] =	wrdreg $0xFFFFFFFF  }
0xa7: {  	s28 =	simm.s32 $_size_execute0_lowered;
	s2 =	sadd.s32 s2, s4;
	[dreg:$0x0] =	wrdreg $0x0  }
0xa8: {  	s4 =	sshll.u32 s28, $0x1;
	[dreg:$0x2] =	wrdreg s2  }
0xa9: {  	[dreg:$0x3] =	wrdreg s4  }
0xaa: {  	[dreg:$0x4] =	wrdreg $0xC0  }
0xab: {  	_ =	task [dreg:s6], $0x5FFFF  }
0xac: {  	[dreg:$0x1] =	wrdreg $0xFFFFFFFF  }
0xad: {  	[dreg:$0x0] =	wrdreg $0x60  }
0xae: {  	[dreg:$0x2] =	wrdreg s24  }
0xaf: {  	[dreg:$0x3] =	wrdreg $0x9  }
0xb0: {  	_ =	task.clear_ibuf [dreg:s6], $0x4FFFF;
	_ =	strace $0x90000046  }
0xb1: {  	s29 =	simm.s32 $0x9;
	_ =	strace $0x80000048  }
0xb2: {  	_ =	swait.ge [sflag:s29], $0x1  }
0xb3: {  	[sflag:s29] =	ssyncadd.s32 $0xFFFFFFFF  }
0xb4: {  	_ =	strace $0x90000048  }
0xb5: {  	_ =	sfence  }
0xb6: {  	s30 =	sld [smem:$0x0];
	_ =	sdelay $0x2  }
0xb7: {  	s31 =	sshll.u32 s1, $0xD;
	s1 =	sshrl.u32 s1, $0x2  }
0xb8: {  	s3 =	sand.u32 $0x4000, s31;
	s1 =	sadd.s32 s1, s30  }
0xb9: {  	s0 =	sor.u32 s3, s0;
	s1 =	sshll.u32 s1, $0x11  }
0xba: {  	s0 =	sor.u32 s1, s0  }
0xbb: {  	s0 =	sadd.s32 $0x8F2B, s0  }
0xbc: {  	[sflag:s0] =	ssyncadd.remote.s32 $0x1  }
0xbd: {  	_ =	sfence.sel $0xFFFF  }
0xbe: {  	[dreg:$0x0] =	wrdreg $0xFFFFFFFF;
	(pc) =	sbr.abs _section_cstart, $3  }
0xbf: {  	[dreg:$0x1] =	wrdreg $0xFFFFFFFF  }
0xc0: {  	_ =	task.clear_ibuf [dreg:s6], $0x2FFFF;
	_ =	strace $0x9FFFFFFF  }
0xc1: {  	(tm) =	ssettm $0x7FFFFFFF  }
tec
execute0_lowered:
.L_overlay_start_1:
0x0: {  	(tag) =	ssettag $0x1  }
0x1: {  	s0 =	rddreg [dreg:$0x0];
	s1 =	simm.s32 $0x0  }
0x2: {  	s5 =	srdreg.scid;
	s11 =	stileid.u32;
	s15 =	simm.s32 $0x1  }
0x3: {  	s16 =	simm.s32 $0x2;
	s29 =	simm.s32 $0xB100;
	s30 =	simm.s32 $0xB500  }
0x4: {  	s31 =	simm.s32 $0xBD00;
	s13 =	simm.s32 $0x10100;
	s14 =	simm.s32 $0x3  }
0x5: {  	s18 =	simm.s32 $0x0;
	[smem:$0x7FF] =	sst s1;
	s2 =	sadd.s32 $0x6400, s0  }
0x6: {  	s3 =	sadd.s32 $0x10200, s0;
	s4 =	sadd.s32 $0x1A000, s0;
	s5 =	sand.u32 $0x1, s5  }
.Ltmp0:
0x7: {  	s7 =	sadd.s32 $0x8F400, s0;
	s6 =	ssub.s32 $0x2, s5;
	(pc) =	sbr.rel .LBB2_1-.Ltmp0, $4  }
0x8: {  	s8 =	sadd.s32 $0x264200, s0;
	s9 =	sadd.s32 $0xC28200, s0;
	s10 =	sshrl.u32 s6, $0x1  }
0x9: {  	v2 =	vlaneseq.u32;
	s12 =	sadd.s32 $0x8F500, s0;
	_ =	strace $0x80000047;
	s6 =	ssub.s32 s6, s10  }
0xa: {  	vm0 =	vmmov $0xffff;
	vm1 =	vmmov $0xff;
	v1 =	vshrl.u32 v2, $0x3;
	s10 =	sshll.u32 s11, $0x1;
	s11 =	sadd.s32 $0x1A100, s0;
	s28 =	smax.u32 s6, $0x1  }
0xb: {  	v0 =	vand.u32 $0x7, v2;
	v2 =	vor.u32 $0x8, v2;
	v1 =	vmul.u32 $0x8, v1;
	s0 =	simm.s32 $0xC100;
	s6 =	simm.s32 $0x4;
	[dreg:$0x2] =	wrdreg s28  }
.LBB2_7:
0xc: {  	s18 =	rddreg [dreg:$0x3]  }
0xd: {  	s17 =	rddreg [dreg:$0x2];
	s18 =	sadd.s32 $0x1, s18  }
0xe: {  	p0 =	sne.s32 s18, s17  }
.Ltmp1:
0xf: {  	_ = 	snop;
	(pc) =	sbr.rel @!p0 .LBB2_8-.Ltmp1, $1  }
0x10: {  	_ =	sdelay $0x3  }
.LBB2_1:
.Ltmp2:
0x11: {  	(pc) =	sbr.rel .LBB2_2-.Ltmp2, $2  }
0x12: {  	_ =	sdelay $0x2  }
0x13: {  	[dreg:$0x3] =	wrdreg s18;
	s17 =	simm.s32 $0x0  }
.LBB2_6:
0x14: {  	s17 =	sadd.s32 $0x1, s17  }
0x15: {  	p0 =	sne.s32 s17, $0x9D  }
.Ltmp3:
0x16: {  	_ = 	snop;
	(pc) =	sbr.rel @!p0 .LBB2_7-.Ltmp3, $1  }
0x17: {  	_ =	sdelay $0x3  }
.LBB2_2:
0x18: {  	s18 =	sshll.u32 s17, $0x5  }
0x19: {  	s18 =	sor.u32 s10, s18  }
0x1a: {  	p0 =	sgt.u32 s18, $0x1387  }
.Ltmp4:
0x1b: {  	_ = 	snop;
	(pc) =	sbr.rel @p0 .LBB2_6-.Ltmp4, $1  }
0x1c: {  	_ =	sdelay $0x3  }
0x1d: {  	s18 =	sor.u32 s5, s18  }
0x1e: {  	s20 =	sshll.u32 s18, $0x3  }
0x1f: {  	s19 =	simm.s32 $0x0;
	s21 =	sadd.s32 s2, s20  }
0x20: {  	[tilespmem:s19], [sflag:$0x1] =	stream.linear.gather [hbm4b:s21+s19], $0x40, $0x38;
	[tilespmem:$0x12100] =	vst v63  }
0x21: {  	s26 =	simm.s32 $0x80;
	s20 =	sadd.s32 s3, s20  }
0x22: {  	[tilespmem:s26], [sflag:$0x2] =	stream.linear.gather [hbm4b:s20+s19], $0x40, $0x38;
	[tilespmem:$0x12100] =	vst v63  }
0x23: {  	_ =	swait.ge [sflag:s15], $0x40  }
0x24: {  	[sflag:s15] =	ssyncset.done $0x0  }
0x25: {  	[sflag:s15] =	ssyncadd.s32 $0xFFFFFFC0  }
0x26: {  	_ =	swait.ge [sflag:s16], $0x40  }
0x27: {  	[sflag:s16] =	ssyncset.done $0x0  }
0x28: {  	[sflag:s16] =	ssyncadd.s32 $0xFFFFFFC0  }
0x29: {  	v3 =	vld [tilespmem:$0x80];
	_ =	sdelay $0x4  }
0x2a: {  	v4 =	vshrl.u32 v3, $0x3  }
0x2b: {  	v4 =	vmul.u32 $0x18, v4  }
0x2c: {  	v3 =	vand.u32 $0x7, v3  }
0x2d: {  	v3 =	vor.u32 v3, v4  }
0x2e: {  	v4 =	vperm.xlane v3, v0;
	_ =	sdelay $0x1  }
0x2f: {  	v4 =	vadd.s32 v1, v4;
	_ =	sdelay $0x1  }
0x30: {  	v3 =	vperm.xlane v3, v2;
	_ =	sdelay $0x1  }
0x31: {  	s28 =	simm.s32 $0x100;
	v3 =	vadd.s32 v1, v3  }
0x32: {  	[tilespmem:s28], [sflag:$0x1] =	stream.indirect_vreg.gather [hbm4b:s4+s19], $0x80, v4, vm0, $0xb8;
	[tilespmem:$0x12100] =	vst v63  }
0x33: {  	s21 =	simm.s32 $0x900  }
0x34: {  	[tilespmem:s21], [sflag:$0x1] =	stream.indirect_vreg.gather [hbm4b:s11+s19], $0x80, v4, vm1, $0xb8;
	[tilespmem:$0x12100] =	vst v63  }
0x35: {  	s22 =	simm.s32 $0xD00  }
0x36: {  	[tilespmem:s22], [sflag:$0x1] =	stream.indirect_vreg.gather [hbm4b:s4+s19], $0x80, v3, vm0, $0xb8;
	[tilespmem:$0x12100] =	vst v63  }
0x37: {  	s23 =	simm.s32 $0x1500  }
0x38: {  	[tilespmem:s23], [sflag:$0x1] =	stream.indirect_vreg.gather [hbm4b:s11+s19], $0x80, v3, vm1, $0xb8;
	[tilespmem:$0x12100] =	vst v63  }
0x39: {  	v3 =	vld [tilespmem:$0x90];
	_ =	sdelay $0x4  }
0x3a: {  	v57 =	vshrl.u32 v3, $0x3  }
0x3b: {  	v4 =	vmul.u32 $0x18, v57  }
0x3c: {  	v3 =	vand.u32 $0x7, v3  }
0x3d: {  	v3 =	vor.u32 v3, v4  }
0x3e: {  	v4 =	vperm.xlane v3, v0;
	_ =	sdelay $0x1  }
0x3f: {  	v4 =	vadd.s32 v1, v4;
	_ =	sdelay $0x1  }
0x40: {  	v3 =	vperm.xlane v3, v2;
	_ =	sdelay $0x1  }
0x41: {  	s24 =	simm.s32 $0x1900;
	v3 =	vadd.s32 v1, v3  }
0x42: {  	[tilespmem:s24], [sflag:$0x1] =	stream.indirect_vreg.gather [hbm4b:s4+s19], $0x80, v4, vm0, $0xb8;
	[tilespmem:$0x12100] =	vst v63  }
0x43: {  	s25 =	simm.s32 $0x2100  }
0x44: {  	[tilespmem:s25], [sflag:$0x1] =	stream.indirect_vreg.gather [hbm4b:s11+s19], $0x80, v4, vm1, $0xb8;
	[tilespmem:$0x12100] =	vst v63  }
0x45: {  	s26 =	simm.s32 $0x2500  }
0x46: {  	[tilespmem:s26], [sflag:$0x1] =	stream.indirect_vreg.gather [hbm4b:s4+s19], $0x80, v3, vm0, $0xb8;
	[tilespmem:$0x12100] =	vst v63  }
0x47: {  	s28 =	simm.s32 $0x2D00  }
0x48: {  	[tilespmem:s28], [sflag:$0x1] =	stream.indirect_vreg.gather [hbm4b:s11+s19], $0x80, v3, vm1, $0xb8;
	[tilespmem:$0x12100] =	vst v63  }
0x49: {  	v3 =	vld [tilespmem:$0xA0];
	_ =	sdelay $0x4  }
0x4a: {  	v58 =	vshrl.u32 v3, $0x3  }
0x4b: {  	v4 =	vmul.u32 $0x18, v58  }
0x4c: {  	v3 =	vand.u32 $0x7, v3  }
0x4d: {  	v3 =	vor.u32 v3, v4  }
0x4e: {  	v4 =	vperm.xlane v3, v0;
	_ =	sdelay $0x1  }
0x4f: {  	v4 =	vadd.s32 v1, v4;
	_ =	sdelay $0x1  }
0x50: {  	v3 =	vperm.xlane v3, v2;
	_ =	sdelay $0x1  }
0x51: {  	s21 =	simm.s32 $0x3100;
	v3 =	vadd.s32 v1, v3  }
0x52: {  	[tilespmem:s21], [sflag:$0x1] =	stream.indirect_vreg.gather [hbm4b:s4+s19], $0x80, v4, vm0, $0xb8;
	[tilespmem:$0x12100] =	vst v63  }
0x53: {  	s22 =	simm.s32 $0x3900  }
0x54: {  	[tilespmem:s22], [sflag:$0x1] =	stream.indirect_vreg.gather [hbm4b:s11+s19], $0x80, v4, vm1, $0xb8;
	[tilespmem:$0x12100] =	vst v63  }
0x55: {  	s23 =	simm.s32 $0x3D00  }
0x56: {  	[tilespmem:s23], [sflag:$0x1] =	stream.indirect_vreg.gather [hbm4b:s4+s19], $0x80, v3, vm0, $0xb8;
	[tilespmem:$0x12100] =	vst v63  }
0x57: {  	s24 =	simm.s32 $0x4500  }
0x58: {  	[tilespmem:s24], [sflag:$0x1] =	stream.indirect_vreg.gather [hbm4b:s11+s19], $0x80, v3, vm1, $0xb8;
	[tilespmem:$0x12100] =	vst v63  }
0x59: {  	v3 =	vld [tilespmem:$0xB0];
	_ =	sdelay $0x4  }
0x5a: {  	v59 =	vshrl.u32 v3, $0x3  }
0x5b: {  	v4 =	vmul.u32 $0x18, v59  }
0x5c: {  	v3 =	vand.u32 $0x7, v3  }
0x5d: {  	v3 =	vor.u32 v3, v4  }
0x5e: {  	v4 =	vperm.xlane v3, v0;
	_ =	sdelay $0x1  }
0x5f: {  	v4 =	vadd.s32 v1, v4;
	_ =	sdelay $0x1  }
0x60: {  	v3 =	vperm.xlane v3, v2;
	_ =	sdelay $0x1  }
0x61: {  	s25 =	simm.s32 $0x4900;
	v3 =	vadd.s32 v1, v3  }
0x62: {  	[tilespmem:s25], [sflag:$0x1] =	stream.indirect_vreg.gather [hbm4b:s4+s19], $0x80, v4, vm0, $0xb8;
	[tilespmem:$0x12100] =	vst v63  }
0x63: {  	s26 =	simm.s32 $0x5100  }
0x64: {  	[tilespmem:s26], [sflag:$0x1] =	stream.indirect_vreg.gather [hbm4b:s11+s19], $0x80, v4, vm1, $0xb8;
	[tilespmem:$0x12100] =	vst v63  }
0x65: {  	s28 =	simm.s32 $0x5500  }
0x66: {  	[tilespmem:s28], [sflag:$0x1] =	stream.indirect_vreg.gather [hbm4b:s4+s19], $0x80, v3, vm0, $0xb8;
	[tilespmem:$0x12100] =	vst v63  }
0x67: {  	s21 =	simm.s32 $0x5D00  }
0x68: {  	[tilespmem:s21], [sflag:$0x1] =	stream.indirect_vreg.gather [hbm4b:s11+s19], $0x80, v3, vm1, $0xb8;
	[tilespmem:$0x12100] =	vst v63  }
0x69: {  	v3 =	vld [tilespmem:$0x0];
	_ =	sdelay $0x4  }
0x6a: {  	v60 =	vshrl.u32 v3, $0x3  }
0x6b: {  	v4 =	vmul.u32 $0x18, v60  }
0x6c: {  	v3 =	vand.u32 $0x7, v3  }
0x6d: {  	v3 =	vor.u32 v3, v4  }
0x6e: {  	v4 =	vperm.xlane v3, v0;
	_ =	sdelay $0x1  }
0x6f: {  	v4 =	vadd.s32 v1, v4;
	_ =	sdelay $0x1  }
0x70: {  	v3 =	vperm.xlane v3, v2;
	_ =	sdelay $0x1  }
0x71: {  	s22 =	simm.s32 $0x6100;
	v3 =	vadd.s32 v1, v3  }
0x72: {  	[tilespmem:s22], [sflag:$0x2] =	stream.indirect_vreg.gather [hbm4b:s7+s19], $0x80, v4, vm0, $0xb8;
	[tilespmem:$0x12100] =	vst v63  }
0x73: {  	s23 =	simm.s32 $0x6900  }
0x74: {  	[tilespmem:s23], [sflag:$0x2] =	stream.indirect_vreg.gather [hbm4b:s12+s19], $0x80, v4, vm1, $0xb8;
	[tilespmem:$0x12100] =	vst v63  }
0x75: {  	s24 =	simm.s32 $0x6D00  }
0x76: {  	[tilespmem:s24], [sflag:$0x2] =	stream.indirect_vreg.gather [hbm4b:s7+s19], $0x80, v3, vm0, $0xb8;
	[tilespmem:$0x12100] =	vst v63  }
0x77: {  	s25 =	simm.s32 $0x7500  }
0x78: {  	[tilespmem:s25], [sflag:$0x2] =	stream.indirect_vreg.gather [hbm4b:s12+s19], $0x80, v3, vm1, $0xb8;
	[tilespmem:$0x12100] =	vst v63  }
0x79: {  	v3 =	vld [tilespmem:$0x10];
	_ =	sdelay $0x4  }
0x7a: {  	v61 =	vshrl.u32 v3, $0x3  }
0x7b: {  	v4 =	vmul.u32 $0x18, v61  }
0x7c: {  	v3 =	vand.u32 $0x7, v3  }
0x7d: {  	v3 =	vor.u32 v3, v4  }
0x7e: {  	v4 =	vperm.xlane v3, v0;
	_ =	sdelay $0x1  }
0x7f: {  	v4 =	vadd.s32 v1, v4;
	_ =	sdelay $0x1  }
0x80: {  	v3 =	vperm.xlane v3, v2;
	_ =	sdelay $0x1  }
0x81: {  	s26 =	simm.s32 $0x7900;
	v3 =	vadd.s32 v1, v3  }
0x82: {  	[tilespmem:s26], [sflag:$0x2] =	stream.indirect_vreg.gather [hbm4b:s7+s19], $0x80, v4, vm0, $0xb8;
	[tilespmem:$0x12100] =	vst v63  }
0x83: {  	s28 =	simm.s32 $0x8100  }
0x84: {  	[tilespmem:s28], [sflag:$0x2] =	stream.indirect_vreg.gather [hbm4b:s12+s19], $0x80, v4, vm1, $0xb8;
	[tilespmem:$0x12100] =	vst v63  }
0x85: {  	s21 =	simm.s32 $0x8500  }
0x86: {  	[tilespmem:s21], [sflag:$0x2] =	stream.indirect_vreg.gather [hbm4b:s7+s19], $0x80, v3, vm0, $0xb8;
	[tilespmem:$0x12100] =	vst v63  }
0x87: {  	s22 =	simm.s32 $0x8D00  }
0x88: {  	[tilespmem:s22], [sflag:$0x2] =	stream.indirect_vreg.gather [hbm4b:s12+s19], $0x80, v3, vm1, $0xb8;
	[tilespmem:$0x12100] =	vst v63  }
0x89: {  	v3 =	vld [tilespmem:$0x20];
	_ =	sdelay $0x4  }
0x8a: {  	v62 =	vshrl.u32 v3, $0x3  }
0x8b: {  	v4 =	vmul.u32 $0x18, v62  }
0x8c: {  	v3 =	vand.u32 $0x7, v3  }
0x8d: {  	v3 =	vor.u32 v3, v4  }
0x8e: {  	v4 =	vperm.xlane v3, v0;
	_ =	sdelay $0x1  }
0x8f: {  	v4 =	vadd.s32 v1, v4;
	_ =	sdelay $0x1  }
0x90: {  	v3 =	vperm.xlane v3, v2;
	_ =	sdelay $0x1  }
0x91: {  	s23 =	simm.s32 $0x9100;
	v3 =	vadd.s32 v1, v3  }
0x92: {  	[tilespmem:s23], [sflag:$0x2] =	stream.indirect_vreg.gather [hbm4b:s7+s19], $0x80, v4, vm0, $0xb8;
	[tilespmem:$0x12100] =	vst v63  }
0x93: {  	s24 =	simm.s32 $0x9900  }
0x94: {  	[tilespmem:s24], [sflag:$0x2] =	stream.indirect_vreg.gather [hbm4b:s12+s19], $0x80, v4, vm1, $0xb8;
	[tilespmem:$0x12100] =	vst v63  }
0x95: {  	s25 =	simm.s32 $0x9D00  }
0x96: {  	[tilespmem:s25], [sflag:$0x2] =	stream.indirect_vreg.gather [hbm4b:s7+s19], $0x80, v3, vm0, $0xb8;
	[tilespmem:$0x12100] =	vst v63  }
0x97: {  	s26 =	simm.s32 $0xA500  }
0x98: {  	[tilespmem:s26], [sflag:$0x2] =	stream.indirect_vreg.gather [hbm4b:s12+s19], $0x80, v3, vm1, $0xb8;
	[tilespmem:$0x12100] =	vst v63  }
0x99: {  	v3 =	vld [tilespmem:$0x30];
	_ =	sdelay $0x4  }
0x9a: {  	v63 =	vshrl.u32 v3, $0x3  }
0x9b: {  	v4 =	vmul.u32 $0x18, v63  }
0x9c: {  	v3 =	vand.u32 $0x7, v3  }
0x9d: {  	v3 =	vor.u32 v3, v4  }
0x9e: {  	v4 =	vperm.xlane v3, v0;
	_ =	sdelay $0x1  }
0x9f: {  	v4 =	vadd.s32 v1, v4;
	_ =	sdelay $0x1  }
0xa0: {  	v3 =	vperm.xlane v3, v2;
	_ =	sdelay $0x1  }
0xa1: {  	s28 =	simm.s32 $0xA900;
	v3 =	vadd.s32 v1, v3  }
0xa2: {  	[tilespmem:s28], [sflag:$0x2] =	stream.indirect_vreg.gather [hbm4b:s7+s19], $0x80, v4, vm0, $0xb8;
	[tilespmem:$0x12100] =	vst v63  }
0xa3: {  	_ = 	snop  }
0xa4: {  	[tilespmem:s29], [sflag:$0x2] =	stream.indirect_vreg.gather [hbm4b:s12+s19], $0x80, v4, vm1, $0xb8;
	[tilespmem:$0x12100] =	vst v63  }
0xa5: {  	_ = 	snop  }
0xa6: {  	[tilespmem:s30], [sflag:$0x2] =	stream.indirect_vreg.gather [hbm4b:s7+s19], $0x80, v3, vm0, $0xb8;
	[tilespmem:$0x12100] =	vst v63  }
0xa7: {  	_ = 	snop  }
0xa8: {  	[tilespmem:s31], [sflag:$0x2] =	stream.indirect_vreg.gather [hbm4b:s12+s19], $0x80, v3, vm1, $0xb8;
	[tilespmem:$0x12100] =	vst v63  }
0xa9: {  	_ =	swait.ge [sflag:s15], $0x6000  }
0xaa: {  	[sflag:s15] =	ssyncset.done $0x0  }
0xab: {  	[sflag:s15] =	ssyncadd.s32 $0xFFFFA000  }
0xac: {  	_ =	swait.ge [sflag:s16], $0x6000  }
0xad: {  	[sflag:s16] =	ssyncset.done $0x0  }
0xae: {  	s20 =	simm.s32 $0x10180;
	s21 =	simm.s32 $0x0;
	[sflag:s16] =	ssyncadd.s32 $0xFFFFA000  }
.LBB2_4:
0xaf: {  	s23 =	sshrl.u32 s21, $0x2  }
0xb0: {  	s22 =	smul.u32 $0xC00, s23  }
0xb1: {  	s26 =	sand.u32 $0x300, s19  }
0xb2: {  	s24 =	sor.u32 s26, s22  }
0xb3: {  	v3 =	vld [tilespmem:s24+$0x100]  }
0xb4: {  	v4 =	vld [tilespmem:s24+$0x6100];
	_ =	sdelay $0x3  }
0xb5: {  	s23 =	sshll.u32 s23, $0xD  }
0xb6: {  	s23 =	sshra.s32 s23, $0x2;
	v3 =	vadd.f32 v4, v3  }
0xb7: {  	s23 =	sadd.s32 $0xC100, s23  }
0xb8: {  	s28 =	sadd.s32 s26, s23;
	v3 =	vmax.f32 v3, $0.0e+00  }
0xb9: {  	[tilespmem:s28+$0x0] =	vst v3  }
0xba: {  	v3 =	vld [tilespmem:s24+$0x110]  }
0xbb: {  	v31 =	vld [tilespmem:s24+$0x6110];
	_ =	sdelay $0x4  }
0xbc: {  	v3 =	vadd.f32 v31, v3;
	_ =	sdelay $0x1  }
0xbd: {  	v3 =	vmax.f32 v3, $0.0e+00  }
0xbe: {  	[tilespmem:s28+$0x10] =	vst v3  }
0xbf: {  	v3 =	vld [tilespmem:s24+$0x120]  }
0xc0: {  	v32 =	vld [tilespmem:s24+$0x6120];
	_ =	sdelay $0x4  }
0xc1: {  	v3 =	vadd.f32 v32, v3;
	_ =	sdelay $0x1  }
0xc2: {  	v3 =	vmax.f32 v3, $0.0e+00  }
0xc3: {  	[tilespmem:s28+$0x20] =	vst v3  }
0xc4: {  	v3 =	vld [tilespmem:s24+$0x130]  }
0xc5: {  	v33 =	vld [tilespmem:s24+$0x6130];
	_ =	sdelay $0x4  }
0xc6: {  	v3 =	vadd.f32 v33, v3;
	_ =	sdelay $0x1  }
0xc7: {  	v3 =	vmax.f32 v3, $0.0e+00  }
0xc8: {  	[tilespmem:s28+$0x30] =	vst v3  }
0xc9: {  	v3 =	vld [tilespmem:s24+$0x140]  }
0xca: {  	v34 =	vld [tilespmem:s24+$0x6140];
	_ =	sdelay $0x4  }
0xcb: {  	v3 =	vadd.f32 v34, v3;
	_ =	sdelay $0x1  }
0xcc: {  	v3 =	vmax.f32 v3, $0.0e+00  }
0xcd: {  	[tilespmem:s28+$0x40] =	vst v3  }
0xce: {  	v3 =	vld [tilespmem:s24+$0x150]  }
0xcf: {  	v35 =	vld [tilespmem:s24+$0x6150];
	_ =	sdelay $0x4  }
0xd0: {  	v3 =	vadd.f32 v35, v3;
	_ =	sdelay $0x1  }
0xd1: {  	v3 =	vmax.f32 v3, $0.0e+00  }
0xd2: {  	[tilespmem:s28+$0x50] =	vst v3  }
0xd3: {  	v3 =	vld [tilespmem:s24+$0x160]  }
0xd4: {  	v36 =	vld [tilespmem:s24+$0x6160];
	_ =	sdelay $0x4  }
0xd5: {  	v3 =	vadd.f32 v36, v3;
	_ =	sdelay $0x1  }
0xd6: {  	v3 =	vmax.f32 v3, $0.0e+00  }
0xd7: {  	[tilespmem:s28+$0x60] =	vst v3  }
0xd8: {  	v3 =	vld [tilespmem:s24+$0x170]  }
0xd9: {  	v37 =	vld [tilespmem:s24+$0x6170];
	_ =	sdelay $0x4  }
0xda: {  	v3 =	vadd.f32 v37, v3;
	_ =	sdelay $0x1  }
0xdb: {  	s24 =	sadd.s32 $0x400, s22;
	v3 =	vmax.f32 v3, $0.0e+00  }
0xdc: {  	s25 =	sor.u32 s26, s24;
	[tilespmem:s28+$0x70] =	vst v3  }
0xdd: {  	v3 =	vld [tilespmem:s25+$0x100]  }
0xde: {  	v38 =	vld [tilespmem:s25+$0x6100];
	_ =	sdelay $0x4  }
0xdf: {  	v3 =	vadd.f32 v38, v3;
	_ =	sdelay $0x1  }
0xe0: {  	v3 =	vmax.f32 v3, $0.0e+00  }
0xe1: {  	[tilespmem:s28+$0x400] =	vst v3  }
0xe2: {  	v3 =	vld [tilespmem:s25+$0x110]  }
0xe3: {  	v39 =	vld [tilespmem:s25+$0x6110];
	_ =	sdelay $0x4  }
0xe4: {  	v3 =	vadd.f32 v39, v3;
	_ =	sdelay $0x1  }
0xe5: {  	v3 =	vmax.f32 v3, $0.0e+00  }
0xe6: {  	[tilespmem:s28+$0x410] =	vst v3  }
0xe7: {  	v3 =	vld [tilespmem:s25+$0x120]  }
0xe8: {  	v40 =	vld [tilespmem:s25+$0x6120];
	_ =	sdelay $0x4  }
0xe9: {  	v3 =	vadd.f32 v40, v3;
	_ =	sdelay $0x1  }
0xea: {  	v3 =	vmax.f32 v3, $0.0e+00  }
0xeb: {  	[tilespmem:s28+$0x420] =	vst v3  }
0xec: {  	v3 =	vld [tilespmem:s25+$0x130]  }
0xed: {  	v41 =	vld [tilespmem:s25+$0x6130];
	_ =	sdelay $0x4  }
0xee: {  	v3 =	vadd.f32 v41, v3;
	_ =	sdelay $0x1  }
0xef: {  	v3 =	vmax.f32 v3, $0.0e+00  }
0xf0: {  	[tilespmem:s28+$0x430] =	vst v3  }
0xf1: {  	v3 =	vld [tilespmem:s25+$0x140]  }
0xf2: {  	v42 =	vld [tilespmem:s25+$0x6140];
	_ =	sdelay $0x4  }
0xf3: {  	v3 =	vadd.f32 v42, v3;
	_ =	sdelay $0x1  }
0xf4: {  	v3 =	vmax.f32 v3, $0.0e+00  }
0xf5: {  	[tilespmem:s28+$0x440] =	vst v3  }
0xf6: {  	v3 =	vld [tilespmem:s25+$0x150]  }
0xf7: {  	v43 =	vld [tilespmem:s25+$0x6150];
	_ =	sdelay $0x4  }
0xf8: {  	v3 =	vadd.f32 v43, v3;
	_ =	sdelay $0x1  }
0xf9: {  	v3 =	vmax.f32 v3, $0.0e+00  }
0xfa: {  	[tilespmem:s28+$0x450] =	vst v3  }
0xfb: {  	v3 =	vld [tilespmem:s25+$0x160]  }
0xfc: {  	v44 =	vld [tilespmem:s25+$0x6160];
	_ =	sdelay $0x4  }
0xfd: {  	v3 =	vadd.f32 v44, v3;
	_ =	sdelay $0x1  }
0xfe: {  	v3 =	vmax.f32 v3, $0.0e+00  }
0xff: {  	[tilespmem:s28+$0x460] =	vst v3  }
0x100: {  	v3 =	vld [tilespmem:s25+$0x170]  }
0x101: {  	v45 =	vld [tilespmem:s25+$0x6170];
	_ =	sdelay $0x4  }
0x102: {  	v3 =	vadd.f32 v45, v3;
	_ =	sdelay $0x1  }
0x103: {  	s25 =	sadd.s32 $0x800, s22;
	v3 =	vmax.f32 v3, $0.0e+00  }
0x104: {  	s26 =	sor.u32 s26, s25;
	[tilespmem:s28+$0x470] =	vst v3  }
0x105: {  	v3 =	vld [tilespmem:s26+$0x100]  }
0x106: {  	v46 =	vld [tilespmem:s26+$0x6100];
	_ =	sdelay $0x4  }
0x107: {  	v3 =	vadd.f32 v46, v3;
	_ =	sdelay $0x1  }
0x108: {  	v4 =	vmul.f32 $2.000000030e-01, v3;
	_ =	sdelay $0x1  }
0x109: {  	v3 =	vmax.f32 v3, v4  }
0x10a: {  	v3 =	vmul.f32 $1.442695020e+00, v3;
	_ =	sdelay $0x1  }
0x10b: {  	(erf) = vpow2.f32 v3;
	_ =	sdelay $0x7  }
0x10c: {  	s28 =	sadd.s32 $0x80, s19  }
0x10d: {  	s26 =	sand.u32 $0x380, s28;
	v3 =	vpop (erf)  }
0x10e: {  	s28 =	sor.u32 s22, s26;
	[tilespmem:s20+$0xFFFFFF80] =	vst v3  }
0x10f: {  	v3 =	vld [tilespmem:s28+$0x100]  }
0x110: {  	v47 =	vld [tilespmem:s28+$0x6100];
	_ =	sdelay $0x4  }
0x111: {  	v3 =	vadd.f32 v47, v3;
	_ =	sdelay $0x1  }
0x112: {  	s22 =	sadd.s32 s26, s23;
	v3 =	vmax.f32 v3, $0.0e+00  }
0x113: {  	[tilespmem:s22+$0x0] =	vst v3  }
0x114: {  	v3 =	vld [tilespmem:s28+$0x110]  }
0x115: {  	v48 =	vld [tilespmem:s28+$0x6110];
	_ =	sdelay $0x4  }
0x116: {  	v3 =	vadd.f32 v48, v3;
	_ =	sdelay $0x1  }
0x117: {  	v3 =	vmax.f32 v3, $0.0e+00  }
0x118: {  	[tilespmem:s22+$0x10] =	vst v3  }
0x119: {  	v3 =	vld [tilespmem:s28+$0x120]  }
0x11a: {  	v49 =	vld [tilespmem:s28+$0x6120];
	_ =	sdelay $0x4  }
0x11b: {  	v3 =	vadd.f32 v49, v3;
	_ =	sdelay $0x1  }
0x11c: {  	v3 =	vmax.f32 v3, $0.0e+00  }
0x11d: {  	[tilespmem:s22+$0x20] =	vst v3  }
0x11e: {  	v3 =	vld [tilespmem:s28+$0x130]  }
0x11f: {  	v50 =	vld [tilespmem:s28+$0x6130];
	_ =	sdelay $0x4  }
0x120: {  	v3 =	vadd.f32 v50, v3;
	_ =	sdelay $0x1  }
0x121: {  	v3 =	vmax.f32 v3, $0.0e+00  }
0x122: {  	[tilespmem:s22+$0x30] =	vst v3  }
0x123: {  	v3 =	vld [tilespmem:s28+$0x140]  }
0x124: {  	v51 =	vld [tilespmem:s28+$0x6140];
	_ =	sdelay $0x4  }
0x125: {  	v3 =	vadd.f32 v51, v3;
	_ =	sdelay $0x1  }
0x126: {  	v3 =	vmax.f32 v3, $0.0e+00  }
0x127: {  	[tilespmem:s22+$0x40] =	vst v3  }
0x128: {  	v3 =	vld [tilespmem:s28+$0x150]  }
0x129: {  	v52 =	vld [tilespmem:s28+$0x6150];
	_ =	sdelay $0x4  }
0x12a: {  	v3 =	vadd.f32 v52, v3;
	_ =	sdelay $0x1  }
0x12b: {  	v3 =	vmax.f32 v3, $0.0e+00  }
0x12c: {  	[tilespmem:s22+$0x50] =	vst v3  }
0x12d: {  	v3 =	vld [tilespmem:s28+$0x160]  }
0x12e: {  	v53 =	vld [tilespmem:s28+$0x6160];
	_ =	sdelay $0x4  }
0x12f: {  	v3 =	vadd.f32 v53, v3;
	_ =	sdelay $0x1  }
0x130: {  	v3 =	vmax.f32 v3, $0.0e+00  }
0x131: {  	[tilespmem:s22+$0x60] =	vst v3  }
0x132: {  	v3 =	vld [tilespmem:s28+$0x170]  }
0x133: {  	v54 =	vld [tilespmem:s28+$0x6170];
	_ =	sdelay $0x4  }
0x134: {  	v3 =	vadd.f32 v54, v3;
	_ =	sdelay $0x1  }
0x135: {  	v3 =	vmax.f32 v3, $0.0e+00  }
0x136: {  	s24 =	sor.u32 s24, s26;
	[tilespmem:s22+$0x70] =	vst v3  }
0x137: {  	v3 =	vld [tilespmem:s24+$0x100]  }
0x138: {  	v55 =	vld [tilespmem:s24+$0x6100];
	_ =	sdelay $0x4  }
0x139: {  	v3 =	vadd.f32 v55, v3;
	_ =	sdelay $0x1  }
0x13a: {  	v3 =	vmax.f32 v3, $0.0e+00  }
0x13b: {  	[tilespmem:s22+$0x400] =	vst v3  }
0x13c: {  	v3 =	vld [tilespmem:s24+$0x110]  }
0x13d: {  	v56 =	vld [tilespmem:s24+$0x6110];
	_ =	sdelay $0x4  }
0x13e: {  	v3 =	vadd.f32 v56, v3;
	_ =	sdelay $0x1  }
0x13f: {  	v3 =	vmax.f32 v3, $0.0e+00  }
0x140: {  	[tilespmem:s22+$0x410] =	vst v3  }
0x141: {  	v3 =	vld [tilespmem:s24+$0x120]  }
0x142: {  	v57 =	vld [tilespmem:s24+$0x6120];
	_ =	sdelay $0x4  }
0x143: {  	v3 =	vadd.f32 v57, v3;
	_ =	sdelay $0x1  }
0x144: {  	v3 =	vmax.f32 v3, $0.0e+00  }
0x145: {  	[tilespmem:s22+$0x420] =	vst v3  }
0x146: {  	v3 =	vld [tilespmem:s24+$0x130]  }
0x147: {  	v58 =	vld [tilespmem:s24+$0x6130];
	_ =	sdelay $0x4  }
0x148: {  	v3 =	vadd.f32 v58, v3;
	_ =	sdelay $0x1  }
0x149: {  	v3 =	vmax.f32 v3, $0.0e+00  }
0x14a: {  	[tilespmem:s22+$0x430] =	vst v3  }
0x14b: {  	v3 =	vld [tilespmem:s24+$0x140]  }
0x14c: {  	v59 =	vld [tilespmem:s24+$0x6140];
	_ =	sdelay $0x4  }
0x14d: {  	v3 =	vadd.f32 v59, v3;
	_ =	sdelay $0x1  }
0x14e: {  	v3 =	vmax.f32 v3, $0.0e+00  }
0x14f: {  	[tilespmem:s22+$0x440] =	vst v3  }
0x150: {  	v3 =	vld [tilespmem:s24+$0x150]  }
0x151: {  	v60 =	vld [tilespmem:s24+$0x6150];
	_ =	sdelay $0x4  }
0x152: {  	v3 =	vadd.f32 v60, v3;
	_ =	sdelay $0x1  }
0x153: {  	v3 =	vmax.f32 v3, $0.0e+00  }
0x154: {  	[tilespmem:s22+$0x450] =	vst v3  }
0x155: {  	v3 =	vld [tilespmem:s24+$0x160]  }
0x156: {  	v61 =	vld [tilespmem:s24+$0x6160];
	_ =	sdelay $0x4  }
0x157: {  	v3 =	vadd.f32 v61, v3;
	_ =	sdelay $0x1  }
0x158: {  	v3 =	vmax.f32 v3, $0.0e+00  }
0x159: {  	[tilespmem:s22+$0x460] =	vst v3  }
0x15a: {  	v3 =	vld [tilespmem:s24+$0x170]  }
0x15b: {  	v62 =	vld [tilespmem:s24+$0x6170];
	_ =	sdelay $0x4  }
0x15c: {  	v3 =	vadd.f32 v62, v3;
	_ =	sdelay $0x1  }
0x15d: {  	v3 =	vmax.f32 v3, $0.0e+00  }
0x15e: {  	s28 =	sor.u32 s25, s26;
	[tilespmem:s22+$0x470] =	vst v3  }
0x15f: {  	v3 =	vld [tilespmem:s28+$0x100]  }
0x160: {  	v63 =	vld [tilespmem:s28+$0x6100];
	_ =	sdelay $0x4  }
0x161: {  	v3 =	vadd.f32 v63, v3;
	_ =	sdelay $0x1  }
0x162: {  	v4 =	vmul.f32 $2.000000030e-01, v3;
	_ =	sdelay $0x1  }
0x163: {  	v3 =	vmax.f32 v3, v4  }
0x164: {  	v3 =	vmul.f32 $1.442695020e+00, v3;
	_ =	sdelay $0x1  }
0x165: {  	(erf) = vpow2.f32 v3;
	_ =	sdelay $0x4  }
0x166: {  	p0 =	sne.s32 s21, $0x1F  }
.Ltmp5:
0x167: {  	_ = 	snop;
	(pc) =	sbr.rel @p0 .LBB2_4-.Ltmp5, $3  }
0x168: {  	_ =	sdelay $0x1  }
0x169: {  	v3 =	vpop (erf)  }
0x16a: {  	s21 =	sadd.s32 $0x1, s21;
	s19 =	sadd.s32 $0x100, s19;
	[tilespmem:s20+$0x0] =	vst v3;
	s20 =	sadd.s32 $0x100, s20  }
0x16b: {  	s19 =	sshll.u32 s18, $0xB  }
0x16c: {  	s19 =	sadd.s32 s8, s19  }
0x16d: {  	[hbm4b:s19+s1] =	stream.linear.scatter [tilespmem:s0], [sflag:$0x4], $0x4000, $0x38;
	[tilespmem:$0x12100] =	vst v63  }
0x16e: {  	_ =	swait.ge [sflag:s6], $0x4000  }
0x16f: {  	s28 =	sshll.u32 s18, $0xA;
	[sflag:s6] =	ssyncset.done $0x0  }
.Ltmp6:
0x170: {  	s18 =	sadd.s32 s9, s28;
	[sflag:s6] =	ssyncadd.s32 $0xFFFFC000;
	(pc) =	sbr.rel .LBB2_6-.Ltmp6, $4  }
0x171: {  	[hbm4b:s18+s1] =	stream.linear.scatter [tilespmem:s13], [sflag:$0x3], $0x2000, $0x38;
	[tilespmem:$0x12100] =	vst v63  }
0x172: {  	_ =	swait.ge [sflag:s14], $0x2000  }
0x173: {  	[sflag:s14] =	ssyncset.done $0x0  }
0x174: {  	[sflag:s14] =	ssyncadd.s32 $0xFFFFE000  }
.LBB2_8:
0x175: {  	_ =	sfence.sel $0x180000  }
0x176: {  	[bflag:$0x0] =	sbarrier.arrive $0xFFFF  }
0x177: {  	_ =	strace $0x90000047  }
0x178: {  	s0 =	stileid.u32;
	[bflag:$0x2] =	sbarrier.arrive $0xFFFF  }
0x179: {  	p0 =	sne.s32 s0, $0x0;
	s0 =	rddreg [dreg:$0x1]  }
0x17a: {  	s0 =	sadd.s32 @!p0 $0x100000, s0  }
0x17b: {  	[sflag:s0] =	ssyncadd.tile.s32 @!p0 $0x1;
	_ =	shalt  }
.Lfunc_end2:
_tile_overlayer_lowered:
.L_overlay_start_2:
0x17c: {  	(tag) =	ssettag $0x2  }
0x17d: {  	s0 =	rddreg [dreg:$0x0];
	s2 =	stileid.u32  }
0x17e: {  	s1 =	rddreg [dreg:$0x1];
	p0 =	sne.s32 s2, $0x0  }
0x17f: {  	s3 =	rddreg [dreg:$0x2];
	[bflag:$0x3] =	sbarrier.arrive $0xFFFF;
	s2 =	simm.s32 @!p0 $0x1C03  }
0x180: {  	[timem:s3], [sflag:s2] =	dma.local @!p0 [hbm:s0], s1  }
0x181: {  	s0 =	simm.s32 @!p0 $0x3  }
0x182: {  	_ =	swait.ge @!p0 [sflag:s0], s1  }
0x183: {  	s1 =	ssub.s32 @!p0 $0x0, s1;
	[sflag:s0] =	ssyncset.done @!p0 $0x0  }
0x184: {  	[sflag:s0] =	ssyncadd.s32 @!p0 s1  }
0x185: {  	[bflag:$0x3] =	sbarrier.arrive $0xFFFF  }
0x186: {  	_ =	shalt  }

// kernel: kernel.13.cloned.1.call-start
scs
__scs_entry_jumppad:
0x0: {  	(pc) =	sbr.rel $0x88, $3  }
0x1: {  	(tag) =	ssettag $0x0;
	lr =	simm.s32 $0x1  }
0x2: {  	[smem:$0x3F80] =	sst lr;
	_ =	strace $0xD0000000  }
0x3: {  	_ = 	snop  }
0x4: {  	_ = 	snop  }
0x5: {  	_ = 	snop  }
0x6: {  	_ = 	snop  }
0x7: {  	_ = 	snop  }
__scs_overlays_trampoline_lowered:
0x8: {  	[smem:$0x3F8F] =	sst s0  }
0x9: {  	[smem:$0x3F90] =	sst s1  }
0xa: {  	[smem:$0x3F91] =	sst s2  }
0xb: {  	[smem:$0x3F92] =	sst s3  }
0xc: {  	[smem:$0x3F93] =	sst s4  }
0xd: {  	[smem:$0x3F94] =	sst s5  }
0xe: {  	[smem:$0x3F95] =	sst s6  }
0xf: {  	[smem:$0x3F96] =	sst s7  }
0x10: {  	[smem:$0x3F97] =	sst s8  }
0x11: {  	[smem:$0x3F98] =	sst s9;
	s0 =	simm.s32 @!p0 $0x0  }
0x12: {  	s1 =	sld [smem:$0x3F7E];
	s0 =	simm.s32 @p0 $0x1  }
0x13: {  	[smem:$0x3F99] =	sst s0;
	s0 =	simm.s32 @!p1 $0x0  }
0x14: {  	s2 =	sld [smem:$0x3F7D];
	s0 =	simm.s32 @p1 $0x1  }
0x15: {  	[smem:$0x3F9A] =	sst s0;
	s0 =	simm.s32 @!p2 $0x0  }
0x16: {  	s3 =	sld [smem:$0x3FDB];
	s0 =	simm.s32 @p2 $0x1  }
0x17: {  	s4 =	simm.s32 $0x1BF5;
	[smem:$0x3F9C] =	sst s0  }
0x18: {  	s0 =	sld [smem:$0x3F7F];
	_ =	swait.ge [sflag:s4], $0x0  }
0x19: {  	s7 =	sld [smem:$0x3F80]  }
0x1a: {  	s8 =	sadd.s32 $0xFFFFE003, lr  }
0x1b: {  	s9 =	sadd.s32 $0xFFFFFEF7, lr;
	s5 =	simm.s32 $0xFFFFFFFF;
	p2 =	slt.u32 s8, $0xFFFFF086  }
0x1c: {  	p1 =	slt.u32 s9, $0xF7A;
	s5 =	simm.s32 @!p2 $0x0  }
0x1d: {  	s5 =	simm.s32 @p1 $0x1;
	p0 =	seq.s32 s7, s2  }
0x1e: {  	s7 =	smul.u32 @!p0 $0xF7A, s2;
	p2 =	seq.s32 @!p0 s5, $0x0  }
0x1f: {  	s9 =	smul.u32 $0xF7A, s1;
	s8 =	simm.s32 @!p0 $0x1BF5;
	p2 =	por !p2, p0  }
0x20: {  	[sflag:s8] =	ssyncset.s32 @!p0 $0xFFFFF086;
	s6 =	sadd.s32 @!p0 s3, s7;
	s7 =	simm.s32 @!p0 $0x108  }
0x21: {  	s3 =	sadd.s32 s3, s9;
	s6 =	sadd.s32 @!p0 $0x88, s6;
	s7 =	simm.s32 @p2 $0x1082  }
0x22: {  	[simem:s7], [sflag:s8] =	dma.local @!p0 [hbm:s6], $0xF7A  }
0x23: {  	s9 =	sor.u32 $0xD0000000, s2;
	s6 =	simm.s32 $0x108;
	_ =	swait.ge @!p0 [sflag:s8], $0x0  }
0x24: {  	s3 =	sadd.s32 $0x88, s3;
	s6 =	simm.s32 @!p1 $0x1082;
	[sflag:s4] =	ssyncset.s32 $0xFFFFF086  }
0x25: {  	[simem:s6], [sflag:s4] =	dma.local [hbm:s3], $0xF7A  }
0x26: {  	[smem:$0x3F80] =	sst s1;
	(tag) =	ssettag s2;
	_ =	strace s9  }
0x27: {  	s1 =	sld [smem:$0x3F90]  }
0x28: {  	s2 =	sld [smem:$0x3F91]  }
0x29: {  	s4 =	sld [smem:$0x3F93]  }
0x2a: {  	p0 =	seq.s32 s5, $0x0;
	s5 =	sld [smem:$0x3F94]  }
0x2b: {  	s6 =	sld [smem:$0x3F95]  }
0x2c: {  	s7 =	sld [smem:$0x3F96]  }
0x2d: {  	s3 =	simm.s32 $0x108;
	s8 =	sld [smem:$0x3F97]  }
0x2e: {  	s3 =	simm.s32 @!p0 $0x1082;
	s9 =	sld [smem:$0x3F98]  }
0x2f: {  	lr =	sadd.s32 s0, s3;
	s0 =	sld [smem:$0x3F8F]  }
0x30: {  	s3 =	sld [smem:$0x3F92]  }
0x31: {  	[smem:$0x3F9B] =	sst s10  }
0x32: {  	s10 =	sld [smem:$0x3F99];
	_ =	sdelay $0x3  }
0x33: {  	p0 =	seq.s32 s10, $0x1;
	s10 =	sld [smem:$0x3F9B];
	_ =	sdelay $0x3  }
0x34: {  	[smem:$0x3F9B] =	sst s10  }
0x35: {  	s10 =	sld [smem:$0x3F9A];
	_ =	sdelay $0x3  }
0x36: {  	p1 =	seq.s32 s10, $0x1;
	s10 =	sld [smem:$0x3F9B];
	_ =	sdelay $0x3  }
0x37: {  	[smem:$0x3F9B] =	sst s10  }
0x38: {  	s10 =	sld [smem:$0x3F9C]  }
0x39: {  	_ = 	snop;
	(pc) =	sbr.ind lr, $3  }
0x3a: {  	_ = 	snop  }
0x3b: {  	_ = 	snop  }
0x3c: {  	p2 =	seq.s32 s10, $0x1;
	s10 =	sld [smem:$0x3F9B]  }
0x3d: {  	_ =	shalt  }
0x3e: {  	_ =	shalt  }
0x3f: {  	_ =	shalt  }
0x40: {  	_ =	shalt  }
0x41: {  	_ =	shalt  }
0x42: {  	_ =	shalt  }
0x43: {  	_ =	shalt  }
0x44: {  	_ =	shalt  }
0x45: {  	_ =	shalt  }
0x46: {  	_ =	shalt  }
0x47: {  	_ =	shalt  }
0x48: {  	_ =	shalt  }
0x49: {  	_ =	shalt  }
0x4a: {  	_ =	shalt  }
0x4b: {  	_ =	shalt  }
0x4c: {  	_ =	shalt  }
0x4d: {  	_ =	shalt  }
0x4e: {  	_ =	shalt  }
0x4f: {  	_ =	shalt  }
0x50: {  	_ =	shalt  }
0x51: {  	_ =	shalt  }
0x52: {  	_ =	shalt  }
0x53: {  	_ =	shalt  }
0x54: {  	_ =	shalt  }
0x55: {  	_ =	shalt  }
0x56: {  	_ =	shalt  }
0x57: {  	_ =	shalt  }
0x58: {  	_ =	shalt  }
0x59: {  	_ =	shalt  }
0x5a: {  	_ =	shalt  }
0x5b: {  	_ =	shalt  }
0x5c: {  	_ =	shalt  }
0x5d: {  	_ =	shalt  }
0x5e: {  	_ =	shalt  }
0x5f: {  	_ =	shalt  }
0x60: {  	_ =	shalt  }
0x61: {  	_ =	shalt  }
0x62: {  	_ =	shalt  }
0x63: {  	_ =	shalt  }
0x64: {  	_ =	shalt  }
0x65: {  	_ =	shalt  }
0x66: {  	_ =	shalt  }
0x67: {  	_ =	shalt  }
0x68: {  	_ =	shalt  }
0x69: {  	_ =	shalt  }
0x6a: {  	_ =	shalt  }
0x6b: {  	_ =	shalt  }
0x6c: {  	_ =	shalt  }
0x6d: {  	_ =	shalt  }
0x6e: {  	_ =	shalt  }
0x6f: {  	_ =	shalt  }
0x70: {  	_ =	shalt  }
0x71: {  	_ =	shalt  }
0x72: {  	_ =	shalt  }
0x73: {  	_ =	shalt  }
0x74: {  	_ =	shalt  }
0x75: {  	_ =	shalt  }
0x76: {  	_ =	shalt  }
0x77: {  	_ =	shalt  }
0x78: {  	_ =	shalt  }
0x79: {  	_ =	shalt  }
0x7a: {  	_ =	shalt  }
0x7b: {  	_ =	shalt  }
0x7c: {  	_ =	shalt  }
0x7d: {  	_ =	shalt  }
0x7e: {  	_ =	shalt  }
0x7f: {  	_ =	shalt  }
0x80: {  	_ =	shalt  }
0x81: {  	_ =	shalt  }
0x82: {  	_ =	shalt  }
0x83: {  	_ =	shalt  }
0x84: {  	_ =	shalt  }
0x85: {  	_ =	shalt  }
0x86: {  	_ =	shalt  }
0x87: {  	_ =	shalt  }
.Lfunc_end0:
.L_simem_size_0:
called_computation.1_lowered:
.L_overlay_start_0:
0x88: {  	s2 =	sld [smem:$0x3FD9]  }
0x89: {  	s3 =	sld [smem:$0x3FFE];
	_ =	sdelay $0x1  }
0x8a: {  	s1 =	srdreg.scid  }
0x8b: {  	s0 =	sand.u32 $0x1, s1  }
0x8c: {  	s17 =	sshll.u32 s0, $0xA;
	s2 =	sadd.s32 s3, s2  }
0x8d: {  	s2 =	sadd.s32 s2, s17  }
0x8e: {  	[smem:$0x3FA7] =	sst s2  }
0x8f: {  	_ = 	snop  }
0x90: {  	(tm) =	ssettm $0x1  }
0x91: {  	s18 =	sld [smem:$0x3FFB];
	_ =	sdelay $0x3  }
0x92: {  	_ =	strace s18  }
0x93: {  	s2 =	sld [smem:$0x3FFC];
	_ =	sdelay $0x3  }
0x94: {  	_ =	strace s2  }
0x95: {  	s2 =	sld [smem:$0x3FFD];
	_ =	sdelay $0x3  }
0x96: {  	_ =	strace s2  }
0x97: {  	_ =	strace $0x8FFFFFFF  }
0x98: {  	s19 =	sld [smem:$0x3FDB];
	_ =	sdelay $0x1  }
0x99: {  	s20 =	simm.s32 $_scs_section_size  }
0x9a: {  	s4 =	simm.s32 $_size__tile_overlayer_lowered;
	s5 =	simm.s32 $_tile_overlayer_lowered  }
0x9b: {  	s6 =	simm.s32 $0x1BFF;
	s21 =	sshll.u32 s5, $0x1;
	s3 =	sadd.s32 s20, s19  }
0x9c: {  	s22 =	simm.s32 $0x0;
	s4 =	sshll.u32 s4, $0x1;
	s5 =	sadd.s32 s21, s3  }
0x9d: {  	[timem:s22], [sflag:s6] =	dma.local [hbm:s5], s4  }
0x9e: {  	_ =	swait.ge [sflag:s6], s4  }
0x9f: {  	s4 =	ssub.s32 $0x0, s4;
	[sflag:s6] =	ssyncset.done $0x0  }
0xa0: {  	[sflag:s6] =	ssyncadd.s32 s4;
	_ =	sdelay $0x1  }
0xa1: {  	s23 =	simm.s32 $0x1B8B  }
0xa2: {  	_ =	swait.ge [sflag:s23], $0x1  }
0xa3: {  	[sflag:s23] =	ssyncset.done $0x0  }
0xa4: {  	[sflag:s23] =	ssyncadd.s32 $0xFFFFFFFF  }
0xa5: {  	s4 =	sld [smem:$0x0]  }
0xa6: {  	s5 =	sand.u32 $0xFFFFFFFE, s1  }
0xa7: {  	p0 =	sne.s32 s1, s5  }
0xa8: {  	s5 =	sshll.u32 @p0 s5, $0xE  }
0xa9: {  	s5 =	sadd.s32 @p0 $0x11B8D, s5;
	s6 =	sshll.u32 @p0 s4, $0x11  }
0xaa: {  	s5 =	sor.u32 @p0 s6, s5  }
0xab: {  	[sflag:s5] =	ssyncadd.remote.s32 @p0 $0x1;
	_ =	sdelay $0x1  }
0xac: {  	s5 =	simm.s32 @p0 $0x1B8D  }
0xad: {  	_ =	swait.eq @p0 [sflag:s5], $0x1  }
0xae: {  	[sflag:s5] =	ssyncadd.s32 @p0 $0xFFFFFFFF  }
0xaf: {  	s6 =	sshll.u32 @!p0 s1, $0xE  }
0xb0: {  	s6 =	sor.u32 @!p0 $0x4000, s6;
	s5 =	simm.s32 @!p0 $0x1B8D  }
0xb1: {  	s4 =	sshll.u32 @!p0 s4, $0x11;
	s6 =	sadd.s32 @!p0 $0x11B8D, s6;
	_ =	swait.eq @!p0 [sflag:s5], $0x1  }
0xb2: {  	s4 =	sor.u32 @!p0 s4, s6;
	[sflag:s5] =	ssyncadd.s32 @!p0 $0xFFFFFFFF  }
0xb3: {  	s25 =	simm.s32 $0x1B8E;
	s24 =	sld [smem:$0x3FFE];
	[sflag:s4] =	ssyncadd.remote.s32 @!p0 $0x1  }
0xb4: {  	s26 =	simm.s32 $execute0_lowered;
	[smem:$0x3FD2] =	sst s25  }
0xb5: {  	s5 =	sshll.u32 s26, $0x1;
	_ =	strace $0x80000052;
	[dreg:$0x1] =	wrdreg $0xFFFFFFFF  }
0xb6: {  	s28 =	simm.s32 $_size_execute0_lowered;
	s3 =	sadd.s32 s3, s5;
	[dreg:$0x0] =	wrdreg $0x0  }
0xb7: {  	s5 =	sshll.u32 s28, $0x1;
	[dreg:$0x2] =	wrdreg s3  }
0xb8: {  	[dreg:$0x3] =	wrdreg s5  }
0xb9: {  	[dreg:$0x4] =	wrdreg $0xC0  }
0xba: {  	_ =	task [dreg:s22], $0x5FFFF  }
0xbb: {  	[dreg:$0x1] =	wrdreg $0xFFFFFFFF  }
0xbc: {  	[dreg:$0x0] =	wrdreg $0x60  }
0xbd: {  	[dreg:$0x2] =	wrdreg s24  }
0xbe: {  	[dreg:$0x3] =	wrdreg $0x82000  }
0xbf: {  	[dreg:$0x4] =	wrdreg $0x9  }
0xc0: {  	_ =	task.clear_ibuf [dreg:s22], $0x5FFFF;
	_ =	strace $0x90000052  }
0xc1: {  	s29 =	simm.s32 $0x9;
	_ =	strace $0x80000054  }
0xc2: {  	_ =	swait.ge [sflag:s29], $0x1  }
0xc3: {  	[sflag:s29] =	ssyncadd.s32 $0xFFFFFFFF  }
0xc4: {  	_ =	strace $0x90000054  }
0xc5: {  	_ =	sfence  }
0xc6: {  	s30 =	sld [smem:$0x0];
	_ =	sdelay $0x2  }
0xc7: {  	s31 =	sshll.u32 s1, $0xD;
	s1 =	sshrl.u32 s1, $0x2  }
0xc8: {  	s4 =	sand.u32 $0x4000, s31;
	s1 =	sadd.s32 s1, s30  }
0xc9: {  	s0 =	sor.u32 s4, s0;
	s1 =	sshll.u32 s1, $0x11  }
0xca: {  	s0 =	sor.u32 s1, s0  }
0xcb: {  	s0 =	sadd.s32 $0x8F2B, s0  }
0xcc: {  	[sflag:s0] =	ssyncadd.remote.s32 $0x1  }
0xcd: {  	_ =	sfence.sel $0xFFFF  }
0xce: {  	[dreg:$0x0] =	wrdreg $0xFFFFFFFF;
	(pc) =	sbr.abs _section_cstart, $3  }
0xcf: {  	[dreg:$0x1] =	wrdreg $0xFFFFFFFF  }
0xd0: {  	_ =	task.clear_ibuf [dreg:s22], $0x2FFFF;
	_ =	strace $0x9FFFFFFF  }
0xd1: {  	(tm) =	ssettm $0x7FFFFFFF  }
tec
execute0_lowered:
.L_overlay_start_1:
0x0: {  	(tag) =	ssettag $0x1  }
0x1: {  	s5 =	rddreg [dreg:$0x0]  }
0x2: {  	s1 =	rddreg [dreg:$0x1]  }
0x3: {  	s2 =	srdreg.scid;
	s0 =	rddreg [dreg:$0x2]  }
0x4: {  	s3 =	simm.s32 $0x0;
	s6 =	sand.u32 $0x1, s2;
	s2 =	stileid.u32  }
0x5: {  	s13 =	simm.s32 $0x1;
	[smem:$0x7FF] =	sst s3;
	s4 =	smul.u32 $0x2800, s6  }
0x6: {  	s7 =	sshll.u32 s2, $0x6;
	s8 =	smul.u32 $0x280, s2;
	_ =	strace $0x80000053  }
0x7: {  	s10 =	ssub.s32 $0x2, s6;
	s11 =	smul.u32 $0x50000, s2;
	s31 =	sshll.u32 s6, $0x5  }
0x8: {  	s9 =	sadd.s32 s7, s5;
	s12 =	sshrl.u32 s10, $0x1;
	s6 =	sor.u32 $0x1C01, s7  }
0x9: {  	s7 =	sshll.u32 s2, $0x1;
	s8 =	sadd.s32 s8, s4;
	s4 =	sadd.s32 $0x3F4200, s5  }
0xa: {  	s10 =	ssub.s32 s10, s12;
	s29 =	sshrl.u32 s11, $0x2;
	s11 =	sadd.s32 s31, s9  }
0xb: {  	s8 =	sshll.u32 s8, $0x4;
	s30 =	sadd.s32 s29, s1;
	s9 =	smax.u32 s10, $0x1  }
0xc: {  	s10 =	sadd.s32 $0x10200, s11;
	s11 =	sadd.s32 $0x17E400, s11;
	s8 =	sadd.s32 s8, s5  }
0xd: {  	s12 =	sshrl.u32 s30, $0x3;
	s5 =	sadd.s32 $0x8D6200, s8;
	s8 =	sadd.s32 $0x926200, s8  }
.LBB2_1:
0xe: {  	[spmem:s12], [sflag:s6] =	dma.local [hbm:s5], $0x2800  }
0xf: {  	_ =	swait.ge [sflag:s13], $0x2800  }
0x10: {  	p0 =	sgt.u32 s7, $0x4E1;
	[sflag:s13] =	ssyncset.done $0x0  }
0x11: {  	s14 =	sadd.s32 @!p0 $0x0, s11;
	[sflag:s13] =	ssyncadd.s32 $0xFFFFD800  }
0x12: {  	s15 =	simm.s32 @!p0 $0x0;
	s16 =	simm.s32 @!p0 $0x2;
	[bflag:$0x0] =	sbarrier.arrive $0xFFFF  }
0x13: {  	[tilespmem:s15], [sflag:$0x2] =	stream.linear.gather @!p0 [hbm4b:s14+s15], $0x100, $0x38;
	[tilespmem:$0x1C200] =	vst v63  }
0x14: {  	_ =	swait.ge @!p0 [sflag:s16], $0x100;
	p0 =	por p0, p0  }
0x15: {  	[sflag:s16] =	ssyncset.done @!p0 $0x0  }
0x16: {  	s14 =	sadd.s32 @!p0 $0x0, s10;
	s17 =	simm.s32 @!p0 $0x100;
	[sflag:s16] =	ssyncadd.s32 @!p0 $0xFFFFFF00  }
0x17: {  	[tilespmem:s17], [sflag:$0x2] =	stream.linear.gather @!p0 [hbm4b:s14+s15], $0x100, $0x38;
	[tilespmem:$0x1C200] =	vst v63  }
0x18: {  	_ =	swait.ge @!p0 [sflag:s16], $0x100  }
0x19: {  	[sflag:s16] =	ssyncset.done @!p0 $0x0  }
0x1a: {  	s14 =	simm.s32 @!p0 $0x200;
	[sflag:s16] =	ssyncadd.s32 @!p0 $0xFFFFFF00  }
0x1b: {  	[tilespmem:s14], [sflag:$0x2] =	stream.indirect.gather @!p0 [hbm4b:s4+s17], $0x80, s15, s17, $0xb8;
	[tilespmem:$0x1C200] =	vst v63  }
0x1c: {  	_ =	swait.ge @!p0 [sflag:s16], $0x8000  }
0x1d: {  	[sflag:s16] =	ssyncset.done @!p0 $0x0  }
0x1e: {  	s15 =	sadd.s32 $0x20, s7;
	[sflag:s16] =	ssyncadd.s32 @!p0 $0xFFFF8000  }
0x1f: {  	[spmem:s1] =	stream.indirect.scatter.add.f32 @!p0 [tilespmem:s14], [sflag:$0x1], $0x80, s17, s17, $0xb8;
	[tilespmem:$0x1C200] =	vst v63  }
0x20: {  	p2 =	sgt.u32 s15, $0x4E1;
	s17 =	simm.s32 @!p0 $0x1  }
0x21: {  	s16 =	simm.s32 $0x800;
	s14 =	simm.s32 $0x400;
	_ =	swait.ge @!p0 [sflag:s17], $0x8000  }
.LBB2_2:
0x22: {  	s18 =	sadd.s32 @!p2 s14, s11  }
0x23: {  	s19 =	simm.s32 @!p2 $0x0;
	[sflag:s17] =	ssyncset.done @!p0 $0x0;
	s20 =	smov.u32 s16  }
0x24: {  	s16 =	sadd.s32 $0x400, s16;
	s21 =	simm.s32 @!p2 $0x2;
	[sflag:s17] =	ssyncadd.s32 @!p0 $0xFFFF8000  }
0x25: {  	[tilespmem:s19], [sflag:$0x2] =	stream.linear.gather @!p2 [hbm4b:s18+s19], $0x100, $0x38;
	[tilespmem:$0x1C200] =	vst v63  }
0x26: {  	p1 =	sne.s32 s16, $0xA000;
	p0 =	por p2, p2;
	_ =	swait.ge @!p2 [sflag:s21], $0x100  }
0x27: {  	[sflag:s21] =	ssyncset.done @!p0 $0x0  }
0x28: {  	s14 =	sadd.s32 @!p0 s14, s10;
	s18 =	simm.s32 @!p0 $0x100;
	[sflag:s21] =	ssyncadd.s32 @!p0 $0xFFFFFF00  }
0x29: {  	[tilespmem:s18], [sflag:$0x2] =	stream.linear.gather @!p0 [hbm4b:s14+s19], $0x100, $0x38;
	[tilespmem:$0x1C200] =	vst v63  }
0x2a: {  	s14 =	smov.u32 s20;
	_ =	swait.ge @!p0 [sflag:s21], $0x100  }
0x2b: {  	[sflag:s21] =	ssyncset.done @!p0 $0x0  }
0x2c: {  	s20 =	simm.s32 @!p0 $0x200;
	[sflag:s21] =	ssyncadd.s32 @!p0 $0xFFFFFF00  }
0x2d: {  	[tilespmem:s20], [sflag:$0x2] =	stream.indirect.gather @!p0 [hbm4b:s4+s18], $0x80, s19, s18, $0xb8;
	[tilespmem:$0x1C200] =	vst v63  }
.Ltmp0:
0x2e: {  	_ =	swait.ge @!p0 [sflag:s21], $0x8000;
	(pc) =	sbr.rel @p1 .LBB2_2-.Ltmp0, $4  }
0x2f: {  	[sflag:s21] =	ssyncset.done @!p0 $0x0  }
0x30: {  	s15 =	sadd.s32 $0x20, s15;
	s17 =	simm.s32 @!p0 $0x1;
	[sflag:s21] =	ssyncadd.s32 @!p0 $0xFFFF8000  }
0x31: {  	[spmem:s1] =	stream.indirect.scatter.add.f32 @!p0 [tilespmem:s20], [sflag:$0x1], $0x80, s18, s18, $0xb8;
	[tilespmem:$0x1C200] =	vst v63  }
0x32: {  	p2 =	sgt.u32 s15, $0x4E1;
	_ =	swait.ge @!p0 [sflag:s17], $0x8000  }
0x33: {  	s15 =	sadd.s32 @!p2 s14, s11;
	[sflag:s17] =	ssyncset.done @!p0 $0x0  }
0x34: {  	s16 =	simm.s32 @!p2 $0x0;
	s18 =	simm.s32 @!p2 $0x2;
	[sflag:s17] =	ssyncadd.s32 @!p0 $0xFFFF8000  }
0x35: {  	[tilespmem:s16], [sflag:$0x2] =	stream.linear.gather @!p2 [hbm4b:s15+s16], $0x100, $0x38;
	[tilespmem:$0x1C200] =	vst v63  }
0x36: {  	p0 =	por p2, p2;
	_ =	swait.ge @!p2 [sflag:s18], $0x100  }
0x37: {  	[sflag:s18] =	ssyncset.done @!p0 $0x0  }
0x38: {  	s14 =	sadd.s32 @!p0 s14, s10;
	s15 =	simm.s32 @!p0 $0x100;
	[sflag:s18] =	ssyncadd.s32 @!p0 $0xFFFFFF00  }
0x39: {  	[tilespmem:s15], [sflag:$0x2] =	stream.linear.gather @!p0 [hbm4b:s14+s16], $0x100, $0x38;
	[tilespmem:$0x1C200] =	vst v63  }
0x3a: {  	_ =	swait.ge @!p0 [sflag:s18], $0x100  }
0x3b: {  	[sflag:s18] =	ssyncset.done @!p0 $0x0  }
0x3c: {  	s14 =	simm.s32 @!p0 $0x200;
	[sflag:s18] =	ssyncadd.s32 @!p0 $0xFFFFFF00  }
0x3d: {  	[tilespmem:s14], [sflag:$0x2] =	stream.indirect.gather @!p0 [hbm4b:s4+s15], $0x80, s16, s15, $0xb8;
	[tilespmem:$0x1C200] =	vst v63  }
0x3e: {  	_ =	swait.ge @!p0 [sflag:s18], $0x8000  }
0x3f: {  	[sflag:s18] =	ssyncset.done @!p0 $0x0  }
0x40: {  	s16 =	simm.s32 @!p0 $0x1;
	[sflag:s18] =	ssyncadd.s32 @!p0 $0xFFFF8000  }
0x41: {  	[spmem:s1] =	stream.indirect.scatter.add.f32 @!p0 [tilespmem:s14], [sflag:$0x1], $0x80, s15, s15, $0xb8;
	[tilespmem:$0x1C200] =	vst v63  }
0x42: {  	_ =	swait.ge @!p0 [sflag:s16], $0x8000  }
0x43: {  	s3 =	sadd.s32 $0x1, s3;
	[sflag:s16] =	ssyncset.done @!p0 $0x0  }
0x44: {  	[sflag:s16] =	ssyncadd.s32 @!p0 $0xFFFF8000;
	p0 =	sne.s32 s3, s9  }
.Ltmp1:
0x45: {  	[bflag:$0x0] =	sbarrier.arrive $0xFFFF;
	(pc) =	sbr.rel @p0 .LBB2_1-.Ltmp1, $4  }
0x46: {  	[hbm:s8], [sflag:s6] =	dma.local [spmem:s12], $0x2800  }
0x47: {  	_ =	swait.ge [sflag:s13], $0x2800  }
0x48: {  	[sflag:s13] =	ssyncset.done $0x0  }
0x49: {  	[sflag:s13] =	ssyncadd.s32 $0xFFFFD800  }
0x4a: {  	_ =	sfence.sel $0x180000  }
0x4b: {  	[bflag:$0x0] =	sbarrier.arrive $0xFFFF  }
0x4c: {  	p0 =	sne.s32 s2, $0x0;
	_ =	strace $0x90000053  }
0x4d: {  	s0 =	sadd.s32 @!p0 $0x100000, s0;
	[bflag:$0x2] =	sbarrier.arrive $0xFFFF  }
0x4e: {  	[sflag:s0] =	ssyncadd.tile.s32 @!p0 $0x1;
	_ =	shalt  }
.Lfunc_end2:
_tile_overlayer_lowered:
.L_overlay_start_2:
0x4f: {  	(tag) =	ssettag $0x2  }
0x50: {  	s0 =	rddreg [dreg:$0x0];
	s2 =	stileid.u32  }
0x51: {  	s1 =	rddreg [dreg:$0x1];
	p0 =	sne.s32 s2, $0x0  }
0x52: {  	s3 =	rddreg [dreg:$0x2];
	[bflag:$0x3] =	sbarrier.arrive $0xFFFF;
	s2 =	simm.s32 @!p0 $0x1C01  }
0x53: {  	[timem:s3], [sflag:s2] =	dma.local @!p0 [hbm:s0], s1  }
0x54: {  	s0 =	simm.s32 @!p0 $0x1  }
0x55: {  	_ =	swait.ge @!p0 [sflag:s0], s1  }
0x56: {  	s1 =	ssub.s32 @!p0 $0x0, s1;
	[sflag:s0] =	ssyncset.done @!p0 $0x0  }
0x57: {  	[sflag:s0] =	ssyncadd.s32 @!p0 s1  }
0x58: {  	[bflag:$0x3] =	sbarrier.arrive $0xFFFF  }
0x59: {  	_ =	shalt  }

// kernel: kernel.16.cloned.1.call-start
scs
__scs_entry_jumppad:
0x0: {  	(pc) =	sbr.rel $0x88, $3  }
0x1: {  	(tag) =	ssettag $0x0;
	lr =	simm.s32 $0x1  }
0x2: {  	[smem:$0x3F80] =	sst lr;
	_ =	strace $0xD0000000  }
0x3: {  	_ = 	snop  }
0x4: {  	_ = 	snop  }
0x5: {  	_ = 	snop  }
0x6: {  	_ = 	snop  }
0x7: {  	_ = 	snop  }
__scs_overlays_trampoline_lowered:
0x8: {  	[smem:$0x3F8F] =	sst s0  }
0x9: {  	[smem:$0x3F90] =	sst s1  }
0xa: {  	[smem:$0x3F91] =	sst s2  }
0xb: {  	[smem:$0x3F92] =	sst s3  }
0xc: {  	[smem:$0x3F93] =	sst s4  }
0xd: {  	[smem:$0x3F94] =	sst s5  }
0xe: {  	[smem:$0x3F95] =	sst s6  }
0xf: {  	[smem:$0x3F96] =	sst s7  }
0x10: {  	[smem:$0x3F97] =	sst s8  }
0x11: {  	[smem:$0x3F98] =	sst s9;
	s0 =	simm.s32 @!p0 $0x0  }
0x12: {  	s1 =	sld [smem:$0x3F7E];
	s0 =	simm.s32 @p0 $0x1  }
0x13: {  	[smem:$0x3F99] =	sst s0;
	s0 =	simm.s32 @!p1 $0x0  }
0x14: {  	s2 =	sld [smem:$0x3F7D];
	s0 =	simm.s32 @p1 $0x1  }
0x15: {  	[smem:$0x3F9A] =	sst s0;
	s0 =	simm.s32 @!p2 $0x0  }
0x16: {  	s3 =	sld [smem:$0x3FDB];
	s0 =	simm.s32 @p2 $0x1  }
0x17: {  	s4 =	simm.s32 $0x1BF5;
	[smem:$0x3F9C] =	sst s0  }
0x18: {  	s0 =	sld [smem:$0x3F7F];
	_ =	swait.ge [sflag:s4], $0x0  }
0x19: {  	s7 =	sld [smem:$0x3F80]  }
0x1a: {  	s8 =	sadd.s32 $0xFFFFE003, lr  }
0x1b: {  	s9 =	sadd.s32 $0xFFFFFEF7, lr;
	s5 =	simm.s32 $0xFFFFFFFF;
	p2 =	slt.u32 s8, $0xFFFFF086  }
0x1c: {  	p1 =	slt.u32 s9, $0xF7A;
	s5 =	simm.s32 @!p2 $0x0  }
0x1d: {  	s5 =	simm.s32 @p1 $0x1;
	p0 =	seq.s32 s7, s2  }
0x1e: {  	s7 =	smul.u32 @!p0 $0xF7A, s2;
	p2 =	seq.s32 @!p0 s5, $0x0  }
0x1f: {  	s9 =	smul.u32 $0xF7A, s1;
	s8 =	simm.s32 @!p0 $0x1BF5;
	p2 =	por !p2, p0  }
0x20: {  	[sflag:s8] =	ssyncset.s32 @!p0 $0xFFFFF086;
	s6 =	sadd.s32 @!p0 s3, s7;
	s7 =	simm.s32 @!p0 $0x108  }
0x21: {  	s3 =	sadd.s32 s3, s9;
	s6 =	sadd.s32 @!p0 $0x88, s6;
	s7 =	simm.s32 @p2 $0x1082  }
0x22: {  	[simem:s7], [sflag:s8] =	dma.local @!p0 [hbm:s6], $0xF7A  }
0x23: {  	s9 =	sor.u32 $0xD0000000, s2;
	s6 =	simm.s32 $0x108;
	_ =	swait.ge @!p0 [sflag:s8], $0x0  }
0x24: {  	s3 =	sadd.s32 $0x88, s3;
	s6 =	simm.s32 @!p1 $0x1082;
	[sflag:s4] =	ssyncset.s32 $0xFFFFF086  }
0x25: {  	[simem:s6], [sflag:s4] =	dma.local [hbm:s3], $0xF7A  }
0x26: {  	[smem:$0x3F80] =	sst s1;
	(tag) =	ssettag s2;
	_ =	strace s9  }
0x27: {  	s1 =	sld [smem:$0x3F90]  }
0x28: {  	s2 =	sld [smem:$0x3F91]  }
0x29: {  	s4 =	sld [smem:$0x3F93]  }
0x2a: {  	p0 =	seq.s32 s5, $0x0;
	s5 =	sld [smem:$0x3F94]  }
0x2b: {  	s6 =	sld [smem:$0x3F95]  }
0x2c: {  	s7 =	sld [smem:$0x3F96]  }
0x2d: {  	s3 =	simm.s32 $0x108;
	s8 =	sld [smem:$0x3F97]  }
0x2e: {  	s3 =	simm.s32 @!p0 $0x1082;
	s9 =	sld [smem:$0x3F98]  }
0x2f: {  	lr =	sadd.s32 s0, s3;
	s0 =	sld [smem:$0x3F8F]  }
0x30: {  	s3 =	sld [smem:$0x3F92]  }
0x31: {  	[smem:$0x3F9B] =	sst s10  }
0x32: {  	s10 =	sld [smem:$0x3F99];
	_ =	sdelay $0x3  }
0x33: {  	p0 =	seq.s32 s10, $0x1;
	s10 =	sld [smem:$0x3F9B];
	_ =	sdelay $0x3  }
0x34: {  	[smem:$0x3F9B] =	sst s10  }
0x35: {  	s10 =	sld [smem:$0x3F9A];
	_ =	sdelay $0x3  }
0x36: {  	p1 =	seq.s32 s10, $0x1;
	s10 =	sld [smem:$0x3F9B];
	_ =	sdelay $0x3  }
0x37: {  	[smem:$0x3F9B] =	sst s10  }
0x38: {  	s10 =	sld [smem:$0x3F9C]  }
0x39: {  	_ = 	snop;
	(pc) =	sbr.ind lr, $3  }
0x3a: {  	_ = 	snop  }
0x3b: {  	_ = 	snop  }
0x3c: {  	p2 =	seq.s32 s10, $0x1;
	s10 =	sld [smem:$0x3F9B]  }
0x3d: {  	_ =	shalt  }
0x3e: {  	_ =	shalt  }
0x3f: {  	_ =	shalt  }
0x40: {  	_ =	shalt  }
0x41: {  	_ =	shalt  }
0x42: {  	_ =	shalt  }
0x43: {  	_ =	shalt  }
0x44: {  	_ =	shalt  }
0x45: {  	_ =	shalt  }
0x46: {  	_ =	shalt  }
0x47: {  	_ =	shalt  }
0x48: {  	_ =	shalt  }
0x49: {  	_ =	shalt  }
0x4a: {  	_ =	shalt  }
0x4b: {  	_ =	shalt  }
0x4c: {  	_ =	shalt  }
0x4d: {  	_ =	shalt  }
0x4e: {  	_ =	shalt  }
0x4f: {  	_ =	shalt  }
0x50: {  	_ =	shalt  }
0x51: {  	_ =	shalt  }
0x52: {  	_ =	shalt  }
0x53: {  	_ =	shalt  }
0x54: {  	_ =	shalt  }
0x55: {  	_ =	shalt  }
0x56: {  	_ =	shalt  }
0x57: {  	_ =	shalt  }
0x58: {  	_ =	shalt  }
0x59: {  	_ =	shalt  }
0x5a: {  	_ =	shalt  }
0x5b: {  	_ =	shalt  }
0x5c: {  	_ =	shalt  }
0x5d: {  	_ =	shalt  }
0x5e: {  	_ =	shalt  }
0x5f: {  	_ =	shalt  }
0x60: {  	_ =	shalt  }
0x61: {  	_ =	shalt  }
0x62: {  	_ =	shalt  }
0x63: {  	_ =	shalt  }
0x64: {  	_ =	shalt  }
0x65: {  	_ =	shalt  }
0x66: {  	_ =	shalt  }
0x67: {  	_ =	shalt  }
0x68: {  	_ =	shalt  }
0x69: {  	_ =	shalt  }
0x6a: {  	_ =	shalt  }
0x6b: {  	_ =	shalt  }
0x6c: {  	_ =	shalt  }
0x6d: {  	_ =	shalt  }
0x6e: {  	_ =	shalt  }
0x6f: {  	_ =	shalt  }
0x70: {  	_ =	shalt  }
0x71: {  	_ =	shalt  }
0x72: {  	_ =	shalt  }
0x73: {  	_ =	shalt  }
0x74: {  	_ =	shalt  }
0x75: {  	_ =	shalt  }
0x76: {  	_ =	shalt  }
0x77: {  	_ =	shalt  }
0x78: {  	_ =	shalt  }
0x79: {  	_ =	shalt  }
0x7a: {  	_ =	shalt  }
0x7b: {  	_ =	shalt  }
0x7c: {  	_ =	shalt  }
0x7d: {  	_ =	shalt  }
0x7e: {  	_ =	shalt  }
0x7f: {  	_ =	shalt  }
0x80: {  	_ =	shalt  }
0x81: {  	_ =	shalt  }
0x82: {  	_ =	shalt  }
0x83: {  	_ =	shalt  }
0x84: {  	_ =	shalt  }
0x85: {  	_ =	shalt  }
0x86: {  	_ =	shalt  }
0x87: {  	_ =	shalt  }
.Lfunc_end0:
.L_simem_size_0:
called_computation.2_lowered:
.L_overlay_start_0:
0x88: {  	s2 =	sld [smem:$0x3FD9]  }
0x89: {  	s3 =	sld [smem:$0x3FFE];
	_ =	sdelay $0x1  }
0x8a: {  	s1 =	srdreg.scid  }
0x8b: {  	s0 =	sand.u32 $0x1, s1  }
0x8c: {  	s16 =	sshll.u32 s0, $0xA;
	s2 =	sadd.s32 s3, s2  }
0x8d: {  	s2 =	sadd.s32 s2, s16  }
0x8e: {  	[smem:$0x3FA7] =	sst s2  }
0x8f: {  	_ = 	snop  }
0x90: {  	(tm) =	ssettm $0x1  }
0x91: {  	s17 =	sld [smem:$0x3FFB];
	_ =	sdelay $0x3  }
0x92: {  	_ =	strace s17  }
0x93: {  	s2 =	sld [smem:$0x3FFC];
	_ =	sdelay $0x3  }
0x94: {  	_ =	strace s2  }
0x95: {  	s2 =	sld [smem:$0x3FFD];
	_ =	sdelay $0x3  }
0x96: {  	_ =	strace s2  }
0x97: {  	_ =	strace $0x8FFFFFFF  }
0x98: {  	s18 =	sld [smem:$0x3FDB];
	_ =	sdelay $0x1  }
0x99: {  	s19 =	simm.s32 $_scs_section_size  }
0x9a: {  	s4 =	simm.s32 $_size__tile_overlayer_lowered;
	s5 =	simm.s32 $_tile_overlayer_lowered  }
0x9b: {  	s22 =	simm.s32 $0x1BFF;
	s21 =	sshll.u32 s5, $0x1;
	s2 =	sadd.s32 s19, s18  }
0x9c: {  	s6 =	simm.s32 $0x0;
	s20 =	sshll.u32 s4, $0x1;
	s4 =	sadd.s32 s21, s2  }
0x9d: {  	[timem:s6], [sflag:s22] =	dma.local [hbm:s4], s20  }
0x9e: {  	_ =	swait.ge [sflag:s22], s20  }
0x9f: {  	s3 =	ssub.s32 $0x0, s20;
	[sflag:s22] =	ssyncset.done $0x0  }
0xa0: {  	[sflag:s22] =	ssyncadd.s32 s3;
	_ =	sdelay $0x1  }
0xa1: {  	s23 =	simm.s32 $0x1B8B  }
0xa2: {  	_ =	swait.ge [sflag:s23], $0x1  }
0xa3: {  	[sflag:s23] =	ssyncset.done $0x0  }
0xa4: {  	s25 =	simm.s32 $0x1B8E;
	s24 =	sld [smem:$0x3FFE];
	[sflag:s23] =	ssyncadd.s32 $0xFFFFFFFF  }
0xa5: {  	s26 =	simm.s32 $execute0_lowered;
	[smem:$0x3FD2] =	sst s25  }
0xa6: {  	s4 =	sshll.u32 s26, $0x1;
	_ =	strace $0x80000049;
	[dreg:$0x1] =	wrdreg $0xFFFFFFFF  }
0xa7: {  	s28 =	simm.s32 $_size_execute0_lowered;
	s2 =	sadd.s32 s2, s4;
	[dreg:$0x0] =	wrdreg $0x0  }
0xa8: {  	s4 =	sshll.u32 s28, $0x1;
	[dreg:$0x2] =	wrdreg s2  }
0xa9: {  	[dreg:$0x3] =	wrdreg s4  }
0xaa: {  	[dreg:$0x4] =	wrdreg $0xC0  }
0xab: {  	_ =	task [dreg:s6], $0x5FFFF  }
0xac: {  	[dreg:$0x1] =	wrdreg $0xFFFFFFFF  }
0xad: {  	[dreg:$0x0] =	wrdreg $0x60  }
0xae: {  	[dreg:$0x2] =	wrdreg s24  }
0xaf: {  	[dreg:$0x3] =	wrdreg $0xA  }
0xb0: {  	_ =	task.clear_ibuf [dreg:s6], $0x4FFFF;
	_ =	strace $0x90000049  }
0xb1: {  	s29 =	simm.s32 $0xA;
	_ =	strace $0x8000004B  }
0xb2: {  	_ =	swait.ge [sflag:s29], $0x1  }
0xb3: {  	[sflag:s29] =	ssyncadd.s32 $0xFFFFFFFF  }
0xb4: {  	_ =	strace $0x9000004B  }
0xb5: {  	_ =	sfence  }
0xb6: {  	s30 =	sld [smem:$0x0];
	_ =	sdelay $0x2  }
0xb7: {  	s31 =	sshll.u32 s1, $0xD;
	s1 =	sshrl.u32 s1, $0x2  }
0xb8: {  	s3 =	sand.u32 $0x4000, s31;
	s1 =	sadd.s32 s1, s30  }
0xb9: {  	s0 =	sor.u32 s3, s0;
	s1 =	sshll.u32 s1, $0x11  }
0xba: {  	s0 =	sor.u32 s1, s0  }
0xbb: {  	s0 =	sadd.s32 $0x8F2B, s0  }
0xbc: {  	[sflag:s0] =	ssyncadd.remote.s32 $0x1  }
0xbd: {  	_ =	sfence.sel $0xFFFF  }
0xbe: {  	[dreg:$0x0] =	wrdreg $0xFFFFFFFF;
	(pc) =	sbr.abs _section_cstart, $3  }
0xbf: {  	[dreg:$0x1] =	wrdreg $0xFFFFFFFF  }
0xc0: {  	_ =	task.clear_ibuf [dreg:s6], $0x2FFFF;
	_ =	strace $0x9FFFFFFF  }
0xc1: {  	(tm) =	ssettm $0x7FFFFFFF  }
tec
execute0_lowered:
.L_overlay_start_1:
0x0: {  	(tag) =	ssettag $0x1  }
0x1: {  	s1 =	srdreg.scid  }
0x2: {  	s0 =	stileid.u32;
	s5 =	rddreg [dreg:$0x0]  }
0x3: {  	s2 =	simm.s32 $0x0;
	s9 =	simm.s32 $0x3F80;
	s10 =	simm.s32 $0x6B00  }
0x4: {  	s12 =	simm.s32 $0x7B00;
	s13 =	simm.s32 $0x8300;
	s14 =	simm.s32 $0x8B00  }
0x5: {  	s15 =	simm.s32 $0x9300;
	s16 =	simm.s32 $0x9B00;
	s17 =	simm.s32 $0xA300  }
0x6: {  	s18 =	simm.s32 $0xAB00;
	s1 =	sand.u32 $0x1, s1;
	s3 =	sshll.u32 s0, $0x1  }
0x7: {  	s19 =	simm.s32 $0x0;
	[smem:$0x7FF] =	sst s2;
	s3 =	sor.u32 s1, s3  }
0x8: {  	s4 =	sadd.s32 $0x110A200, s5;
	s1 =	ssub.s32 $0x2, s1;
	s6 =	smul.u32 $0x2800, s3  }
0x9: {  	v2 =	vimm.f32 $-Inf;
	_ =	strace $0x8000004A;
	s8 =	smul.u32 $0x140, s3;
	s7 =	sshrl.u32 s1, $0x1  }
0xa: {  	v3 =	vlaneseq.u32;
	v4 =	vimm.s32 $0x0;
	vm0 =	vmmov $0xffff;
	s3 =	sadd.s32 $0x10200, s5;
	s1 =	ssub.s32 s1, s7;
	s7 =	simm.s32 $0x1  }
0xb: {  	v5 =	vand.u32 $0x7, v3;
	v6 =	vshrl.u32 v3, $0x3;
	v7 =	vor.u32 $0x8, v3;
	s5 =	sadd.s32 s6, s5;
	s11 =	sadd.s32 $0x140, s8;
	s6 =	smax.u32 s1, $0x1  }
0xc: {  	v6 =	vmul.u32 $0x8, v6;
	v0 =	vmov s8;
	s8 =	simm.s32 $0x1400;
	s5 =	sadd.s32 $0x1A000, s5;
	v1 =	vmov s11;
	s11 =	simm.s32 $0x7300  }
.LBB2_1:
0xd: {  	s1 =	simm.s32 $0x40;
	s20 =	simm.s32 $0x0  }
.LBB2_2:
0xe: {  	p0 =	sne.s32 s1, $0x4FFC0;
	[tilespmem:s20+$0xAB00] =	vst v2;
	s20 =	smov.u32 s1;
	s1 =	sadd.s32 $0x40, s1  }
.Ltmp0:
0xf: {  	(pc) =	sbr.rel @p0 .LBB2_2-.Ltmp0, $2  }
0x10: {  	_ =	sdelay $0x2  }
0x11: {  	s20 =	sshra.s32 s20, $0x2  }
0x12: {  	s21 =	simm.s32 $0x0  }
0x13: {  	[tilespmem:s20+$0xAB00] =	vst v2;
	s22 =	simm.s32 $0x0;
	s20 =	simm.s32 $0x0;
	s23 =	simm.s32 $0x0  }
.LBB2_4:
0x14: {  	s1 =	smul.u32 $0x1388, s23;
	_ =	sdelay $0x1  }
0x15: {  	s1 =	sshrl.u32 s1, $0x3  }
0x16: {  	s1 =	sadd.s32 s3, s1  }
0x17: {  	[tilespmem:s21], [sflag:$0x1] =	stream.linear.gather [hbm4b:s1+s21], $0x1388, $0x38;
	[tilespmem:$0x1EB00] =	vst v63  }
0x18: {  	_ =	swait.ge [sflag:s7], $0x1388  }
0x19: {  	[sflag:s7] =	ssyncset.done $0x0  }
0x1a: {  	s31 =	simm.s32 $0x0;
	[sflag:s7] =	ssyncadd.s32 $0xFFFFEC78  }
0x1b: {  	v8 =	vld [tilespmem:s31+$0x0];
	_ =	sdelay $0x4  }
0x1c: {  	vm1 =	vge.s32 v8, v0;
	vm2 =	vlt.s32 v8, v1  }
0x1d: {  	vm1 =	vmand vm1, vm2  }
0x1e: {  	v9 =	vsel vm1, $0x1, v4  }
0x1f: {  	(xrf0) =	vadd.scan.msk.s32 $0xffff, v9;
	_ =	sdelay $0x2  }
0x20: {  	v63 =	vmov s20  }
0x21: {  	v9 =	vadd.s32 $0xFFFFFFFF, v63  }
0x22: {  	v9 =	vbroadcast v9, $0x0  }
0x23: {  	v10, _, _ =	vpop (xrf0)  }
0x24: {  	v9 =	vadd.s32 v10, v9;
	(v2sf) =	vpush v10, $0xF;
	_ =	sdelay $0x3  }
0x25: {  	v11 =	vadd.s32 s22, v3;
	v8 =	vsub.s32 v8, v0  }
0x26: {  	v8 =	vshll.u32 v8, $0x8;
	[tilespmem:v9+s8+$0x0] =	vst.idx.msk vm1, v11  }
0x27: {  	s25 =	simm.s32 $0x10;
	s24 =	simm.s32 $0x80;
	s1 =	smov.u32 s22;
	[tilespmem:v9+s9+$0x0] =	vst.idx.msk vm1, v8  }
.LBB2_5:
0x28: {  	p0 =	sne.s32 s24, $0x4DC0;
	v8 =	vld [tilespmem:s25+$0x0];
	_ =	sdelay $0x4  }
0x29: {  	vm1 =	vge.s32 v8, v0;
	vm2 =	vlt.s32 v8, v1;
	v8 =	vsub.s32 v8, v0  }
0x2a: {  	vm1 =	vmand vm1, vm2  }
0x2b: {  	v9 =	vsel vm1, $0x1, v4  }
0x2c: {  	(xrf0) =	vadd.scan.msk.s32 $0xffff, v9;
	s25 =	spop (v2sf)  }
0x2d: {  	s20 =	sadd.s32 s20, s25  }
0x2e: {  	v9 =	vmov s20  }
0x2f: {  	v9 =	vadd.s32 $0xFFFFFFFF, v9  }
0x30: {  	v9 =	vbroadcast v9, $0x0;
	_ =	sdelay $0x1  }
0x31: {  	v10, _, _ =	vpop (xrf0)  }
0x32: {  	v9 =	vadd.s32 v10, v9;
	(v2sf) =	vpush v10, $0xF;
	_ =	sdelay $0x1  }
.Ltmp1:
0x33: {  	(pc) =	sbr.rel @p0 .LBB2_5-.Ltmp1, $4  }
0x34: {  	s1 =	sadd.s32 $0x10, s1  }
0x35: {  	v10 =	vadd.s32 s1, v3  }
0x36: {  	v8 =	vshll.u32 v8, $0x8;
	[tilespmem:v9+s8+$0x0] =	vst.idx.msk vm1, v10  }
0x37: {  	s25 =	sshra.s32 s24, $0x2;
	s24 =	sadd.s32 $0x40, s24;
	[tilespmem:v9+s9+$0x0] =	vst.idx.msk vm1, v8  }
0x38: {  	v8 =	vld [tilespmem:s25+$0x0];
	_ =	sdelay $0x4  }
0x39: {  	vm1 =	vge.s32 v8, v0;
	vm2 =	vlt.s32 v8, v1  }
0x3a: {  	vm1 =	vmand vm1, vm2  }
0x3b: {  	v9 =	vsel vm1, $0x1, v4  }
0x3c: {  	(xrf0) =	vadd.scan.msk.s32 $0xffff, v9;
	_ =	sdelay $0x5  }
0x3d: {  	v9, _, _ =	vpop (xrf0)  }
0x3e: {  	(v2sf) =	vpush v9, $0xF;
	_ =	sdelay $0x3  }
0x3f: {  	s24 =	spop (v2sf)  }
0x40: {  	s20 =	sadd.s32 s20, s24  }
0x41: {  	v10 =	vmov s20  }
0x42: {  	v10 =	vadd.s32 $0xFFFFFFFF, v10  }
0x43: {  	v10 =	vbroadcast v10, $0x0;
	_ =	sdelay $0x1  }
0x44: {  	s23 =	sadd.s32 $0x1, s23;
	v9 =	vadd.s32 v9, v10  }
0x45: {  	p0 =	sne.s32 s23, $0x40  }
.Ltmp2:
0x46: {  	_ = 	snop;
	(pc) =	sbr.rel @p0 .LBB2_4-.Ltmp2, $4  }
0x47: {  	s1 =	sadd.s32 $0x10, s1  }
0x48: {  	v63 =	vadd.s32 s1, v3;
	v8 =	vsub.s32 v8, v0  }
0x49: {  	v8 =	vshll.u32 v8, $0x8;
	[tilespmem:v9+s8+$0x0] =	vst.idx.msk vm1, v63;
	s31 =	spop (v2sf)  }
0x4a: {  	s22 =	sadd.s32 $0x1388, s22;
	[tilespmem:v9+s9+$0x0] =	vst.idx.msk vm1, v8;
	s20 =	sadd.s32 s20, s31  }
0x4b: {  	s21 =	sadd.s32 $0x3F, s20  }
0x4c: {  	s30 =	sand.u32 $0x3F, s21  }
0x4d: {  	s22 =	sshra.s32 s21, $0x1F;
	p0 =	slt.s32 s21, $0x1;
	p1 =	sne.s32 s30, $0x0  }
0x4e: {  	s1 =	sadd.s32 $0x10, s20;
	s31 =	sshrl.u32 s22, $0x1A;
	p0 =	por !p0, !p1  }
0x4f: {  	v8 =	vadd.s32 s20, v3;
	v9 =	vadd.s32 s1, v3;
	s22 =	simm.s32 $0x1;
	s1 =	sadd.s32 s31, s21;
	p0 =	por !p0, !p0  }
0x50: {  	s1 =	sshra.s32 s1, $0x6;
	s22 =	simm.s32 @!p0 $0x0  }
0x51: {  	s22 =	ssub.s32 s1, s22  }
0x52: {  	p0 =	slt.s32 s22, $0x1  }
.Ltmp3:
0x53: {  	_ = 	snop;
	(pc) =	sbr.rel @!p0 .LBB2_8-.Ltmp3, $4  }
0x54: {  	[tilespmem:v8+s8+$0x0] =	vst.idx.msk $0xffff, v4  }
0x55: {  	s21 =	simm.s32 $0x3F80;
	[tilespmem:v9+s8+$0x0] =	vst.idx.msk $0xffff, v4  }
0x56: {  	[tilespmem:v8+s21+$0x0] =	vst.idx.msk $0xffff, v4  }
0x57: {  	s23 =	simm.s32 $0x0;
	s24 =	simm.s32 $0x0;
	s25 =	simm.s32 $0x0;
	[tilespmem:v9+s21+$0x0] =	vst.idx.msk $0xffff, v4  }
.LBB2_13:
0x58: {  	s1 =	simm.s32 $0x0;
	s20 =	simm.s32 $0x40  }
.LBB2_14:
0x59: {  	p0 =	sne.s32 s20, $0x4FFC0;
	v8 =	vld [tilespmem:s1+$0xAB00];
	_ =	sdelay $0x1  }
.Ltmp4:
0x5a: {  	(pc) =	sbr.rel @p0 .LBB2_14-.Ltmp4, $3  }
0x5b: {  	_ =	sdelay $0x1  }
0x5c: {  	v8 =	vmax.f32 v8, $0.0e+00  }
0x5d: {  	[tilespmem:s1+$0xAB00] =	vst v8;
	s1 =	sshra.s32 s20, $0x2;
	s20 =	sadd.s32 $0x40, s20  }
0x5e: {  	v8 =	vld [tilespmem:s1+$0xAB00];
	_ =	sdelay $0x4  }
0x5f: {  	s19 =	sadd.s32 $0x1, s19;
	v8 =	vmax.f32 v8, $0.0e+00  }
0x60: {  	p0 =	sne.s32 s19, s6;
	[tilespmem:s1+$0xAB00] =	vst v8  }
0x61: {  	[hbm4b:s5+s2] =	stream.linear.scatter [tilespmem:s18], [sflag:$0x1], $0x14000, $0x38;
	[tilespmem:$0x1EB00] =	vst v63  }
.Ltmp5:
0x62: {  	_ = 	snop;
	(pc) =	sbr.rel @p0 .LBB2_1-.Ltmp5, $4  }
.Ltmp6:
0x63: {  	_ = 	snop;
	(pc) =	sbr.rel @!p0 .LBB2_16-.Ltmp6, $4  }
0x64: {  	_ =	swait.ge [sflag:s7], $0x14000  }
0x65: {  	[sflag:s7] =	ssyncset.done $0x0  }
0x66: {  	[sflag:s7] =	ssyncadd.s32 $0xFFFEC000  }
0x67: {  	_ = 	snop  }
.LBB2_12:
0x68: {  	s25 =	sadd.s32 $0x1, s25  }
0x69: {  	p0 =	sne.s32 s25, s22  }
.Ltmp7:
0x6a: {  	_ = 	snop;
	(pc) =	sbr.rel @!p0 .LBB2_13-.Ltmp7, $2  }
0x6b: {  	_ =	sdelay $0x2  }
0x6c: {  	s21 =	sadd.s32 $0x40, s21;
	s24 =	sadd.s32 $0x40, s24  }
.LBB2_8:
0x6d: {  	s1 =	sshll.u32 s25, $0x6  }
0x6e: {  	v8 =	vld [tilespmem:s1+$0x1400];
	_ =	sdelay $0x4  }
0x6f: {  	v9 =	vshll.u32 v8, $0x1  }
0x70: {  	v8 =	vand.u32 $0x7, v8;
	v9 =	vand.u32 $0xFFFFFFF0, v9  }
0x71: {  	v8 =	vor.u32 v8, v9  }
0x72: {  	v9 =	vperm.xlane v8, v5;
	_ =	sdelay $0x1  }
0x73: {  	v8 =	vperm.xlane v8, v7;
	v9 =	vadd.s32 v6, v9;
	_ =	sdelay $0x1  }
0x74: {  	v8 =	vadd.s32 v6, v8;
	_ =	sdelay $0x2  }
0x75: {  	[tilespmem:s10], [sflag:$0x1] =	stream.indirect_vreg.gather [hbm4b:s4+s23], $0x80, v9, vm0, $0xb8;
	[tilespmem:$0x1EB00] =	vst v63  }
0x76: {  	_ = 	snop  }
0x77: {  	[tilespmem:s11], [sflag:$0x1] =	stream.indirect_vreg.gather [hbm4b:s4+s23], $0x80, v8, vm0, $0xb8;
	[tilespmem:$0x1EB00] =	vst v63  }
0x78: {  	v8 =	vld [tilespmem:s1+$0x1410];
	_ =	sdelay $0x4  }
0x79: {  	v61 =	vshll.u32 v8, $0x1  }
0x7a: {  	v8 =	vand.u32 $0x7, v8;
	v9 =	vand.u32 $0xFFFFFFF0, v61  }
0x7b: {  	v8 =	vor.u32 v8, v9  }
0x7c: {  	v9 =	vperm.xlane v8, v5;
	_ =	sdelay $0x1  }
0x7d: {  	v8 =	vperm.xlane v8, v7;
	v9 =	vadd.s32 v6, v9;
	_ =	sdelay $0x1  }
0x7e: {  	v8 =	vadd.s32 v6, v8;
	_ =	sdelay $0x2  }
0x7f: {  	[tilespmem:s12], [sflag:$0x1] =	stream.indirect_vreg.gather [hbm4b:s4+s23], $0x80, v9, vm0, $0xb8;
	[tilespmem:$0x1EB00] =	vst v63  }
0x80: {  	_ = 	snop  }
0x81: {  	[tilespmem:s13], [sflag:$0x1] =	stream.indirect_vreg.gather [hbm4b:s4+s23], $0x80, v8, vm0, $0xb8;
	[tilespmem:$0x1EB00] =	vst v63  }
0x82: {  	v8 =	vld [tilespmem:s1+$0x1420];
	_ =	sdelay $0x4  }
0x83: {  	v62 =	vshll.u32 v8, $0x1  }
0x84: {  	v8 =	vand.u32 $0x7, v8;
	v9 =	vand.u32 $0xFFFFFFF0, v62  }
0x85: {  	v8 =	vor.u32 v8, v9  }
0x86: {  	v9 =	vperm.xlane v8, v5;
	_ =	sdelay $0x1  }
0x87: {  	v8 =	vperm.xlane v8, v7;
	v9 =	vadd.s32 v6, v9;
	_ =	sdelay $0x1  }
0x88: {  	v8 =	vadd.s32 v6, v8;
	_ =	sdelay $0x2  }
0x89: {  	[tilespmem:s14], [sflag:$0x1] =	stream.indirect_vreg.gather [hbm4b:s4+s23], $0x80, v9, vm0, $0xb8;
	[tilespmem:$0x1EB00] =	vst v63  }
0x8a: {  	_ = 	snop  }
0x8b: {  	[tilespmem:s15], [sflag:$0x1] =	stream.indirect_vreg.gather [hbm4b:s4+s23], $0x80, v8, vm0, $0xb8;
	[tilespmem:$0x1EB00] =	vst v63  }
0x8c: {  	v8 =	vld [tilespmem:s1+$0x1430];
	_ =	sdelay $0x4  }
0x8d: {  	v63 =	vshll.u32 v8, $0x1  }
0x8e: {  	v8 =	vand.u32 $0x7, v8;
	v9 =	vand.u32 $0xFFFFFFF0, v63  }
0x8f: {  	v8 =	vor.u32 v8, v9  }
0x90: {  	v9 =	vperm.xlane v8, v5;
	_ =	sdelay $0x1  }
0x91: {  	v8 =	vperm.xlane v8, v7;
	v9 =	vadd.s32 v6, v9;
	_ =	sdelay $0x1  }
0x92: {  	v8 =	vadd.s32 v6, v8;
	_ =	sdelay $0x2  }
0x93: {  	[tilespmem:s16], [sflag:$0x1] =	stream.indirect_vreg.gather [hbm4b:s4+s23], $0x80, v9, vm0, $0xb8;
	[tilespmem:$0x1EB00] =	vst v63  }
.Ltmp8:
0x94: {  	_ = 	snop;
	(pc) =	sbr.rel .LBB2_9-.Ltmp8, $4  }
0x95: {  	[tilespmem:s17], [sflag:$0x1] =	stream.indirect_vreg.gather [hbm4b:s4+s23], $0x80, v8, vm0, $0xb8;
	[tilespmem:$0x1EB00] =	vst v63  }
0x96: {  	_ =	swait.ge [sflag:s7], $0x4000  }
0x97: {  	s26 =	smov.u32 s24;
	s28 =	smov.u32 s21;
	[sflag:s7] =	ssyncset.done $0x0  }
0x98: {  	s29 =	simm.s32 $0x0;
	s30 =	simm.s32 $0x0;
	[sflag:s7] =	ssyncadd.s32 $0xFFFFC000  }
.LBB2_11:
0x99: {  	s30 =	sadd.s32 $0x100, s30  }
0x9a: {  	p0 =	sne.s32 s30, $0x4000  }
.Ltmp9:
0x9b: {  	_ = 	snop;
	(pc) =	sbr.rel @!p0 .LBB2_12-.Ltmp9, $2  }
0x9c: {  	_ =	sdelay $0x2  }
0x9d: {  	s29 =	sadd.s32 $0x80, s29;
	s28 =	sadd.s32 $0x1, s28;
	s26 =	sadd.s32 $0x1, s26  }
.LBB2_9:
0x9e: {  	p0 =	sge.s32 s26, s20  }
.Ltmp10:
0x9f: {  	_ = 	snop;
	(pc) =	sbr.rel @p0 .LBB2_11-.Ltmp10, $1  }
0xa0: {  	_ =	sdelay $0x3  }
0xa1: {  	v8 =	vld [tilespmem:s28+$0x0];
	_ =	sdelay $0x4  }
0xa2: {  	(v2sf) =	vpush v8, $0x0;
	_ =	sdelay $0xc  }
0xa3: {  	s1 =	sand.u32 $0x3800, s30;
	s0 =	sand.u32 $0x380, s29  }
0xa4: {  	s1 =	sor.u32 s0, s1  }
0xa5: {  	v10 =	vld [tilespmem:s1+$0x6B00];
	v8 =	vbroadcast v8, $0x0;
	s31 =	spop (v2sf)  }
0xa6: {  	v9 =	vld [tilespmem:s31+$0xAB00]  }
0xa7: {  	v8 =	vadd.s32 v3, v8;
	_ =	sdelay $0x3  }
0xa8: {  	v9 =	vmax.f32 v9, v10  }
0xa9: {  	[tilespmem:v8+s18+$0x0] =	vst.idx.msk $0xffff, v9  }
0xaa: {  	v8 =	vld [tilespmem:s31+$0xAB10]  }
0xab: {  	s0 =	sadd.s32 $0x10, s31;
	v9 =	vld [tilespmem:s1+$0x6B10]  }
0xac: {  	v35 =	vadd.s32 s0, v3;
	_ =	sdelay $0x3  }
0xad: {  	v8 =	vmax.f32 v8, v9  }
0xae: {  	[tilespmem:v35+s18+$0x0] =	vst.idx.msk $0xffff, v8  }
0xaf: {  	v8 =	vld [tilespmem:s31+$0xAB20]  }
0xb0: {  	s0 =	sadd.s32 $0x20, s31;
	v36 =	vld [tilespmem:s1+$0x6B20]  }
0xb1: {  	v37 =	vadd.s32 s0, v3;
	_ =	sdelay $0x3  }
0xb2: {  	v8 =	vmax.f32 v8, v36  }
0xb3: {  	[tilespmem:v37+s18+$0x0] =	vst.idx.msk $0xffff, v8  }
0xb4: {  	v8 =	vld [tilespmem:s31+$0xAB30]  }
0xb5: {  	s0 =	sadd.s32 $0x30, s31;
	v38 =	vld [tilespmem:s1+$0x6B30]  }
0xb6: {  	v39 =	vadd.s32 s0, v3;
	_ =	sdelay $0x3  }
0xb7: {  	v8 =	vmax.f32 v8, v38  }
0xb8: {  	[tilespmem:v39+s18+$0x0] =	vst.idx.msk $0xffff, v8  }
0xb9: {  	v8 =	vld [tilespmem:s31+$0xAB40]  }
0xba: {  	s0 =	sadd.s32 $0x40, s31;
	v40 =	vld [tilespmem:s1+$0x6B40]  }
0xbb: {  	v41 =	vadd.s32 s0, v3;
	_ =	sdelay $0x3  }
0xbc: {  	v8 =	vmax.f32 v8, v40  }
0xbd: {  	[tilespmem:v41+s18+$0x0] =	vst.idx.msk $0xffff, v8  }
0xbe: {  	v8 =	vld [tilespmem:s31+$0xAB50]  }
0xbf: {  	s0 =	sadd.s32 $0x50, s31;
	v42 =	vld [tilespmem:s1+$0x6B50]  }
0xc0: {  	v43 =	vadd.s32 s0, v3;
	_ =	sdelay $0x3  }
0xc1: {  	v8 =	vmax.f32 v8, v42  }
0xc2: {  	[tilespmem:v43+s18+$0x0] =	vst.idx.msk $0xffff, v8  }
0xc3: {  	v8 =	vld [tilespmem:s31+$0xAB60]  }
0xc4: {  	s0 =	sadd.s32 $0x60, s31;
	v44 =	vld [tilespmem:s1+$0x6B60]  }
0xc5: {  	v45 =	vadd.s32 s0, v3;
	_ =	sdelay $0x3  }
0xc6: {  	v8 =	vmax.f32 v8, v44  }
0xc7: {  	[tilespmem:v45+s18+$0x0] =	vst.idx.msk $0xffff, v8  }
0xc8: {  	v8 =	vld [tilespmem:s31+$0xAB70]  }
0xc9: {  	s0 =	sadd.s32 $0x70, s31;
	v46 =	vld [tilespmem:s1+$0x6B70]  }
0xca: {  	v47 =	vadd.s32 s0, v3;
	_ =	sdelay $0x3  }
0xcb: {  	v8 =	vmax.f32 v8, v46  }
0xcc: {  	[tilespmem:v47+s18+$0x0] =	vst.idx.msk $0xffff, v8  }
0xcd: {  	v8 =	vld [tilespmem:s31+$0xAB80]  }
0xce: {  	s0 =	sadd.s32 $0x80, s31;
	v48 =	vld [tilespmem:s1+$0x6F00]  }
0xcf: {  	v49 =	vadd.s32 s0, v3;
	_ =	sdelay $0x3  }
0xd0: {  	v8 =	vmax.f32 v8, v48  }
0xd1: {  	[tilespmem:v49+s18+$0x0] =	vst.idx.msk $0xffff, v8  }
0xd2: {  	v8 =	vld [tilespmem:s31+$0xAB90]  }
0xd3: {  	s0 =	sadd.s32 $0x90, s31;
	v50 =	vld [tilespmem:s1+$0x6F10]  }
0xd4: {  	v51 =	vadd.s32 s0, v3;
	_ =	sdelay $0x3  }
0xd5: {  	v8 =	vmax.f32 v8, v50  }
0xd6: {  	[tilespmem:v51+s18+$0x0] =	vst.idx.msk $0xffff, v8  }
0xd7: {  	v8 =	vld [tilespmem:s31+$0xABA0]  }
0xd8: {  	s0 =	sadd.s32 $0xA0, s31;
	v52 =	vld [tilespmem:s1+$0x6F20]  }
0xd9: {  	v53 =	vadd.s32 s0, v3;
	_ =	sdelay $0x3  }
0xda: {  	v8 =	vmax.f32 v8, v52  }
0xdb: {  	[tilespmem:v53+s18+$0x0] =	vst.idx.msk $0xffff, v8  }
0xdc: {  	v8 =	vld [tilespmem:s31+$0xABB0]  }
0xdd: {  	s0 =	sadd.s32 $0xB0, s31;
	v54 =	vld [tilespmem:s1+$0x6F30]  }
0xde: {  	v55 =	vadd.s32 s0, v3;
	_ =	sdelay $0x3  }
0xdf: {  	v8 =	vmax.f32 v8, v54  }
0xe0: {  	[tilespmem:v55+s18+$0x0] =	vst.idx.msk $0xffff, v8  }
0xe1: {  	v8 =	vld [tilespmem:s31+$0xABC0]  }
0xe2: {  	s0 =	sadd.s32 $0xC0, s31;
	v56 =	vld [tilespmem:s1+$0x6F40]  }
0xe3: {  	v57 =	vadd.s32 s0, v3;
	_ =	sdelay $0x3  }
0xe4: {  	v8 =	vmax.f32 v8, v56  }
0xe5: {  	[tilespmem:v57+s18+$0x0] =	vst.idx.msk $0xffff, v8  }
0xe6: {  	v8 =	vld [tilespmem:s31+$0xABD0]  }
0xe7: {  	s0 =	sadd.s32 $0xD0, s31;
	v58 =	vld [tilespmem:s1+$0x6F50]  }
0xe8: {  	v59 =	vadd.s32 s0, v3;
	_ =	sdelay $0x3  }
0xe9: {  	v8 =	vmax.f32 v8, v58  }
0xea: {  	[tilespmem:v59+s18+$0x0] =	vst.idx.msk $0xffff, v8  }
0xeb: {  	v8 =	vld [tilespmem:s31+$0xABE0]  }
0xec: {  	s0 =	sadd.s32 $0xE0, s31;
	v60 =	vld [tilespmem:s1+$0x6F60]  }
0xed: {  	v61 =	vadd.s32 s0, v3;
	_ =	sdelay $0x3  }
0xee: {  	v8 =	vmax.f32 v8, v60  }
0xef: {  	[tilespmem:v61+s18+$0x0] =	vst.idx.msk $0xffff, v8  }
0xf0: {  	v8 =	vld [tilespmem:s31+$0xABF0]  }
0xf1: {  	s31 =	sadd.s32 $0xF0, s31;
	v62 =	vld [tilespmem:s1+$0x6F70]  }
0xf2: {  	v63 =	vadd.s32 s31, v3  }
.Ltmp11:
0xf3: {  	_ = 	snop;
	(pc) =	sbr.rel .LBB2_11-.Ltmp11, $3  }
0xf4: {  	_ =	sdelay $0x1  }
0xf5: {  	v8 =	vmax.f32 v8, v62  }
0xf6: {  	[tilespmem:v63+s18+$0x0] =	vst.idx.msk $0xffff, v8  }
.LBB2_16:
0xf7: {  	_ =	sfence.sel $0x180000  }
0xf8: {  	[bflag:$0x0] =	sbarrier.arrive $0xFFFF  }
0xf9: {  	_ =	strace $0x9000004A  }
0xfa: {  	s0 =	stileid.u32;
	[bflag:$0x2] =	sbarrier.arrive $0xFFFF  }
0xfb: {  	p0 =	sne.s32 s0, $0x0;
	s0 =	rddreg [dreg:$0x1]  }
0xfc: {  	s0 =	sadd.s32 @!p0 $0x100000, s0  }
0xfd: {  	[sflag:s0] =	ssyncadd.tile.s32 @!p0 $0x1;
	_ =	shalt  }
.Lfunc_end2:
_tile_overlayer_lowered:
.L_overlay_start_2:
0xfe: {  	(tag) =	ssettag $0x2  }
0xff: {  	s0 =	rddreg [dreg:$0x0];
	s2 =	stileid.u32  }
0x100: {  	s1 =	rddreg [dreg:$0x1];
	p0 =	sne.s32 s2, $0x0  }
0x101: {  	s3 =	rddreg [dreg:$0x2];
	[bflag:$0x3] =	sbarrier.arrive $0xFFFF;
	s2 =	simm.s32 @!p0 $0x1C01  }
0x102: {  	[timem:s3], [sflag:s2] =	dma.local @!p0 [hbm:s0], s1  }
0x103: {  	s0 =	simm.s32 @!p0 $0x1  }
0x104: {  	_ =	swait.ge @!p0 [sflag:s0], s1  }
0x105: {  	s1 =	ssub.s32 @!p0 $0x0, s1;
	[sflag:s0] =	ssyncset.done @!p0 $0x0  }
0x106: {  	[sflag:s0] =	ssyncadd.s32 @!p0 s1  }
0x107: {  	[bflag:$0x3] =	sbarrier.arrive $0xFFFF  }
0x108: {  	_ =	shalt  }

// kernel: kernel.19.cloned.1.call-start
scs
__scs_entry_jumppad:
0x0: {  	(pc) =	sbr.rel $0x88, $3  }
0x1: {  	(tag) =	ssettag $0x0;
	lr =	simm.s32 $0x1  }
0x2: {  	[smem:$0x3F80] =	sst lr;
	_ =	strace $0xD0000000  }
0x3: {  	_ = 	snop  }
0x4: {  	_ = 	snop  }
0x5: {  	_ = 	snop  }
0x6: {  	_ = 	snop  }
0x7: {  	_ = 	snop  }
__scs_overlays_trampoline_lowered:
0x8: {  	[smem:$0x3F8F] =	sst s0  }
0x9: {  	[smem:$0x3F90] =	sst s1  }
0xa: {  	[smem:$0x3F91] =	sst s2  }
0xb: {  	[smem:$0x3F92] =	sst s3  }
0xc: {  	[smem:$0x3F93] =	sst s4  }
0xd: {  	[smem:$0x3F94] =	sst s5  }
0xe: {  	[smem:$0x3F95] =	sst s6  }
0xf: {  	[smem:$0x3F96] =	sst s7  }
0x10: {  	[smem:$0x3F97] =	sst s8  }
0x11: {  	[smem:$0x3F98] =	sst s9;
	s0 =	simm.s32 @!p0 $0x0  }
0x12: {  	s1 =	sld [smem:$0x3F7E];
	s0 =	simm.s32 @p0 $0x1  }
0x13: {  	[smem:$0x3F99] =	sst s0;
	s0 =	simm.s32 @!p1 $0x0  }
0x14: {  	s2 =	sld [smem:$0x3F7D];
	s0 =	simm.s32 @p1 $0x1  }
0x15: {  	[smem:$0x3F9A] =	sst s0;
	s0 =	simm.s32 @!p2 $0x0  }
0x16: {  	s3 =	sld [smem:$0x3FDB];
	s0 =	simm.s32 @p2 $0x1  }
0x17: {  	s4 =	simm.s32 $0x1BF5;
	[smem:$0x3F9C] =	sst s0  }
0x18: {  	s0 =	sld [smem:$0x3F7F];
	_ =	swait.ge [sflag:s4], $0x0  }
0x19: {  	s7 =	sld [smem:$0x3F80]  }
0x1a: {  	s8 =	sadd.s32 $0xFFFFE003, lr  }
0x1b: {  	s9 =	sadd.s32 $0xFFFFFEF7, lr;
	s5 =	simm.s32 $0xFFFFFFFF;
	p2 =	slt.u32 s8, $0xFFFFF086  }
0x1c: {  	p1 =	slt.u32 s9, $0xF7A;
	s5 =	simm.s32 @!p2 $0x0  }
0x1d: {  	s5 =	simm.s32 @p1 $0x1;
	p0 =	seq.s32 s7, s2  }
0x1e: {  	s7 =	smul.u32 @!p0 $0xF7A, s2;
	p2 =	seq.s32 @!p0 s5, $0x0  }
0x1f: {  	s9 =	smul.u32 $0xF7A, s1;
	s8 =	simm.s32 @!p0 $0x1BF5;
	p2 =	por !p2, p0  }
0x20: {  	[sflag:s8] =	ssyncset.s32 @!p0 $0xFFFFF086;
	s6 =	sadd.s32 @!p0 s3, s7;
	s7 =	simm.s32 @!p0 $0x108  }
0x21: {  	s3 =	sadd.s32 s3, s9;
	s6 =	sadd.s32 @!p0 $0x88, s6;
	s7 =	simm.s32 @p2 $0x1082  }
0x22: {  	[simem:s7], [sflag:s8] =	dma.local @!p0 [hbm:s6], $0xF7A  }
0x23: {  	s9 =	sor.u32 $0xD0000000, s2;
	s6 =	simm.s32 $0x108;
	_ =	swait.ge @!p0 [sflag:s8], $0x0  }
0x24: {  	s3 =	sadd.s32 $0x88, s3;
	s6 =	simm.s32 @!p1 $0x1082;
	[sflag:s4] =	ssyncset.s32 $0xFFFFF086  }
0x25: {  	[simem:s6], [sflag:s4] =	dma.local [hbm:s3], $0xF7A  }
0x26: {  	[smem:$0x3F80] =	sst s1;
	(tag) =	ssettag s2;
	_ =	strace s9  }
0x27: {  	s1 =	sld [smem:$0x3F90]  }
0x28: {  	s2 =	sld [smem:$0x3F91]  }
0x29: {  	s4 =	sld [smem:$0x3F93]  }
0x2a: {  	p0 =	seq.s32 s5, $0x0;
	s5 =	sld [smem:$0x3F94]  }
0x2b: {  	s6 =	sld [smem:$0x3F95]  }
0x2c: {  	s7 =	sld [smem:$0x3F96]  }
0x2d: {  	s3 =	simm.s32 $0x108;
	s8 =	sld [smem:$0x3F97]  }
0x2e: {  	s3 =	simm.s32 @!p0 $0x1082;
	s9 =	sld [smem:$0x3F98]  }
0x2f: {  	lr =	sadd.s32 s0, s3;
	s0 =	sld [smem:$0x3F8F]  }
0x30: {  	s3 =	sld [smem:$0x3F92]  }
0x31: {  	[smem:$0x3F9B] =	sst s10  }
0x32: {  	s10 =	sld [smem:$0x3F99];
	_ =	sdelay $0x3  }
0x33: {  	p0 =	seq.s32 s10, $0x1;
	s10 =	sld [smem:$0x3F9B];
	_ =	sdelay $0x3  }
0x34: {  	[smem:$0x3F9B] =	sst s10  }
0x35: {  	s10 =	sld [smem:$0x3F9A];
	_ =	sdelay $0x3  }
0x36: {  	p1 =	seq.s32 s10, $0x1;
	s10 =	sld [smem:$0x3F9B];
	_ =	sdelay $0x3  }
0x37: {  	[smem:$0x3F9B] =	sst s10  }
0x38: {  	s10 =	sld [smem:$0x3F9C]  }
0x39: {  	_ = 	snop;
	(pc) =	sbr.ind lr, $3  }
0x3a: {  	_ = 	snop  }
0x3b: {  	_ = 	snop  }
0x3c: {  	p2 =	seq.s32 s10, $0x1;
	s10 =	sld [smem:$0x3F9B]  }
0x3d: {  	_ =	shalt  }
0x3e: {  	_ =	shalt  }
0x3f: {  	_ =	shalt  }
0x40: {  	_ =	shalt  }
0x41: {  	_ =	shalt  }
0x42: {  	_ =	shalt  }
0x43: {  	_ =	shalt  }
0x44: {  	_ =	shalt  }
0x45: {  	_ =	shalt  }
0x46: {  	_ =	shalt  }
0x47: {  	_ =	shalt  }
0x48: {  	_ =	shalt  }
0x49: {  	_ =	shalt  }
0x4a: {  	_ =	shalt  }
0x4b: {  	_ =	shalt  }
0x4c: {  	_ =	shalt  }
0x4d: {  	_ =	shalt  }
0x4e: {  	_ =	shalt  }
0x4f: {  	_ =	shalt  }
0x50: {  	_ =	shalt  }
0x51: {  	_ =	shalt  }
0x52: {  	_ =	shalt  }
0x53: {  	_ =	shalt  }
0x54: {  	_ =	shalt  }
0x55: {  	_ =	shalt  }
0x56: {  	_ =	shalt  }
0x57: {  	_ =	shalt  }
0x58: {  	_ =	shalt  }
0x59: {  	_ =	shalt  }
0x5a: {  	_ =	shalt  }
0x5b: {  	_ =	shalt  }
0x5c: {  	_ =	shalt  }
0x5d: {  	_ =	shalt  }
0x5e: {  	_ =	shalt  }
0x5f: {  	_ =	shalt  }
0x60: {  	_ =	shalt  }
0x61: {  	_ =	shalt  }
0x62: {  	_ =	shalt  }
0x63: {  	_ =	shalt  }
0x64: {  	_ =	shalt  }
0x65: {  	_ =	shalt  }
0x66: {  	_ =	shalt  }
0x67: {  	_ =	shalt  }
0x68: {  	_ =	shalt  }
0x69: {  	_ =	shalt  }
0x6a: {  	_ =	shalt  }
0x6b: {  	_ =	shalt  }
0x6c: {  	_ =	shalt  }
0x6d: {  	_ =	shalt  }
0x6e: {  	_ =	shalt  }
0x6f: {  	_ =	shalt  }
0x70: {  	_ =	shalt  }
0x71: {  	_ =	shalt  }
0x72: {  	_ =	shalt  }
0x73: {  	_ =	shalt  }
0x74: {  	_ =	shalt  }
0x75: {  	_ =	shalt  }
0x76: {  	_ =	shalt  }
0x77: {  	_ =	shalt  }
0x78: {  	_ =	shalt  }
0x79: {  	_ =	shalt  }
0x7a: {  	_ =	shalt  }
0x7b: {  	_ =	shalt  }
0x7c: {  	_ =	shalt  }
0x7d: {  	_ =	shalt  }
0x7e: {  	_ =	shalt  }
0x7f: {  	_ =	shalt  }
0x80: {  	_ =	shalt  }
0x81: {  	_ =	shalt  }
0x82: {  	_ =	shalt  }
0x83: {  	_ =	shalt  }
0x84: {  	_ =	shalt  }
0x85: {  	_ =	shalt  }
0x86: {  	_ =	shalt  }
0x87: {  	_ =	shalt  }
.Lfunc_end0:
.L_simem_size_0:
called_computation.3_lowered:
.L_overlay_start_0:
0x88: {  	s2 =	sld [smem:$0x3FD9]  }
0x89: {  	s3 =	sld [smem:$0x3FFE];
	_ =	sdelay $0x1  }
0x8a: {  	s1 =	srdreg.scid  }
0x8b: {  	s0 =	sand.u32 $0x1, s1  }
0x8c: {  	s17 =	sshll.u32 s0, $0xA;
	s2 =	sadd.s32 s3, s2  }
0x8d: {  	s2 =	sadd.s32 s2, s17  }
0x8e: {  	[smem:$0x3FA7] =	sst s2  }
0x8f: {  	_ = 	snop  }
0x90: {  	(tm) =	ssettm $0x1  }
0x91: {  	s18 =	sld [smem:$0x3FFB];
	_ =	sdelay $0x3  }
0x92: {  	_ =	strace s18  }
0x93: {  	s2 =	sld [smem:$0x3FFC];
	_ =	sdelay $0x3  }
0x94: {  	_ =	strace s2  }
0x95: {  	s2 =	sld [smem:$0x3FFD];
	_ =	sdelay $0x3  }
0x96: {  	_ =	strace s2  }
0x97: {  	_ =	strace $0x8FFFFFFF  }
0x98: {  	s19 =	sld [smem:$0x3FDB];
	_ =	sdelay $0x1  }
0x99: {  	s20 =	simm.s32 $_scs_section_size  }
0x9a: {  	s4 =	simm.s32 $_size__tile_overlayer_lowered;
	s5 =	simm.s32 $_tile_overlayer_lowered  }
0x9b: {  	s6 =	simm.s32 $0x1BFF;
	s21 =	sshll.u32 s5, $0x1;
	s3 =	sadd.s32 s20, s19  }
0x9c: {  	s22 =	simm.s32 $0x0;
	s4 =	sshll.u32 s4, $0x1;
	s5 =	sadd.s32 s21, s3  }
0x9d: {  	[timem:s22], [sflag:s6] =	dma.local [hbm:s5], s4  }
0x9e: {  	_ =	swait.ge [sflag:s6], s4  }
0x9f: {  	s4 =	ssub.s32 $0x0, s4;
	[sflag:s6] =	ssyncset.done $0x0  }
0xa0: {  	[sflag:s6] =	ssyncadd.s32 s4;
	_ =	sdelay $0x1  }
0xa1: {  	s23 =	simm.s32 $0x1B8B  }
0xa2: {  	_ =	swait.ge [sflag:s23], $0x1  }
0xa3: {  	[sflag:s23] =	ssyncset.done $0x0  }
0xa4: {  	[sflag:s23] =	ssyncadd.s32 $0xFFFFFFFF  }
0xa5: {  	s4 =	sld [smem:$0x0]  }
0xa6: {  	s5 =	sand.u32 $0xFFFFFFFE, s1  }
0xa7: {  	p0 =	sne.s32 s1, s5  }
0xa8: {  	s5 =	sshll.u32 @p0 s5, $0xE  }
0xa9: {  	s5 =	sadd.s32 @p0 $0x11B8D, s5;
	s6 =	sshll.u32 @p0 s4, $0x11  }
0xaa: {  	s5 =	sor.u32 @p0 s6, s5  }
0xab: {  	[sflag:s5] =	ssyncadd.remote.s32 @p0 $0x1;
	_ =	sdelay $0x1  }
0xac: {  	s5 =	simm.s32 @p0 $0x1B8D  }
0xad: {  	_ =	swait.eq @p0 [sflag:s5], $0x1  }
0xae: {  	[sflag:s5] =	ssyncadd.s32 @p0 $0xFFFFFFFF  }
0xaf: {  	s6 =	sshll.u32 @!p0 s1, $0xE  }
0xb0: {  	s6 =	sor.u32 @!p0 $0x4000, s6;
	s5 =	simm.s32 @!p0 $0x1B8D  }
0xb1: {  	s4 =	sshll.u32 @!p0 s4, $0x11;
	s6 =	sadd.s32 @!p0 $0x11B8D, s6;
	_ =	swait.eq @!p0 [sflag:s5], $0x1  }
0xb2: {  	s4 =	sor.u32 @!p0 s4, s6;
	[sflag:s5] =	ssyncadd.s32 @!p0 $0xFFFFFFFF  }
0xb3: {  	s25 =	simm.s32 $0x1B8E;
	s24 =	sld [smem:$0x3FFE];
	[sflag:s4] =	ssyncadd.remote.s32 @!p0 $0x1  }
0xb4: {  	s26 =	simm.s32 $execute0_lowered;
	[smem:$0x3FD2] =	sst s25  }
0xb5: {  	s5 =	sshll.u32 s26, $0x1;
	_ =	strace $0x8000004C;
	[dreg:$0x1] =	wrdreg $0xFFFFFFFF  }
0xb6: {  	s28 =	simm.s32 $_size_execute0_lowered;
	s3 =	sadd.s32 s3, s5;
	[dreg:$0x0] =	wrdreg $0x0  }
0xb7: {  	s5 =	sshll.u32 s28, $0x1;
	[dreg:$0x2] =	wrdreg s3  }
0xb8: {  	[dreg:$0x3] =	wrdreg s5  }
0xb9: {  	[dreg:$0x4] =	wrdreg $0xC0  }
0xba: {  	_ =	task [dreg:s22], $0x5FFFF  }
0xbb: {  	[dreg:$0x1] =	wrdreg $0xFFFFFFFF  }
0xbc: {  	[dreg:$0x0] =	wrdreg $0x60  }
0xbd: {  	[dreg:$0x2] =	wrdreg s24  }
0xbe: {  	[dreg:$0x3] =	wrdreg $0x8A000  }
0xbf: {  	[dreg:$0x4] =	wrdreg $0xB  }
0xc0: {  	_ =	task.clear_ibuf [dreg:s22], $0x5FFFF;
	_ =	strace $0x9000004C  }
0xc1: {  	s29 =	simm.s32 $0xB;
	_ =	strace $0x8000004E  }
0xc2: {  	_ =	swait.ge [sflag:s29], $0x1  }
0xc3: {  	[sflag:s29] =	ssyncadd.s32 $0xFFFFFFFF  }
0xc4: {  	_ =	strace $0x9000004E  }
0xc5: {  	_ =	sfence  }
0xc6: {  	s30 =	sld [smem:$0x0];
	_ =	sdelay $0x2  }
0xc7: {  	s31 =	sshll.u32 s1, $0xD;
	s1 =	sshrl.u32 s1, $0x2  }
0xc8: {  	s4 =	sand.u32 $0x4000, s31;
	s1 =	sadd.s32 s1, s30  }
0xc9: {  	s0 =	sor.u32 s4, s0;
	s1 =	sshll.u32 s1, $0x11  }
0xca: {  	s0 =	sor.u32 s1, s0  }
0xcb: {  	s0 =	sadd.s32 $0x8F2B, s0  }
0xcc: {  	[sflag:s0] =	ssyncadd.remote.s32 $0x1  }
0xcd: {  	_ =	sfence.sel $0xFFFF  }
0xce: {  	[dreg:$0x0] =	wrdreg $0xFFFFFFFF;
	(pc) =	sbr.abs _section_cstart, $3  }
0xcf: {  	[dreg:$0x1] =	wrdreg $0xFFFFFFFF  }
0xd0: {  	_ =	task.clear_ibuf [dreg:s22], $0x2FFFF;
	_ =	strace $0x9FFFFFFF  }
0xd1: {  	(tm) =	ssettm $0x7FFFFFFF  }
tec
execute0_lowered:
.L_overlay_start_1:
0x0: {  	(tag) =	ssettag $0x1  }
0x1: {  	s8 =	rddreg [dreg:$0x0]  }
0x2: {  	s1 =	rddreg [dreg:$0x1]  }
0x3: {  	s0 =	rddreg [dreg:$0x2]  }
0x4: {  	s2 =	simm.s32 $0x0;
	s9 =	srdreg.scid;
	s3 =	stileid.u32  }
0x5: {  	s20 =	simm.s32 $0x1;
	s21 =	simm.s32 $0x100;
	s24 =	simm.s32 $0x4A00  }
0x6: {  	[smem:$0x7FF] =	sst s2;
	s4 =	sadd.s32 $0x6400, s8;
	s5 =	sadd.s32 $0x10200, s8  }
0x7: {  	s6 =	sadd.s32 $0x1A0C00, s8;
	s7 =	sadd.s32 $0x6A000, s8;
	s11 =	smul.u32 $0x280, s3  }
0x8: {  	s10 =	sand.u32 $0x1, s9;
	s12 =	sadd.s32 $0x264200, s8;
	s13 =	smul.u32 $0x50000, s3  }
0x9: {  	s14 =	sadd.s32 $0x304200, s8;
	s31 =	sshll.u32 s3, $0x6;
	s15 =	smul.u32 $0x5000, s10  }
0xa: {  	_ =	strace $0x8000004D;
	s18 =	sshllo.u32 s10, $0x1;
	s22 =	smul.u32 $0x4E20, s10  }
0xb: {  	s9 =	ssub.s32 $0x2, s10;
	s17 =	sshll.u32 s10, $0x1;
	s30 =	smul.u32 $0x2800, s18  }
0xc: {  	s26 =	sshrl.u32 s9, $0x1;
	s28 =	sshrl.u32 s13, $0x2;
	s23 =	smul.u32 $0x2710, s18  }
0xd: {  	s18 =	simm.s32 $0x80;
	s16 =	ssub.s32 s9, s26;
	s29 =	sadd.s32 s11, s15  }
0xe: {  	s19 =	sadd.s32 s28, s1;
	s9 =	sor.u32 $0x1C03, s31;
	v0 =	vmov s22;
	s22 =	simm.s32 $0x180  }
.Ltmp0:
0xf: {  	s15 =	sshll.u32 s29, $0x4;
	s11 =	sadd.s32 s11, s30;
	(pc) =	sbr.rel .LBB2_1-.Ltmp0, $4  }
0x10: {  	v1 =	vmov s23;
	s23 =	simm.s32 $0x2;
	s8 =	sadd.s32 s12, s15;
	s13 =	sshll.u32 s11, $0x4  }
0x11: {  	s10 =	sadd.s32 s14, s15;
	s15 =	sor.u32 $0x4191, s17;
	s11 =	sadd.s32 s12, s13  }
0x12: {  	s12 =	sadd.s32 s14, s13;
	s13 =	smax.u32 s16, $0x1;
	s14 =	sor.u32 $0x4190, s17  }
0x13: {  	s16 =	sshrl.u32 s19, $0x3;
	s17 =	simm.s32 $0x3;
	s19 =	simm.s32 $0x4180  }
.LBB2_13:
0x14: {  	[bflag:$0x0] =	sbarrier.arrive $0xFFFF;
	s2 =	sadd.s32 $0x1, s2  }
0x15: {  	[hbm:s12], [sflag:s9] =	dma.local [spmem:s16], $0x2800  }
0x16: {  	p0 =	sne.s32 s2, s13  }
.Ltmp1:
0x17: {  	_ =	swait.ge [sflag:s17], $0x2800;
	(pc) =	sbr.rel @!p0 .LBB2_14-.Ltmp1, $3  }
0x18: {  	[sflag:s17] =	ssyncset.done $0x0  }
0x19: {  	[sflag:s17] =	ssyncadd.s32 $0xFFFFD800  }
0x1a: {  	[bflag:$0x0] =	sbarrier.arrive $0xFFFF;
	_ =	sdelay $0x1  }
.LBB2_1:
0x1b: {  	[spmem:s16], [sflag:s9] =	dma.local [hbm:s8], $0x2800  }
.Ltmp2:
0x1c: {  	_ =	swait.ge [sflag:s17], $0x2800;
	(pc) =	sbr.rel .LBB2_2-.Ltmp2, $4  }
0x1d: {  	[sflag:s17] =	ssyncset.done $0x0  }
0x1e: {  	[sflag:s17] =	ssyncadd.s32 $0xFFFFD800  }
0x1f: {  	[bflag:$0x0] =	sbarrier.arrive $0xFFFF  }
0x20: {  	s25 =	simm.s32 $0x0  }
.LBB2_6:
0x21: {  	s25 =	sadd.s32 $0x1, s25  }
0x22: {  	p0 =	sne.s32 s25, $0x9D  }
.Ltmp3:
0x23: {  	_ = 	snop;
	(pc) =	sbr.rel @!p0 .LBB2_7-.Ltmp3, $1  }
0x24: {  	_ =	sdelay $0x3  }
.LBB2_2:
0x25: {  	s26 =	sshll.u32 s25, $0x4  }
0x26: {  	s26 =	sor.u32 s3, s26  }
0x27: {  	p0 =	sgt.u32 s26, $0x9C3  }
.Ltmp4:
0x28: {  	_ = 	snop;
	(pc) =	sbr.rel @p0 .LBB2_6-.Ltmp4, $1  }
0x29: {  	_ =	sdelay $0x3  }
0x2a: {  	s28 =	sshll.u32 s26, $0x4  }
0x2b: {  	s30 =	simm.s32 $0x0;
	s29 =	sadd.s32 s4, s28  }
0x2c: {  	[tilespmem:s30], [sflag:$0x1] =	stream.linear.gather [hbm4b:s29+s30], $0x80, $0x38;
	[tilespmem:$0x1CA00] =	vst v63  }
0x2d: {  	s31 =	sshll.u32 s26, $0x8;
	s28 =	sadd.s32 s5, s28  }
0x2e: {  	[tilespmem:s18], [sflag:$0x2] =	stream.linear.gather [hbm4b:s28+s30], $0x80, $0x38;
	[tilespmem:$0x1CA00] =	vst v63  }
0x2f: {  	s26 =	sadd.s32 s7, s31  }
0x30: {  	[tilespmem:s19], [sflag:$0x1] =	stream.linear.gather [hbm4b:s26+s30], $0x800, $0x38;
	[tilespmem:$0x1CA00] =	vst v63  }
0x31: {  	_ =	swait.ge [sflag:s20], $0x80  }
0x32: {  	[sflag:s20] =	ssyncset.done $0x0  }
0x33: {  	[sflag:s20] =	ssyncadd.s32 $0xFFFFFF80  }
0x34: {  	v2 =	vld [tilespmem:$0x0]  }
0x35: {  	v3 =	vld [tilespmem:$0x10]  }
0x36: {  	v4 =	vld [tilespmem:$0x20]  }
0x37: {  	v5 =	vld [tilespmem:$0x30]  }
0x38: {  	v6 =	vld [tilespmem:$0x40]  }
0x39: {  	v7 =	vld [tilespmem:$0x50];
	v2 =	vadd.s32 v0, v2  }
0x3a: {  	[tilespmem:$0x100] =	vst v2;
	v2 =	vadd.s32 v0, v3;
	v3 =	vld [tilespmem:$0x60]  }
0x3b: {  	[tilespmem:$0x110] =	vst v2;
	v2 =	vadd.s32 v0, v4;
	v4 =	vld [tilespmem:$0x70]  }
0x3c: {  	[tilespmem:$0x120] =	vst v2;
	v2 =	vadd.s32 v0, v5  }
0x3d: {  	[tilespmem:$0x130] =	vst v2;
	v2 =	vadd.s32 v0, v6  }
0x3e: {  	[tilespmem:$0x140] =	vst v2;
	v2 =	vadd.s32 v0, v7  }
0x3f: {  	[tilespmem:$0x150] =	vst v2;
	v2 =	vadd.s32 v0, v3  }
0x40: {  	[tilespmem:$0x160] =	vst v2;
	v2 =	vadd.s32 v0, v4  }
0x41: {  	[tilespmem:$0x170] =	vst v2  }
0x42: {  	[tilespmem:s22], [sflag:$0x2] =	stream.indirect.gather [hbm4b:s6+s18], $0x80, s21, s18, $0xb8;
	[tilespmem:$0x1CA00] =	vst v63  }
0x43: {  	_ =	swait.ge [sflag:s23], $0x80  }
0x44: {  	[sflag:s23] =	ssyncset.done $0x0  }
0x45: {  	[sflag:s23] =	ssyncadd.s32 $0xFFFFFF80  }
0x46: {  	_ =	swait.ge [sflag:s20], $0x800  }
0x47: {  	[sflag:s20] =	ssyncset.done $0x0  }
0x48: {  	[sflag:s20] =	ssyncadd.s32 $0xFFFFF800  }
0x49: {  	_ =	swait.ge [sflag:s23], $0x4000  }
0x4a: {  	[sflag:s23] =	ssyncset.done $0x0  }
0x4b: {  	[sflag:s23] =	ssyncadd.s32 $0xFFFFC000  }
0x4c: {  	s26 =	simm.s32 $0x0;
	v4 =	vld.msk [tilespmem:s14+$0xFFFFFFF0 ss:$0x0], $0xffff  }
0x4d: {  	v2 =	vld [tilespmem:s26+$0x1F0]  }
0x4e: {  	v3 =	vld [tilespmem:s26+$0x1A0]  }
0x4f: {  	v5 =	vld [tilespmem:s26+$0x1B0]  }
0x50: {  	v6 =	vld [tilespmem:s26+$0x1D0]  }
0x51: {  	v7 =	vld [tilespmem:s26+$0x1C0]  }
0x52: {  	v8 =	vld [tilespmem:s26+$0x190];
	v2 =	vmul.f32 v2, v4  }
0x53: {  	v9 =	vld [tilespmem:s26+$0x180];
	v3 =	vmul.f32 v3, v4  }
0x54: {  	v10 =	vld [tilespmem:s26+$0x1E0];
	v5 =	vmul.f32 v5, v4;
	[tilespmem:s26+$0x4A70] =	vst v2  }
0x55: {  	v6 =	vmul.f32 v6, v4;
	[tilespmem:s26+$0x4A20] =	vst v3  }
0x56: {  	[tilespmem:s26+$0x4A30] =	vst v5;
	v5 =	vmul.f32 v7, v4  }
0x57: {  	v7 =	vmul.f32 v8, v4;
	[tilespmem:s26+$0x4A50] =	vst v6  }
0x58: {  	v2 =	vld [tilespmem:s26+$0x200];
	v6 =	vmul.f32 v4, v9;
	[tilespmem:s26+$0x4A40] =	vst v5  }
0x59: {  	v3 =	vld [tilespmem:s26+$0x210];
	[tilespmem:s26+$0x4A10] =	vst v7;
	v5 =	vmul.f32 v10, v4  }
0x5a: {  	[tilespmem:s26+$0x4A00] =	vst v6;
	v4 =	vld [tilespmem:s26+$0x270]  }
0x5b: {  	v6 =	vld [tilespmem:s26+$0x250];
	[tilespmem:s26+$0x4A60] =	vst v5  }
0x5c: {  	s29 =	smov.u32 s14;
	s28 =	simm.s32 $0x400;
	v5 =	vld.msk [tilespmem:s14+$0x0 ss:$0x0], $0xffff  }
.LBB2_4:
0x5d: {  	p0 =	sne.s32 s28, $0xFC00  }
0x5e: {  	v7 =	vld [tilespmem:s26+$0x230];
	s29 =	sadd.s32 $0x20, s29;
	s30 =	smov.u32 s28;
	s28 =	sadd.s32 $0x400, s28  }
0x5f: {  	v8 =	vld [tilespmem:s26+$0x220]  }
0x60: {  	v9 =	vld [tilespmem:s26+$0x240]  }
0x61: {  	v10 =	vld [tilespmem:s26+$0x260];
	_ =	sdelay $0x1  }
0x62: {  	v2 =	vmul.f32 v5, v2;
	v3 =	vmul.f32 v3, v5  }
0x63: {  	v7 =	vmul.f32 v7, v5;
	v8 =	vmul.f32 v8, v5  }
0x64: {  	v6 =	vmul.f32 v6, v5;
	[tilespmem:s26+$0x4A80] =	vst v2;
	v2 =	vmul.f32 v9, v5  }
0x65: {  	v4 =	vmul.f32 v4, v5;
	[tilespmem:s26+$0x4AA0] =	vst v8;
	v8 =	vmul.f32 v10, v5  }
0x66: {  	[tilespmem:s26+$0x4AC0] =	vst v2  }
0x67: {  	[tilespmem:s26+$0x4A90] =	vst v3  }
0x68: {  	[tilespmem:s26+$0x4AD0] =	vst v6  }
0x69: {  	[tilespmem:s26+$0x4AB0] =	vst v7  }
0x6a: {  	[tilespmem:s26+$0x4AF0] =	vst v4  }
0x6b: {  	[tilespmem:s26+$0x4AE0] =	vst v8  }
0x6c: {  	s26 =	sshra.s32 s30, $0x2;
	v4 =	vld.msk [tilespmem:s29+$0xFFFFFFF0 ss:$0x0], $0xffff  }
0x6d: {  	v2 =	vld [tilespmem:s26+$0x1F0]  }
0x6e: {  	v3 =	vld [tilespmem:s26+$0x1A0]  }
0x6f: {  	v5 =	vld [tilespmem:s26+$0x1B0]  }
0x70: {  	v6 =	vld [tilespmem:s26+$0x1D0]  }
0x71: {  	v7 =	vld [tilespmem:s26+$0x1C0]  }
0x72: {  	v8 =	vld [tilespmem:s26+$0x190];
	v2 =	vmul.f32 v2, v4  }
0x73: {  	v9 =	vld [tilespmem:s26+$0x180];
	v3 =	vmul.f32 v3, v4  }
0x74: {  	v5 =	vmul.f32 v5, v4;
	v10 =	vld [tilespmem:s26+$0x1E0];
	[tilespmem:s26+$0x4A70] =	vst v2  }
0x75: {  	[tilespmem:s26+$0x4A20] =	vst v3;
	v6 =	vmul.f32 v6, v4;
	v2 =	vld [tilespmem:s26+$0x200]  }
0x76: {  	[tilespmem:s26+$0x4A30] =	vst v5;
	v5 =	vmul.f32 v7, v4;
	v3 =	vld [tilespmem:s26+$0x210]  }
0x77: {  	v7 =	vmul.f32 v8, v4;
	[tilespmem:s26+$0x4A50] =	vst v6  }
.Ltmp5:
0x78: {  	v6 =	vmul.f32 v4, v9;
	[tilespmem:s26+$0x4A40] =	vst v5;
	(pc) =	sbr.rel @p0 .LBB2_4-.Ltmp5, $4  }
0x79: {  	[tilespmem:s26+$0x4A10] =	vst v7;
	v5 =	vmul.f32 v10, v4  }
0x7a: {  	[tilespmem:s26+$0x4A00] =	vst v6;
	v4 =	vld [tilespmem:s26+$0x270]  }
0x7b: {  	[tilespmem:s26+$0x4A60] =	vst v5;
	v6 =	vld [tilespmem:s26+$0x250]  }
0x7c: {  	v5 =	vld.msk [tilespmem:s29+$0x0 ss:$0x0], $0xffff  }
0x7d: {  	_ =	sdelay $0x1  }
0x7e: {  	v7 =	vld [tilespmem:s26+$0x220]  }
0x7f: {  	v10 =	vld [tilespmem:s26+$0x260]  }
0x80: {  	v8 =	vld [tilespmem:s26+$0x240];
	v2 =	vmul.f32 v5, v2  }
0x81: {  	v3 =	vmul.f32 v3, v5  }
0x82: {  	v9 =	vld [tilespmem:s26+$0x230];
	v6 =	vmul.f32 v6, v5;
	[tilespmem:s26+$0x4A80] =	vst v2  }
0x83: {  	v7 =	vmul.f32 v7, v5;
	[tilespmem:s26+$0x4A90] =	vst v3  }
0x84: {  	v63 =	vmul.f32 v10, v5;
	[tilespmem:s26+$0x4AD0] =	vst v6  }
0x85: {  	v2 =	vmul.f32 v8, v5;
	[tilespmem:s26+$0x4AA0] =	vst v7  }
0x86: {  	v3 =	vmul.f32 v4, v5;
	[tilespmem:s26+$0x4AE0] =	vst v63  }
0x87: {  	[tilespmem:s26+$0x4AC0] =	vst v2;
	v2 =	vmul.f32 v9, v5  }
0x88: {  	[tilespmem:s26+$0x4AF0] =	vst v3  }
.Ltmp6:
0x89: {  	[tilespmem:s26+$0x4AB0] =	vst v2;
	(pc) =	sbr.rel .LBB2_6-.Ltmp6, $4  }
0x8a: {  	[spmem:s1] =	stream.indirect.scatter.add.f32 [tilespmem:s24], [sflag:$0x3], $0x80, s18, s18, $0xb8;
	[tilespmem:$0x1CA00] =	vst v63  }
0x8b: {  	_ =	swait.ge [sflag:s17], $0x4000  }
0x8c: {  	[sflag:s17] =	ssyncset.done $0x0  }
0x8d: {  	[sflag:s17] =	ssyncadd.s32 $0xFFFFC000  }
.LBB2_7:
0x8e: {  	[bflag:$0x0] =	sbarrier.arrive $0xFFFF  }
0x8f: {  	[hbm:s10], [sflag:s9] =	dma.local [spmem:s16], $0x2800  }
0x90: {  	_ =	swait.ge [sflag:s17], $0x2800  }
0x91: {  	[sflag:s17] =	ssyncset.done $0x0  }
0x92: {  	[sflag:s17] =	ssyncadd.s32 $0xFFFFD800  }
0x93: {  	[bflag:$0x0] =	sbarrier.arrive $0xFFFF  }
0x94: {  	[spmem:s16], [sflag:s9] =	dma.local [hbm:s11], $0x2800  }
.Ltmp7:
0x95: {  	_ =	swait.ge [sflag:s17], $0x2800;
	(pc) =	sbr.rel .LBB2_8-.Ltmp7, $4  }
0x96: {  	[sflag:s17] =	ssyncset.done $0x0  }
0x97: {  	[sflag:s17] =	ssyncadd.s32 $0xFFFFD800  }
0x98: {  	[bflag:$0x0] =	sbarrier.arrive $0xFFFF  }
0x99: {  	s25 =	simm.s32 $0x0  }
.LBB2_12:
0x9a: {  	s25 =	sadd.s32 $0x1, s25  }
0x9b: {  	p0 =	sne.s32 s25, $0x9D  }
.Ltmp8:
0x9c: {  	_ = 	snop;
	(pc) =	sbr.rel @!p0 .LBB2_13-.Ltmp8, $1  }
0x9d: {  	_ =	sdelay $0x3  }
.LBB2_8:
0x9e: {  	s26 =	sshll.u32 s25, $0x4  }
0x9f: {  	s26 =	sor.u32 s3, s26  }
0xa0: {  	p0 =	sgt.u32 s26, $0x9C3  }
.Ltmp9:
0xa1: {  	_ = 	snop;
	(pc) =	sbr.rel @p0 .LBB2_12-.Ltmp9, $1  }
0xa2: {  	_ =	sdelay $0x3  }
0xa3: {  	s28 =	sshll.u32 s26, $0x4  }
0xa4: {  	s30 =	simm.s32 $0x0;
	s29 =	sadd.s32 s4, s28  }
0xa5: {  	[tilespmem:s30], [sflag:$0x1] =	stream.linear.gather [hbm4b:s29+s30], $0x80, $0x38;
	[tilespmem:$0x1CA00] =	vst v63  }
0xa6: {  	s31 =	sshll.u32 s26, $0x8;
	s28 =	sadd.s32 s5, s28  }
0xa7: {  	[tilespmem:s18], [sflag:$0x2] =	stream.linear.gather [hbm4b:s28+s30], $0x80, $0x38;
	[tilespmem:$0x1CA00] =	vst v63  }
0xa8: {  	s26 =	sadd.s32 s7, s31  }
0xa9: {  	[tilespmem:s19], [sflag:$0x1] =	stream.linear.gather [hbm4b:s26+s30], $0x800, $0x38;
	[tilespmem:$0x1CA00] =	vst v63  }
0xaa: {  	_ =	swait.ge [sflag:s20], $0x80  }
0xab: {  	[sflag:s20] =	ssyncset.done $0x0  }
0xac: {  	[sflag:s20] =	ssyncadd.s32 $0xFFFFFF80  }
0xad: {  	v2 =	vld [tilespmem:$0x0]  }
0xae: {  	v3 =	vld [tilespmem:$0x10]  }
0xaf: {  	v4 =	vld [tilespmem:$0x20]  }
0xb0: {  	v5 =	vld [tilespmem:$0x30]  }
0xb1: {  	v6 =	vld [tilespmem:$0x40]  }
0xb2: {  	v7 =	vld [tilespmem:$0x50];
	v2 =	vadd.s32 v1, v2  }
0xb3: {  	[tilespmem:$0x100] =	vst v2;
	v2 =	vadd.s32 v1, v3;
	v3 =	vld [tilespmem:$0x60]  }
0xb4: {  	[tilespmem:$0x110] =	vst v2;
	v2 =	vadd.s32 v1, v4;
	v4 =	vld [tilespmem:$0x70]  }
0xb5: {  	[tilespmem:$0x120] =	vst v2;
	v2 =	vadd.s32 v1, v5  }
0xb6: {  	[tilespmem:$0x130] =	vst v2;
	v2 =	vadd.s32 v1, v6  }
0xb7: {  	[tilespmem:$0x140] =	vst v2;
	v2 =	vadd.s32 v1, v7  }
0xb8: {  	[tilespmem:$0x150] =	vst v2;
	v2 =	vadd.s32 v1, v3  }
0xb9: {  	[tilespmem:$0x160] =	vst v2;
	v2 =	vadd.s32 v1, v4  }
0xba: {  	[tilespmem:$0x170] =	vst v2  }
0xbb: {  	[tilespmem:s22], [sflag:$0x2] =	stream.indirect.gather [hbm4b:s6+s18], $0x80, s21, s18, $0xb8;
	[tilespmem:$0x1CA00] =	vst v63  }
0xbc: {  	_ =	swait.ge [sflag:s23], $0x80  }
0xbd: {  	[sflag:s23] =	ssyncset.done $0x0  }
0xbe: {  	[sflag:s23] =	ssyncadd.s32 $0xFFFFFF80  }
0xbf: {  	_ =	swait.ge [sflag:s20], $0x800  }
0xc0: {  	[sflag:s20] =	ssyncset.done $0x0  }
0xc1: {  	[sflag:s20] =	ssyncadd.s32 $0xFFFFF800  }
0xc2: {  	_ =	swait.ge [sflag:s23], $0x4000  }
0xc3: {  	[sflag:s23] =	ssyncset.done $0x0  }
0xc4: {  	[sflag:s23] =	ssyncadd.s32 $0xFFFFC000  }
0xc5: {  	s26 =	simm.s32 $0x0;
	v4 =	vld.msk [tilespmem:s15+$0xFFFFFFF0 ss:$0x0], $0xffff  }
0xc6: {  	v2 =	vld [tilespmem:s26+$0x1F0]  }
0xc7: {  	v3 =	vld [tilespmem:s26+$0x1A0]  }
0xc8: {  	v5 =	vld [tilespmem:s26+$0x1B0]  }
0xc9: {  	v6 =	vld [tilespmem:s26+$0x1D0]  }
0xca: {  	v7 =	vld [tilespmem:s26+$0x1C0]  }
0xcb: {  	v8 =	vld [tilespmem:s26+$0x190];
	v2 =	vmul.f32 v2, v4  }
0xcc: {  	v9 =	vld [tilespmem:s26+$0x180];
	v3 =	vmul.f32 v3, v4  }
0xcd: {  	v10 =	vld [tilespmem:s26+$0x1E0];
	v5 =	vmul.f32 v5, v4;
	[tilespmem:s26+$0x4A70] =	vst v2  }
0xce: {  	v6 =	vmul.f32 v6, v4;
	[tilespmem:s26+$0x4A20] =	vst v3  }
0xcf: {  	[tilespmem:s26+$0x4A30] =	vst v5;
	v5 =	vmul.f32 v7, v4  }
0xd0: {  	v7 =	vmul.f32 v8, v4;
	[tilespmem:s26+$0x4A50] =	vst v6  }
0xd1: {  	v2 =	vld [tilespmem:s26+$0x200];
	v6 =	vmul.f32 v4, v9;
	[tilespmem:s26+$0x4A40] =	vst v5  }
0xd2: {  	v3 =	vld [tilespmem:s26+$0x210];
	[tilespmem:s26+$0x4A10] =	vst v7;
	v5 =	vmul.f32 v10, v4  }
0xd3: {  	[tilespmem:s26+$0x4A00] =	vst v6;
	v4 =	vld [tilespmem:s26+$0x270]  }
0xd4: {  	v6 =	vld [tilespmem:s26+$0x250];
	[tilespmem:s26+$0x4A60] =	vst v5  }
0xd5: {  	s29 =	smov.u32 s15;
	s28 =	simm.s32 $0x400;
	v5 =	vld.msk [tilespmem:s15+$0x0 ss:$0x0], $0xffff  }
.LBB2_10:
0xd6: {  	p0 =	sne.s32 s28, $0xFC00  }
0xd7: {  	v7 =	vld [tilespmem:s26+$0x230];
	s29 =	sadd.s32 $0x20, s29;
	s30 =	smov.u32 s28;
	s28 =	sadd.s32 $0x400, s28  }
0xd8: {  	v8 =	vld [tilespmem:s26+$0x220]  }
0xd9: {  	v9 =	vld [tilespmem:s26+$0x240]  }
0xda: {  	v10 =	vld [tilespmem:s26+$0x260];
	_ =	sdelay $0x1  }
0xdb: {  	v2 =	vmul.f32 v5, v2;
	v3 =	vmul.f32 v3, v5  }
0xdc: {  	v7 =	vmul.f32 v7, v5;
	v8 =	vmul.f32 v8, v5  }
0xdd: {  	v6 =	vmul.f32 v6, v5;
	[tilespmem:s26+$0x4A80] =	vst v2;
	v2 =	vmul.f32 v9, v5  }
0xde: {  	v4 =	vmul.f32 v4, v5;
	[tilespmem:s26+$0x4AA0] =	vst v8;
	v8 =	vmul.f32 v10, v5  }
0xdf: {  	[tilespmem:s26+$0x4AC0] =	vst v2  }
0xe0: {  	[tilespmem:s26+$0x4A90] =	vst v3  }
0xe1: {  	[tilespmem:s26+$0x4AD0] =	vst v6  }
0xe2: {  	[tilespmem:s26+$0x4AB0] =	vst v7  }
0xe3: {  	[tilespmem:s26+$0x4AF0] =	vst v4  }
0xe4: {  	[tilespmem:s26+$0x4AE0] =	vst v8  }
0xe5: {  	s26 =	sshra.s32 s30, $0x2;
	v4 =	vld.msk [tilespmem:s29+$0xFFFFFFF0 ss:$0x0], $0xffff  }
0xe6: {  	v2 =	vld [tilespmem:s26+$0x1F0]  }
0xe7: {  	v3 =	vld [tilespmem:s26+$0x1A0]  }
0xe8: {  	v5 =	vld [tilespmem:s26+$0x1B0]  }
0xe9: {  	v6 =	vld [tilespmem:s26+$0x1D0]  }
0xea: {  	v7 =	vld [tilespmem:s26+$0x1C0]  }
0xeb: {  	v8 =	vld [tilespmem:s26+$0x190];
	v2 =	vmul.f32 v2, v4  }
0xec: {  	v9 =	vld [tilespmem:s26+$0x180];
	v3 =	vmul.f32 v3, v4  }
0xed: {  	v5 =	vmul.f32 v5, v4;
	v10 =	vld [tilespmem:s26+$0x1E0];
	[tilespmem:s26+$0x4A70] =	vst v2  }
0xee: {  	[tilespmem:s26+$0x4A20] =	vst v3;
	v6 =	vmul.f32 v6, v4;
	v2 =	vld [tilespmem:s26+$0x200]  }
0xef: {  	[tilespmem:s26+$0x4A30] =	vst v5;
	v5 =	vmul.f32 v7, v4;
	v3 =	vld [tilespmem:s26+$0x210]  }
0xf0: {  	v7 =	vmul.f32 v8, v4;
	[tilespmem:s26+$0x4A50] =	vst v6  }
.Ltmp10:
0xf1: {  	v6 =	vmul.f32 v4, v9;
	[tilespmem:s26+$0x4A40] =	vst v5;
	(pc) =	sbr.rel @p0 .LBB2_10-.Ltmp10, $4  }
0xf2: {  	[tilespmem:s26+$0x4A10] =	vst v7;
	v5 =	vmul.f32 v10, v4  }
0xf3: {  	[tilespmem:s26+$0x4A00] =	vst v6;
	v4 =	vld [tilespmem:s26+$0x270]  }
0xf4: {  	[tilespmem:s26+$0x4A60] =	vst v5;
	v6 =	vld [tilespmem:s26+$0x250]  }
0xf5: {  	v5 =	vld.msk [tilespmem:s29+$0x0 ss:$0x0], $0xffff  }
0xf6: {  	_ =	sdelay $0x1  }
0xf7: {  	v7 =	vld [tilespmem:s26+$0x220]  }
0xf8: {  	v10 =	vld [tilespmem:s26+$0x260]  }
0xf9: {  	v8 =	vld [tilespmem:s26+$0x240];
	v2 =	vmul.f32 v5, v2  }
0xfa: {  	v3 =	vmul.f32 v3, v5  }
0xfb: {  	v9 =	vld [tilespmem:s26+$0x230];
	v6 =	vmul.f32 v6, v5;
	[tilespmem:s26+$0x4A80] =	vst v2  }
0xfc: {  	v7 =	vmul.f32 v7, v5;
	[tilespmem:s26+$0x4A90] =	vst v3  }
0xfd: {  	v63 =	vmul.f32 v10, v5;
	[tilespmem:s26+$0x4AD0] =	vst v6  }
0xfe: {  	v2 =	vmul.f32 v8, v5;
	[tilespmem:s26+$0x4AA0] =	vst v7  }
0xff: {  	v3 =	vmul.f32 v4, v5;
	[tilespmem:s26+$0x4AE0] =	vst v63  }
0x100: {  	[tilespmem:s26+$0x4AC0] =	vst v2;
	v2 =	vmul.f32 v9, v5  }
0x101: {  	[tilespmem:s26+$0x4AF0] =	vst v3  }
.Ltmp11:
0x102: {  	[tilespmem:s26+$0x4AB0] =	vst v2;
	(pc) =	sbr.rel .LBB2_12-.Ltmp11, $4  }
0x103: {  	[spmem:s1] =	stream.indirect.scatter.add.f32 [tilespmem:s24], [sflag:$0x3], $0x80, s18, s18, $0xb8;
	[tilespmem:$0x1CA00] =	vst v63  }
0x104: {  	_ =	swait.ge [sflag:s17], $0x4000  }
0x105: {  	[sflag:s17] =	ssyncset.done $0x0  }
0x106: {  	[sflag:s17] =	ssyncadd.s32 $0xFFFFC000  }
.LBB2_14:
0x107: {  	_ =	sfence.sel $0x180000  }
0x108: {  	[bflag:$0x0] =	sbarrier.arrive $0xFFFF  }
0x109: {  	p0 =	sne.s32 s3, $0x0;
	_ =	strace $0x9000004D  }
0x10a: {  	s0 =	sadd.s32 @!p0 $0x100000, s0;
	[bflag:$0x2] =	sbarrier.arrive $0xFFFF  }
0x10b: {  	[sflag:s0] =	ssyncadd.tile.s32 @!p0 $0x1;
	_ =	shalt  }
.Lfunc_end2:
_tile_overlayer_lowered:
.L_overlay_start_2:
0x10c: {  	(tag) =	ssettag $0x2  }
0x10d: {  	s0 =	rddreg [dreg:$0x0];
	s2 =	stileid.u32  }
0x10e: {  	s1 =	rddreg [dreg:$0x1];
	p0 =	sne.s32 s2, $0x0  }
0x10f: {  	s3 =	rddreg [dreg:$0x2];
	[bflag:$0x3] =	sbarrier.arrive $0xFFFF;
	s2 =	simm.s32 @!p0 $0x1C03  }
0x110: {  	[timem:s3], [sflag:s2] =	dma.local @!p0 [hbm:s0], s1  }
0x111: {  	s0 =	simm.s32 @!p0 $0x3  }
0x112: {  	_ =	swait.ge @!p0 [sflag:s0], s1  }
0x113: {  	s1 =	ssub.s32 @!p0 $0x0, s1;
	[sflag:s0] =	ssyncset.done @!p0 $0x0  }
0x114: {  	[sflag:s0] =	ssyncadd.s32 @!p0 s1  }
0x115: {  	[bflag:$0x3] =	sbarrier.arrive $0xFFFF  }
0x116: {  	_ =	shalt  }

// kernel: kernel.22.cloned.1.call-start
scs
__scs_entry_jumppad:
0x0: {  	(pc) =	sbr.rel $0x88, $3  }
0x1: {  	(tag) =	ssettag $0x0;
	lr =	simm.s32 $0x1  }
0x2: {  	[smem:$0x3F80] =	sst lr;
	_ =	strace $0xD0000000  }
0x3: {  	_ = 	snop  }
0x4: {  	_ = 	snop  }
0x5: {  	_ = 	snop  }
0x6: {  	_ = 	snop  }
0x7: {  	_ = 	snop  }
__scs_overlays_trampoline_lowered:
0x8: {  	[smem:$0x3F8F] =	sst s0  }
0x9: {  	[smem:$0x3F90] =	sst s1  }
0xa: {  	[smem:$0x3F91] =	sst s2  }
0xb: {  	[smem:$0x3F92] =	sst s3  }
0xc: {  	[smem:$0x3F93] =	sst s4  }
0xd: {  	[smem:$0x3F94] =	sst s5  }
0xe: {  	[smem:$0x3F95] =	sst s6  }
0xf: {  	[smem:$0x3F96] =	sst s7  }
0x10: {  	[smem:$0x3F97] =	sst s8  }
0x11: {  	[smem:$0x3F98] =	sst s9;
	s0 =	simm.s32 @!p0 $0x0  }
0x12: {  	s1 =	sld [smem:$0x3F7E];
	s0 =	simm.s32 @p0 $0x1  }
0x13: {  	[smem:$0x3F99] =	sst s0;
	s0 =	simm.s32 @!p1 $0x0  }
0x14: {  	s2 =	sld [smem:$0x3F7D];
	s0 =	simm.s32 @p1 $0x1  }
0x15: {  	[smem:$0x3F9A] =	sst s0;
	s0 =	simm.s32 @!p2 $0x0  }
0x16: {  	s3 =	sld [smem:$0x3FDB];
	s0 =	simm.s32 @p2 $0x1  }
0x17: {  	s4 =	simm.s32 $0x1BF5;
	[smem:$0x3F9C] =	sst s0  }
0x18: {  	s0 =	sld [smem:$0x3F7F];
	_ =	swait.ge [sflag:s4], $0x0  }
0x19: {  	s7 =	sld [smem:$0x3F80]  }
0x1a: {  	s8 =	sadd.s32 $0xFFFFE003, lr  }
0x1b: {  	s9 =	sadd.s32 $0xFFFFFEF7, lr;
	s5 =	simm.s32 $0xFFFFFFFF;
	p2 =	slt.u32 s8, $0xFFFFF086  }
0x1c: {  	p1 =	slt.u32 s9, $0xF7A;
	s5 =	simm.s32 @!p2 $0x0  }
0x1d: {  	s5 =	simm.s32 @p1 $0x1;
	p0 =	seq.s32 s7, s2  }
0x1e: {  	s7 =	smul.u32 @!p0 $0xF7A, s2;
	p2 =	seq.s32 @!p0 s5, $0x0  }
0x1f: {  	s9 =	smul.u32 $0xF7A, s1;
	s8 =	simm.s32 @!p0 $0x1BF5;
	p2 =	por !p2, p0  }
0x20: {  	[sflag:s8] =	ssyncset.s32 @!p0 $0xFFFFF086;
	s6 =	sadd.s32 @!p0 s3, s7;
	s7 =	simm.s32 @!p0 $0x108  }
0x21: {  	s3 =	sadd.s32 s3, s9;
	s6 =	sadd.s32 @!p0 $0x88, s6;
	s7 =	simm.s32 @p2 $0x1082  }
0x22: {  	[simem:s7], [sflag:s8] =	dma.local @!p0 [hbm:s6], $0xF7A  }
0x23: {  	s9 =	sor.u32 $0xD0000000, s2;
	s6 =	simm.s32 $0x108;
	_ =	swait.ge @!p0 [sflag:s8], $0x0  }
0x24: {  	s3 =	sadd.s32 $0x88, s3;
	s6 =	simm.s32 @!p1 $0x1082;
	[sflag:s4] =	ssyncset.s32 $0xFFFFF086  }
0x25: {  	[simem:s6], [sflag:s4] =	dma.local [hbm:s3], $0xF7A  }
0x26: {  	[smem:$0x3F80] =	sst s1;
	(tag) =	ssettag s2;
	_ =	strace s9  }
0x27: {  	s1 =	sld [smem:$0x3F90]  }
0x28: {  	s2 =	sld [smem:$0x3F91]  }
0x29: {  	s4 =	sld [smem:$0x3F93]  }
0x2a: {  	p0 =	seq.s32 s5, $0x0;
	s5 =	sld [smem:$0x3F94]  }
0x2b: {  	s6 =	sld [smem:$0x3F95]  }
0x2c: {  	s7 =	sld [smem:$0x3F96]  }
0x2d: {  	s3 =	simm.s32 $0x108;
	s8 =	sld [smem:$0x3F97]  }
0x2e: {  	s3 =	simm.s32 @!p0 $0x1082;
	s9 =	sld [smem:$0x3F98]  }
0x2f: {  	lr =	sadd.s32 s0, s3;
	s0 =	sld [smem:$0x3F8F]  }
0x30: {  	s3 =	sld [smem:$0x3F92]  }
0x31: {  	[smem:$0x3F9B] =	sst s10  }
0x32: {  	s10 =	sld [smem:$0x3F99];
	_ =	sdelay $0x3  }
0x33: {  	p0 =	seq.s32 s10, $0x1;
	s10 =	sld [smem:$0x3F9B];
	_ =	sdelay $0x3  }
0x34: {  	[smem:$0x3F9B] =	sst s10  }
0x35: {  	s10 =	sld [smem:$0x3F9A];
	_ =	sdelay $0x3  }
0x36: {  	p1 =	seq.s32 s10, $0x1;
	s10 =	sld [smem:$0x3F9B];
	_ =	sdelay $0x3  }
0x37: {  	[smem:$0x3F9B] =	sst s10  }
0x38: {  	s10 =	sld [smem:$0x3F9C]  }
0x39: {  	_ = 	snop;
	(pc) =	sbr.ind lr, $3  }
0x3a: {  	_ = 	snop  }
0x3b: {  	_ = 	snop  }
0x3c: {  	p2 =	seq.s32 s10, $0x1;
	s10 =	sld [smem:$0x3F9B]  }
0x3d: {  	_ =	shalt  }
0x3e: {  	_ =	shalt  }
0x3f: {  	_ =	shalt  }
0x40: {  	_ =	shalt  }
0x41: {  	_ =	shalt  }
0x42: {  	_ =	shalt  }
0x43: {  	_ =	shalt  }
0x44: {  	_ =	shalt  }
0x45: {  	_ =	shalt  }
0x46: {  	_ =	shalt  }
0x47: {  	_ =	shalt  }
0x48: {  	_ =	shalt  }
0x49: {  	_ =	shalt  }
0x4a: {  	_ =	shalt  }
0x4b: {  	_ =	shalt  }
0x4c: {  	_ =	shalt  }
0x4d: {  	_ =	shalt  }
0x4e: {  	_ =	shalt  }
0x4f: {  	_ =	shalt  }
0x50: {  	_ =	shalt  }
0x51: {  	_ =	shalt  }
0x52: {  	_ =	shalt  }
0x53: {  	_ =	shalt  }
0x54: {  	_ =	shalt  }
0x55: {  	_ =	shalt  }
0x56: {  	_ =	shalt  }
0x57: {  	_ =	shalt  }
0x58: {  	_ =	shalt  }
0x59: {  	_ =	shalt  }
0x5a: {  	_ =	shalt  }
0x5b: {  	_ =	shalt  }
0x5c: {  	_ =	shalt  }
0x5d: {  	_ =	shalt  }
0x5e: {  	_ =	shalt  }
0x5f: {  	_ =	shalt  }
0x60: {  	_ =	shalt  }
0x61: {  	_ =	shalt  }
0x62: {  	_ =	shalt  }
0x63: {  	_ =	shalt  }
0x64: {  	_ =	shalt  }
0x65: {  	_ =	shalt  }
0x66: {  	_ =	shalt  }
0x67: {  	_ =	shalt  }
0x68: {  	_ =	shalt  }
0x69: {  	_ =	shalt  }
0x6a: {  	_ =	shalt  }
0x6b: {  	_ =	shalt  }
0x6c: {  	_ =	shalt  }
0x6d: {  	_ =	shalt  }
0x6e: {  	_ =	shalt  }
0x6f: {  	_ =	shalt  }
0x70: {  	_ =	shalt  }
0x71: {  	_ =	shalt  }
0x72: {  	_ =	shalt  }
0x73: {  	_ =	shalt  }
0x74: {  	_ =	shalt  }
0x75: {  	_ =	shalt  }
0x76: {  	_ =	shalt  }
0x77: {  	_ =	shalt  }
0x78: {  	_ =	shalt  }
0x79: {  	_ =	shalt  }
0x7a: {  	_ =	shalt  }
0x7b: {  	_ =	shalt  }
0x7c: {  	_ =	shalt  }
0x7d: {  	_ =	shalt  }
0x7e: {  	_ =	shalt  }
0x7f: {  	_ =	shalt  }
0x80: {  	_ =	shalt  }
0x81: {  	_ =	shalt  }
0x82: {  	_ =	shalt  }
0x83: {  	_ =	shalt  }
0x84: {  	_ =	shalt  }
0x85: {  	_ =	shalt  }
0x86: {  	_ =	shalt  }
0x87: {  	_ =	shalt  }
.Lfunc_end0:
.L_simem_size_0:
called_computation.4_lowered:
.L_overlay_start_0:
0x88: {  	s2 =	sld [smem:$0x3FD9]  }
0x89: {  	s3 =	sld [smem:$0x3FFE];
	_ =	sdelay $0x1  }
0x8a: {  	s1 =	srdreg.scid  }
0x8b: {  	s0 =	sand.u32 $0x1, s1  }
0x8c: {  	s17 =	sshll.u32 s0, $0xA;
	s2 =	sadd.s32 s3, s2  }
0x8d: {  	s2 =	sadd.s32 s2, s17  }
0x8e: {  	[smem:$0x3FA7] =	sst s2  }
0x8f: {  	_ = 	snop  }
0x90: {  	(tm) =	ssettm $0x1  }
0x91: {  	s18 =	sld [smem:$0x3FFB];
	_ =	sdelay $0x3  }
0x92: {  	_ =	strace s18  }
0x93: {  	s2 =	sld [smem:$0x3FFC];
	_ =	sdelay $0x3  }
0x94: {  	_ =	strace s2  }
0x95: {  	s2 =	sld [smem:$0x3FFD];
	_ =	sdelay $0x3  }
0x96: {  	_ =	strace s2  }
0x97: {  	_ =	strace $0x8FFFFFFF  }
0x98: {  	s19 =	sld [smem:$0x3FDB];
	_ =	sdelay $0x1  }
0x99: {  	s20 =	simm.s32 $_scs_section_size  }
0x9a: {  	s4 =	simm.s32 $_size__tile_overlayer_lowered;
	s5 =	simm.s32 $_tile_overlayer_lowered  }
0x9b: {  	s6 =	simm.s32 $0x1BFF;
	s21 =	sshll.u32 s5, $0x1;
	s3 =	sadd.s32 s20, s19  }
0x9c: {  	s22 =	simm.s32 $0x0;
	s4 =	sshll.u32 s4, $0x1;
	s5 =	sadd.s32 s21, s3  }
0x9d: {  	[timem:s22], [sflag:s6] =	dma.local [hbm:s5], s4  }
0x9e: {  	_ =	swait.ge [sflag:s6], s4  }
0x9f: {  	s4 =	ssub.s32 $0x0, s4;
	[sflag:s6] =	ssyncset.done $0x0  }
0xa0: {  	[sflag:s6] =	ssyncadd.s32 s4;
	_ =	sdelay $0x1  }
0xa1: {  	s23 =	simm.s32 $0x1B8B  }
0xa2: {  	_ =	swait.ge [sflag:s23], $0x1  }
0xa3: {  	[sflag:s23] =	ssyncset.done $0x0  }
0xa4: {  	[sflag:s23] =	ssyncadd.s32 $0xFFFFFFFF  }
0xa5: {  	s4 =	sld [smem:$0x0]  }
0xa6: {  	s5 =	sand.u32 $0xFFFFFFFE, s1  }
0xa7: {  	p0 =	sne.s32 s1, s5  }
0xa8: {  	s5 =	sshll.u32 @p0 s5, $0xE  }
0xa9: {  	s5 =	sadd.s32 @p0 $0x11B8D, s5;
	s6 =	sshll.u32 @p0 s4, $0x11  }
0xaa: {  	s5 =	sor.u32 @p0 s6, s5  }
0xab: {  	[sflag:s5] =	ssyncadd.remote.s32 @p0 $0x1;
	_ =	sdelay $0x1  }
0xac: {  	s5 =	simm.s32 @p0 $0x1B8D  }
0xad: {  	_ =	swait.eq @p0 [sflag:s5], $0x1  }
0xae: {  	[sflag:s5] =	ssyncadd.s32 @p0 $0xFFFFFFFF  }
0xaf: {  	s6 =	sshll.u32 @!p0 s1, $0xE  }
0xb0: {  	s6 =	sor.u32 @!p0 $0x4000, s6;
	s5 =	simm.s32 @!p0 $0x1B8D  }
0xb1: {  	s4 =	sshll.u32 @!p0 s4, $0x11;
	s6 =	sadd.s32 @!p0 $0x11B8D, s6;
	_ =	swait.eq @!p0 [sflag:s5], $0x1  }
0xb2: {  	s4 =	sor.u32 @!p0 s4, s6;
	[sflag:s5] =	ssyncadd.s32 @!p0 $0xFFFFFFFF  }
0xb3: {  	s25 =	simm.s32 $0x1B8E;
	s24 =	sld [smem:$0x3FFE];
	[sflag:s4] =	ssyncadd.remote.s32 @!p0 $0x1  }
0xb4: {  	s26 =	simm.s32 $execute0_lowered;
	[smem:$0x3FD2] =	sst s25  }
0xb5: {  	s5 =	sshll.u32 s26, $0x1;
	_ =	strace $0x8000004F;
	[dreg:$0x1] =	wrdreg $0xFFFFFFFF  }
0xb6: {  	s28 =	simm.s32 $_size_execute0_lowered;
	s3 =	sadd.s32 s3, s5;
	[dreg:$0x0] =	wrdreg $0x0  }
0xb7: {  	s5 =	sshll.u32 s28, $0x1;
	[dreg:$0x2] =	wrdreg s3  }
0xb8: {  	[dreg:$0x3] =	wrdreg s5  }
0xb9: {  	[dreg:$0x4] =	wrdreg $0xC0  }
0xba: {  	_ =	task [dreg:s22], $0x5FFFF  }
0xbb: {  	[dreg:$0x1] =	wrdreg $0xFFFFFFFF  }
0xbc: {  	[dreg:$0x0] =	wrdreg $0x60  }
0xbd: {  	[dreg:$0x2] =	wrdreg s24  }
0xbe: {  	[dreg:$0x3] =	wrdreg $0x82000  }
0xbf: {  	[dreg:$0x4] =	wrdreg $0xC  }
0xc0: {  	_ =	task.clear_ibuf [dreg:s22], $0x5FFFF;
	_ =	strace $0x9000004F  }
0xc1: {  	s29 =	simm.s32 $0xC;
	_ =	strace $0x80000051  }
0xc2: {  	_ =	swait.ge [sflag:s29], $0x1  }
0xc3: {  	[sflag:s29] =	ssyncadd.s32 $0xFFFFFFFF  }
0xc4: {  	_ =	strace $0x90000051  }
0xc5: {  	_ =	sfence  }
0xc6: {  	s30 =	sld [smem:$0x0];
	_ =	sdelay $0x2  }
0xc7: {  	s31 =	sshll.u32 s1, $0xD;
	s1 =	sshrl.u32 s1, $0x2  }
0xc8: {  	s4 =	sand.u32 $0x4000, s31;
	s1 =	sadd.s32 s1, s30  }
0xc9: {  	s0 =	sor.u32 s4, s0;
	s1 =	sshll.u32 s1, $0x11  }
0xca: {  	s0 =	sor.u32 s1, s0  }
0xcb: {  	s0 =	sadd.s32 $0x8F2B, s0  }
0xcc: {  	[sflag:s0] =	ssyncadd.remote.s32 $0x1  }
0xcd: {  	_ =	sfence.sel $0xFFFF  }
0xce: {  	[dreg:$0x0] =	wrdreg $0xFFFFFFFF;
	(pc) =	sbr.abs _section_cstart, $3  }
0xcf: {  	[dreg:$0x1] =	wrdreg $0xFFFFFFFF  }
0xd0: {  	_ =	task.clear_ibuf [dreg:s22], $0x2FFFF;
	_ =	strace $0x9FFFFFFF  }
0xd1: {  	(tm) =	ssettm $0x7FFFFFFF  }
tec
execute0_lowered:
.L_overlay_start_1:
0x0: {  	(tag) =	ssettag $0x1  }
0x1: {  	s5 =	rddreg [dreg:$0x0]  }
0x2: {  	s1 =	rddreg [dreg:$0x1]  }
0x3: {  	s2 =	srdreg.scid;
	s0 =	rddreg [dreg:$0x2]  }
0x4: {  	s3 =	simm.s32 $0x0;
	s6 =	sand.u32 $0x1, s2;
	s2 =	stileid.u32  }
0x5: {  	s13 =	simm.s32 $0x1;
	[smem:$0x7FF] =	sst s3;
	s4 =	smul.u32 $0x2800, s6  }
0x6: {  	s7 =	sshll.u32 s2, $0x6;
	s8 =	smul.u32 $0x280, s2;
	_ =	strace $0x80000050  }
0x7: {  	s10 =	ssub.s32 $0x2, s6;
	s11 =	smul.u32 $0x50000, s2;
	s31 =	sshll.u32 s6, $0x5  }
0x8: {  	s9 =	sadd.s32 s7, s5;
	s12 =	sshrl.u32 s10, $0x1;
	s6 =	sor.u32 $0x1C01, s7  }
0x9: {  	s7 =	sshll.u32 s2, $0x1;
	s8 =	sadd.s32 s8, s4;
	s4 =	sadd.s32 $0x106400, s5  }
0xa: {  	s10 =	ssub.s32 s10, s12;
	s29 =	sshrl.u32 s11, $0x2;
	s11 =	sadd.s32 s31, s9  }
0xb: {  	s8 =	sshll.u32 s8, $0x4;
	s30 =	sadd.s32 s29, s1;
	s9 =	smax.u32 s10, $0x1  }
0xc: {  	s10 =	sadd.s32 $0x10200, s11;
	s11 =	sadd.s32 $0x6400, s11;
	s8 =	sadd.s32 s8, s5  }
0xd: {  	s12 =	sshrl.u32 s30, $0x3;
	s5 =	sadd.s32 $0x12E400, s8;
	s8 =	sadd.s32 $0x3A4200, s8  }
.LBB2_1:
0xe: {  	[spmem:s12], [sflag:s6] =	dma.local [hbm:s5], $0x2800  }
0xf: {  	_ =	swait.ge [sflag:s13], $0x2800  }
0x10: {  	p0 =	sgt.u32 s7, $0x4E1;
	[sflag:s13] =	ssyncset.done $0x0  }
0x11: {  	s14 =	sadd.s32 @!p0 $0x0, s11;
	[sflag:s13] =	ssyncadd.s32 $0xFFFFD800  }
0x12: {  	s15 =	simm.s32 @!p0 $0x0;
	s16 =	simm.s32 @!p0 $0x2;
	[bflag:$0x0] =	sbarrier.arrive $0xFFFF  }
0x13: {  	[tilespmem:s15], [sflag:$0x2] =	stream.linear.gather @!p0 [hbm4b:s14+s15], $0x100, $0x38;
	[tilespmem:$0x1C200] =	vst v63  }
0x14: {  	_ =	swait.ge @!p0 [sflag:s16], $0x100;
	p0 =	por p0, p0  }
0x15: {  	[sflag:s16] =	ssyncset.done @!p0 $0x0  }
0x16: {  	s14 =	sadd.s32 @!p0 $0x0, s10;
	s17 =	simm.s32 @!p0 $0x100;
	[sflag:s16] =	ssyncadd.s32 @!p0 $0xFFFFFF00  }
0x17: {  	[tilespmem:s17], [sflag:$0x2] =	stream.linear.gather @!p0 [hbm4b:s14+s15], $0x100, $0x38;
	[tilespmem:$0x1C200] =	vst v63  }
0x18: {  	_ =	swait.ge @!p0 [sflag:s16], $0x100  }
0x19: {  	[sflag:s16] =	ssyncset.done @!p0 $0x0  }
0x1a: {  	s14 =	simm.s32 @!p0 $0x200;
	[sflag:s16] =	ssyncadd.s32 @!p0 $0xFFFFFF00  }
0x1b: {  	[tilespmem:s14], [sflag:$0x2] =	stream.indirect.gather @!p0 [hbm4b:s4+s17], $0x80, s15, s17, $0xb8;
	[tilespmem:$0x1C200] =	vst v63  }
0x1c: {  	_ =	swait.ge @!p0 [sflag:s16], $0x8000  }
0x1d: {  	[sflag:s16] =	ssyncset.done @!p0 $0x0  }
0x1e: {  	s15 =	sadd.s32 $0x20, s7;
	[sflag:s16] =	ssyncadd.s32 @!p0 $0xFFFF8000  }
0x1f: {  	[spmem:s1] =	stream.indirect.scatter.add.f32 @!p0 [tilespmem:s14], [sflag:$0x1], $0x80, s17, s17, $0xb8;
	[tilespmem:$0x1C200] =	vst v63  }
0x20: {  	p2 =	sgt.u32 s15, $0x4E1;
	s17 =	simm.s32 @!p0 $0x1  }
0x21: {  	s16 =	simm.s32 $0x800;
	s14 =	simm.s32 $0x400;
	_ =	swait.ge @!p0 [sflag:s17], $0x8000  }
.LBB2_2:
0x22: {  	s18 =	sadd.s32 @!p2 s14, s11  }
0x23: {  	s19 =	simm.s32 @!p2 $0x0;
	[sflag:s17] =	ssyncset.done @!p0 $0x0;
	s20 =	smov.u32 s16  }
0x24: {  	s16 =	sadd.s32 $0x400, s16;
	s21 =	simm.s32 @!p2 $0x2;
	[sflag:s17] =	ssyncadd.s32 @!p0 $0xFFFF8000  }
0x25: {  	[tilespmem:s19], [sflag:$0x2] =	stream.linear.gather @!p2 [hbm4b:s18+s19], $0x100, $0x38;
	[tilespmem:$0x1C200] =	vst v63  }
0x26: {  	p1 =	sne.s32 s16, $0xA000;
	p0 =	por p2, p2;
	_ =	swait.ge @!p2 [sflag:s21], $0x100  }
0x27: {  	[sflag:s21] =	ssyncset.done @!p0 $0x0  }
0x28: {  	s14 =	sadd.s32 @!p0 s14, s10;
	s18 =	simm.s32 @!p0 $0x100;
	[sflag:s21] =	ssyncadd.s32 @!p0 $0xFFFFFF00  }
0x29: {  	[tilespmem:s18], [sflag:$0x2] =	stream.linear.gather @!p0 [hbm4b:s14+s19], $0x100, $0x38;
	[tilespmem:$0x1C200] =	vst v63  }
0x2a: {  	s14 =	smov.u32 s20;
	_ =	swait.ge @!p0 [sflag:s21], $0x100  }
0x2b: {  	[sflag:s21] =	ssyncset.done @!p0 $0x0  }
0x2c: {  	s20 =	simm.s32 @!p0 $0x200;
	[sflag:s21] =	ssyncadd.s32 @!p0 $0xFFFFFF00  }
0x2d: {  	[tilespmem:s20], [sflag:$0x2] =	stream.indirect.gather @!p0 [hbm4b:s4+s18], $0x80, s19, s18, $0xb8;
	[tilespmem:$0x1C200] =	vst v63  }
.Ltmp0:
0x2e: {  	_ =	swait.ge @!p0 [sflag:s21], $0x8000;
	(pc) =	sbr.rel @p1 .LBB2_2-.Ltmp0, $4  }
0x2f: {  	[sflag:s21] =	ssyncset.done @!p0 $0x0  }
0x30: {  	s15 =	sadd.s32 $0x20, s15;
	s17 =	simm.s32 @!p0 $0x1;
	[sflag:s21] =	ssyncadd.s32 @!p0 $0xFFFF8000  }
0x31: {  	[spmem:s1] =	stream.indirect.scatter.add.f32 @!p0 [tilespmem:s20], [sflag:$0x1], $0x80, s18, s18, $0xb8;
	[tilespmem:$0x1C200] =	vst v63  }
0x32: {  	p2 =	sgt.u32 s15, $0x4E1;
	_ =	swait.ge @!p0 [sflag:s17], $0x8000  }
0x33: {  	s15 =	sadd.s32 @!p2 s14, s11;
	[sflag:s17] =	ssyncset.done @!p0 $0x0  }
0x34: {  	s16 =	simm.s32 @!p2 $0x0;
	s18 =	simm.s32 @!p2 $0x2;
	[sflag:s17] =	ssyncadd.s32 @!p0 $0xFFFF8000  }
0x35: {  	[tilespmem:s16], [sflag:$0x2] =	stream.linear.gather @!p2 [hbm4b:s15+s16], $0x100, $0x38;
	[tilespmem:$0x1C200] =	vst v63  }
0x36: {  	p0 =	por p2, p2;
	_ =	swait.ge @!p2 [sflag:s18], $0x100  }
0x37: {  	[sflag:s18] =	ssyncset.done @!p0 $0x0  }
0x38: {  	s14 =	sadd.s32 @!p0 s14, s10;
	s15 =	simm.s32 @!p0 $0x100;
	[sflag:s18] =	ssyncadd.s32 @!p0 $0xFFFFFF00  }
0x39: {  	[tilespmem:s15], [sflag:$0x2] =	stream.linear.gather @!p0 [hbm4b:s14+s16], $0x100, $0x38;
	[tilespmem:$0x1C200] =	vst v63  }
0x3a: {  	_ =	swait.ge @!p0 [sflag:s18], $0x100  }
0x3b: {  	[sflag:s18] =	ssyncset.done @!p0 $0x0  }
0x3c: {  	s14 =	simm.s32 @!p0 $0x200;
	[sflag:s18] =	ssyncadd.s32 @!p0 $0xFFFFFF00  }
0x3d: {  	[tilespmem:s14], [sflag:$0x2] =	stream.indirect.gather @!p0 [hbm4b:s4+s15], $0x80, s16, s15, $0xb8;
	[tilespmem:$0x1C200] =	vst v63  }
0x3e: {  	_ =	swait.ge @!p0 [sflag:s18], $0x8000  }
0x3f: {  	[sflag:s18] =	ssyncset.done @!p0 $0x0  }
0x40: {  	s16 =	simm.s32 @!p0 $0x1;
	[sflag:s18] =	ssyncadd.s32 @!p0 $0xFFFF8000  }
0x41: {  	[spmem:s1] =	stream.indirect.scatter.add.f32 @!p0 [tilespmem:s14], [sflag:$0x1], $0x80, s15, s15, $0xb8;
	[tilespmem:$0x1C200] =	vst v63  }
0x42: {  	_ =	swait.ge @!p0 [sflag:s16], $0x8000  }
0x43: {  	s3 =	sadd.s32 $0x1, s3;
	[sflag:s16] =	ssyncset.done @!p0 $0x0  }
0x44: {  	[sflag:s16] =	ssyncadd.s32 @!p0 $0xFFFF8000;
	p0 =	sne.s32 s3, s9  }
.Ltmp1:
0x45: {  	[bflag:$0x0] =	sbarrier.arrive $0xFFFF;
	(pc) =	sbr.rel @p0 .LBB2_1-.Ltmp1, $4  }
0x46: {  	[hbm:s8], [sflag:s6] =	dma.local [spmem:s12], $0x2800  }
0x47: {  	_ =	swait.ge [sflag:s13], $0x2800  }
0x48: {  	[sflag:s13] =	ssyncset.done $0x0  }
0x49: {  	[sflag:s13] =	ssyncadd.s32 $0xFFFFD800  }
0x4a: {  	_ =	sfence.sel $0x180000  }
0x4b: {  	[bflag:$0x0] =	sbarrier.arrive $0xFFFF  }
0x4c: {  	p0 =	sne.s32 s2, $0x0;
	_ =	strace $0x90000050  }
0x4d: {  	s0 =	sadd.s32 @!p0 $0x100000, s0;
	[bflag:$0x2] =	sbarrier.arrive $0xFFFF  }
0x4e: {  	[sflag:s0] =	ssyncadd.tile.s32 @!p0 $0x1;
	_ =	shalt  }
.Lfunc_end2:
_tile_overlayer_lowered:
.L_overlay_start_2:
0x4f: {  	(tag) =	ssettag $0x2  }
0x50: {  	s0 =	rddreg [dreg:$0x0];
	s2 =	stileid.u32  }
0x51: {  	s1 =	rddreg [dreg:$0x1];
	p0 =	sne.s32 s2, $0x0  }
0x52: {  	s3 =	rddreg [dreg:$0x2];
	[bflag:$0x3] =	sbarrier.arrive $0xFFFF;
	s2 =	simm.s32 @!p0 $0x1C01  }
0x53: {  	[timem:s3], [sflag:s2] =	dma.local @!p0 [hbm:s0], s1  }
0x54: {  	s0 =	simm.s32 @!p0 $0x1  }
0x55: {  	_ =	swait.ge @!p0 [sflag:s0], s1  }
0x56: {  	s1 =	ssub.s32 @!p0 $0x0, s1;
	[sflag:s0] =	ssyncset.done @!p0 $0x0  }
0x57: {  	[sflag:s0] =	ssyncadd.s32 @!p0 s1  }
0x58: {  	[bflag:$0x3] =	sbarrier.arrive $0xFFFF  }
0x59: {  	_ =	shalt  }

</sc_bundles>
